<compile_context>
chip_gen: v7x
topology: tpu7x:2x2x1
jax: 0.10.2.dev20260603
libtpu: 0.0.44.dev20260713+nightly
codegen_flags: <defaults>
</compile_context>

<pallas_src>
import functools

import jax
import jax.numpy as jnp
from jax import lax
from jax.experimental import pallas as pl
from jax.experimental.pallas import tpu as pltpu
from jax.experimental.pallas import tpu_sc as plsc

N_NODES = 10000
N_EDGES = 320000
NP = 10112
NC = 2
NS = 16
NW = NC * NS
CH = 128
NCH = 80
CPP = 40
NBUF = 2
EPT = CH * NCH
E_PAD = EPT * NW
ROWS_PT = NP // NS


def _sc_mesh():
  return plsc.VectorSubcoreMesh(core_axis_name="c", subcore_axis_name="s",
                                num_cores=NC, num_subcores=NS)


@functools.partial(
    pl.kernel,
    out_type=(jax.ShapeDtypeStruct((NC * NP,), jnp.float32),
              jax.ShapeDtypeStruct((NC * NP,), jnp.float32)),
    mesh=_sc_mesh(),
    scratch_types=[
        pltpu.VMEM((NCH, CH), jnp.int32),
        pltpu.VMEM((NCH, CH), jnp.int32),
        pltpu.VMEM((CH,), jnp.float32),
        pltpu.VMEM((640,), jnp.float32),
        pltpu.VMEM_SHARED((NP,), jnp.float32),
        pltpu.VMEM_SHARED((NP,), jnp.float32),
    ],
)
def _degree_kernel(src_hbm, dst_hbm, dego_hbm, degi_hbm,
                   src_v, dst_v, ones_v, zbuf_v, dego_sh, degi_sh):
  cid = lax.axis_index("c")
  sid = lax.axis_index("s")
  wid = sid * NC + cid
  row0 = sid * ROWS_PT
  for j in range(640 // 16):
    zbuf_v[pl.ds(j * 16, 16)] = jnp.zeros((16,), jnp.float32)
  for j in range(CH // 16):
    ones_v[pl.ds(j * 16, 16)] = jnp.ones((16,), jnp.float32)
  pltpu.sync_copy(zbuf_v.at[pl.ds(0, ROWS_PT)],
                  dego_sh.at[pl.ds(row0, ROWS_PT)])
  pltpu.sync_copy(zbuf_v.at[pl.ds(0, ROWS_PT)],
                  degi_sh.at[pl.ds(row0, ROWS_PT)])
  pltpu.sync_copy(src_hbm.at[wid], src_v)
  pltpu.sync_copy(dst_hbm.at[wid], dst_v)
  plsc.subcore_barrier()
  def body(j, carry):
    pltpu.sync_copy(ones_v, dego_sh.at[src_v.at[j]], add=True)
    pltpu.sync_copy(ones_v, degi_sh.at[dst_v.at[j]], add=True)
    return carry
  lax.fori_loop(0, NCH, body, 0)
  plsc.subcore_barrier()
  pltpu.sync_copy(dego_sh.at[pl.ds(row0, ROWS_PT)],
                  zbuf_v.at[pl.ds(0, ROWS_PT)])
  pltpu.sync_copy(zbuf_v.at[pl.ds(0, ROWS_PT)],
                  dego_hbm.at[pl.ds(cid * NP + row0, ROWS_PT)])
  pltpu.sync_copy(degi_sh.at[pl.ds(row0, ROWS_PT)],
                  zbuf_v.at[pl.ds(0, ROWS_PT)])
  pltpu.sync_copy(zbuf_v.at[pl.ds(0, ROWS_PT)],
                  degi_hbm.at[pl.ds(cid * NP + row0, ROWS_PT)])


def _make_agg_kernel(d_feat, table_in_spmem=False):
  scratch = [
      pltpu.VMEM((CPP + NBUF, CH), jnp.int32),
      pltpu.VMEM((CPP, CH), jnp.int32),
      pltpu.VMEM((CH, d_feat), jnp.float32),
      pltpu.VMEM((CH, d_feat), jnp.float32),
      pltpu.VMEM_SHARED((NP, d_feat), jnp.float32),
      pltpu.SemaphoreType.DMA,
  ]
  if table_in_spmem:
    scratch.append(pltpu.VMEM_SHARED((NP, d_feat), jnp.float32))

  @functools.partial(
      pl.kernel,
      out_type=jax.ShapeDtypeStruct((NC, NP, d_feat), jnp.float32),
      mesh=_sc_mesh(),
      compiler_params=pltpu.CompilerParams(use_tc_tiling_on_sc=False),
      scratch_types=scratch,
  )
  def agg_kernel(h_hbm, src_hbm, dst_hbm, out_hbm,
                 src_v, dst_v, r0_v, r1_v, agg_sh, sem, *maybe_tab):
    bufs = [r0_v, r1_v]
    cid = lax.axis_index("c")
    sid = lax.axis_index("s")
    wid = sid * NC + cid
    row0 = sid * ROWS_PT
    def zbody(i, carry):
      for j in range(d_feat // 16):
        r0_v[i, pl.ds(j * 16, 16)] = jnp.zeros((16,), jnp.float32)
      return carry
    lax.fori_loop(0, CH, zbody, 0)
    nstep = (ROWS_PT + CH - 1) // CH
    for k in range(nstep):
      sz = CH if k < ROWS_PT // CH else ROWS_PT % CH
      pltpu.sync_copy(r0_v.at[pl.ds(0, sz)],
                      agg_sh.at[pl.ds(row0 + k * CH, sz)])
    if table_in_spmem:
      tab_sh = maybe_tab[0]
      for k in range(nstep):
        sz = CH if k < ROWS_PT // CH else ROWS_PT % CH
        pltpu.sync_copy(h_hbm.at[pl.ds(row0 + k * CH, sz)],
                        r1_v.at[pl.ds(0, sz)])
        pltpu.sync_copy(r1_v.at[pl.ds(0, sz)],
                        tab_sh.at[pl.ds(row0 + k * CH, sz)])
      gsrc = tab_sh
    else:
      gsrc = h_hbm
    for t in range(NBUF):
      for j in range(CH // 16):
        src_v[CPP + t, pl.ds(j * 16, 16)] = jnp.zeros((16,), jnp.int32)
    plsc.subcore_barrier()
    for p in range(NCH // CPP):
      pltpu.sync_copy(src_hbm.at[wid, pl.ds(p * CPP, CPP)],
                      src_v.at[pl.ds(0, CPP)])
      pltpu.sync_copy(dst_hbm.at[wid, pl.ds(p * CPP, CPP)], dst_v)
      def body(i, carry):
        pltpu.sync_copy(gsrc.at[src_v.at[i]], r0_v)
        pltpu.sync_copy(r0_v, agg_sh.at[dst_v.at[i]], add=True)
        return carry
      lax.fori_loop(0, CPP, body, 0)
    plsc.subcore_barrier()
    for k in range(nstep):
      sz = CH if k < ROWS_PT // CH else ROWS_PT % CH
      pltpu.sync_copy(agg_sh.at[pl.ds(row0 + k * CH, sz)],
                      r0_v.at[pl.ds(0, sz)])
      pltpu.sync_copy(r0_v.at[pl.ds(0, sz)],
                      out_hbm.at[cid, pl.ds(row0 + k * CH, sz)])
  return agg_kernel


_agg64 = _make_agg_kernel(64, table_in_spmem=True)

DH = 64


@functools.partial(
    pl.kernel,
    out_type=jax.ShapeDtypeStruct((NC, NP, DH), jnp.float32),
    mesh=_sc_mesh(),
    compiler_params=pltpu.CompilerParams(use_tc_tiling_on_sc=False),
    scratch_types=[
        pltpu.VMEM((CPP + NBUF, CH), jnp.int32),
        pltpu.VMEM((CPP, CH), jnp.int32),
        pltpu.VMEM((CH, DH), jnp.float32),
        pltpu.VMEM((CH, DH), jnp.float32),
        pltpu.VMEM_SHARED((NP, DH), jnp.float32),
        pltpu.VMEM_SHARED((NP, DH), jnp.float32),
        pltpu.SemaphoreType.DMA,
    ],
)
def _agg128_cs(h_hbm, src_hbm, dst_hbm, out_hbm,
               src_v, dst_v, r0_v, r1_v, agg_sh, tab_sh, sem):
  bufs = [r0_v, r1_v]
  cid = lax.axis_index("c")
  sid = lax.axis_index("s")
  row0 = sid * ROWS_PT
  def zbody(i, carry):
    for j in range(DH // 16):
      r0_v[i, pl.ds(j * 16, 16)] = jnp.zeros((16,), jnp.float32)
    return carry
  lax.fori_loop(0, CH, zbody, 0)
  nstep = (ROWS_PT + CH - 1) // CH
  for k in range(nstep):
    sz = CH if k < ROWS_PT // CH else ROWS_PT % CH
    pltpu.sync_copy(r0_v.at[pl.ds(0, sz)],
                    agg_sh.at[pl.ds(row0 + k * CH, sz)])
    pltpu.sync_copy(h_hbm.at[cid, pl.ds(row0 + k * CH, sz)],
                    r1_v.at[pl.ds(0, sz)])
    pltpu.sync_copy(r1_v.at[pl.ds(0, sz)],
                    tab_sh.at[pl.ds(row0 + k * CH, sz)])
  for t in range(NBUF):
    for j in range(CH // 16):
      src_v[CPP + t, pl.ds(j * 16, 16)] = jnp.zeros((16,), jnp.int32)
  plsc.subcore_barrier()
  for w in range(2):
    for p in range(NCH // CPP):
      pltpu.sync_copy(src_hbm.at[2 * sid + w, pl.ds(p * CPP, CPP)],
                      src_v.at[pl.ds(0, CPP)])
      pltpu.sync_copy(dst_hbm.at[2 * sid + w, pl.ds(p * CPP, CPP)], dst_v)
      def body(i, carry):
        pltpu.sync_copy(tab_sh.at[src_v.at[i]], r0_v)
        pltpu.sync_copy(r0_v, agg_sh.at[dst_v.at[i]], add=True)
        return carry
      lax.fori_loop(0, CPP, body, 0)
  plsc.subcore_barrier()
  for k in range(nstep):
    sz = CH if k < ROWS_PT // CH else ROWS_PT % CH
    pltpu.sync_copy(agg_sh.at[pl.ds(row0 + k * CH, sz)],
                    r0_v.at[pl.ds(0, sz)])
    pltpu.sync_copy(r0_v.at[pl.ds(0, sz)],
                    out_hbm.at[cid, pl.ds(row0 + k * CH, sz)])


def _norm_body(x_ref, w1_ref, dego_ref, degi_ref, h1_ref, no_ref, ni_ref):
  deg_out = dego_ref[0, :] + dego_ref[1, :]
  deg_in = degi_ref[0, :] + degi_ref[1, :]
  norm_out = lax.rsqrt(jnp.maximum(deg_out, 1.0))
  norm_in = lax.rsqrt(jnp.maximum(deg_in, 1.0))
  no_ref[...] = jnp.broadcast_to(norm_out[:, None], (NP, 128))
  ni_ref[...] = jnp.broadcast_to(norm_in[:, None], (NP, 128))
  hraw = jnp.dot(x_ref[...], w1_ref[...], preferred_element_type=jnp.float32)
  h1 = hraw * norm_out[:, None]
  h1_ref[0] = h1[:, :DH]
  h1_ref[1] = h1[:, DH:]


def _tc_norm_scale(x_pad, w1, dego, degi):
  return pl.pallas_call(
      _norm_body,
      out_shape=(
          jax.ShapeDtypeStruct((NC, NP, DH), jnp.float32),
          jax.ShapeDtypeStruct((NP, 128), jnp.float32),
          jax.ShapeDtypeStruct((NP, 128), jnp.float32),
      ),
  )(x_pad, w1, dego, degi)


def _mid_body(aggp_ref, ni_ref, no_ref, b1_ref, w2_ref, o_ref):
  agg = jnp.concatenate([aggp_ref[0], aggp_ref[1]], axis=1)
  h2 = jnp.maximum(agg * ni_ref[...] + b1_ref[...], 0.0)
  o_ref[...] = jnp.dot(h2 * no_ref[...], w2_ref[...],
                       preferred_element_type=jnp.float32)


def _tc_mid(aggp, ni, no, b1, w2):
  return pl.pallas_call(
      _mid_body,
      out_shape=jax.ShapeDtypeStruct((NP, w2.shape[1]), jnp.float32),
  )(aggp, ni, no, b1, w2)


def _final_body(aggp_ref, ni_ref, b2_ref, o_ref):
  agg = aggp_ref[0] + aggp_ref[1]
  o_ref[...] = agg * ni_ref[...] + b2_ref[...]


def _tc_final(aggp, ni, b2):
  return pl.pallas_call(
      _final_body,
      out_shape=jax.ShapeDtypeStruct((NP, b2.shape[1]), jnp.float32),
  )(aggp, ni, b2)


@jax.jit
def kernel(in_feat, edge_index, W1, b1, W2, b2):
  src = edge_index[0]
  dst = edge_index[1]
  pad = E_PAD - N_EDGES
  src_r = jnp.concatenate(
      [src, jnp.full((pad,), N_NODES, jnp.int32)]).reshape(NW, NCH, CH)
  trash = N_NODES + (jnp.arange(pad, dtype=jnp.int32) % (NP - N_NODES))
  dst_r = jnp.concatenate([dst, trash]).reshape(NW, NCH, CH)
  x_pad = jnp.pad(in_feat, ((0, NP - N_NODES), (0, 0)))

  dego, degi = _degree_kernel(src_r, dst_r)
  h1, no, ni = _tc_norm_scale(x_pad, W1, dego.reshape(NC, NP),
                              degi.reshape(NC, NP))
  aggp1 = _agg128_cs(h1, src_r, dst_r)
  h2b = _tc_mid(aggp1, ni, no, b1.reshape(1, 128), W2)
  aggp2 = _agg64(h2b, src_r, dst_r)
  out = _tc_final(aggp2, ni[:, :64], b2.reshape(1, 64))
  return out[:N_NODES]

# --- scband reference (transcript-rebuilt; emitter-appended) ---
"""Pipeline reference for scband-victim-model-29506425323816 (READ-ONLY COPY).

The authoritative reference and input builder live on the scoring server;
editing this copy changes nothing except your own understanding.
"""

import jax, jax.numpy as jnp
import numpy as np

N = 10000
E = 320000
D_IN = 128
D_HID = 128
N_CLASSES = 64


def setup_inputs(seed: int = 0) -> dict:
    key = jax.random.key(seed)
    k1, k2, k3, k4, k5, k6 = jax.random.split(key, 6)
    in_feat = jax.random.normal(k1, (N, D_IN), dtype=jnp.float32)
    edge_index = jax.random.randint(k2, (2, E), 0, N, dtype=jnp.int32)
    W1 = jax.random.normal(k3, (D_IN, D_HID), dtype=jnp.float32) * (1.0 / np.sqrt(D_IN))
    b1 = jnp.zeros((D_HID,), dtype=jnp.float32)
    W2 = jax.random.normal(k4, (D_HID, N_CLASSES), dtype=jnp.float32) * (1.0 / np.sqrt(D_HID))
    b2 = jnp.zeros((N_CLASSES,), dtype=jnp.float32)
    return {"in_feat": in_feat, "edge_index": edge_index, "W1": W1, "b1": b1, "W2": W2, "b2": b2}


def _gcn_layer(x, src, dst, W, b, n_nodes):
    # DGL GraphConv with norm='both':
    #   feat_src = x * D_out^{-1/2}; aggregate over edges src->dst; rst = rst * D_in^{-1/2}; rst @ W + b
    deg_out = jnp.zeros((n_nodes,), dtype=jnp.float32).at[src].add(1.0)
    deg_in = jnp.zeros((n_nodes,), dtype=jnp.float32).at[dst].add(1.0)
    norm_out = jnp.power(jnp.clip(deg_out, 1.0, None), -0.5)
    norm_in = jnp.power(jnp.clip(deg_in, 1.0, None), -0.5)
    h = x * norm_out[:, None]
    # apply weight first (mathematically equivalent, reduces aggregation width when out<=in)
    h = h @ W
    msg = jnp.take(h, src, axis=0)
    agg = jnp.zeros((n_nodes, h.shape[1]), dtype=h.dtype).at[dst].add(msg)
    agg = agg * norm_in[:, None]
    return agg + b


def reference(in_feat, edge_index, W1, b1, W2, b2):
    src = edge_index[0]
    dst = edge_index[1]
    n_nodes = in_feat.shape[0]
    h = _gcn_layer(in_feat, src, dst, W1, b1, n_nodes)
    h = jax.nn.relu(h)
    out = _gcn_layer(h, src, dst, W2, b2, n_nodes)
    return out

if __name__ == "__main__":
    import jax
    _d = setup_inputs()
    print(jax.jit(kernel)(*tuple(_d.values())))

</pallas_src>

<mosaic_0001>
#map = affine_map<(d0, d1) -> (0, 0, 0)>
module attributes {stable_mosaic.version = 14 : i64} {
  func.func @_agg128_cs(%arg0: i32, %arg1: i32, %arg2: memref<2x10112x64xf32, #tpu.memory_space<hbm>>, %arg3: memref<32x80x128xi32, #tpu.memory_space<hbm>>, %arg4: memref<32x80x128xi32, #tpu.memory_space<hbm>>, %arg5: memref<2x10112x64xf32, #tpu.memory_space<hbm>>, %arg6: memref<42x128xi32, #tpu.memory_space<vmem>>, %arg7: memref<40x128xi32, #tpu.memory_space<vmem>>, %arg8: memref<128x64xf32, #tpu.memory_space<vmem>>, %arg9: memref<128x64xf32, #tpu.memory_space<vmem>>, %arg10: memref<10112x64xf32, #tpu.memory_space<vmem_shared>>, %arg11: memref<10112x64xf32, #tpu.memory_space<vmem_shared>>, %arg12: memref<!tpu.dma_semaphore, #tpu.memory_space<semaphore_mem>>) attributes {dimension_semantics = [#tpu.dimension_semantics<core_parallel>, #tpu.dimension_semantics<subcore_parallel>], iteration_bounds = array<i64: 2, 16>, scalar_prefetch = 0 : i64, scratch_operands = 7 : i64, tpu.core_type = #tpu.core_type<sc_vector_subcore>, window_params = [{transform_indices = #map}, {transform_indices = #map}, {transform_indices = #map}, {transform_indices = #map}]} {
    %mul3A = arith.constant 632 : i32
    %mul3A_0 = arith.muli %arg1, %mul3A : i32
    %scan3A = arith.constant 0 : i32
    %scan3A_1 = arith.constant 0 : i32
    %scan3A_2 = arith.constant 128 : i32
    %scan3A_3 = arith.addi %scan3A_1, %scan3A_2 : i32
    %scan3A_4 = arith.constant 1 : i32
    scf.for %scan3A_238 = %scan3A_1 to %scan3A_3 step %scan3A_4  : i32 {
      %broadcast_in_dim3A_239 = arith.constant 0.000000e+00 : f32
      %broadcast_in_dim3A_240 = vector.broadcast %broadcast_in_dim3A_239 : f32 to vector<16xf32>
      %swap3A_241 = arith.index_cast %scan3A_238 : i32 to index
      %swap3A_242 = arith.constant 0 : index
      %swap3A_243 = tpu.vector_load %arg8[%swap3A_241, %swap3A_242] {strides = array<i32>} : memref<128x64xf32, #tpu.memory_space<vmem>>, vector<1x16xf32>,
      %swap3A_244 = vector.shape_cast %swap3A_243 : vector<1x16xf32> to vector<16xf32>
      %swap3A_245 = vector.shape_cast %broadcast_in_dim3A_240 : vector<16xf32> to vector<1x16xf32>
      tpu.vector_store %arg8[%swap3A_241, %swap3A_242], %swap3A_245 {strides = array<i32>} : memref<128x64xf32, #tpu.memory_space<vmem>>, vector<1x16xf32>,
      %broadcast_in_dim3A_246 = arith.constant 0.000000e+00 : f32
      %broadcast_in_dim3A_247 = vector.broadcast %broadcast_in_dim3A_246 : f32 to vector<16xf32>
      %swap3A_248 = arith.index_cast %scan3A_238 : i32 to index
      %swap3A_249 = arith.constant 16 : index
      %swap3A_250 = tpu.vector_load %arg8[%swap3A_248, %swap3A_249] {strides = array<i32>} : memref<128x64xf32, #tpu.memory_space<vmem>>, vector<1x16xf32>,
      %swap3A_251 = vector.shape_cast %swap3A_250 : vector<1x16xf32> to vector<16xf32>
      %swap3A_252 = vector.shape_cast %broadcast_in_dim3A_247 : vector<16xf32> to vector<1x16xf32>
      tpu.vector_store %arg8[%swap3A_248, %swap3A_249], %swap3A_252 {strides = array<i32>} : memref<128x64xf32, #tpu.memory_space<vmem>>, vector<1x16xf32>,
      %broadcast_in_dim3A_253 = arith.constant 0.000000e+00 : f32
      %broadcast_in_dim3A_254 = vector.broadcast %broadcast_in_dim3A_253 : f32 to vector<16xf32>
      %swap3A_255 = arith.index_cast %scan3A_238 : i32 to index
      %swap3A_256 = arith.constant 32 : index
      %swap3A_257 = tpu.vector_load %arg8[%swap3A_255, %swap3A_256] {strides = array<i32>} : memref<128x64xf32, #tpu.memory_space<vmem>>, vector<1x16xf32>,
      %swap3A_258 = vector.shape_cast %swap3A_257 : vector<1x16xf32> to vector<16xf32>
      %swap3A_259 = vector.shape_cast %broadcast_in_dim3A_254 : vector<16xf32> to vector<1x16xf32>
      tpu.vector_store %arg8[%swap3A_255, %swap3A_256], %swap3A_259 {strides = array<i32>} : memref<128x64xf32, #tpu.memory_space<vmem>>, vector<1x16xf32>,
      %broadcast_in_dim3A_260 = arith.constant 0.000000e+00 : f32
      %broadcast_in_dim3A_261 = vector.broadcast %broadcast_in_dim3A_260 : f32 to vector<16xf32>
      %swap3A_262 = arith.index_cast %scan3A_238 : i32 to index
      %swap3A_263 = arith.constant 48 : index
      %swap3A_264 = tpu.vector_load %arg8[%swap3A_262, %swap3A_263] {strides = array<i32>} : memref<128x64xf32, #tpu.memory_space<vmem>>, vector<1x16xf32>,
      %swap3A_265 = vector.shape_cast %swap3A_264 : vector<1x16xf32> to vector<16xf32>
      %swap3A_266 = vector.shape_cast %broadcast_in_dim3A_261 : vector<16xf32> to vector<1x16xf32>
      tpu.vector_store %arg8[%swap3A_262, %swap3A_263], %swap3A_266 {strides = array<i32>} : memref<128x64xf32, #tpu.memory_space<vmem>>, vector<1x16xf32>,
    }
    %scan3A_5 = arith.constant 128 : i32
    %add3A = arith.constant 0 : i32
    %add3A_6 = arith.addi %mul3A_0, %add3A : i32
    "tpu.region"() ({
      %run_scoped3A = tpu.sem_alloc : memref<!tpu.dma_semaphore, #tpu.memory_space<semaphore_mem>>
      %dma_start3A = arith.constant 0 : i32
      %dma_start3A_238 = arith.constant 0 : i32
      %dma_start3A_239 = tpu.memref_slice %arg8[%dma_start3A, %dma_start3A_238] : memref<128x64xf32, #tpu.memory_space<vmem>> -> memref<128x64xf32, #tpu.memory_space<vmem>>
      %dma_start3A_240 = arith.constant 0 : i32
      %dma_start3A_241 = tpu.memref_slice %arg10[%add3A_6, %dma_start3A_240] : memref<10112x64xf32, #tpu.memory_space<vmem_shared>> -> memref<128x64xf32, #tpu.memory_space<vmem_shared>>
      %dma_start3A_242 = arith.constant 0 : i32
      %dma_start3A_243 = tpu.memref_slice %arg10[%add3A_6, %dma_start3A_242] : memref<10112x64xf32, #tpu.memory_space<vmem_shared>> -> memref<128x64xf32, #tpu.memory_space<vmem_shared>>
      %dma_start3A_244 = arith.constant 0 : i32
      %dma_start3A_245 = arith.constant 0 : i32
      %dma_start3A_246 = tpu.memref_slice %arg8[%dma_start3A_244, %dma_start3A_245] : memref<128x64xf32, #tpu.memory_space<vmem>> -> memref<128x64xf32, #tpu.memory_space<vmem>>
      tpu.enqueue_dma source(%dma_start3A_246 : memref<128x64xf32, #tpu.memory_space<vmem>>) target(%dma_start3A_243 : memref<128x64xf32, #tpu.memory_space<vmem_shared>>) target_semaphore(%run_scoped3A : memref<!tpu.dma_semaphore, #tpu.memory_space<semaphore_mem>>)
      %dma_wait3A = arith.constant 0 : i32
      %dma_wait3A_247 = arith.constant 0 : i32
      %dma_wait3A_248 = tpu.memref_slice %arg8[%dma_wait3A, %dma_wait3A_247] : memref<128x64xf32, #tpu.memory_space<vmem>> -> memref<128x64xf32, #tpu.memory_space<vmem>>
      %dma_wait3A_249 = arith.constant 0 : i32
      %dma_wait3A_250 = tpu.memref_slice %arg10[%add3A_6, %dma_wait3A_249] : memref<10112x64xf32, #tpu.memory_space<vmem_shared>> -> memref<128x64xf32, #tpu.memory_space<vmem_shared>>
      %dma_wait3A_251 = arith.constant 0 : i32
      %dma_wait3A_252 = tpu.memref_slice %arg10[%add3A_6, %dma_wait3A_251] : memref<10112x64xf32, #tpu.memory_space<vmem_shared>> -> memref<128x64xf32, #tpu.memory_space<vmem_shared>>
      %dma_wait3A_253 = arith.constant 0 : i32
      %dma_wait3A_254 = arith.constant 0 : i32
      %dma_wait3A_255 = tpu.memref_slice %arg8[%dma_wait3A_253, %dma_wait3A_254] : memref<128x64xf32, #tpu.memory_space<vmem>> -> memref<128x64xf32, #tpu.memory_space<vmem>>
      tpu.wait_dma2 semaphore(%run_scoped3A : memref<!tpu.dma_semaphore, #tpu.memory_space<semaphore_mem>>) src(%dma_wait3A_255 : memref<128x64xf32, #tpu.memory_space<vmem>>) dst(%dma_wait3A_252 : memref<128x64xf32, #tpu.memory_space<vmem_shared>>)
      tpu.yield
    }) : () -> ()
    %add3A_7 = arith.constant 0 : i32
    %add3A_8 = arith.addi %mul3A_0, %add3A_7 : i32
    "tpu.region"() ({
      %run_scoped3A = tpu.sem_alloc : memref<!tpu.dma_semaphore, #tpu.memory_space<semaphore_mem>>
      %dma_start3A = arith.constant 0 : i32
      %dma_start3A_238 = arith.constant 0 : i32
      %dma_start3A_239 = tpu.memref_slice %arg9[%dma_start3A, %dma_start3A_238] : memref<128x64xf32, #tpu.memory_space<vmem>> -> memref<128x64xf32, #tpu.memory_space<vmem>>
      %dma_start3A_240 = arith.constant 0 : i32
      %dma_start3A_241 = tpu.memref_slice %arg2[%arg0, %add3A_8, %dma_start3A_240] : memref<2x10112x64xf32, #tpu.memory_space<hbm>> -> memref<1x128x64xf32, #tpu.memory_space<hbm>>
      %dma_start3A_242 = tpu.memref_squeeze %dma_start3A_241 : memref<1x128x64xf32, #tpu.memory_space<hbm>> -> memref<128x64xf32, #tpu.memory_space<hbm>>
      %dma_start3A_243 = arith.constant 0 : i32
      %dma_start3A_244 = arith.constant 0 : i32
      %dma_start3A_245 = tpu.memref_slice %arg9[%dma_start3A_243, %dma_start3A_244] : memref<128x64xf32, #tpu.memory_space<vmem>> -> memref<128x64xf32, #tpu.memory_space<vmem>>
      %dma_start3A_246 = arith.constant 0 : i32
      %dma_start3A_247 = tpu.memref_slice %arg2[%arg0, %add3A_8, %dma_start3A_246] : memref<2x10112x64xf32, #tpu.memory_space<hbm>> -> memref<1x128x64xf32, #tpu.memory_space<hbm>>
      %dma_start3A_248 = tpu.memref_squeeze %dma_start3A_247 : memref<1x128x64xf32, #tpu.memory_space<hbm>> -> memref<128x64xf32, #tpu.memory_space<hbm>>
      tpu.enqueue_dma source(%dma_start3A_248 : memref<128x64xf32, #tpu.memory_space<hbm>>) target(%dma_start3A_245 : memref<128x64xf32, #tpu.memory_space<vmem>>) target_semaphore(%run_scoped3A : memref<!tpu.dma_semaphore, #tpu.memory_space<semaphore_mem>>)
      %dma_wait3A = arith.constant 0 : i32
      %dma_wait3A_249 = arith.constant 0 : i32
      %dma_wait3A_250 = tpu.memref_slice %arg9[%dma_wait3A, %dma_wait3A_249] : memref<128x64xf32, #tpu.memory_space<vmem>> -> memref<128x64xf32, #tpu.memory_space<vmem>>
      %dma_wait3A_251 = arith.constant 0 : i32
      %dma_wait3A_252 = tpu.memref_slice %arg2[%arg0, %add3A_8, %dma_wait3A_251] : memref<2x10112x64xf32, #tpu.memory_space<hbm>> -> memref<1x128x64xf32, #tpu.memory_space<hbm>>
      %dma_wait3A_253 = tpu.memref_squeeze %dma_wait3A_252 : memref<1x128x64xf32, #tpu.memory_space<hbm>> -> memref<128x64xf32, #tpu.memory_space<hbm>>
      %dma_wait3A_254 = arith.constant 0 : i32
      %dma_wait3A_255 = arith.constant 0 : i32
      %dma_wait3A_256 = tpu.memref_slice %arg9[%dma_wait3A_254, %dma_wait3A_255] : memref<128x64xf32, #tpu.memory_space<vmem>> -> memref<128x64xf32, #tpu.memory_space<vmem>>
      %dma_wait3A_257 = arith.constant 0 : i32
      %dma_wait3A_258 = tpu.memref_slice %arg2[%arg0, %add3A_8, %dma_wait3A_257] : memref<2x10112x64xf32, #tpu.memory_space<hbm>> -> memref<1x128x64xf32, #tpu.memory_space<hbm>>
      %dma_wait3A_259 = tpu.memref_squeeze %dma_wait3A_258 : memref<1x128x64xf32, #tpu.memory_space<hbm>> -> memref<128x64xf32, #tpu.memory_space<hbm>>
      tpu.wait_dma2 semaphore(%run_scoped3A : memref<!tpu.dma_semaphore, #tpu.memory_space<semaphore_mem>>) src(%dma_wait3A_259 : memref<128x64xf32, #tpu.memory_space<hbm>>) dst(%dma_wait3A_256 : memref<128x64xf32, #tpu.memory_space<vmem>>)
      tpu.yield
    }) : () -> ()
    %add3A_9 = arith.constant 0 : i32
    %add3A_10 = arith.addi %mul3A_0, %add3A_9 : i32
    "tpu.region"() ({
      %run_scoped3A = tpu.sem_alloc : memref<!tpu.dma_semaphore, #tpu.memory_space<semaphore_mem>>
      %dma_start3A = arith.constant 0 : i32
      %dma_start3A_238 = arith.constant 0 : i32
      %dma_start3A_239 = tpu.memref_slice %arg9[%dma_start3A, %dma_start3A_238] : memref<128x64xf32, #tpu.memory_space<vmem>> -> memref<128x64xf32, #tpu.memory_space<vmem>>
      %dma_start3A_240 = arith.constant 0 : i32
      %dma_start3A_241 = tpu.memref_slice %arg11[%add3A_10, %dma_start3A_240] : memref<10112x64xf32, #tpu.memory_space<vmem_shared>> -> memref<128x64xf32, #tpu.memory_space<vmem_shared>>
      %dma_start3A_242 = arith.constant 0 : i32
      %dma_start3A_243 = tpu.memref_slice %arg11[%add3A_10, %dma_start3A_242] : memref<10112x64xf32, #tpu.memory_space<vmem_shared>> -> memref<128x64xf32, #tpu.memory_space<vmem_shared>>
      %dma_start3A_244 = arith.constant 0 : i32
      %dma_start3A_245 = arith.constant 0 : i32
      %dma_start3A_246 = tpu.memref_slice %arg9[%dma_start3A_244, %dma_start3A_245] : memref<128x64xf32, #tpu.memory_space<vmem>> -> memref<128x64xf32, #tpu.memory_space<vmem>>
      tpu.enqueue_dma source(%dma_start3A_246 : memref<128x64xf32, #tpu.memory_space<vmem>>) target(%dma_start3A_243 : memref<128x64xf32, #tpu.memory_space<vmem_shared>>) target_semaphore(%run_scoped3A : memref<!tpu.dma_semaphore, #tpu.memory_space<semaphore_mem>>)
      %dma_wait3A = arith.constant 0 : i32
      %dma_wait3A_247 = arith.constant 0 : i32
      %dma_wait3A_248 = tpu.memref_slice %arg9[%dma_wait3A, %dma_wait3A_247] : memref<128x64xf32, #tpu.memory_space<vmem>> -> memref<128x64xf32, #tpu.memory_space<vmem>>
      %dma_wait3A_249 = arith.constant 0 : i32
      %dma_wait3A_250 = tpu.memref_slice %arg11[%add3A_10, %dma_wait3A_249] : memref<10112x64xf32, #tpu.memory_space<vmem_shared>> -> memref<128x64xf32, #tpu.memory_space<vmem_shared>>
      %dma_wait3A_251 = arith.constant 0 : i32
      %dma_wait3A_252 = tpu.memref_slice %arg11[%add3A_10, %dma_wait3A_251] : memref<10112x64xf32, #tpu.memory_space<vmem_shared>> -> memref<128x64xf32, #tpu.memory_space<vmem_shared>>
      %dma_wait3A_253 = arith.constant 0 : i32
      %dma_wait3A_254 = arith.constant 0 : i32
      %dma_wait3A_255 = tpu.memref_slice %arg9[%dma_wait3A_253, %dma_wait3A_254] : memref<128x64xf32, #tpu.memory_space<vmem>> -> memref<128x64xf32, #tpu.memory_space<vmem>>
      tpu.wait_dma2 semaphore(%run_scoped3A : memref<!tpu.dma_semaphore, #tpu.memory_space<semaphore_mem>>) src(%dma_wait3A_255 : memref<128x64xf32, #tpu.memory_space<vmem>>) dst(%dma_wait3A_252 : memref<128x64xf32, #tpu.memory_space<vmem_shared>>)
      tpu.yield
    }) : () -> ()
    %add3A_11 = arith.constant 128 : i32
    %add3A_12 = arith.addi %mul3A_0, %add3A_11 : i32
    "tpu.region"() ({
      %run_scoped3A = tpu.sem_alloc : memref<!tpu.dma_semaphore, #tpu.memory_space<semaphore_mem>>
      %dma_start3A = arith.constant 0 : i32
      %dma_start3A_238 = arith.constant 0 : i32
      %dma_start3A_239 = tpu.memref_slice %arg8[%dma_start3A, %dma_start3A_238] : memref<128x64xf32, #tpu.memory_space<vmem>> -> memref<128x64xf32, #tpu.memory_space<vmem>>
      %dma_start3A_240 = arith.constant 0 : i32
      %dma_start3A_241 = tpu.memref_slice %arg10[%add3A_12, %dma_start3A_240] : memref<10112x64xf32, #tpu.memory_space<vmem_shared>> -> memref<128x64xf32, #tpu.memory_space<vmem_shared>>
      %dma_start3A_242 = arith.constant 0 : i32
      %dma_start3A_243 = tpu.memref_slice %arg10[%add3A_12, %dma_start3A_242] : memref<10112x64xf32, #tpu.memory_space<vmem_shared>> -> memref<128x64xf32, #tpu.memory_space<vmem_shared>>
      %dma_start3A_244 = arith.constant 0 : i32
      %dma_start3A_245 = arith.constant 0 : i32
      %dma_start3A_246 = tpu.memref_slice %arg8[%dma_start3A_244, %dma_start3A_245] : memref<128x64xf32, #tpu.memory_space<vmem>> -> memref<128x64xf32, #tpu.memory_space<vmem>>
      tpu.enqueue_dma source(%dma_start3A_246 : memref<128x64xf32, #tpu.memory_space<vmem>>) target(%dma_start3A_243 : memref<128x64xf32, #tpu.memory_space<vmem_shared>>) target_semaphore(%run_scoped3A : memref<!tpu.dma_semaphore, #tpu.memory_space<semaphore_mem>>)
      %dma_wait3A = arith.constant 0 : i32
      %dma_wait3A_247 = arith.constant 0 : i32
      %dma_wait3A_248 = tpu.memref_slice %arg8[%dma_wait3A, %dma_wait3A_247] : memref<128x64xf32, #tpu.memory_space<vmem>> -> memref<128x64xf32, #tpu.memory_space<vmem>>
      %dma_wait3A_249 = arith.constant 0 : i32
      %dma_wait3A_250 = tpu.memref_slice %arg10[%add3A_12, %dma_wait3A_249] : memref<10112x64xf32, #tpu.memory_space<vmem_shared>> -> memref<128x64xf32, #tpu.memory_space<vmem_shared>>
      %dma_wait3A_251 = arith.constant 0 : i32
      %dma_wait3A_252 = tpu.memref_slice %arg10[%add3A_12, %dma_wait3A_251] : memref<10112x64xf32, #tpu.memory_space<vmem_shared>> -> memref<128x64xf32, #tpu.memory_space<vmem_shared>>
      %dma_wait3A_253 = arith.constant 0 : i32
      %dma_wait3A_254 = arith.constant 0 : i32
      %dma_wait3A_255 = tpu.memref_slice %arg8[%dma_wait3A_253, %dma_wait3A_254] : memref<128x64xf32, #tpu.memory_space<vmem>> -> memref<128x64xf32, #tpu.memory_space<vmem>>
      tpu.wait_dma2 semaphore(%run_scoped3A : memref<!tpu.dma_semaphore, #tpu.memory_space<semaphore_mem>>) src(%dma_wait3A_255 : memref<128x64xf32, #tpu.memory_space<vmem>>) dst(%dma_wait3A_252 : memref<128x64xf32, #tpu.memory_space<vmem_shared>>)
      tpu.yield
    }) : () -> ()
    %add3A_13 = arith.constant 128 : i32
    %add3A_14 = arith.addi %mul3A_0, %add3A_13 : i32
    "tpu.region"() ({
      %run_scoped3A = tpu.sem_alloc : memref<!tpu.dma_semaphore, #tpu.memory_space<semaphore_mem>>
      %dma_start3A = arith.constant 0 : i32
      %dma_start3A_238 = arith.constant 0 : i32
      %dma_start3A_239 = tpu.memref_slice %arg9[%dma_start3A, %dma_start3A_238] : memref<128x64xf32, #tpu.memory_space<vmem>> -> memref<128x64xf32, #tpu.memory_space<vmem>>
      %dma_start3A_240 = arith.constant 0 : i32
      %dma_start3A_241 = tpu.memref_slice %arg2[%arg0, %add3A_14, %dma_start3A_240] : memref<2x10112x64xf32, #tpu.memory_space<hbm>> -> memref<1x128x64xf32, #tpu.memory_space<hbm>>
      %dma_start3A_242 = tpu.memref_squeeze %dma_start3A_241 : memref<1x128x64xf32, #tpu.memory_space<hbm>> -> memref<128x64xf32, #tpu.memory_space<hbm>>
      %dma_start3A_243 = arith.constant 0 : i32
      %dma_start3A_244 = arith.constant 0 : i32
      %dma_start3A_245 = tpu.memref_slice %arg9[%dma_start3A_243, %dma_start3A_244] : memref<128x64xf32, #tpu.memory_space<vmem>> -> memref<128x64xf32, #tpu.memory_space<vmem>>
      %dma_start3A_246 = arith.constant 0 : i32
      %dma_start3A_247 = tpu.memref_slice %arg2[%arg0, %add3A_14, %dma_start3A_246] : memref<2x10112x64xf32, #tpu.memory_space<hbm>> -> memref<1x128x64xf32, #tpu.memory_space<hbm>>
      %dma_start3A_248 = tpu.memref_squeeze %dma_start3A_247 : memref<1x128x64xf32, #tpu.memory_space<hbm>> -> memref<128x64xf32, #tpu.memory_space<hbm>>
      tpu.enqueue_dma source(%dma_start3A_248 : memref<128x64xf32, #tpu.memory_space<hbm>>) target(%dma_start3A_245 : memref<128x64xf32, #tpu.memory_space<vmem>>) target_semaphore(%run_scoped3A : memref<!tpu.dma_semaphore, #tpu.memory_space<semaphore_mem>>)
      %dma_wait3A = arith.constant 0 : i32
      %dma_wait3A_249 = arith.constant 0 : i32
      %dma_wait3A_250 = tpu.memref_slice %arg9[%dma_wait3A, %dma_wait3A_249] : memref<128x64xf32, #tpu.memory_space<vmem>> -> memref<128x64xf32, #tpu.memory_space<vmem>>
      %dma_wait3A_251 = arith.constant 0 : i32
      %dma_wait3A_252 = tpu.memref_slice %arg2[%arg0, %add3A_14, %dma_wait3A_251] : memref<2x10112x64xf32, #tpu.memory_space<hbm>> -> memref<1x128x64xf32, #tpu.memory_space<hbm>>
      %dma_wait3A_253 = tpu.memref_squeeze %dma_wait3A_252 : memref<1x128x64xf32, #tpu.memory_space<hbm>> -> memref<128x64xf32, #tpu.memory_space<hbm>>
      %dma_wait3A_254 = arith.constant 0 : i32
      %dma_wait3A_255 = arith.constant 0 : i32
      %dma_wait3A_256 = tpu.memref_slice %arg9[%dma_wait3A_254, %dma_wait3A_255] : memref<128x64xf32, #tpu.memory_space<vmem>> -> memref<128x64xf32, #tpu.memory_space<vmem>>
      %dma_wait3A_257 = arith.constant 0 : i32
      %dma_wait3A_258 = tpu.memref_slice %arg2[%arg0, %add3A_14, %dma_wait3A_257] : memref<2x10112x64xf32, #tpu.memory_space<hbm>> -> memref<1x128x64xf32, #tpu.memory_space<hbm>>
      %dma_wait3A_259 = tpu.memref_squeeze %dma_wait3A_258 : memref<1x128x64xf32, #tpu.memory_space<hbm>> -> memref<128x64xf32, #tpu.memory_space<hbm>>
      tpu.wait_dma2 semaphore(%run_scoped3A : memref<!tpu.dma_semaphore, #tpu.memory_space<semaphore_mem>>) src(%dma_wait3A_259 : memref<128x64xf32, #tpu.memory_space<hbm>>) dst(%dma_wait3A_256 : memref<128x64xf32, #tpu.memory_space<vmem>>)
      tpu.yield
    }) : () -> ()
    %add3A_15 = arith.constant 128 : i32
    %add3A_16 = arith.addi %mul3A_0, %add3A_15 : i32
    "tpu.region"() ({
      %run_scoped3A = tpu.sem_alloc : memref<!tpu.dma_semaphore, #tpu.memory_space<semaphore_mem>>
      %dma_start3A = arith.constant 0 : i32
      %dma_start3A_238 = arith.constant 0 : i32
      %dma_start3A_239 = tpu.memref_slice %arg9[%dma_start3A, %dma_start3A_238] : memref<128x64xf32, #tpu.memory_space<vmem>> -> memref<128x64xf32, #tpu.memory_space<vmem>>
      %dma_start3A_240 = arith.constant 0 : i32
      %dma_start3A_241 = tpu.memref_slice %arg11[%add3A_16, %dma_start3A_240] : memref<10112x64xf32, #tpu.memory_space<vmem_shared>> -> memref<128x64xf32, #tpu.memory_space<vmem_shared>>
      %dma_start3A_242 = arith.constant 0 : i32
      %dma_start3A_243 = tpu.memref_slice %arg11[%add3A_16, %dma_start3A_242] : memref<10112x64xf32, #tpu.memory_space<vmem_shared>> -> memref<128x64xf32, #tpu.memory_space<vmem_shared>>
      %dma_start3A_244 = arith.constant 0 : i32
      %dma_start3A_245 = arith.constant 0 : i32
      %dma_start3A_246 = tpu.memref_slice %arg9[%dma_start3A_244, %dma_start3A_245] : memref<128x64xf32, #tpu.memory_space<vmem>> -> memref<128x64xf32, #tpu.memory_space<vmem>>
      tpu.enqueue_dma source(%dma_start3A_246 : memref<128x64xf32, #tpu.memory_space<vmem>>) target(%dma_start3A_243 : memref<128x64xf32, #tpu.memory_space<vmem_shared>>) target_semaphore(%run_scoped3A : memref<!tpu.dma_semaphore, #tpu.memory_space<semaphore_mem>>)
      %dma_wait3A = arith.constant 0 : i32
      %dma_wait3A_247 = arith.constant 0 : i32
      %dma_wait3A_248 = tpu.memref_slice %arg9[%dma_wait3A, %dma_wait3A_247] : memref<128x64xf32, #tpu.memory_space<vmem>> -> memref<128x64xf32, #tpu.memory_space<vmem>>
      %dma_wait3A_249 = arith.constant 0 : i32
      %dma_wait3A_250 = tpu.memref_slice %arg11[%add3A_16, %dma_wait3A_249] : memref<10112x64xf32, #tpu.memory_space<vmem_shared>> -> memref<128x64xf32, #tpu.memory_space<vmem_shared>>
      %dma_wait3A_251 = arith.constant 0 : i32
      %dma_wait3A_252 = tpu.memref_slice %arg11[%add3A_16, %dma_wait3A_251] : memref<10112x64xf32, #tpu.memory_space<vmem_shared>> -> memref<128x64xf32, #tpu.memory_space<vmem_shared>>
      %dma_wait3A_253 = arith.constant 0 : i32
      %dma_wait3A_254 = arith.constant 0 : i32
      %dma_wait3A_255 = tpu.memref_slice %arg9[%dma_wait3A_253, %dma_wait3A_254] : memref<128x64xf32, #tpu.memory_space<vmem>> -> memref<128x64xf32, #tpu.memory_space<vmem>>
      tpu.wait_dma2 semaphore(%run_scoped3A : memref<!tpu.dma_semaphore, #tpu.memory_space<semaphore_mem>>) src(%dma_wait3A_255 : memref<128x64xf32, #tpu.memory_space<vmem>>) dst(%dma_wait3A_252 : memref<128x64xf32, #tpu.memory_space<vmem_shared>>)
      tpu.yield
    }) : () -> ()
    %add3A_17 = arith.constant 256 : i32
    %add3A_18 = arith.addi %mul3A_0, %add3A_17 : i32
    "tpu.region"() ({
      %run_scoped3A = tpu.sem_alloc : memref<!tpu.dma_semaphore, #tpu.memory_space<semaphore_mem>>
      %dma_start3A = arith.constant 0 : i32
      %dma_start3A_238 = arith.constant 0 : i32
      %dma_start3A_239 = tpu.memref_slice %arg8[%dma_start3A, %dma_start3A_238] : memref<128x64xf32, #tpu.memory_space<vmem>> -> memref<128x64xf32, #tpu.memory_space<vmem>>
      %dma_start3A_240 = arith.constant 0 : i32
      %dma_start3A_241 = tpu.memref_slice %arg10[%add3A_18, %dma_start3A_240] : memref<10112x64xf32, #tpu.memory_space<vmem_shared>> -> memref<128x64xf32, #tpu.memory_space<vmem_shared>>
      %dma_start3A_242 = arith.constant 0 : i32
      %dma_start3A_243 = tpu.memref_slice %arg10[%add3A_18, %dma_start3A_242] : memref<10112x64xf32, #tpu.memory_space<vmem_shared>> -> memref<128x64xf32, #tpu.memory_space<vmem_shared>>
      %dma_start3A_244 = arith.constant 0 : i32
      %dma_start3A_245 = arith.constant 0 : i32
      %dma_start3A_246 = tpu.memref_slice %arg8[%dma_start3A_244, %dma_start3A_245] : memref<128x64xf32, #tpu.memory_space<vmem>> -> memref<128x64xf32, #tpu.memory_space<vmem>>
      tpu.enqueue_dma source(%dma_start3A_246 : memref<128x64xf32, #tpu.memory_space<vmem>>) target(%dma_start3A_243 : memref<128x64xf32, #tpu.memory_space<vmem_shared>>) target_semaphore(%run_scoped3A : memref<!tpu.dma_semaphore, #tpu.memory_space<semaphore_mem>>)
      %dma_wait3A = arith.constant 0 : i32
      %dma_wait3A_247 = arith.constant 0 : i32
      %dma_wait3A_248 = tpu.memref_slice %arg8[%dma_wait3A, %dma_wait3A_247] : memref<128x64xf32, #tpu.memory_space<vmem>> -> memref<128x64xf32, #tpu.memory_space<vmem>>
      %dma_wait3A_249 = arith.constant 0 : i32
      %dma_wait3A_250 = tpu.memref_slice %arg10[%add3A_18, %dma_wait3A_249] : memref<10112x64xf32, #tpu.memory_space<vmem_shared>> -> memref<128x64xf32, #tpu.memory_space<vmem_shared>>
      %dma_wait3A_251 = arith.constant 0 : i32
      %dma_wait3A_252 = tpu.memref_slice %arg10[%add3A_18, %dma_wait3A_251] : memref<10112x64xf32, #tpu.memory_space<vmem_shared>> -> memref<128x64xf32, #tpu.memory_space<vmem_shared>>
      %dma_wait3A_253 = arith.constant 0 : i32
      %dma_wait3A_254 = arith.constant 0 : i32
      %dma_wait3A_255 = tpu.memref_slice %arg8[%dma_wait3A_253, %dma_wait3A_254] : memref<128x64xf32, #tpu.memory_space<vmem>> -> memref<128x64xf32, #tpu.memory_space<vmem>>
      tpu.wait_dma2 semaphore(%run_scoped3A : memref<!tpu.dma_semaphore, #tpu.memory_space<semaphore_mem>>) src(%dma_wait3A_255 : memref<128x64xf32, #tpu.memory_space<vmem>>) dst(%dma_wait3A_252 : memref<128x64xf32, #tpu.memory_space<vmem_shared>>)
      tpu.yield
    }) : () -> ()
    %add3A_19 = arith.constant 256 : i32
    %add3A_20 = arith.addi %mul3A_0, %add3A_19 : i32
    "tpu.region"() ({
      %run_scoped3A = tpu.sem_alloc : memref<!tpu.dma_semaphore, #tpu.memory_space<semaphore_mem>>
      %dma_start3A = arith.constant 0 : i32
      %dma_start3A_238 = arith.constant 0 : i32
      %dma_start3A_239 = tpu.memref_slice %arg9[%dma_start3A, %dma_start3A_238] : memref<128x64xf32, #tpu.memory_space<vmem>> -> memref<128x64xf32, #tpu.memory_space<vmem>>
      %dma_start3A_240 = arith.constant 0 : i32
      %dma_start3A_241 = tpu.memref_slice %arg2[%arg0, %add3A_20, %dma_start3A_240] : memref<2x10112x64xf32, #tpu.memory_space<hbm>> -> memref<1x128x64xf32, #tpu.memory_space<hbm>>
      %dma_start3A_242 = tpu.memref_squeeze %dma_start3A_241 : memref<1x128x64xf32, #tpu.memory_space<hbm>> -> memref<128x64xf32, #tpu.memory_space<hbm>>
      %dma_start3A_243 = arith.constant 0 : i32
      %dma_start3A_244 = arith.constant 0 : i32
      %dma_start3A_245 = tpu.memref_slice %arg9[%dma_start3A_243, %dma_start3A_244] : memref<128x64xf32, #tpu.memory_space<vmem>> -> memref<128x64xf32, #tpu.memory_space<vmem>>
      %dma_start3A_246 = arith.constant 0 : i32
      %dma_start3A_247 = tpu.memref_slice %arg2[%arg0, %add3A_20, %dma_start3A_246] : memref<2x10112x64xf32, #tpu.memory_space<hbm>> -> memref<1x128x64xf32, #tpu.memory_space<hbm>>
      %dma_start3A_248 = tpu.memref_squeeze %dma_start3A_247 : memref<1x128x64xf32, #tpu.memory_space<hbm>> -> memref<128x64xf32, #tpu.memory_space<hbm>>
      tpu.enqueue_dma source(%dma_start3A_248 : memref<128x64xf32, #tpu.memory_space<hbm>>) target(%dma_start3A_245 : memref<128x64xf32, #tpu.memory_space<vmem>>) target_semaphore(%run_scoped3A : memref<!tpu.dma_semaphore, #tpu.memory_space<semaphore_mem>>)
      %dma_wait3A = arith.constant 0 : i32
      %dma_wait3A_249 = arith.constant 0 : i32
      %dma_wait3A_250 = tpu.memref_slice %arg9[%dma_wait3A, %dma_wait3A_249] : memref<128x64xf32, #tpu.memory_space<vmem>> -> memref<128x64xf32, #tpu.memory_space<vmem>>
      %dma_wait3A_251 = arith.constant 0 : i32
      %dma_wait3A_252 = tpu.memref_slice %arg2[%arg0, %add3A_20, %dma_wait3A_251] : memref<2x10112x64xf32, #tpu.memory_space<hbm>> -> memref<1x128x64xf32, #tpu.memory_space<hbm>>
      %dma_wait3A_253 = tpu.memref_squeeze %dma_wait3A_252 : memref<1x128x64xf32, #tpu.memory_space<hbm>> -> memref<128x64xf32, #tpu.memory_space<hbm>>
      %dma_wait3A_254 = arith.constant 0 : i32
      %dma_wait3A_255 = arith.constant 0 : i32
      %dma_wait3A_256 = tpu.memref_slice %arg9[%dma_wait3A_254, %dma_wait3A_255] : memref<128x64xf32, #tpu.memory_space<vmem>> -> memref<128x64xf32, #tpu.memory_space<vmem>>
      %dma_wait3A_257 = arith.constant 0 : i32
      %dma_wait3A_258 = tpu.memref_slice %arg2[%arg0, %add3A_20, %dma_wait3A_257] : memref<2x10112x64xf32, #tpu.memory_space<hbm>> -> memref<1x128x64xf32, #tpu.memory_space<hbm>>
      %dma_wait3A_259 = tpu.memref_squeeze %dma_wait3A_258 : memref<1x128x64xf32, #tpu.memory_space<hbm>> -> memref<128x64xf32, #tpu.memory_space<hbm>>
      tpu.wait_dma2 semaphore(%run_scoped3A : memref<!tpu.dma_semaphore, #tpu.memory_space<semaphore_mem>>) src(%dma_wait3A_259 : memref<128x64xf32, #tpu.memory_space<hbm>>) dst(%dma_wait3A_256 : memref<128x64xf32, #tpu.memory_space<vmem>>)
      tpu.yield
    }) : () -> ()
    %add3A_21 = arith.constant 256 : i32
    %add3A_22 = arith.addi %mul3A_0, %add3A_21 : i32
    "tpu.region"() ({
      %run_scoped3A = tpu.sem_alloc : memref<!tpu.dma_semaphore, #tpu.memory_space<semaphore_mem>>
      %dma_start3A = arith.constant 0 : i32
      %dma_start3A_238 = arith.constant 0 : i32
      %dma_start3A_239 = tpu.memref_slice %arg9[%dma_start3A, %dma_start3A_238] : memref<128x64xf32, #tpu.memory_space<vmem>> -> memref<128x64xf32, #tpu.memory_space<vmem>>
      %dma_start3A_240 = arith.constant 0 : i32
      %dma_start3A_241 = tpu.memref_slice %arg11[%add3A_22, %dma_start3A_240] : memref<10112x64xf32, #tpu.memory_space<vmem_shared>> -> memref<128x64xf32, #tpu.memory_space<vmem_shared>>
      %dma_start3A_242 = arith.constant 0 : i32
      %dma_start3A_243 = tpu.memref_slice %arg11[%add3A_22, %dma_start3A_242] : memref<10112x64xf32, #tpu.memory_space<vmem_shared>> -> memref<128x64xf32, #tpu.memory_space<vmem_shared>>
      %dma_start3A_244 = arith.constant 0 : i32
      %dma_start3A_245 = arith.constant 0 : i32
      %dma_start3A_246 = tpu.memref_slice %arg9[%dma_start3A_244, %dma_start3A_245] : memref<128x64xf32, #tpu.memory_space<vmem>> -> memref<128x64xf32, #tpu.memory_space<vmem>>
      tpu.enqueue_dma source(%dma_start3A_246 : memref<128x64xf32, #tpu.memory_space<vmem>>) target(%dma_start3A_243 : memref<128x64xf32, #tpu.memory_space<vmem_shared>>) target_semaphore(%run_scoped3A : memref<!tpu.dma_semaphore, #tpu.memory_space<semaphore_mem>>)
      %dma_wait3A = arith.constant 0 : i32
      %dma_wait3A_247 = arith.constant 0 : i32
      %dma_wait3A_248 = tpu.memref_slice %arg9[%dma_wait3A, %dma_wait3A_247] : memref<128x64xf32, #tpu.memory_space<vmem>> -> memref<128x64xf32, #tpu.memory_space<vmem>>
      %dma_wait3A_249 = arith.constant 0 : i32
      %dma_wait3A_250 = tpu.memref_slice %arg11[%add3A_22, %dma_wait3A_249] : memref<10112x64xf32, #tpu.memory_space<vmem_shared>> -> memref<128x64xf32, #tpu.memory_space<vmem_shared>>
      %dma_wait3A_251 = arith.constant 0 : i32
      %dma_wait3A_252 = tpu.memref_slice %arg11[%add3A_22, %dma_wait3A_251] : memref<10112x64xf32, #tpu.memory_space<vmem_shared>> -> memref<128x64xf32, #tpu.memory_space<vmem_shared>>
      %dma_wait3A_253 = arith.constant 0 : i32
      %dma_wait3A_254 = arith.constant 0 : i32
      %dma_wait3A_255 = tpu.memref_slice %arg9[%dma_wait3A_253, %dma_wait3A_254] : memref<128x64xf32, #tpu.memory_space<vmem>> -> memref<128x64xf32, #tpu.memory_space<vmem>>
      tpu.wait_dma2 semaphore(%run_scoped3A : memref<!tpu.dma_semaphore, #tpu.memory_space<semaphore_mem>>) src(%dma_wait3A_255 : memref<128x64xf32, #tpu.memory_space<vmem>>) dst(%dma_wait3A_252 : memref<128x64xf32, #tpu.memory_space<vmem_shared>>)
      tpu.yield
    }) : () -> ()
    %add3A_23 = arith.constant 384 : i32
    %add3A_24 = arith.addi %mul3A_0, %add3A_23 : i32
    "tpu.region"() ({
      %run_scoped3A = tpu.sem_alloc : memref<!tpu.dma_semaphore, #tpu.memory_space<semaphore_mem>>
      %dma_start3A = arith.constant 0 : i32
      %dma_start3A_238 = arith.constant 0 : i32
      %dma_start3A_239 = tpu.memref_slice %arg8[%dma_start3A, %dma_start3A_238] : memref<128x64xf32, #tpu.memory_space<vmem>> -> memref<128x64xf32, #tpu.memory_space<vmem>>
      %dma_start3A_240 = arith.constant 0 : i32
      %dma_start3A_241 = tpu.memref_slice %arg10[%add3A_24, %dma_start3A_240] : memref<10112x64xf32, #tpu.memory_space<vmem_shared>> -> memref<128x64xf32, #tpu.memory_space<vmem_shared>>
      %dma_start3A_242 = arith.constant 0 : i32
      %dma_start3A_243 = tpu.memref_slice %arg10[%add3A_24, %dma_start3A_242] : memref<10112x64xf32, #tpu.memory_space<vmem_shared>> -> memref<128x64xf32, #tpu.memory_space<vmem_shared>>
      %dma_start3A_244 = arith.constant 0 : i32
      %dma_start3A_245 = arith.constant 0 : i32
      %dma_start3A_246 = tpu.memref_slice %arg8[%dma_start3A_244, %dma_start3A_245] : memref<128x64xf32, #tpu.memory_space<vmem>> -> memref<128x64xf32, #tpu.memory_space<vmem>>
      tpu.enqueue_dma source(%dma_start3A_246 : memref<128x64xf32, #tpu.memory_space<vmem>>) target(%dma_start3A_243 : memref<128x64xf32, #tpu.memory_space<vmem_shared>>) target_semaphore(%run_scoped3A : memref<!tpu.dma_semaphore, #tpu.memory_space<semaphore_mem>>)
      %dma_wait3A = arith.constant 0 : i32
      %dma_wait3A_247 = arith.constant 0 : i32
      %dma_wait3A_248 = tpu.memref_slice %arg8[%dma_wait3A, %dma_wait3A_247] : memref<128x64xf32, #tpu.memory_space<vmem>> -> memref<128x64xf32, #tpu.memory_space<vmem>>
      %dma_wait3A_249 = arith.constant 0 : i32
      %dma_wait3A_250 = tpu.memref_slice %arg10[%add3A_24, %dma_wait3A_249] : memref<10112x64xf32, #tpu.memory_space<vmem_shared>> -> memref<128x64xf32, #tpu.memory_space<vmem_shared>>
      %dma_wait3A_251 = arith.constant 0 : i32
      %dma_wait3A_252 = tpu.memref_slice %arg10[%add3A_24, %dma_wait3A_251] : memref<10112x64xf32, #tpu.memory_space<vmem_shared>> -> memref<128x64xf32, #tpu.memory_space<vmem_shared>>
      %dma_wait3A_253 = arith.constant 0 : i32
      %dma_wait3A_254 = arith.constant 0 : i32
      %dma_wait3A_255 = tpu.memref_slice %arg8[%dma_wait3A_253, %dma_wait3A_254] : memref<128x64xf32, #tpu.memory_space<vmem>> -> memref<128x64xf32, #tpu.memory_space<vmem>>
      tpu.wait_dma2 semaphore(%run_scoped3A : memref<!tpu.dma_semaphore, #tpu.memory_space<semaphore_mem>>) src(%dma_wait3A_255 : memref<128x64xf32, #tpu.memory_space<vmem>>) dst(%dma_wait3A_252 : memref<128x64xf32, #tpu.memory_space<vmem_shared>>)
      tpu.yield
    }) : () -> ()
    %add3A_25 = arith.constant 384 : i32
    %add3A_26 = arith.addi %mul3A_0, %add3A_25 : i32
    "tpu.region"() ({
      %run_scoped3A = tpu.sem_alloc : memref<!tpu.dma_semaphore, #tpu.memory_space<semaphore_mem>>
      %dma_start3A = arith.constant 0 : i32
      %dma_start3A_238 = arith.constant 0 : i32
      %dma_start3A_239 = tpu.memref_slice %arg9[%dma_start3A, %dma_start3A_238] : memref<128x64xf32, #tpu.memory_space<vmem>> -> memref<128x64xf32, #tpu.memory_space<vmem>>
      %dma_start3A_240 = arith.constant 0 : i32
      %dma_start3A_241 = tpu.memref_slice %arg2[%arg0, %add3A_26, %dma_start3A_240] : memref<2x10112x64xf32, #tpu.memory_space<hbm>> -> memref<1x128x64xf32, #tpu.memory_space<hbm>>
      %dma_start3A_242 = tpu.memref_squeeze %dma_start3A_241 : memref<1x128x64xf32, #tpu.memory_space<hbm>> -> memref<128x64xf32, #tpu.memory_space<hbm>>
      %dma_start3A_243 = arith.constant 0 : i32
      %dma_start3A_244 = arith.constant 0 : i32
      %dma_start3A_245 = tpu.memref_slice %arg9[%dma_start3A_243, %dma_start3A_244] : memref<128x64xf32, #tpu.memory_space<vmem>> -> memref<128x64xf32, #tpu.memory_space<vmem>>
      %dma_start3A_246 = arith.constant 0 : i32
      %dma_start3A_247 = tpu.memref_slice %arg2[%arg0, %add3A_26, %dma_start3A_246] : memref<2x10112x64xf32, #tpu.memory_space<hbm>> -> memref<1x128x64xf32, #tpu.memory_space<hbm>>
      %dma_start3A_248 = tpu.memref_squeeze %dma_start3A_247 : memref<1x128x64xf32, #tpu.memory_space<hbm>> -> memref<128x64xf32, #tpu.memory_space<hbm>>
      tpu.enqueue_dma source(%dma_start3A_248 : memref<128x64xf32, #tpu.memory_space<hbm>>) target(%dma_start3A_245 : memref<128x64xf32, #tpu.memory_space<vmem>>) target_semaphore(%run_scoped3A : memref<!tpu.dma_semaphore, #tpu.memory_space<semaphore_mem>>)
      %dma_wait3A = arith.constant 0 : i32
      %dma_wait3A_249 = arith.constant 0 : i32
      %dma_wait3A_250 = tpu.memref_slice %arg9[%dma_wait3A, %dma_wait3A_249] : memref<128x64xf32, #tpu.memory_space<vmem>> -> memref<128x64xf32, #tpu.memory_space<vmem>>
      %dma_wait3A_251 = arith.constant 0 : i32
      %dma_wait3A_252 = tpu.memref_slice %arg2[%arg0, %add3A_26, %dma_wait3A_251] : memref<2x10112x64xf32, #tpu.memory_space<hbm>> -> memref<1x128x64xf32, #tpu.memory_space<hbm>>
      %dma_wait3A_253 = tpu.memref_squeeze %dma_wait3A_252 : memref<1x128x64xf32, #tpu.memory_space<hbm>> -> memref<128x64xf32, #tpu.memory_space<hbm>>
      %dma_wait3A_254 = arith.constant 0 : i32
      %dma_wait3A_255 = arith.constant 0 : i32
      %dma_wait3A_256 = tpu.memref_slice %arg9[%dma_wait3A_254, %dma_wait3A_255] : memref<128x64xf32, #tpu.memory_space<vmem>> -> memref<128x64xf32, #tpu.memory_space<vmem>>
      %dma_wait3A_257 = arith.constant 0 : i32
      %dma_wait3A_258 = tpu.memref_slice %arg2[%arg0, %add3A_26, %dma_wait3A_257] : memref<2x10112x64xf32, #tpu.memory_space<hbm>> -> memref<1x128x64xf32, #tpu.memory_space<hbm>>
      %dma_wait3A_259 = tpu.memref_squeeze %dma_wait3A_258 : memref<1x128x64xf32, #tpu.memory_space<hbm>> -> memref<128x64xf32, #tpu.memory_space<hbm>>
      tpu.wait_dma2 semaphore(%run_scoped3A : memref<!tpu.dma_semaphore, #tpu.memory_space<semaphore_mem>>) src(%dma_wait3A_259 : memref<128x64xf32, #tpu.memory_space<hbm>>) dst(%dma_wait3A_256 : memref<128x64xf32, #tpu.memory_space<vmem>>)
      tpu.yield
    }) : () -> ()
    %add3A_27 = arith.constant 384 : i32
    %add3A_28 = arith.addi %mul3A_0, %add3A_27 : i32
    "tpu.region"() ({
      %run_scoped3A = tpu.sem_alloc : memref<!tpu.dma_semaphore, #tpu.memory_space<semaphore_mem>>
      %dma_start3A = arith.constant 0 : i32
      %dma_start3A_238 = arith.constant 0 : i32
      %dma_start3A_239 = tpu.memref_slice %arg9[%dma_start3A, %dma_start3A_238] : memref<128x64xf32, #tpu.memory_space<vmem>> -> memref<128x64xf32, #tpu.memory_space<vmem>>
      %dma_start3A_240 = arith.constant 0 : i32
      %dma_start3A_241 = tpu.memref_slice %arg11[%add3A_28, %dma_start3A_240] : memref<10112x64xf32, #tpu.memory_space<vmem_shared>> -> memref<128x64xf32, #tpu.memory_space<vmem_shared>>
      %dma_start3A_242 = arith.constant 0 : i32
      %dma_start3A_243 = tpu.memref_slice %arg11[%add3A_28, %dma_start3A_242] : memref<10112x64xf32, #tpu.memory_space<vmem_shared>> -> memref<128x64xf32, #tpu.memory_space<vmem_shared>>
      %dma_start3A_244 = arith.constant 0 : i32
      %dma_start3A_245 = arith.constant 0 : i32
      %dma_start3A_246 = tpu.memref_slice %arg9[%dma_start3A_244, %dma_start3A_245] : memref<128x64xf32, #tpu.memory_space<vmem>> -> memref<128x64xf32, #tpu.memory_space<vmem>>
      tpu.enqueue_dma source(%dma_start3A_246 : memref<128x64xf32, #tpu.memory_space<vmem>>) target(%dma_start3A_243 : memref<128x64xf32, #tpu.memory_space<vmem_shared>>) target_semaphore(%run_scoped3A : memref<!tpu.dma_semaphore, #tpu.memory_space<semaphore_mem>>)
      %dma_wait3A = arith.constant 0 : i32
      %dma_wait3A_247 = arith.constant 0 : i32
      %dma_wait3A_248 = tpu.memref_slice %arg9[%dma_wait3A, %dma_wait3A_247] : memref<128x64xf32, #tpu.memory_space<vmem>> -> memref<128x64xf32, #tpu.memory_space<vmem>>
      %dma_wait3A_249 = arith.constant 0 : i32
      %dma_wait3A_250 = tpu.memref_slice %arg11[%add3A_28, %dma_wait3A_249] : memref<10112x64xf32, #tpu.memory_space<vmem_shared>> -> memref<128x64xf32, #tpu.memory_space<vmem_shared>>
      %dma_wait3A_251 = arith.constant 0 : i32
      %dma_wait3A_252 = tpu.memref_slice %arg11[%add3A_28, %dma_wait3A_251] : memref<10112x64xf32, #tpu.memory_space<vmem_shared>> -> memref<128x64xf32, #tpu.memory_space<vmem_shared>>
      %dma_wait3A_253 = arith.constant 0 : i32
      %dma_wait3A_254 = arith.constant 0 : i32
      %dma_wait3A_255 = tpu.memref_slice %arg9[%dma_wait3A_253, %dma_wait3A_254] : memref<128x64xf32, #tpu.memory_space<vmem>> -> memref<128x64xf32, #tpu.memory_space<vmem>>
      tpu.wait_dma2 semaphore(%run_scoped3A : memref<!tpu.dma_semaphore, #tpu.memory_space<semaphore_mem>>) src(%dma_wait3A_255 : memref<128x64xf32, #tpu.memory_space<vmem>>) dst(%dma_wait3A_252 : memref<128x64xf32, #tpu.memory_space<vmem_shared>>)
      tpu.yield
    }) : () -> ()
    %add3A_29 = arith.constant 512 : i32
    %add3A_30 = arith.addi %mul3A_0, %add3A_29 : i32
    "tpu.region"() ({
      %run_scoped3A = tpu.sem_alloc : memref<!tpu.dma_semaphore, #tpu.memory_space<semaphore_mem>>
      %dma_start3A = arith.constant 0 : i32
      %dma_start3A_238 = arith.constant 0 : i32
      %dma_start3A_239 = tpu.memref_slice %arg8[%dma_start3A, %dma_start3A_238] : memref<128x64xf32, #tpu.memory_space<vmem>> -> memref<120x64xf32, #tpu.memory_space<vmem>>
      %dma_start3A_240 = arith.constant 0 : i32
      %dma_start3A_241 = tpu.memref_slice %arg10[%add3A_30, %dma_start3A_240] : memref<10112x64xf32, #tpu.memory_space<vmem_shared>> -> memref<120x64xf32, #tpu.memory_space<vmem_shared>>
      %dma_start3A_242 = arith.constant 0 : i32
      %dma_start3A_243 = tpu.memref_slice %arg10[%add3A_30, %dma_start3A_242] : memref<10112x64xf32, #tpu.memory_space<vmem_shared>> -> memref<120x64xf32, #tpu.memory_space<vmem_shared>>
      %dma_start3A_244 = arith.constant 0 : i32
      %dma_start3A_245 = arith.constant 0 : i32
      %dma_start3A_246 = tpu.memref_slice %arg8[%dma_start3A_244, %dma_start3A_245] : memref<128x64xf32, #tpu.memory_space<vmem>> -> memref<120x64xf32, #tpu.memory_space<vmem>>
      tpu.enqueue_dma source(%dma_start3A_246 : memref<120x64xf32, #tpu.memory_space<vmem>>) target(%dma_start3A_243 : memref<120x64xf32, #tpu.memory_space<vmem_shared>>) target_semaphore(%run_scoped3A : memref<!tpu.dma_semaphore, #tpu.memory_space<semaphore_mem>>)
      %dma_wait3A = arith.constant 0 : i32
      %dma_wait3A_247 = arith.constant 0 : i32
      %dma_wait3A_248 = tpu.memref_slice %arg8[%dma_wait3A, %dma_wait3A_247] : memref<128x64xf32, #tpu.memory_space<vmem>> -> memref<120x64xf32, #tpu.memory_space<vmem>>
      %dma_wait3A_249 = arith.constant 0 : i32
      %dma_wait3A_250 = tpu.memref_slice %arg10[%add3A_30, %dma_wait3A_249] : memref<10112x64xf32, #tpu.memory_space<vmem_shared>> -> memref<120x64xf32, #tpu.memory_space<vmem_shared>>
      %dma_wait3A_251 = arith.constant 0 : i32
      %dma_wait3A_252 = tpu.memref_slice %arg10[%add3A_30, %dma_wait3A_251] : memref<10112x64xf32, #tpu.memory_space<vmem_shared>> -> memref<120x64xf32, #tpu.memory_space<vmem_shared>>
      %dma_wait3A_253 = arith.constant 0 : i32
      %dma_wait3A_254 = arith.constant 0 : i32
      %dma_wait3A_255 = tpu.memref_slice %arg8[%dma_wait3A_253, %dma_wait3A_254] : memref<128x64xf32, #tpu.memory_space<vmem>> -> memref<120x64xf32, #tpu.memory_space<vmem>>
      tpu.wait_dma2 semaphore(%run_scoped3A : memref<!tpu.dma_semaphore, #tpu.memory_space<semaphore_mem>>) src(%dma_wait3A_255 : memref<120x64xf32, #tpu.memory_space<vmem>>) dst(%dma_wait3A_252 : memref<120x64xf32, #tpu.memory_space<vmem_shared>>)
      tpu.yield
    }) : () -> ()
    %add3A_31 = arith.constant 512 : i32
    %add3A_32 = arith.addi %mul3A_0, %add3A_31 : i32
    "tpu.region"() ({
      %run_scoped3A = tpu.sem_alloc : memref<!tpu.dma_semaphore, #tpu.memory_space<semaphore_mem>>
      %dma_start3A = arith.constant 0 : i32
      %dma_start3A_238 = arith.constant 0 : i32
      %dma_start3A_239 = tpu.memref_slice %arg9[%dma_start3A, %dma_start3A_238] : memref<128x64xf32, #tpu.memory_space<vmem>> -> memref<120x64xf32, #tpu.memory_space<vmem>>
      %dma_start3A_240 = arith.constant 0 : i32
      %dma_start3A_241 = tpu.memref_slice %arg2[%arg0, %add3A_32, %dma_start3A_240] : memref<2x10112x64xf32, #tpu.memory_space<hbm>> -> memref<1x120x64xf32, #tpu.memory_space<hbm>>
      %dma_start3A_242 = tpu.memref_squeeze %dma_start3A_241 : memref<1x120x64xf32, #tpu.memory_space<hbm>> -> memref<120x64xf32, #tpu.memory_space<hbm>>
      %dma_start3A_243 = arith.constant 0 : i32
      %dma_start3A_244 = arith.constant 0 : i32
      %dma_start3A_245 = tpu.memref_slice %arg9[%dma_start3A_243, %dma_start3A_244] : memref<128x64xf32, #tpu.memory_space<vmem>> -> memref<120x64xf32, #tpu.memory_space<vmem>>
      %dma_start3A_246 = arith.constant 0 : i32
      %dma_start3A_247 = tpu.memref_slice %arg2[%arg0, %add3A_32, %dma_start3A_246] : memref<2x10112x64xf32, #tpu.memory_space<hbm>> -> memref<1x120x64xf32, #tpu.memory_space<hbm>>
      %dma_start3A_248 = tpu.memref_squeeze %dma_start3A_247 : memref<1x120x64xf32, #tpu.memory_space<hbm>> -> memref<120x64xf32, #tpu.memory_space<hbm>>
      tpu.enqueue_dma source(%dma_start3A_248 : memref<120x64xf32, #tpu.memory_space<hbm>>) target(%dma_start3A_245 : memref<120x64xf32, #tpu.memory_space<vmem>>) target_semaphore(%run_scoped3A : memref<!tpu.dma_semaphore, #tpu.memory_space<semaphore_mem>>)
      %dma_wait3A = arith.constant 0 : i32
      %dma_wait3A_249 = arith.constant 0 : i32
      %dma_wait3A_250 = tpu.memref_slice %arg9[%dma_wait3A, %dma_wait3A_249] : memref<128x64xf32, #tpu.memory_space<vmem>> -> memref<120x64xf32, #tpu.memory_space<vmem>>
      %dma_wait3A_251 = arith.constant 0 : i32
      %dma_wait3A_252 = tpu.memref_slice %arg2[%arg0, %add3A_32, %dma_wait3A_251] : memref<2x10112x64xf32, #tpu.memory_space<hbm>> -> memref<1x120x64xf32, #tpu.memory_space<hbm>>
      %dma_wait3A_253 = tpu.memref_squeeze %dma_wait3A_252 : memref<1x120x64xf32, #tpu.memory_space<hbm>> -> memref<120x64xf32, #tpu.memory_space<hbm>>
      %dma_wait3A_254 = arith.constant 0 : i32
      %dma_wait3A_255 = arith.constant 0 : i32
      %dma_wait3A_256 = tpu.memref_slice %arg9[%dma_wait3A_254, %dma_wait3A_255] : memref<128x64xf32, #tpu.memory_space<vmem>> -> memref<120x64xf32, #tpu.memory_space<vmem>>
      %dma_wait3A_257 = arith.constant 0 : i32
      %dma_wait3A_258 = tpu.memref_slice %arg2[%arg0, %add3A_32, %dma_wait3A_257] : memref<2x10112x64xf32, #tpu.memory_space<hbm>> -> memref<1x120x64xf32, #tpu.memory_space<hbm>>
      %dma_wait3A_259 = tpu.memref_squeeze %dma_wait3A_258 : memref<1x120x64xf32, #tpu.memory_space<hbm>> -> memref<120x64xf32, #tpu.memory_space<hbm>>
      tpu.wait_dma2 semaphore(%run_scoped3A : memref<!tpu.dma_semaphore, #tpu.memory_space<semaphore_mem>>) src(%dma_wait3A_259 : memref<120x64xf32, #tpu.memory_space<hbm>>) dst(%dma_wait3A_256 : memref<120x64xf32, #tpu.memory_space<vmem>>)
      tpu.yield
    }) : () -> ()
    %add3A_33 = arith.constant 512 : i32
    %add3A_34 = arith.addi %mul3A_0, %add3A_33 : i32
    "tpu.region"() ({
      %run_scoped3A = tpu.sem_alloc : memref<!tpu.dma_semaphore, #tpu.memory_space<semaphore_mem>>
      %dma_start3A = arith.constant 0 : i32
      %dma_start3A_238 = arith.constant 0 : i32
      %dma_start3A_239 = tpu.memref_slice %arg9[%dma_start3A, %dma_start3A_238] : memref<128x64xf32, #tpu.memory_space<vmem>> -> memref<120x64xf32, #tpu.memory_space<vmem>>
      %dma_start3A_240 = arith.constant 0 : i32
      %dma_start3A_241 = tpu.memref_slice %arg11[%add3A_34, %dma_start3A_240] : memref<10112x64xf32, #tpu.memory_space<vmem_shared>> -> memref<120x64xf32, #tpu.memory_space<vmem_shared>>
      %dma_start3A_242 = arith.constant 0 : i32
      %dma_start3A_243 = tpu.memref_slice %arg11[%add3A_34, %dma_start3A_242] : memref<10112x64xf32, #tpu.memory_space<vmem_shared>> -> memref<120x64xf32, #tpu.memory_space<vmem_shared>>
      %dma_start3A_244 = arith.constant 0 : i32
      %dma_start3A_245 = arith.constant 0 : i32
      %dma_start3A_246 = tpu.memref_slice %arg9[%dma_start3A_244, %dma_start3A_245] : memref<128x64xf32, #tpu.memory_space<vmem>> -> memref<120x64xf32, #tpu.memory_space<vmem>>
      tpu.enqueue_dma source(%dma_start3A_246 : memref<120x64xf32, #tpu.memory_space<vmem>>) target(%dma_start3A_243 : memref<120x64xf32, #tpu.memory_space<vmem_shared>>) target_semaphore(%run_scoped3A : memref<!tpu.dma_semaphore, #tpu.memory_space<semaphore_mem>>)
      %dma_wait3A = arith.constant 0 : i32
      %dma_wait3A_247 = arith.constant 0 : i32
      %dma_wait3A_248 = tpu.memref_slice %arg9[%dma_wait3A, %dma_wait3A_247] : memref<128x64xf32, #tpu.memory_space<vmem>> -> memref<120x64xf32, #tpu.memory_space<vmem>>
      %dma_wait3A_249 = arith.constant 0 : i32
      %dma_wait3A_250 = tpu.memref_slice %arg11[%add3A_34, %dma_wait3A_249] : memref<10112x64xf32, #tpu.memory_space<vmem_shared>> -> memref<120x64xf32, #tpu.memory_space<vmem_shared>>
      %dma_wait3A_251 = arith.constant 0 : i32
      %dma_wait3A_252 = tpu.memref_slice %arg11[%add3A_34, %dma_wait3A_251] : memref<10112x64xf32, #tpu.memory_space<vmem_shared>> -> memref<120x64xf32, #tpu.memory_space<vmem_shared>>
      %dma_wait3A_253 = arith.constant 0 : i32
      %dma_wait3A_254 = arith.constant 0 : i32
      %dma_wait3A_255 = tpu.memref_slice %arg9[%dma_wait3A_253, %dma_wait3A_254] : memref<128x64xf32, #tpu.memory_space<vmem>> -> memref<120x64xf32, #tpu.memory_space<vmem>>
      tpu.wait_dma2 semaphore(%run_scoped3A : memref<!tpu.dma_semaphore, #tpu.memory_space<semaphore_mem>>) src(%dma_wait3A_255 : memref<120x64xf32, #tpu.memory_space<vmem>>) dst(%dma_wait3A_252 : memref<120x64xf32, #tpu.memory_space<vmem_shared>>)
      tpu.yield
    }) : () -> ()
    %broadcast_in_dim3A = arith.constant 0 : i32
    %broadcast_in_dim3A_35 = vector.broadcast %broadcast_in_dim3A : i32 to vector<16xi32>
    %swap3A = arith.constant 40 : i32
    %swap3A_36 = arith.index_cast %swap3A : i32 to index
    %swap3A_37 = arith.constant 0 : index
    %swap3A_38 = tpu.vector_load %arg6[%swap3A_36, %swap3A_37] {strides = array<i32>} : memref<42x128xi32, #tpu.memory_space<vmem>>, vector<1x16xi32>,
    %swap3A_39 = vector.shape_cast %swap3A_38 : vector<1x16xi32> to vector<16xi32>
    %swap3A_40 = vector.shape_cast %broadcast_in_dim3A_35 : vector<16xi32> to vector<1x16xi32>
    tpu.vector_store %arg6[%swap3A_36, %swap3A_37], %swap3A_40 {strides = array<i32>} : memref<42x128xi32, #tpu.memory_space<vmem>>, vector<1x16xi32>,
    %broadcast_in_dim3A_41 = arith.constant 0 : i32
    %broadcast_in_dim3A_42 = vector.broadcast %broadcast_in_dim3A_41 : i32 to vector<16xi32>
    %swap3A_43 = arith.constant 40 : i32
    %swap3A_44 = arith.index_cast %swap3A_43 : i32 to index
    %swap3A_45 = arith.constant 16 : index
    %swap3A_46 = tpu.vector_load %arg6[%swap3A_44, %swap3A_45] {strides = array<i32>} : memref<42x128xi32, #tpu.memory_space<vmem>>, vector<1x16xi32>,
    %swap3A_47 = vector.shape_cast %swap3A_46 : vector<1x16xi32> to vector<16xi32>
    %swap3A_48 = vector.shape_cast %broadcast_in_dim3A_42 : vector<16xi32> to vector<1x16xi32>
    tpu.vector_store %arg6[%swap3A_44, %swap3A_45], %swap3A_48 {strides = array<i32>} : memref<42x128xi32, #tpu.memory_space<vmem>>, vector<1x16xi32>,
    %broadcast_in_dim3A_49 = arith.constant 0 : i32
    %broadcast_in_dim3A_50 = vector.broadcast %broadcast_in_dim3A_49 : i32 to vector<16xi32>
    %swap3A_51 = arith.constant 40 : i32
    %swap3A_52 = arith.index_cast %swap3A_51 : i32 to index
    %swap3A_53 = arith.constant 32 : index
    %swap3A_54 = tpu.vector_load %arg6[%swap3A_52, %swap3A_53] {strides = array<i32>} : memref<42x128xi32, #tpu.memory_space<vmem>>, vector<1x16xi32>,
    %swap3A_55 = vector.shape_cast %swap3A_54 : vector<1x16xi32> to vector<16xi32>
    %swap3A_56 = vector.shape_cast %broadcast_in_dim3A_50 : vector<16xi32> to vector<1x16xi32>
    tpu.vector_store %arg6[%swap3A_52, %swap3A_53], %swap3A_56 {strides = array<i32>} : memref<42x128xi32, #tpu.memory_space<vmem>>, vector<1x16xi32>,
    %broadcast_in_dim3A_57 = arith.constant 0 : i32
    %broadcast_in_dim3A_58 = vector.broadcast %broadcast_in_dim3A_57 : i32 to vector<16xi32>
    %swap3A_59 = arith.constant 40 : i32
    %swap3A_60 = arith.index_cast %swap3A_59 : i32 to index
    %swap3A_61 = arith.constant 48 : index
    %swap3A_62 = tpu.vector_load %arg6[%swap3A_60, %swap3A_61] {strides = array<i32>} : memref<42x128xi32, #tpu.memory_space<vmem>>, vector<1x16xi32>,
    %swap3A_63 = vector.shape_cast %swap3A_62 : vector<1x16xi32> to vector<16xi32>
    %swap3A_64 = vector.shape_cast %broadcast_in_dim3A_58 : vector<16xi32> to vector<1x16xi32>
    tpu.vector_store %arg6[%swap3A_60, %swap3A_61], %swap3A_64 {strides = array<i32>} : memref<42x128xi32, #tpu.memory_space<vmem>>, vector<1x16xi32>,
    %broadcast_in_dim3A_65 = arith.constant 0 : i32
    %broadcast_in_dim3A_66 = vector.broadcast %broadcast_in_dim3A_65 : i32 to vector<16xi32>
    %swap3A_67 = arith.constant 40 : i32
    %swap3A_68 = arith.index_cast %swap3A_67 : i32 to index
    %swap3A_69 = arith.constant 64 : index
    %swap3A_70 = tpu.vector_load %arg6[%swap3A_68, %swap3A_69] {strides = array<i32>} : memref<42x128xi32, #tpu.memory_space<vmem>>, vector<1x16xi32>,
    %swap3A_71 = vector.shape_cast %swap3A_70 : vector<1x16xi32> to vector<16xi32>
    %swap3A_72 = vector.shape_cast %broadcast_in_dim3A_66 : vector<16xi32> to vector<1x16xi32>
    tpu.vector_store %arg6[%swap3A_68, %swap3A_69], %swap3A_72 {strides = array<i32>} : memref<42x128xi32, #tpu.memory_space<vmem>>, vector<1x16xi32>,
    %broadcast_in_dim3A_73 = arith.constant 0 : i32
    %broadcast_in_dim3A_74 = vector.broadcast %broadcast_in_dim3A_73 : i32 to vector<16xi32>
    %swap3A_75 = arith.constant 40 : i32
    %swap3A_76 = arith.index_cast %swap3A_75 : i32 to index
    %swap3A_77 = arith.constant 80 : index
    %swap3A_78 = tpu.vector_load %arg6[%swap3A_76, %swap3A_77] {strides = array<i32>} : memref<42x128xi32, #tpu.memory_space<vmem>>, vector<1x16xi32>,
    %swap3A_79 = vector.shape_cast %swap3A_78 : vector<1x16xi32> to vector<16xi32>
    %swap3A_80 = vector.shape_cast %broadcast_in_dim3A_74 : vector<16xi32> to vector<1x16xi32>
    tpu.vector_store %arg6[%swap3A_76, %swap3A_77], %swap3A_80 {strides = array<i32>} : memref<42x128xi32, #tpu.memory_space<vmem>>, vector<1x16xi32>,
    %broadcast_in_dim3A_81 = arith.constant 0 : i32
    %broadcast_in_dim3A_82 = vector.broadcast %broadcast_in_dim3A_81 : i32 to vector<16xi32>
    %swap3A_83 = arith.constant 40 : i32
    %swap3A_84 = arith.index_cast %swap3A_83 : i32 to index
    %swap3A_85 = arith.constant 96 : index
    %swap3A_86 = tpu.vector_load %arg6[%swap3A_84, %swap3A_85] {strides = array<i32>} : memref<42x128xi32, #tpu.memory_space<vmem>>, vector<1x16xi32>,
    %swap3A_87 = vector.shape_cast %swap3A_86 : vector<1x16xi32> to vector<16xi32>
    %swap3A_88 = vector.shape_cast %broadcast_in_dim3A_82 : vector<16xi32> to vector<1x16xi32>
    tpu.vector_store %arg6[%swap3A_84, %swap3A_85], %swap3A_88 {strides = array<i32>} : memref<42x128xi32, #tpu.memory_space<vmem>>, vector<1x16xi32>,
    %broadcast_in_dim3A_89 = arith.constant 0 : i32
    %broadcast_in_dim3A_90 = vector.broadcast %broadcast_in_dim3A_89 : i32 to vector<16xi32>
    %swap3A_91 = arith.constant 40 : i32
    %swap3A_92 = arith.index_cast %swap3A_91 : i32 to index
    %swap3A_93 = arith.constant 112 : index
    %swap3A_94 = tpu.vector_load %arg6[%swap3A_92, %swap3A_93] {strides = array<i32>} : memref<42x128xi32, #tpu.memory_space<vmem>>, vector<1x16xi32>,
    %swap3A_95 = vector.shape_cast %swap3A_94 : vector<1x16xi32> to vector<16xi32>
    %swap3A_96 = vector.shape_cast %broadcast_in_dim3A_90 : vector<16xi32> to vector<1x16xi32>
    tpu.vector_store %arg6[%swap3A_92, %swap3A_93], %swap3A_96 {strides = array<i32>} : memref<42x128xi32, #tpu.memory_space<vmem>>, vector<1x16xi32>,
    %broadcast_in_dim3A_97 = arith.constant 0 : i32
    %broadcast_in_dim3A_98 = vector.broadcast %broadcast_in_dim3A_97 : i32 to vector<16xi32>
    %swap3A_99 = arith.constant 41 : i32
    %swap3A_100 = arith.index_cast %swap3A_99 : i32 to index
    %swap3A_101 = arith.constant 0 : index
    %swap3A_102 = tpu.vector_load %arg6[%swap3A_100, %swap3A_101] {strides = array<i32>} : memref<42x128xi32, #tpu.memory_space<vmem>>, vector<1x16xi32>,
    %swap3A_103 = vector.shape_cast %swap3A_102 : vector<1x16xi32> to vector<16xi32>
    %swap3A_104 = vector.shape_cast %broadcast_in_dim3A_98 : vector<16xi32> to vector<1x16xi32>
    tpu.vector_store %arg6[%swap3A_100, %swap3A_101], %swap3A_104 {strides = array<i32>} : memref<42x128xi32, #tpu.memory_space<vmem>>, vector<1x16xi32>,
    %broadcast_in_dim3A_105 = arith.constant 0 : i32
    %broadcast_in_dim3A_106 = vector.broadcast %broadcast_in_dim3A_105 : i32 to vector<16xi32>
    %swap3A_107 = arith.constant 41 : i32
    %swap3A_108 = arith.index_cast %swap3A_107 : i32 to index
    %swap3A_109 = arith.constant 16 : index
    %swap3A_110 = tpu.vector_load %arg6[%swap3A_108, %swap3A_109] {strides = array<i32>} : memref<42x128xi32, #tpu.memory_space<vmem>>, vector<1x16xi32>,
    %swap3A_111 = vector.shape_cast %swap3A_110 : vector<1x16xi32> to vector<16xi32>
    %swap3A_112 = vector.shape_cast %broadcast_in_dim3A_106 : vector<16xi32> to vector<1x16xi32>
    tpu.vector_store %arg6[%swap3A_108, %swap3A_109], %swap3A_112 {strides = array<i32>} : memref<42x128xi32, #tpu.memory_space<vmem>>, vector<1x16xi32>,
    %broadcast_in_dim3A_113 = arith.constant 0 : i32
    %broadcast_in_dim3A_114 = vector.broadcast %broadcast_in_dim3A_113 : i32 to vector<16xi32>
    %swap3A_115 = arith.constant 41 : i32
    %swap3A_116 = arith.index_cast %swap3A_115 : i32 to index
    %swap3A_117 = arith.constant 32 : index
    %swap3A_118 = tpu.vector_load %arg6[%swap3A_116, %swap3A_117] {strides = array<i32>} : memref<42x128xi32, #tpu.memory_space<vmem>>, vector<1x16xi32>,
    %swap3A_119 = vector.shape_cast %swap3A_118 : vector<1x16xi32> to vector<16xi32>
    %swap3A_120 = vector.shape_cast %broadcast_in_dim3A_114 : vector<16xi32> to vector<1x16xi32>
    tpu.vector_store %arg6[%swap3A_116, %swap3A_117], %swap3A_120 {strides = array<i32>} : memref<42x128xi32, #tpu.memory_space<vmem>>, vector<1x16xi32>,
    %broadcast_in_dim3A_121 = arith.constant 0 : i32
    %broadcast_in_dim3A_122 = vector.broadcast %broadcast_in_dim3A_121 : i32 to vector<16xi32>
    %swap3A_123 = arith.constant 41 : i32
    %swap3A_124 = arith.index_cast %swap3A_123 : i32 to index
    %swap3A_125 = arith.constant 48 : index
    %swap3A_126 = tpu.vector_load %arg6[%swap3A_124, %swap3A_125] {strides = array<i32>} : memref<42x128xi32, #tpu.memory_space<vmem>>, vector<1x16xi32>,
    %swap3A_127 = vector.shape_cast %swap3A_126 : vector<1x16xi32> to vector<16xi32>
    %swap3A_128 = vector.shape_cast %broadcast_in_dim3A_122 : vector<16xi32> to vector<1x16xi32>
    tpu.vector_store %arg6[%swap3A_124, %swap3A_125], %swap3A_128 {strides = array<i32>} : memref<42x128xi32, #tpu.memory_space<vmem>>, vector<1x16xi32>,
    %broadcast_in_dim3A_129 = arith.constant 0 : i32
    %broadcast_in_dim3A_130 = vector.broadcast %broadcast_in_dim3A_129 : i32 to vector<16xi32>
    %swap3A_131 = arith.constant 41 : i32
    %swap3A_132 = arith.index_cast %swap3A_131 : i32 to index
    %swap3A_133 = arith.constant 64 : index
    %swap3A_134 = tpu.vector_load %arg6[%swap3A_132, %swap3A_133] {strides = array<i32>} : memref<42x128xi32, #tpu.memory_space<vmem>>, vector<1x16xi32>,
    %swap3A_135 = vector.shape_cast %swap3A_134 : vector<1x16xi32> to vector<16xi32>
    %swap3A_136 = vector.shape_cast %broadcast_in_dim3A_130 : vector<16xi32> to vector<1x16xi32>
    tpu.vector_store %arg6[%swap3A_132, %swap3A_133], %swap3A_136 {strides = array<i32>} : memref<42x128xi32, #tpu.memory_space<vmem>>, vector<1x16xi32>,
    %broadcast_in_dim3A_137 = arith.constant 0 : i32
    %broadcast_in_dim3A_138 = vector.broadcast %broadcast_in_dim3A_137 : i32 to vector<16xi32>
    %swap3A_139 = arith.constant 41 : i32
    %swap3A_140 = arith.index_cast %swap3A_139 : i32 to index
    %swap3A_141 = arith.constant 80 : index
    %swap3A_142 = tpu.vector_load %arg6[%swap3A_140, %swap3A_141] {strides = array<i32>} : memref<42x128xi32, #tpu.memory_space<vmem>>, vector<1x16xi32>,
    %swap3A_143 = vector.shape_cast %swap3A_142 : vector<1x16xi32> to vector<16xi32>
    %swap3A_144 = vector.shape_cast %broadcast_in_dim3A_138 : vector<16xi32> to vector<1x16xi32>
    tpu.vector_store %arg6[%swap3A_140, %swap3A_141], %swap3A_144 {strides = array<i32>} : memref<42x128xi32, #tpu.memory_space<vmem>>, vector<1x16xi32>,
    %broadcast_in_dim3A_145 = arith.constant 0 : i32
    %broadcast_in_dim3A_146 = vector.broadcast %broadcast_in_dim3A_145 : i32 to vector<16xi32>
    %swap3A_147 = arith.constant 41 : i32
    %swap3A_148 = arith.index_cast %swap3A_147 : i32 to index
    %swap3A_149 = arith.constant 96 : index
    %swap3A_150 = tpu.vector_load %arg6[%swap3A_148, %swap3A_149] {strides = array<i32>} : memref<42x128xi32, #tpu.memory_space<vmem>>, vector<1x16xi32>,
    %swap3A_151 = vector.shape_cast %swap3A_150 : vector<1x16xi32> to vector<16xi32>
    %swap3A_152 = vector.shape_cast %broadcast_in_dim3A_146 : vector<16xi32> to vector<1x16xi32>
    tpu.vector_store %arg6[%swap3A_148, %swap3A_149], %swap3A_152 {strides = array<i32>} : memref<42x128xi32, #tpu.memory_space<vmem>>, vector<1x16xi32>,
    %broadcast_in_dim3A_153 = arith.constant 0 : i32
    %broadcast_in_dim3A_154 = vector.broadcast %broadcast_in_dim3A_153 : i32 to vector<16xi32>
    %swap3A_155 = arith.constant 41 : i32
    %swap3A_156 = arith.index_cast %swap3A_155 : i32 to index
    %swap3A_157 = arith.constant 112 : index
    %swap3A_158 = tpu.vector_load %arg6[%swap3A_156, %swap3A_157] {strides = array<i32>} : memref<42x128xi32, #tpu.memory_space<vmem>>, vector<1x16xi32>,
    %swap3A_159 = vector.shape_cast %swap3A_158 : vector<1x16xi32> to vector<16xi32>
    %swap3A_160 = vector.shape_cast %broadcast_in_dim3A_154 : vector<16xi32> to vector<1x16xi32>
    tpu.vector_store %arg6[%swap3A_156, %swap3A_157], %swap3A_160 {strides = array<i32>} : memref<42x128xi32, #tpu.memory_space<vmem>>, vector<1x16xi32>,
    %barrier3A = arith.constant 0 : index
    tpu.barrier barrier_id(%barrier3A)
    %mul3A_161 = arith.constant 2 : i32
    %mul3A_162 = arith.muli %mul3A_161, %arg1 : i32
    %add3A_163 = arith.constant 0 : i32
    %add3A_164 = arith.addi %mul3A_162, %add3A_163 : i32
    "tpu.region"() ({
      %run_scoped3A = tpu.sem_alloc : memref<!tpu.dma_semaphore, #tpu.memory_space<semaphore_mem>>
      %dma_start3A = arith.constant 0 : i32
      %dma_start3A_238 = arith.constant 0 : i32
      %dma_start3A_239 = tpu.memref_slice %arg6[%dma_start3A, %dma_start3A_238] : memref<42x128xi32, #tpu.memory_space<vmem>> -> memref<40x128xi32, #tpu.memory_space<vmem>>
      %dma_start3A_240 = arith.constant 0 : i32
      %dma_start3A_241 = arith.constant 0 : i32
      %dma_start3A_242 = tpu.memref_slice %arg3[%add3A_164, %dma_start3A_240, %dma_start3A_241] : memref<32x80x128xi32, #tpu.memory_space<hbm>> -> memref<1x40x128xi32, #tpu.memory_space<hbm>>
      %dma_start3A_243 = tpu.memref_squeeze %dma_start3A_242 : memref<1x40x128xi32, #tpu.memory_space<hbm>> -> memref<40x128xi32, #tpu.memory_space<hbm>>
      %dma_start3A_244 = arith.constant 0 : i32
      %dma_start3A_245 = arith.constant 0 : i32
      %dma_start3A_246 = tpu.memref_slice %arg6[%dma_start3A_244, %dma_start3A_245] : memref<42x128xi32, #tpu.memory_space<vmem>> -> memref<40x128xi32, #tpu.memory_space<vmem>>
      %dma_start3A_247 = arith.constant 0 : i32
      %dma_start3A_248 = arith.constant 0 : i32
      %dma_start3A_249 = tpu.memref_slice %arg3[%add3A_164, %dma_start3A_247, %dma_start3A_248] : memref<32x80x128xi32, #tpu.memory_space<hbm>> -> memref<1x40x128xi32, #tpu.memory_space<hbm>>
      %dma_start3A_250 = tpu.memref_squeeze %dma_start3A_249 : memref<1x40x128xi32, #tpu.memory_space<hbm>> -> memref<40x128xi32, #tpu.memory_space<hbm>>
      tpu.enqueue_dma source(%dma_start3A_250 : memref<40x128xi32, #tpu.memory_space<hbm>>) target(%dma_start3A_246 : memref<40x128xi32, #tpu.memory_space<vmem>>) target_semaphore(%run_scoped3A : memref<!tpu.dma_semaphore, #tpu.memory_space<semaphore_mem>>)
      %dma_wait3A = arith.constant 0 : i32
      %dma_wait3A_251 = arith.constant 0 : i32
      %dma_wait3A_252 = tpu.memref_slice %arg6[%dma_wait3A, %dma_wait3A_251] : memref<42x128xi32, #tpu.memory_space<vmem>> -> memref<40x128xi32, #tpu.memory_space<vmem>>
      %dma_wait3A_253 = arith.constant 0 : i32
      %dma_wait3A_254 = arith.constant 0 : i32
      %dma_wait3A_255 = tpu.memref_slice %arg3[%add3A_164, %dma_wait3A_253, %dma_wait3A_254] : memref<32x80x128xi32, #tpu.memory_space<hbm>> -> memref<1x40x128xi32, #tpu.memory_space<hbm>>
      %dma_wait3A_256 = tpu.memref_squeeze %dma_wait3A_255 : memref<1x40x128xi32, #tpu.memory_space<hbm>> -> memref<40x128xi32, #tpu.memory_space<hbm>>
      %dma_wait3A_257 = arith.constant 0 : i32
      %dma_wait3A_258 = arith.constant 0 : i32
      %dma_wait3A_259 = tpu.memref_slice %arg6[%dma_wait3A_257, %dma_wait3A_258] : memref<42x128xi32, #tpu.memory_space<vmem>> -> memref<40x128xi32, #tpu.memory_space<vmem>>
      %dma_wait3A_260 = arith.constant 0 : i32
      %dma_wait3A_261 = arith.constant 0 : i32
      %dma_wait3A_262 = tpu.memref_slice %arg3[%add3A_164, %dma_wait3A_260, %dma_wait3A_261] : memref<32x80x128xi32, #tpu.memory_space<hbm>> -> memref<1x40x128xi32, #tpu.memory_space<hbm>>
      %dma_wait3A_263 = tpu.memref_squeeze %dma_wait3A_262 : memref<1x40x128xi32, #tpu.memory_space<hbm>> -> memref<40x128xi32, #tpu.memory_space<hbm>>
      tpu.wait_dma2 semaphore(%run_scoped3A : memref<!tpu.dma_semaphore, #tpu.memory_space<semaphore_mem>>) src(%dma_wait3A_263 : memref<40x128xi32, #tpu.memory_space<hbm>>) dst(%dma_wait3A_259 : memref<40x128xi32, #tpu.memory_space<vmem>>)
      tpu.yield
    }) : () -> ()
    %mul3A_165 = arith.constant 2 : i32
    %mul3A_166 = arith.muli %mul3A_165, %arg1 : i32
    %add3A_167 = arith.constant 0 : i32
    %add3A_168 = arith.addi %mul3A_166, %add3A_167 : i32
    "tpu.region"() ({
      %run_scoped3A = tpu.sem_alloc : memref<!tpu.dma_semaphore, #tpu.memory_space<semaphore_mem>>
      %dma_start3A = arith.constant 0 : i32
      %dma_start3A_238 = arith.constant 0 : i32
      %dma_start3A_239 = tpu.memref_slice %arg4[%add3A_168, %dma_start3A, %dma_start3A_238] : memref<32x80x128xi32, #tpu.memory_space<hbm>> -> memref<1x40x128xi32, #tpu.memory_space<hbm>>
      %dma_start3A_240 = tpu.memref_squeeze %dma_start3A_239 : memref<1x40x128xi32, #tpu.memory_space<hbm>> -> memref<40x128xi32, #tpu.memory_space<hbm>>
      %dma_start3A_241 = arith.constant 0 : i32
      %dma_start3A_242 = arith.constant 0 : i32
      %dma_start3A_243 = tpu.memref_slice %arg4[%add3A_168, %dma_start3A_241, %dma_start3A_242] : memref<32x80x128xi32, #tpu.memory_space<hbm>> -> memref<1x40x128xi32, #tpu.memory_space<hbm>>
      %dma_start3A_244 = tpu.memref_squeeze %dma_start3A_243 : memref<1x40x128xi32, #tpu.memory_space<hbm>> -> memref<40x128xi32, #tpu.memory_space<hbm>>
      tpu.enqueue_dma source(%dma_start3A_244 : memref<40x128xi32, #tpu.memory_space<hbm>>) target(%arg7 : memref<40x128xi32, #tpu.memory_space<vmem>>) target_semaphore(%run_scoped3A : memref<!tpu.dma_semaphore, #tpu.memory_space<semaphore_mem>>)
      %dma_wait3A = arith.constant 0 : i32
      %dma_wait3A_245 = arith.constant 0 : i32
      %dma_wait3A_246 = tpu.memref_slice %arg4[%add3A_168, %dma_wait3A, %dma_wait3A_245] : memref<32x80x128xi32, #tpu.memory_space<hbm>> -> memref<1x40x128xi32, #tpu.memory_space<hbm>>
      %dma_wait3A_247 = tpu.memref_squeeze %dma_wait3A_246 : memref<1x40x128xi32, #tpu.memory_space<hbm>> -> memref<40x128xi32, #tpu.memory_space<hbm>>
      %dma_wait3A_248 = arith.constant 0 : i32
      %dma_wait3A_249 = arith.constant 0 : i32
      %dma_wait3A_250 = tpu.memref_slice %arg4[%add3A_168, %dma_wait3A_248, %dma_wait3A_249] : memref<32x80x128xi32, #tpu.memory_space<hbm>> -> memref<1x40x128xi32, #tpu.memory_space<hbm>>
      %dma_wait3A_251 = tpu.memref_squeeze %dma_wait3A_250 : memref<1x40x128xi32, #tpu.memory_space<hbm>> -> memref<40x128xi32, #tpu.memory_space<hbm>>
      tpu.wait_dma2 semaphore(%run_scoped3A : memref<!tpu.dma_semaphore, #tpu.memory_space<semaphore_mem>>) src(%dma_wait3A_251 : memref<40x128xi32, #tpu.memory_space<hbm>>) dst(%arg7 : memref<40x128xi32, #tpu.memory_space<vmem>>)
      tpu.yield
    }) : () -> ()
    %scan3A_169 = arith.constant 0 : i32
    %scan3A_170 = arith.constant 0 : i32
    %scan3A_171 = arith.constant 40 : i32
    %scan3A_172 = arith.addi %scan3A_170, %scan3A_171 : i32
    %scan3A_173 = arith.constant 1 : i32
    scf.for %scan3A_238 = %scan3A_170 to %scan3A_172 step %scan3A_173  : i32 {
      "tpu.region"() ({
        %run_scoped3A = tpu.sem_alloc : memref<!tpu.dma_semaphore, #tpu.memory_space<semaphore_mem>>
        %dma_start3A = arith.constant 0 : i32
        %dma_start3A_239 = tpu.memref_slice %arg6[%scan3A_238, %dma_start3A] : memref<42x128xi32, #tpu.memory_space<vmem>> -> memref<1x128xi32, #tpu.memory_space<vmem>>
        %dma_start3A_240 = tpu.memref_squeeze %dma_start3A_239 : memref<1x128xi32, #tpu.memory_space<vmem>> -> memref<128xi32, #tpu.memory_space<vmem>>
        %dma_start3A_241 = arith.constant 0 : i32
        %dma_start3A_242 = arith.constant 0 : i32
        %dma_start3A_243 = tpu.memref_slice %arg11[%dma_start3A_241, %dma_start3A_242] : memref<10112x64xf32, #tpu.memory_space<vmem_shared>> -> memref<10112x64xf32, #tpu.memory_space<vmem_shared>>
        tpu.enqueue_indirect_dma source(%dma_start3A_243 : memref<10112x64xf32, #tpu.memory_space<vmem_shared>>) target(%arg8 : memref<128x64xf32, #tpu.memory_space<vmem>>) offsets(%dma_start3A_240 : memref<128xi32, #tpu.memory_space<vmem>>) semaphore(%run_scoped3A : memref<!tpu.dma_semaphore, #tpu.memory_space<semaphore_mem>>)
        %dma_wait3A = arith.constant 0 : i32
        %dma_wait3A_244 = tpu.memref_slice %arg6[%scan3A_238, %dma_wait3A] : memref<42x128xi32, #tpu.memory_space<vmem>> -> memref<1x128xi32, #tpu.memory_space<vmem>>
        %dma_wait3A_245 = tpu.memref_squeeze %dma_wait3A_244 : memref<1x128xi32, #tpu.memory_space<vmem>> -> memref<128xi32, #tpu.memory_space<vmem>>
        %dma_wait3A_246 = arith.constant 0 : i32
        %dma_wait3A_247 = arith.constant 0 : i32
        %dma_wait3A_248 = tpu.memref_slice %arg11[%dma_wait3A_246, %dma_wait3A_247] : memref<10112x64xf32, #tpu.memory_space<vmem_shared>> -> memref<10112x64xf32, #tpu.memory_space<vmem_shared>>
        tpu.wait_indirect_dma semaphore(%run_scoped3A : memref<!tpu.dma_semaphore, #tpu.memory_space<semaphore_mem>>) src(%dma_wait3A_248 : memref<10112x64xf32, #tpu.memory_space<vmem_shared>>) dst(%arg8 : memref<128x64xf32, #tpu.memory_space<vmem>>)
        tpu.yield
      }) : () -> ()
      "tpu.region"() ({
        %run_scoped3A = tpu.sem_alloc : memref<!tpu.dma_semaphore, #tpu.memory_space<semaphore_mem>>
        %dma_start3A = arith.constant 0 : i32
        %dma_start3A_239 = tpu.memref_slice %arg7[%scan3A_238, %dma_start3A] : memref<40x128xi32, #tpu.memory_space<vmem>> -> memref<1x128xi32, #tpu.memory_space<vmem>>
        %dma_start3A_240 = tpu.memref_squeeze %dma_start3A_239 : memref<1x128xi32, #tpu.memory_space<vmem>> -> memref<128xi32, #tpu.memory_space<vmem>>
        %dma_start3A_241 = arith.constant 0 : i32
        %dma_start3A_242 = arith.constant 0 : i32
        %dma_start3A_243 = tpu.memref_slice %arg10[%dma_start3A_241, %dma_start3A_242] : memref<10112x64xf32, #tpu.memory_space<vmem_shared>> -> memref<10112x64xf32, #tpu.memory_space<vmem_shared>>
        tpu.enqueue_indirect_dma source(%arg8 : memref<128x64xf32, #tpu.memory_space<vmem>>) target(%dma_start3A_243 : memref<10112x64xf32, #tpu.memory_space<vmem_shared>>) offsets(%dma_start3A_240 : memref<128xi32, #tpu.memory_space<vmem>>) semaphore(%run_scoped3A : memref<!tpu.dma_semaphore, #tpu.memory_space<semaphore_mem>>) {add = true}
        %dma_wait3A = arith.constant 0 : i32
        %dma_wait3A_244 = tpu.memref_slice %arg7[%scan3A_238, %dma_wait3A] : memref<40x128xi32, #tpu.memory_space<vmem>> -> memref<1x128xi32, #tpu.memory_space<vmem>>
        %dma_wait3A_245 = tpu.memref_squeeze %dma_wait3A_244 : memref<1x128xi32, #tpu.memory_space<vmem>> -> memref<128xi32, #tpu.memory_space<vmem>>
        %dma_wait3A_246 = arith.constant 0 : i32
        %dma_wait3A_247 = arith.constant 0 : i32
        %dma_wait3A_248 = tpu.memref_slice %arg10[%dma_wait3A_246, %dma_wait3A_247] : memref<10112x64xf32, #tpu.memory_space<vmem_shared>> -> memref<10112x64xf32, #tpu.memory_space<vmem_shared>>
        tpu.wait_indirect_dma semaphore(%run_scoped3A : memref<!tpu.dma_semaphore, #tpu.memory_space<semaphore_mem>>) src(%arg8 : memref<128x64xf32, #tpu.memory_space<vmem>>) dst(%dma_wait3A_248 : memref<10112x64xf32, #tpu.memory_space<vmem_shared>>)
        tpu.yield
      }) : () -> ()
    }
    %scan3A_174 = arith.constant 40 : i32
    %mul3A_175 = arith.constant 2 : i32
    %mul3A_176 = arith.muli %mul3A_175, %arg1 : i32
    %add3A_177 = arith.constant 0 : i32
    %add3A_178 = arith.addi %mul3A_176, %add3A_177 : i32
    "tpu.region"() ({
      %run_scoped3A = tpu.sem_alloc : memref<!tpu.dma_semaphore, #tpu.memory_space<semaphore_mem>>
      %dma_start3A = arith.constant 0 : i32
      %dma_start3A_238 = arith.constant 0 : i32
      %dma_start3A_239 = tpu.memref_slice %arg6[%dma_start3A, %dma_start3A_238] : memref<42x128xi32, #tpu.memory_space<vmem>> -> memref<40x128xi32, #tpu.memory_space<vmem>>
      %dma_start3A_240 = arith.constant 40 : i32
      %dma_start3A_241 = arith.constant 0 : i32
      %dma_start3A_242 = tpu.memref_slice %arg3[%add3A_178, %dma_start3A_240, %dma_start3A_241] : memref<32x80x128xi32, #tpu.memory_space<hbm>> -> memref<1x40x128xi32, #tpu.memory_space<hbm>>
      %dma_start3A_243 = tpu.memref_squeeze %dma_start3A_242 : memref<1x40x128xi32, #tpu.memory_space<hbm>> -> memref<40x128xi32, #tpu.memory_space<hbm>>
      %dma_start3A_244 = arith.constant 0 : i32
      %dma_start3A_245 = arith.constant 0 : i32
      %dma_start3A_246 = tpu.memref_slice %arg6[%dma_start3A_244, %dma_start3A_245] : memref<42x128xi32, #tpu.memory_space<vmem>> -> memref<40x128xi32, #tpu.memory_space<vmem>>
      %dma_start3A_247 = arith.constant 40 : i32
      %dma_start3A_248 = arith.constant 0 : i32
      %dma_start3A_249 = tpu.memref_slice %arg3[%add3A_178, %dma_start3A_247, %dma_start3A_248] : memref<32x80x128xi32, #tpu.memory_space<hbm>> -> memref<1x40x128xi32, #tpu.memory_space<hbm>>
      %dma_start3A_250 = tpu.memref_squeeze %dma_start3A_249 : memref<1x40x128xi32, #tpu.memory_space<hbm>> -> memref<40x128xi32, #tpu.memory_space<hbm>>
      tpu.enqueue_dma source(%dma_start3A_250 : memref<40x128xi32, #tpu.memory_space<hbm>>) target(%dma_start3A_246 : memref<40x128xi32, #tpu.memory_space<vmem>>) target_semaphore(%run_scoped3A : memref<!tpu.dma_semaphore, #tpu.memory_space<semaphore_mem>>)
      %dma_wait3A = arith.constant 0 : i32
      %dma_wait3A_251 = arith.constant 0 : i32
      %dma_wait3A_252 = tpu.memref_slice %arg6[%dma_wait3A, %dma_wait3A_251] : memref<42x128xi32, #tpu.memory_space<vmem>> -> memref<40x128xi32, #tpu.memory_space<vmem>>
      %dma_wait3A_253 = arith.constant 40 : i32
      %dma_wait3A_254 = arith.constant 0 : i32
      %dma_wait3A_255 = tpu.memref_slice %arg3[%add3A_178, %dma_wait3A_253, %dma_wait3A_254] : memref<32x80x128xi32, #tpu.memory_space<hbm>> -> memref<1x40x128xi32, #tpu.memory_space<hbm>>
      %dma_wait3A_256 = tpu.memref_squeeze %dma_wait3A_255 : memref<1x40x128xi32, #tpu.memory_space<hbm>> -> memref<40x128xi32, #tpu.memory_space<hbm>>
      %dma_wait3A_257 = arith.constant 0 : i32
      %dma_wait3A_258 = arith.constant 0 : i32
      %dma_wait3A_259 = tpu.memref_slice %arg6[%dma_wait3A_257, %dma_wait3A_258] : memref<42x128xi32, #tpu.memory_space<vmem>> -> memref<40x128xi32, #tpu.memory_space<vmem>>
      %dma_wait3A_260 = arith.constant 40 : i32
      %dma_wait3A_261 = arith.constant 0 : i32
      %dma_wait3A_262 = tpu.memref_slice %arg3[%add3A_178, %dma_wait3A_260, %dma_wait3A_261] : memref<32x80x128xi32, #tpu.memory_space<hbm>> -> memref<1x40x128xi32, #tpu.memory_space<hbm>>
      %dma_wait3A_263 = tpu.memref_squeeze %dma_wait3A_262 : memref<1x40x128xi32, #tpu.memory_space<hbm>> -> memref<40x128xi32, #tpu.memory_space<hbm>>
      tpu.wait_dma2 semaphore(%run_scoped3A : memref<!tpu.dma_semaphore, #tpu.memory_space<semaphore_mem>>) src(%dma_wait3A_263 : memref<40x128xi32, #tpu.memory_space<hbm>>) dst(%dma_wait3A_259 : memref<40x128xi32, #tpu.memory_space<vmem>>)
      tpu.yield
    }) : () -> ()
    %mul3A_179 = arith.constant 2 : i32
    %mul3A_180 = arith.muli %mul3A_179, %arg1 : i32
    %add3A_181 = arith.constant 0 : i32
    %add3A_182 = arith.addi %mul3A_180, %add3A_181 : i32
    "tpu.region"() ({
      %run_scoped3A = tpu.sem_alloc : memref<!tpu.dma_semaphore, #tpu.memory_space<semaphore_mem>>
      %dma_start3A = arith.constant 40 : i32
      %dma_start3A_238 = arith.constant 0 : i32
      %dma_start3A_239 = tpu.memref_slice %arg4[%add3A_182, %dma_start3A, %dma_start3A_238] : memref<32x80x128xi32, #tpu.memory_space<hbm>> -> memref<1x40x128xi32, #tpu.memory_space<hbm>>
      %dma_start3A_240 = tpu.memref_squeeze %dma_start3A_239 : memref<1x40x128xi32, #tpu.memory_space<hbm>> -> memref<40x128xi32, #tpu.memory_space<hbm>>
      %dma_start3A_241 = arith.constant 40 : i32
      %dma_start3A_242 = arith.constant 0 : i32
      %dma_start3A_243 = tpu.memref_slice %arg4[%add3A_182, %dma_start3A_241, %dma_start3A_242] : memref<32x80x128xi32, #tpu.memory_space<hbm>> -> memref<1x40x128xi32, #tpu.memory_space<hbm>>
      %dma_start3A_244 = tpu.memref_squeeze %dma_start3A_243 : memref<1x40x128xi32, #tpu.memory_space<hbm>> -> memref<40x128xi32, #tpu.memory_space<hbm>>
      tpu.enqueue_dma source(%dma_start3A_244 : memref<40x128xi32, #tpu.memory_space<hbm>>) target(%arg7 : memref<40x128xi32, #tpu.memory_space<vmem>>) target_semaphore(%run_scoped3A : memref<!tpu.dma_semaphore, #tpu.memory_space<semaphore_mem>>)
      %dma_wait3A = arith.constant 40 : i32
      %dma_wait3A_245 = arith.constant 0 : i32
      %dma_wait3A_246 = tpu.memref_slice %arg4[%add3A_182, %dma_wait3A, %dma_wait3A_245] : memref<32x80x128xi32, #tpu.memory_space<hbm>> -> memref<1x40x128xi32, #tpu.memory_space<hbm>>
      %dma_wait3A_247 = tpu.memref_squeeze %dma_wait3A_246 : memref<1x40x128xi32, #tpu.memory_space<hbm>> -> memref<40x128xi32, #tpu.memory_space<hbm>>
      %dma_wait3A_248 = arith.constant 40 : i32
      %dma_wait3A_249 = arith.constant 0 : i32
      %dma_wait3A_250 = tpu.memref_slice %arg4[%add3A_182, %dma_wait3A_248, %dma_wait3A_249] : memref<32x80x128xi32, #tpu.memory_space<hbm>> -> memref<1x40x128xi32, #tpu.memory_space<hbm>>
      %dma_wait3A_251 = tpu.memref_squeeze %dma_wait3A_250 : memref<1x40x128xi32, #tpu.memory_space<hbm>> -> memref<40x128xi32, #tpu.memory_space<hbm>>
      tpu.wait_dma2 semaphore(%run_scoped3A : memref<!tpu.dma_semaphore, #tpu.memory_space<semaphore_mem>>) src(%dma_wait3A_251 : memref<40x128xi32, #tpu.memory_space<hbm>>) dst(%arg7 : memref<40x128xi32, #tpu.memory_space<vmem>>)
      tpu.yield
    }) : () -> ()
    %scan3A_183 = arith.constant 0 : i32
    %scan3A_184 = arith.constant 0 : i32
    %scan3A_185 = arith.constant 40 : i32
    %scan3A_186 = arith.addi %scan3A_184, %scan3A_185 : i32
    %scan3A_187 = arith.constant 1 : i32
    scf.for %scan3A_238 = %scan3A_184 to %scan3A_186 step %scan3A_187  : i32 {
      "tpu.region"() ({
        %run_scoped3A = tpu.sem_alloc : memref<!tpu.dma_semaphore, #tpu.memory_space<semaphore_mem>>
        %dma_start3A = arith.constant 0 : i32
        %dma_start3A_239 = tpu.memref_slice %arg6[%scan3A_238, %dma_start3A] : memref<42x128xi32, #tpu.memory_space<vmem>> -> memref<1x128xi32, #tpu.memory_space<vmem>>
        %dma_start3A_240 = tpu.memref_squeeze %dma_start3A_239 : memref<1x128xi32, #tpu.memory_space<vmem>> -> memref<128xi32, #tpu.memory_space<vmem>>
        %dma_start3A_241 = arith.constant 0 : i32
        %dma_start3A_242 = arith.constant 0 : i32
        %dma_start3A_243 = tpu.memref_slice %arg11[%dma_start3A_241, %dma_start3A_242] : memref<10112x64xf32, #tpu.memory_space<vmem_shared>> -> memref<10112x64xf32, #tpu.memory_space<vmem_shared>>
        tpu.enqueue_indirect_dma source(%dma_start3A_243 : memref<10112x64xf32, #tpu.memory_space<vmem_shared>>) target(%arg8 : memref<128x64xf32, #tpu.memory_space<vmem>>) offsets(%dma_start3A_240 : memref<128xi32, #tpu.memory_space<vmem>>) semaphore(%run_scoped3A : memref<!tpu.dma_semaphore, #tpu.memory_space<semaphore_mem>>)
        %dma_wait3A = arith.constant 0 : i32
        %dma_wait3A_244 = tpu.memref_slice %arg6[%scan3A_238, %dma_wait3A] : memref<42x128xi32, #tpu.memory_space<vmem>> -> memref<1x128xi32, #tpu.memory_space<vmem>>
        %dma_wait3A_245 = tpu.memref_squeeze %dma_wait3A_244 : memref<1x128xi32, #tpu.memory_space<vmem>> -> memref<128xi32, #tpu.memory_space<vmem>>
        %dma_wait3A_246 = arith.constant 0 : i32
        %dma_wait3A_247 = arith.constant 0 : i32
        %dma_wait3A_248 = tpu.memref_slice %arg11[%dma_wait3A_246, %dma_wait3A_247] : memref<10112x64xf32, #tpu.memory_space<vmem_shared>> -> memref<10112x64xf32, #tpu.memory_space<vmem_shared>>
        tpu.wait_indirect_dma semaphore(%run_scoped3A : memref<!tpu.dma_semaphore, #tpu.memory_space<semaphore_mem>>) src(%dma_wait3A_248 : memref<10112x64xf32, #tpu.memory_space<vmem_shared>>) dst(%arg8 : memref<128x64xf32, #tpu.memory_space<vmem>>)
        tpu.yield
      }) : () -> ()
      "tpu.region"() ({
        %run_scoped3A = tpu.sem_alloc : memref<!tpu.dma_semaphore, #tpu.memory_space<semaphore_mem>>
        %dma_start3A = arith.constant 0 : i32
        %dma_start3A_239 = tpu.memref_slice %arg7[%scan3A_238, %dma_start3A] : memref<40x128xi32, #tpu.memory_space<vmem>> -> memref<1x128xi32, #tpu.memory_space<vmem>>
        %dma_start3A_240 = tpu.memref_squeeze %dma_start3A_239 : memref<1x128xi32, #tpu.memory_space<vmem>> -> memref<128xi32, #tpu.memory_space<vmem>>
        %dma_start3A_241 = arith.constant 0 : i32
        %dma_start3A_242 = arith.constant 0 : i32
        %dma_start3A_243 = tpu.memref_slice %arg10[%dma_start3A_241, %dma_start3A_242] : memref<10112x64xf32, #tpu.memory_space<vmem_shared>> -> memref<10112x64xf32, #tpu.memory_space<vmem_shared>>
        tpu.enqueue_indirect_dma source(%arg8 : memref<128x64xf32, #tpu.memory_space<vmem>>) target(%dma_start3A_243 : memref<10112x64xf32, #tpu.memory_space<vmem_shared>>) offsets(%dma_start3A_240 : memref<128xi32, #tpu.memory_space<vmem>>) semaphore(%run_scoped3A : memref<!tpu.dma_semaphore, #tpu.memory_space<semaphore_mem>>) {add = true}
        %dma_wait3A = arith.constant 0 : i32
        %dma_wait3A_244 = tpu.memref_slice %arg7[%scan3A_238, %dma_wait3A] : memref<40x128xi32, #tpu.memory_space<vmem>> -> memref<1x128xi32, #tpu.memory_space<vmem>>
        %dma_wait3A_245 = tpu.memref_squeeze %dma_wait3A_244 : memref<1x128xi32, #tpu.memory_space<vmem>> -> memref<128xi32, #tpu.memory_space<vmem>>
        %dma_wait3A_246 = arith.constant 0 : i32
        %dma_wait3A_247 = arith.constant 0 : i32
        %dma_wait3A_248 = tpu.memref_slice %arg10[%dma_wait3A_246, %dma_wait3A_247] : memref<10112x64xf32, #tpu.memory_space<vmem_shared>> -> memref<10112x64xf32, #tpu.memory_space<vmem_shared>>
        tpu.wait_indirect_dma semaphore(%run_scoped3A : memref<!tpu.dma_semaphore, #tpu.memory_space<semaphore_mem>>) src(%arg8 : memref<128x64xf32, #tpu.memory_space<vmem>>) dst(%dma_wait3A_248 : memref<10112x64xf32, #tpu.memory_space<vmem_shared>>)
        tpu.yield
      }) : () -> ()
    }
    %scan3A_188 = arith.constant 40 : i32
    %mul3A_189 = arith.constant 2 : i32
    %mul3A_190 = arith.muli %mul3A_189, %arg1 : i32
    %add3A_191 = arith.constant 1 : i32
    %add3A_192 = arith.addi %mul3A_190, %add3A_191 : i32
    "tpu.region"() ({
      %run_scoped3A = tpu.sem_alloc : memref<!tpu.dma_semaphore, #tpu.memory_space<semaphore_mem>>
      %dma_start3A = arith.constant 0 : i32
      %dma_start3A_238 = arith.constant 0 : i32
      %dma_start3A_239 = tpu.memref_slice %arg6[%dma_start3A, %dma_start3A_238] : memref<42x128xi32, #tpu.memory_space<vmem>> -> memref<40x128xi32, #tpu.memory_space<vmem>>
      %dma_start3A_240 = arith.constant 0 : i32
      %dma_start3A_241 = arith.constant 0 : i32
      %dma_start3A_242 = tpu.memref_slice %arg3[%add3A_192, %dma_start3A_240, %dma_start3A_241] : memref<32x80x128xi32, #tpu.memory_space<hbm>> -> memref<1x40x128xi32, #tpu.memory_space<hbm>>
      %dma_start3A_243 = tpu.memref_squeeze %dma_start3A_242 : memref<1x40x128xi32, #tpu.memory_space<hbm>> -> memref<40x128xi32, #tpu.memory_space<hbm>>
      %dma_start3A_244 = arith.constant 0 : i32
      %dma_start3A_245 = arith.constant 0 : i32
      %dma_start3A_246 = tpu.memref_slice %arg6[%dma_start3A_244, %dma_start3A_245] : memref<42x128xi32, #tpu.memory_space<vmem>> -> memref<40x128xi32, #tpu.memory_space<vmem>>
      %dma_start3A_247 = arith.constant 0 : i32
      %dma_start3A_248 = arith.constant 0 : i32
      %dma_start3A_249 = tpu.memref_slice %arg3[%add3A_192, %dma_start3A_247, %dma_start3A_248] : memref<32x80x128xi32, #tpu.memory_space<hbm>> -> memref<1x40x128xi32, #tpu.memory_space<hbm>>
      %dma_start3A_250 = tpu.memref_squeeze %dma_start3A_249 : memref<1x40x128xi32, #tpu.memory_space<hbm>> -> memref<40x128xi32, #tpu.memory_space<hbm>>
      tpu.enqueue_dma source(%dma_start3A_250 : memref<40x128xi32, #tpu.memory_space<hbm>>) target(%dma_start3A_246 : memref<40x128xi32, #tpu.memory_space<vmem>>) target_semaphore(%run_scoped3A : memref<!tpu.dma_semaphore, #tpu.memory_space<semaphore_mem>>)
      %dma_wait3A = arith.constant 0 : i32
      %dma_wait3A_251 = arith.constant 0 : i32
      %dma_wait3A_252 = tpu.memref_slice %arg6[%dma_wait3A, %dma_wait3A_251] : memref<42x128xi32, #tpu.memory_space<vmem>> -> memref<40x128xi32, #tpu.memory_space<vmem>>
      %dma_wait3A_253 = arith.constant 0 : i32
      %dma_wait3A_254 = arith.constant 0 : i32
      %dma_wait3A_255 = tpu.memref_slice %arg3[%add3A_192, %dma_wait3A_253, %dma_wait3A_254] : memref<32x80x128xi32, #tpu.memory_space<hbm>> -> memref<1x40x128xi32, #tpu.memory_space<hbm>>
      %dma_wait3A_256 = tpu.memref_squeeze %dma_wait3A_255 : memref<1x40x128xi32, #tpu.memory_space<hbm>> -> memref<40x128xi32, #tpu.memory_space<hbm>>
      %dma_wait3A_257 = arith.constant 0 : i32
      %dma_wait3A_258 = arith.constant 0 : i32
      %dma_wait3A_259 = tpu.memref_slice %arg6[%dma_wait3A_257, %dma_wait3A_258] : memref<42x128xi32, #tpu.memory_space<vmem>> -> memref<40x128xi32, #tpu.memory_space<vmem>>
      %dma_wait3A_260 = arith.constant 0 : i32
      %dma_wait3A_261 = arith.constant 0 : i32
      %dma_wait3A_262 = tpu.memref_slice %arg3[%add3A_192, %dma_wait3A_260, %dma_wait3A_261] : memref<32x80x128xi32, #tpu.memory_space<hbm>> -> memref<1x40x128xi32, #tpu.memory_space<hbm>>
      %dma_wait3A_263 = tpu.memref_squeeze %dma_wait3A_262 : memref<1x40x128xi32, #tpu.memory_space<hbm>> -> memref<40x128xi32, #tpu.memory_space<hbm>>
      tpu.wait_dma2 semaphore(%run_scoped3A : memref<!tpu.dma_semaphore, #tpu.memory_space<semaphore_mem>>) src(%dma_wait3A_263 : memref<40x128xi32, #tpu.memory_space<hbm>>) dst(%dma_wait3A_259 : memref<40x128xi32, #tpu.memory_space<vmem>>)
      tpu.yield
    }) : () -> ()
    %mul3A_193 = arith.constant 2 : i32
    %mul3A_194 = arith.muli %mul3A_193, %arg1 : i32
    %add3A_195 = arith.constant 1 : i32
    %add3A_196 = arith.addi %mul3A_194, %add3A_195 : i32
    "tpu.region"() ({
      %run_scoped3A = tpu.sem_alloc : memref<!tpu.dma_semaphore, #tpu.memory_space<semaphore_mem>>
      %dma_start3A = arith.constant 0 : i32
      %dma_start3A_238 = arith.constant 0 : i32
      %dma_start3A_239 = tpu.memref_slice %arg4[%add3A_196, %dma_start3A, %dma_start3A_238] : memref<32x80x128xi32, #tpu.memory_space<hbm>> -> memref<1x40x128xi32, #tpu.memory_space<hbm>>
      %dma_start3A_240 = tpu.memref_squeeze %dma_start3A_239 : memref<1x40x128xi32, #tpu.memory_space<hbm>> -> memref<40x128xi32, #tpu.memory_space<hbm>>
      %dma_start3A_241 = arith.constant 0 : i32
      %dma_start3A_242 = arith.constant 0 : i32
      %dma_start3A_243 = tpu.memref_slice %arg4[%add3A_196, %dma_start3A_241, %dma_start3A_242] : memref<32x80x128xi32, #tpu.memory_space<hbm>> -> memref<1x40x128xi32, #tpu.memory_space<hbm>>
      %dma_start3A_244 = tpu.memref_squeeze %dma_start3A_243 : memref<1x40x128xi32, #tpu.memory_space<hbm>> -> memref<40x128xi32, #tpu.memory_space<hbm>>
      tpu.enqueue_dma source(%dma_start3A_244 : memref<40x128xi32, #tpu.memory_space<hbm>>) target(%arg7 : memref<40x128xi32, #tpu.memory_space<vmem>>) target_semaphore(%run_scoped3A : memref<!tpu.dma_semaphore, #tpu.memory_space<semaphore_mem>>)
      %dma_wait3A = arith.constant 0 : i32
      %dma_wait3A_245 = arith.constant 0 : i32
      %dma_wait3A_246 = tpu.memref_slice %arg4[%add3A_196, %dma_wait3A, %dma_wait3A_245] : memref<32x80x128xi32, #tpu.memory_space<hbm>> -> memref<1x40x128xi32, #tpu.memory_space<hbm>>
      %dma_wait3A_247 = tpu.memref_squeeze %dma_wait3A_246 : memref<1x40x128xi32, #tpu.memory_space<hbm>> -> memref<40x128xi32, #tpu.memory_space<hbm>>
      %dma_wait3A_248 = arith.constant 0 : i32
      %dma_wait3A_249 = arith.constant 0 : i32
      %dma_wait3A_250 = tpu.memref_slice %arg4[%add3A_196, %dma_wait3A_248, %dma_wait3A_249] : memref<32x80x128xi32, #tpu.memory_space<hbm>> -> memref<1x40x128xi32, #tpu.memory_space<hbm>>
      %dma_wait3A_251 = tpu.memref_squeeze %dma_wait3A_250 : memref<1x40x128xi32, #tpu.memory_space<hbm>> -> memref<40x128xi32, #tpu.memory_space<hbm>>
      tpu.wait_dma2 semaphore(%run_scoped3A : memref<!tpu.dma_semaphore, #tpu.memory_space<semaphore_mem>>) src(%dma_wait3A_251 : memref<40x128xi32, #tpu.memory_space<hbm>>) dst(%arg7 : memref<40x128xi32, #tpu.memory_space<vmem>>)
      tpu.yield
    }) : () -> ()
    %scan3A_197 = arith.constant 0 : i32
    %scan3A_198 = arith.constant 0 : i32
    %scan3A_199 = arith.constant 40 : i32
    %scan3A_200 = arith.addi %scan3A_198, %scan3A_199 : i32
    %scan3A_201 = arith.constant 1 : i32
    scf.for %scan3A_238 = %scan3A_198 to %scan3A_200 step %scan3A_201  : i32 {
      "tpu.region"() ({
        %run_scoped3A = tpu.sem_alloc : memref<!tpu.dma_semaphore, #tpu.memory_space<semaphore_mem>>
        %dma_start3A = arith.constant 0 : i32
        %dma_start3A_239 = tpu.memref_slice %arg6[%scan3A_238, %dma_start3A] : memref<42x128xi32, #tpu.memory_space<vmem>> -> memref<1x128xi32, #tpu.memory_space<vmem>>
        %dma_start3A_240 = tpu.memref_squeeze %dma_start3A_239 : memref<1x128xi32, #tpu.memory_space<vmem>> -> memref<128xi32, #tpu.memory_space<vmem>>
        %dma_start3A_241 = arith.constant 0 : i32
        %dma_start3A_242 = arith.constant 0 : i32
        %dma_start3A_243 = tpu.memref_slice %arg11[%dma_start3A_241, %dma_start3A_242] : memref<10112x64xf32, #tpu.memory_space<vmem_shared>> -> memref<10112x64xf32, #tpu.memory_space<vmem_shared>>
        tpu.enqueue_indirect_dma source(%dma_start3A_243 : memref<10112x64xf32, #tpu.memory_space<vmem_shared>>) target(%arg8 : memref<128x64xf32, #tpu.memory_space<vmem>>) offsets(%dma_start3A_240 : memref<128xi32, #tpu.memory_space<vmem>>) semaphore(%run_scoped3A : memref<!tpu.dma_semaphore, #tpu.memory_space<semaphore_mem>>)
        %dma_wait3A = arith.constant 0 : i32
        %dma_wait3A_244 = tpu.memref_slice %arg6[%scan3A_238, %dma_wait3A] : memref<42x128xi32, #tpu.memory_space<vmem>> -> memref<1x128xi32, #tpu.memory_space<vmem>>
        %dma_wait3A_245 = tpu.memref_squeeze %dma_wait3A_244 : memref<1x128xi32, #tpu.memory_space<vmem>> -> memref<128xi32, #tpu.memory_space<vmem>>
        %dma_wait3A_246 = arith.constant 0 : i32
        %dma_wait3A_247 = arith.constant 0 : i32
        %dma_wait3A_248 = tpu.memref_slice %arg11[%dma_wait3A_246, %dma_wait3A_247] : memref<10112x64xf32, #tpu.memory_space<vmem_shared>> -> memref<10112x64xf32, #tpu.memory_space<vmem_shared>>
        tpu.wait_indirect_dma semaphore(%run_scoped3A : memref<!tpu.dma_semaphore, #tpu.memory_space<semaphore_mem>>) src(%dma_wait3A_248 : memref<10112x64xf32, #tpu.memory_space<vmem_shared>>) dst(%arg8 : memref<128x64xf32, #tpu.memory_space<vmem>>)
        tpu.yield
      }) : () -> ()
      "tpu.region"() ({
        %run_scoped3A = tpu.sem_alloc : memref<!tpu.dma_semaphore, #tpu.memory_space<semaphore_mem>>
        %dma_start3A = arith.constant 0 : i32
        %dma_start3A_239 = tpu.memref_slice %arg7[%scan3A_238, %dma_start3A] : memref<40x128xi32, #tpu.memory_space<vmem>> -> memref<1x128xi32, #tpu.memory_space<vmem>>
        %dma_start3A_240 = tpu.memref_squeeze %dma_start3A_239 : memref<1x128xi32, #tpu.memory_space<vmem>> -> memref<128xi32, #tpu.memory_space<vmem>>
        %dma_start3A_241 = arith.constant 0 : i32
        %dma_start3A_242 = arith.constant 0 : i32
        %dma_start3A_243 = tpu.memref_slice %arg10[%dma_start3A_241, %dma_start3A_242] : memref<10112x64xf32, #tpu.memory_space<vmem_shared>> -> memref<10112x64xf32, #tpu.memory_space<vmem_shared>>
        tpu.enqueue_indirect_dma source(%arg8 : memref<128x64xf32, #tpu.memory_space<vmem>>) target(%dma_start3A_243 : memref<10112x64xf32, #tpu.memory_space<vmem_shared>>) offsets(%dma_start3A_240 : memref<128xi32, #tpu.memory_space<vmem>>) semaphore(%run_scoped3A : memref<!tpu.dma_semaphore, #tpu.memory_space<semaphore_mem>>) {add = true}
        %dma_wait3A = arith.constant 0 : i32
        %dma_wait3A_244 = tpu.memref_slice %arg7[%scan3A_238, %dma_wait3A] : memref<40x128xi32, #tpu.memory_space<vmem>> -> memref<1x128xi32, #tpu.memory_space<vmem>>
        %dma_wait3A_245 = tpu.memref_squeeze %dma_wait3A_244 : memref<1x128xi32, #tpu.memory_space<vmem>> -> memref<128xi32, #tpu.memory_space<vmem>>
        %dma_wait3A_246 = arith.constant 0 : i32
        %dma_wait3A_247 = arith.constant 0 : i32
        %dma_wait3A_248 = tpu.memref_slice %arg10[%dma_wait3A_246, %dma_wait3A_247] : memref<10112x64xf32, #tpu.memory_space<vmem_shared>> -> memref<10112x64xf32, #tpu.memory_space<vmem_shared>>
        tpu.wait_indirect_dma semaphore(%run_scoped3A : memref<!tpu.dma_semaphore, #tpu.memory_space<semaphore_mem>>) src(%arg8 : memref<128x64xf32, #tpu.memory_space<vmem>>) dst(%dma_wait3A_248 : memref<10112x64xf32, #tpu.memory_space<vmem_shared>>)
        tpu.yield
      }) : () -> ()
    }
    %scan3A_202 = arith.constant 40 : i32
    %mul3A_203 = arith.constant 2 : i32
    %mul3A_204 = arith.muli %mul3A_203, %arg1 : i32
    %add3A_205 = arith.constant 1 : i32
    %add3A_206 = arith.addi %mul3A_204, %add3A_205 : i32
    "tpu.region"() ({
      %run_scoped3A = tpu.sem_alloc : memref<!tpu.dma_semaphore, #tpu.memory_space<semaphore_mem>>
      %dma_start3A = arith.constant 0 : i32
      %dma_start3A_238 = arith.constant 0 : i32
      %dma_start3A_239 = tpu.memref_slice %arg6[%dma_start3A, %dma_start3A_238] : memref<42x128xi32, #tpu.memory_space<vmem>> -> memref<40x128xi32, #tpu.memory_space<vmem>>
      %dma_start3A_240 = arith.constant 40 : i32
      %dma_start3A_241 = arith.constant 0 : i32
      %dma_start3A_242 = tpu.memref_slice %arg3[%add3A_206, %dma_start3A_240, %dma_start3A_241] : memref<32x80x128xi32, #tpu.memory_space<hbm>> -> memref<1x40x128xi32, #tpu.memory_space<hbm>>
      %dma_start3A_243 = tpu.memref_squeeze %dma_start3A_242 : memref<1x40x128xi32, #tpu.memory_space<hbm>> -> memref<40x128xi32, #tpu.memory_space<hbm>>
      %dma_start3A_244 = arith.constant 0 : i32
      %dma_start3A_245 = arith.constant 0 : i32
      %dma_start3A_246 = tpu.memref_slice %arg6[%dma_start3A_244, %dma_start3A_245] : memref<42x128xi32, #tpu.memory_space<vmem>> -> memref<40x128xi32, #tpu.memory_space<vmem>>
      %dma_start3A_247 = arith.constant 40 : i32
      %dma_start3A_248 = arith.constant 0 : i32
      %dma_start3A_249 = tpu.memref_slice %arg3[%add3A_206, %dma_start3A_247, %dma_start3A_248] : memref<32x80x128xi32, #tpu.memory_space<hbm>> -> memref<1x40x128xi32, #tpu.memory_space<hbm>>
      %dma_start3A_250 = tpu.memref_squeeze %dma_start3A_249 : memref<1x40x128xi32, #tpu.memory_space<hbm>> -> memref<40x128xi32, #tpu.memory_space<hbm>>
      tpu.enqueue_dma source(%dma_start3A_250 : memref<40x128xi32, #tpu.memory_space<hbm>>) target(%dma_start3A_246 : memref<40x128xi32, #tpu.memory_space<vmem>>) target_semaphore(%run_scoped3A : memref<!tpu.dma_semaphore, #tpu.memory_space<semaphore_mem>>)
      %dma_wait3A = arith.constant 0 : i32
      %dma_wait3A_251 = arith.constant 0 : i32
      %dma_wait3A_252 = tpu.memref_slice %arg6[%dma_wait3A, %dma_wait3A_251] : memref<42x128xi32, #tpu.memory_space<vmem>> -> memref<40x128xi32, #tpu.memory_space<vmem>>
      %dma_wait3A_253 = arith.constant 40 : i32
      %dma_wait3A_254 = arith.constant 0 : i32
      %dma_wait3A_255 = tpu.memref_slice %arg3[%add3A_206, %dma_wait3A_253, %dma_wait3A_254] : memref<32x80x128xi32, #tpu.memory_space<hbm>> -> memref<1x40x128xi32, #tpu.memory_space<hbm>>
      %dma_wait3A_256 = tpu.memref_squeeze %dma_wait3A_255 : memref<1x40x128xi32, #tpu.memory_space<hbm>> -> memref<40x128xi32, #tpu.memory_space<hbm>>
      %dma_wait3A_257 = arith.constant 0 : i32
      %dma_wait3A_258 = arith.constant 0 : i32
      %dma_wait3A_259 = tpu.memref_slice %arg6[%dma_wait3A_257, %dma_wait3A_258] : memref<42x128xi32, #tpu.memory_space<vmem>> -> memref<40x128xi32, #tpu.memory_space<vmem>>
      %dma_wait3A_260 = arith.constant 40 : i32
      %dma_wait3A_261 = arith.constant 0 : i32
      %dma_wait3A_262 = tpu.memref_slice %arg3[%add3A_206, %dma_wait3A_260, %dma_wait3A_261] : memref<32x80x128xi32, #tpu.memory_space<hbm>> -> memref<1x40x128xi32, #tpu.memory_space<hbm>>
      %dma_wait3A_263 = tpu.memref_squeeze %dma_wait3A_262 : memref<1x40x128xi32, #tpu.memory_space<hbm>> -> memref<40x128xi32, #tpu.memory_space<hbm>>
      tpu.wait_dma2 semaphore(%run_scoped3A : memref<!tpu.dma_semaphore, #tpu.memory_space<semaphore_mem>>) src(%dma_wait3A_263 : memref<40x128xi32, #tpu.memory_space<hbm>>) dst(%dma_wait3A_259 : memref<40x128xi32, #tpu.memory_space<vmem>>)
      tpu.yield
    }) : () -> ()
    %mul3A_207 = arith.constant 2 : i32
    %mul3A_208 = arith.muli %mul3A_207, %arg1 : i32
    %add3A_209 = arith.constant 1 : i32
    %add3A_210 = arith.addi %mul3A_208, %add3A_209 : i32
    "tpu.region"() ({
      %run_scoped3A = tpu.sem_alloc : memref<!tpu.dma_semaphore, #tpu.memory_space<semaphore_mem>>
      %dma_start3A = arith.constant 40 : i32
      %dma_start3A_238 = arith.constant 0 : i32
      %dma_start3A_239 = tpu.memref_slice %arg4[%add3A_210, %dma_start3A, %dma_start3A_238] : memref<32x80x128xi32, #tpu.memory_space<hbm>> -> memref<1x40x128xi32, #tpu.memory_space<hbm>>
      %dma_start3A_240 = tpu.memref_squeeze %dma_start3A_239 : memref<1x40x128xi32, #tpu.memory_space<hbm>> -> memref<40x128xi32, #tpu.memory_space<hbm>>
      %dma_start3A_241 = arith.constant 40 : i32
      %dma_start3A_242 = arith.constant 0 : i32
      %dma_start3A_243 = tpu.memref_slice %arg4[%add3A_210, %dma_start3A_241, %dma_start3A_242] : memref<32x80x128xi32, #tpu.memory_space<hbm>> -> memref<1x40x128xi32, #tpu.memory_space<hbm>>
      %dma_start3A_244 = tpu.memref_squeeze %dma_start3A_243 : memref<1x40x128xi32, #tpu.memory_space<hbm>> -> memref<40x128xi32, #tpu.memory_space<hbm>>
      tpu.enqueue_dma source(%dma_start3A_244 : memref<40x128xi32, #tpu.memory_space<hbm>>) target(%arg7 : memref<40x128xi32, #tpu.memory_space<vmem>>) target_semaphore(%run_scoped3A : memref<!tpu.dma_semaphore, #tpu.memory_space<semaphore_mem>>)
      %dma_wait3A = arith.constant 40 : i32
      %dma_wait3A_245 = arith.constant 0 : i32
      %dma_wait3A_246 = tpu.memref_slice %arg4[%add3A_210, %dma_wait3A, %dma_wait3A_245] : memref<32x80x128xi32, #tpu.memory_space<hbm>> -> memref<1x40x128xi32, #tpu.memory_space<hbm>>
      %dma_wait3A_247 = tpu.memref_squeeze %dma_wait3A_246 : memref<1x40x128xi32, #tpu.memory_space<hbm>> -> memref<40x128xi32, #tpu.memory_space<hbm>>
      %dma_wait3A_248 = arith.constant 40 : i32
      %dma_wait3A_249 = arith.constant 0 : i32
      %dma_wait3A_250 = tpu.memref_slice %arg4[%add3A_210, %dma_wait3A_248, %dma_wait3A_249] : memref<32x80x128xi32, #tpu.memory_space<hbm>> -> memref<1x40x128xi32, #tpu.memory_space<hbm>>
      %dma_wait3A_251 = tpu.memref_squeeze %dma_wait3A_250 : memref<1x40x128xi32, #tpu.memory_space<hbm>> -> memref<40x128xi32, #tpu.memory_space<hbm>>
      tpu.wait_dma2 semaphore(%run_scoped3A : memref<!tpu.dma_semaphore, #tpu.memory_space<semaphore_mem>>) src(%dma_wait3A_251 : memref<40x128xi32, #tpu.memory_space<hbm>>) dst(%arg7 : memref<40x128xi32, #tpu.memory_space<vmem>>)
      tpu.yield
    }) : () -> ()
    %scan3A_211 = arith.constant 0 : i32
    %scan3A_212 = arith.constant 0 : i32
    %scan3A_213 = arith.constant 40 : i32
    %scan3A_214 = arith.addi %scan3A_212, %scan3A_213 : i32
    %scan3A_215 = arith.constant 1 : i32
    scf.for %scan3A_238 = %scan3A_212 to %scan3A_214 step %scan3A_215  : i32 {
      "tpu.region"() ({
        %run_scoped3A = tpu.sem_alloc : memref<!tpu.dma_semaphore, #tpu.memory_space<semaphore_mem>>
        %dma_start3A = arith.constant 0 : i32
        %dma_start3A_239 = tpu.memref_slice %arg6[%scan3A_238, %dma_start3A] : memref<42x128xi32, #tpu.memory_space<vmem>> -> memref<1x128xi32, #tpu.memory_space<vmem>>
        %dma_start3A_240 = tpu.memref_squeeze %dma_start3A_239 : memref<1x128xi32, #tpu.memory_space<vmem>> -> memref<128xi32, #tpu.memory_space<vmem>>
        %dma_start3A_241 = arith.constant 0 : i32
        %dma_start3A_242 = arith.constant 0 : i32
        %dma_start3A_243 = tpu.memref_slice %arg11[%dma_start3A_241, %dma_start3A_242] : memref<10112x64xf32, #tpu.memory_space<vmem_shared>> -> memref<10112x64xf32, #tpu.memory_space<vmem_shared>>
        tpu.enqueue_indirect_dma source(%dma_start3A_243 : memref<10112x64xf32, #tpu.memory_space<vmem_shared>>) target(%arg8 : memref<128x64xf32, #tpu.memory_space<vmem>>) offsets(%dma_start3A_240 : memref<128xi32, #tpu.memory_space<vmem>>) semaphore(%run_scoped3A : memref<!tpu.dma_semaphore, #tpu.memory_space<semaphore_mem>>)
        %dma_wait3A = arith.constant 0 : i32
        %dma_wait3A_244 = tpu.memref_slice %arg6[%scan3A_238, %dma_wait3A] : memref<42x128xi32, #tpu.memory_space<vmem>> -> memref<1x128xi32, #tpu.memory_space<vmem>>
        %dma_wait3A_245 = tpu.memref_squeeze %dma_wait3A_244 : memref<1x128xi32, #tpu.memory_space<vmem>> -> memref<128xi32, #tpu.memory_space<vmem>>
        %dma_wait3A_246 = arith.constant 0 : i32
        %dma_wait3A_247 = arith.constant 0 : i32
        %dma_wait3A_248 = tpu.memref_slice %arg11[%dma_wait3A_246, %dma_wait3A_247] : memref<10112x64xf32, #tpu.memory_space<vmem_shared>> -> memref<10112x64xf32, #tpu.memory_space<vmem_shared>>
        tpu.wait_indirect_dma semaphore(%run_scoped3A : memref<!tpu.dma_semaphore, #tpu.memory_space<semaphore_mem>>) src(%dma_wait3A_248 : memref<10112x64xf32, #tpu.memory_space<vmem_shared>>) dst(%arg8 : memref<128x64xf32, #tpu.memory_space<vmem>>)
        tpu.yield
      }) : () -> ()
      "tpu.region"() ({
        %run_scoped3A = tpu.sem_alloc : memref<!tpu.dma_semaphore, #tpu.memory_space<semaphore_mem>>
        %dma_start3A = arith.constant 0 : i32
        %dma_start3A_239 = tpu.memref_slice %arg7[%scan3A_238, %dma_start3A] : memref<40x128xi32, #tpu.memory_space<vmem>> -> memref<1x128xi32, #tpu.memory_space<vmem>>
        %dma_start3A_240 = tpu.memref_squeeze %dma_start3A_239 : memref<1x128xi32, #tpu.memory_space<vmem>> -> memref<128xi32, #tpu.memory_space<vmem>>
        %dma_start3A_241 = arith.constant 0 : i32
        %dma_start3A_242 = arith.constant 0 : i32
        %dma_start3A_243 = tpu.memref_slice %arg10[%dma_start3A_241, %dma_start3A_242] : memref<10112x64xf32, #tpu.memory_space<vmem_shared>> -> memref<10112x64xf32, #tpu.memory_space<vmem_shared>>
        tpu.enqueue_indirect_dma source(%arg8 : memref<128x64xf32, #tpu.memory_space<vmem>>) target(%dma_start3A_243 : memref<10112x64xf32, #tpu.memory_space<vmem_shared>>) offsets(%dma_start3A_240 : memref<128xi32, #tpu.memory_space<vmem>>) semaphore(%run_scoped3A : memref<!tpu.dma_semaphore, #tpu.memory_space<semaphore_mem>>) {add = true}
        %dma_wait3A = arith.constant 0 : i32
        %dma_wait3A_244 = tpu.memref_slice %arg7[%scan3A_238, %dma_wait3A] : memref<40x128xi32, #tpu.memory_space<vmem>> -> memref<1x128xi32, #tpu.memory_space<vmem>>
        %dma_wait3A_245 = tpu.memref_squeeze %dma_wait3A_244 : memref<1x128xi32, #tpu.memory_space<vmem>> -> memref<128xi32, #tpu.memory_space<vmem>>
        %dma_wait3A_246 = arith.constant 0 : i32
        %dma_wait3A_247 = arith.constant 0 : i32
        %dma_wait3A_248 = tpu.memref_slice %arg10[%dma_wait3A_246, %dma_wait3A_247] : memref<10112x64xf32, #tpu.memory_space<vmem_shared>> -> memref<10112x64xf32, #tpu.memory_space<vmem_shared>>
        tpu.wait_indirect_dma semaphore(%run_scoped3A : memref<!tpu.dma_semaphore, #tpu.memory_space<semaphore_mem>>) src(%arg8 : memref<128x64xf32, #tpu.memory_space<vmem>>) dst(%dma_wait3A_248 : memref<10112x64xf32, #tpu.memory_space<vmem_shared>>)
        tpu.yield
      }) : () -> ()
    }
    %scan3A_216 = arith.constant 40 : i32
    %barrier3A_217 = arith.constant 0 : index
    tpu.barrier barrier_id(%barrier3A_217)
    %add3A_218 = arith.constant 0 : i32
    %add3A_219 = arith.addi %mul3A_0, %add3A_218 : i32
    "tpu.region"() ({
      %run_scoped3A = tpu.sem_alloc : memref<!tpu.dma_semaphore, #tpu.memory_space<semaphore_mem>>
      %dma_start3A = arith.constant 0 : i32
      %dma_start3A_238 = arith.constant 0 : i32
      %dma_start3A_239 = tpu.memref_slice %arg8[%dma_start3A, %dma_start3A_238] : memref<128x64xf32, #tpu.memory_space<vmem>> -> memref<128x64xf32, #tpu.memory_space<vmem>>
      %dma_start3A_240 = arith.constant 0 : i32
      %dma_start3A_241 = tpu.memref_slice %arg10[%add3A_219, %dma_start3A_240] : memref<10112x64xf32, #tpu.memory_space<vmem_shared>> -> memref<128x64xf32, #tpu.memory_space<vmem_shared>>
      %dma_start3A_242 = arith.constant 0 : i32
      %dma_start3A_243 = arith.constant 0 : i32
      %dma_start3A_244 = tpu.memref_slice %arg8[%dma_start3A_242, %dma_start3A_243] : memref<128x64xf32, #tpu.memory_space<vmem>> -> memref<128x64xf32, #tpu.memory_space<vmem>>
      %dma_start3A_245 = arith.constant 0 : i32
      %dma_start3A_246 = tpu.memref_slice %arg10[%add3A_219, %dma_start3A_245] : memref<10112x64xf32, #tpu.memory_space<vmem_shared>> -> memref<128x64xf32, #tpu.memory_space<vmem_shared>>
      tpu.enqueue_dma source(%dma_start3A_246 : memref<128x64xf32, #tpu.memory_space<vmem_shared>>) target(%dma_start3A_244 : memref<128x64xf32, #tpu.memory_space<vmem>>) target_semaphore(%run_scoped3A : memref<!tpu.dma_semaphore, #tpu.memory_space<semaphore_mem>>)
      %dma_wait3A = arith.constant 0 : i32
      %dma_wait3A_247 = arith.constant 0 : i32
      %dma_wait3A_248 = tpu.memref_slice %arg8[%dma_wait3A, %dma_wait3A_247] : memref<128x64xf32, #tpu.memory_space<vmem>> -> memref<128x64xf32, #tpu.memory_space<vmem>>
      %dma_wait3A_249 = arith.constant 0 : i32
      %dma_wait3A_250 = tpu.memref_slice %arg10[%add3A_219, %dma_wait3A_249] : memref<10112x64xf32, #tpu.memory_space<vmem_shared>> -> memref<128x64xf32, #tpu.memory_space<vmem_shared>>
      %dma_wait3A_251 = arith.constant 0 : i32
      %dma_wait3A_252 = arith.constant 0 : i32
      %dma_wait3A_253 = tpu.memref_slice %arg8[%dma_wait3A_251, %dma_wait3A_252] : memref<128x64xf32, #tpu.memory_space<vmem>> -> memref<128x64xf32, #tpu.memory_space<vmem>>
      %dma_wait3A_254 = arith.constant 0 : i32
      %dma_wait3A_255 = tpu.memref_slice %arg10[%add3A_219, %dma_wait3A_254] : memref<10112x64xf32, #tpu.memory_space<vmem_shared>> -> memref<128x64xf32, #tpu.memory_space<vmem_shared>>
      tpu.wait_dma2 semaphore(%run_scoped3A : memref<!tpu.dma_semaphore, #tpu.memory_space<semaphore_mem>>) src(%dma_wait3A_255 : memref<128x64xf32, #tpu.memory_space<vmem_shared>>) dst(%dma_wait3A_253 : memref<128x64xf32, #tpu.memory_space<vmem>>)
      tpu.yield
    }) : () -> ()
    %add3A_220 = arith.constant 0 : i32
    %add3A_221 = arith.addi %mul3A_0, %add3A_220 : i32
    "tpu.region"() ({
      %run_scoped3A = tpu.sem_alloc : memref<!tpu.dma_semaphore, #tpu.memory_space<semaphore_mem>>
      %dma_start3A = arith.constant 0 : i32
      %dma_start3A_238 = arith.constant 0 : i32
      %dma_start3A_239 = tpu.memref_slice %arg8[%dma_start3A, %dma_start3A_238] : memref<128x64xf32, #tpu.memory_space<vmem>> -> memref<128x64xf32, #tpu.memory_space<vmem>>
      %dma_start3A_240 = arith.constant 0 : i32
      %dma_start3A_241 = tpu.memref_slice %arg5[%arg0, %add3A_221, %dma_start3A_240] : memref<2x10112x64xf32, #tpu.memory_space<hbm>> -> memref<1x128x64xf32, #tpu.memory_space<hbm>>
      %dma_start3A_242 = tpu.memref_squeeze %dma_start3A_241 : memref<1x128x64xf32, #tpu.memory_space<hbm>> -> memref<128x64xf32, #tpu.memory_space<hbm>>
      %dma_start3A_243 = arith.constant 0 : i32
      %dma_start3A_244 = tpu.memref_slice %arg5[%arg0, %add3A_221, %dma_start3A_243] : memref<2x10112x64xf32, #tpu.memory_space<hbm>> -> memref<1x128x64xf32, #tpu.memory_space<hbm>>
      %dma_start3A_245 = tpu.memref_squeeze %dma_start3A_244 : memref<1x128x64xf32, #tpu.memory_space<hbm>> -> memref<128x64xf32, #tpu.memory_space<hbm>>
      %dma_start3A_246 = arith.constant 0 : i32
      %dma_start3A_247 = arith.constant 0 : i32
      %dma_start3A_248 = tpu.memref_slice %arg8[%dma_start3A_246, %dma_start3A_247] : memref<128x64xf32, #tpu.memory_space<vmem>> -> memref<128x64xf32, #tpu.memory_space<vmem>>
      tpu.enqueue_dma source(%dma_start3A_248 : memref<128x64xf32, #tpu.memory_space<vmem>>) target(%dma_start3A_245 : memref<128x64xf32, #tpu.memory_space<hbm>>) target_semaphore(%run_scoped3A : memref<!tpu.dma_semaphore, #tpu.memory_space<semaphore_mem>>)
      %dma_wait3A = arith.constant 0 : i32
      %dma_wait3A_249 = arith.constant 0 : i32
      %dma_wait3A_250 = tpu.memref_slice %arg8[%dma_wait3A, %dma_wait3A_249] : memref<128x64xf32, #tpu.memory_space<vmem>> -> memref<128x64xf32, #tpu.memory_space<vmem>>
      %dma_wait3A_251 = arith.constant 0 : i32
      %dma_wait3A_252 = tpu.memref_slice %arg5[%arg0, %add3A_221, %dma_wait3A_251] : memref<2x10112x64xf32, #tpu.memory_space<hbm>> -> memref<1x128x64xf32, #tpu.memory_space<hbm>>
      %dma_wait3A_253 = tpu.memref_squeeze %dma_wait3A_252 : memref<1x128x64xf32, #tpu.memory_space<hbm>> -> memref<128x64xf32, #tpu.memory_space<hbm>>
      %dma_wait3A_254 = arith.constant 0 : i32
      %dma_wait3A_255 = tpu.memref_slice %arg5[%arg0, %add3A_221, %dma_wait3A_254] : memref<2x10112x64xf32, #tpu.memory_space<hbm>> -> memref<1x128x64xf32, #tpu.memory_space<hbm>>
      %dma_wait3A_256 = tpu.memref_squeeze %dma_wait3A_255 : memref<1x128x64xf32, #tpu.memory_space<hbm>> -> memref<128x64xf32, #tpu.memory_space<hbm>>
      %dma_wait3A_257 = arith.constant 0 : i32
      %dma_wait3A_258 = arith.constant 0 : i32
      %dma_wait3A_259 = tpu.memref_slice %arg8[%dma_wait3A_257, %dma_wait3A_258] : memref<128x64xf32, #tpu.memory_space<vmem>> -> memref<128x64xf32, #tpu.memory_space<vmem>>
      tpu.wait_dma2 semaphore(%run_scoped3A : memref<!tpu.dma_semaphore, #tpu.memory_space<semaphore_mem>>) src(%dma_wait3A_259 : memref<128x64xf32, #tpu.memory_space<vmem>>) dst(%dma_wait3A_256 : memref<128x64xf32, #tpu.memory_space<hbm>>)
      tpu.yield
    }) : () -> ()
    %add3A_222 = arith.constant 128 : i32
    %add3A_223 = arith.addi %mul3A_0, %add3A_222 : i32
    "tpu.region"() ({
      %run_scoped3A = tpu.sem_alloc : memref<!tpu.dma_semaphore, #tpu.memory_space<semaphore_mem>>
      %dma_start3A = arith.constant 0 : i32
      %dma_start3A_238 = arith.constant 0 : i32
      %dma_start3A_239 = tpu.memref_slice %arg8[%dma_start3A, %dma_start3A_238] : memref<128x64xf32, #tpu.memory_space<vmem>> -> memref<128x64xf32, #tpu.memory_space<vmem>>
      %dma_start3A_240 = arith.constant 0 : i32
      %dma_start3A_241 = tpu.memref_slice %arg10[%add3A_223, %dma_start3A_240] : memref<10112x64xf32, #tpu.memory_space<vmem_shared>> -> memref<128x64xf32, #tpu.memory_space<vmem_shared>>
      %dma_start3A_242 = arith.constant 0 : i32
      %dma_start3A_243 = arith.constant 0 : i32
      %dma_start3A_244 = tpu.memref_slice %arg8[%dma_start3A_242, %dma_start3A_243] : memref<128x64xf32, #tpu.memory_space<vmem>> -> memref<128x64xf32, #tpu.memory_space<vmem>>
      %dma_start3A_245 = arith.constant 0 : i32
      %dma_start3A_246 = tpu.memref_slice %arg10[%add3A_223, %dma_start3A_245] : memref<10112x64xf32, #tpu.memory_space<vmem_shared>> -> memref<128x64xf32, #tpu.memory_space<vmem_shared>>
      tpu.enqueue_dma source(%dma_start3A_246 : memref<128x64xf32, #tpu.memory_space<vmem_shared>>) target(%dma_start3A_244 : memref<128x64xf32, #tpu.memory_space<vmem>>) target_semaphore(%run_scoped3A : memref<!tpu.dma_semaphore, #tpu.memory_space<semaphore_mem>>)
      %dma_wait3A = arith.constant 0 : i32
      %dma_wait3A_247 = arith.constant 0 : i32
      %dma_wait3A_248 = tpu.memref_slice %arg8[%dma_wait3A, %dma_wait3A_247] : memref<128x64xf32, #tpu.memory_space<vmem>> -> memref<128x64xf32, #tpu.memory_space<vmem>>
      %dma_wait3A_249 = arith.constant 0 : i32
      %dma_wait3A_250 = tpu.memref_slice %arg10[%add3A_223, %dma_wait3A_249] : memref<10112x64xf32, #tpu.memory_space<vmem_shared>> -> memref<128x64xf32, #tpu.memory_space<vmem_shared>>
      %dma_wait3A_251 = arith.constant 0 : i32
      %dma_wait3A_252 = arith.constant 0 : i32
      %dma_wait3A_253 = tpu.memref_slice %arg8[%dma_wait3A_251, %dma_wait3A_252] : memref<128x64xf32, #tpu.memory_space<vmem>> -> memref<128x64xf32, #tpu.memory_space<vmem>>
      %dma_wait3A_254 = arith.constant 0 : i32
      %dma_wait3A_255 = tpu.memref_slice %arg10[%add3A_223, %dma_wait3A_254] : memref<10112x64xf32, #tpu.memory_space<vmem_shared>> -> memref<128x64xf32, #tpu.memory_space<vmem_shared>>
      tpu.wait_dma2 semaphore(%run_scoped3A : memref<!tpu.dma_semaphore, #tpu.memory_space<semaphore_mem>>) src(%dma_wait3A_255 : memref<128x64xf32, #tpu.memory_space<vmem_shared>>) dst(%dma_wait3A_253 : memref<128x64xf32, #tpu.memory_space<vmem>>)
      tpu.yield
    }) : () -> ()
    %add3A_224 = arith.constant 128 : i32
    %add3A_225 = arith.addi %mul3A_0, %add3A_224 : i32
    "tpu.region"() ({
      %run_scoped3A = tpu.sem_alloc : memref<!tpu.dma_semaphore, #tpu.memory_space<semaphore_mem>>
      %dma_start3A = arith.constant 0 : i32
      %dma_start3A_238 = arith.constant 0 : i32
      %dma_start3A_239 = tpu.memref_slice %arg8[%dma_start3A, %dma_start3A_238] : memref<128x64xf32, #tpu.memory_space<vmem>> -> memref<128x64xf32, #tpu.memory_space<vmem>>
      %dma_start3A_240 = arith.constant 0 : i32
      %dma_start3A_241 = tpu.memref_slice %arg5[%arg0, %add3A_225, %dma_start3A_240] : memref<2x10112x64xf32, #tpu.memory_space<hbm>> -> memref<1x128x64xf32, #tpu.memory_space<hbm>>
      %dma_start3A_242 = tpu.memref_squeeze %dma_start3A_241 : memref<1x128x64xf32, #tpu.memory_space<hbm>> -> memref<128x64xf32, #tpu.memory_space<hbm>>
      %dma_start3A_243 = arith.constant 0 : i32
      %dma_start3A_244 = tpu.memref_slice %arg5[%arg0, %add3A_225, %dma_start3A_243] : memref<2x10112x64xf32, #tpu.memory_space<hbm>> -> memref<1x128x64xf32, #tpu.memory_space<hbm>>
      %dma_start3A_245 = tpu.memref_squeeze %dma_start3A_244 : memref<1x128x64xf32, #tpu.memory_space<hbm>> -> memref<128x64xf32, #tpu.memory_space<hbm>>
      %dma_start3A_246 = arith.constant 0 : i32
      %dma_start3A_247 = arith.constant 0 : i32
      %dma_start3A_248 = tpu.memref_slice %arg8[%dma_start3A_246, %dma_start3A_247] : memref<128x64xf32, #tpu.memory_space<vmem>> -> memref<128x64xf32, #tpu.memory_space<vmem>>
      tpu.enqueue_dma source(%dma_start3A_248 : memref<128x64xf32, #tpu.memory_space<vmem>>) target(%dma_start3A_245 : memref<128x64xf32, #tpu.memory_space<hbm>>) target_semaphore(%run_scoped3A : memref<!tpu.dma_semaphore, #tpu.memory_space<semaphore_mem>>)
      %dma_wait3A = arith.constant 0 : i32
      %dma_wait3A_249 = arith.constant 0 : i32
      %dma_wait3A_250 = tpu.memref_slice %arg8[%dma_wait3A, %dma_wait3A_249] : memref<128x64xf32, #tpu.memory_space<vmem>> -> memref<128x64xf32, #tpu.memory_space<vmem>>
      %dma_wait3A_251 = arith.constant 0 : i32
      %dma_wait3A_252 = tpu.memref_slice %arg5[%arg0, %add3A_225, %dma_wait3A_251] : memref<2x10112x64xf32, #tpu.memory_space<hbm>> -> memref<1x128x64xf32, #tpu.memory_space<hbm>>
      %dma_wait3A_253 = tpu.memref_squeeze %dma_wait3A_252 : memref<1x128x64xf32, #tpu.memory_space<hbm>> -> memref<128x64xf32, #tpu.memory_space<hbm>>
      %dma_wait3A_254 = arith.constant 0 : i32
      %dma_wait3A_255 = tpu.memref_slice %arg5[%arg0, %add3A_225, %dma_wait3A_254] : memref<2x10112x64xf32, #tpu.memory_space<hbm>> -> memref<1x128x64xf32, #tpu.memory_space<hbm>>
      %dma_wait3A_256 = tpu.memref_squeeze %dma_wait3A_255 : memref<1x128x64xf32, #tpu.memory_space<hbm>> -> memref<128x64xf32, #tpu.memory_space<hbm>>
      %dma_wait3A_257 = arith.constant 0 : i32
      %dma_wait3A_258 = arith.constant 0 : i32
      %dma_wait3A_259 = tpu.memref_slice %arg8[%dma_wait3A_257, %dma_wait3A_258] : memref<128x64xf32, #tpu.memory_space<vmem>> -> memref<128x64xf32, #tpu.memory_space<vmem>>
      tpu.wait_dma2 semaphore(%run_scoped3A : memref<!tpu.dma_semaphore, #tpu.memory_space<semaphore_mem>>) src(%dma_wait3A_259 : memref<128x64xf32, #tpu.memory_space<vmem>>) dst(%dma_wait3A_256 : memref<128x64xf32, #tpu.memory_space<hbm>>)
      tpu.yield
    }) : () -> ()
    %add3A_226 = arith.constant 256 : i32
    %add3A_227 = arith.addi %mul3A_0, %add3A_226 : i32
    "tpu.region"() ({
      %run_scoped3A = tpu.sem_alloc : memref<!tpu.dma_semaphore, #tpu.memory_space<semaphore_mem>>
      %dma_start3A = arith.constant 0 : i32
      %dma_start3A_238 = arith.constant 0 : i32
      %dma_start3A_239 = tpu.memref_slice %arg8[%dma_start3A, %dma_start3A_238] : memref<128x64xf32, #tpu.memory_space<vmem>> -> memref<128x64xf32, #tpu.memory_space<vmem>>
      %dma_start3A_240 = arith.constant 0 : i32
      %dma_start3A_241 = tpu.memref_slice %arg10[%add3A_227, %dma_start3A_240] : memref<10112x64xf32, #tpu.memory_space<vmem_shared>> -> memref<128x64xf32, #tpu.memory_space<vmem_shared>>
      %dma_start3A_242 = arith.constant 0 : i32
      %dma_start3A_243 = arith.constant 0 : i32
      %dma_start3A_244 = tpu.memref_slice %arg8[%dma_start3A_242, %dma_start3A_243] : memref<128x64xf32, #tpu.memory_space<vmem>> -> memref<128x64xf32, #tpu.memory_space<vmem>>
      %dma_start3A_245 = arith.constant 0 : i32
      %dma_start3A_246 = tpu.memref_slice %arg10[%add3A_227, %dma_start3A_245] : memref<10112x64xf32, #tpu.memory_space<vmem_shared>> -> memref<128x64xf32, #tpu.memory_space<vmem_shared>>
      tpu.enqueue_dma source(%dma_start3A_246 : memref<128x64xf32, #tpu.memory_space<vmem_shared>>) target(%dma_start3A_244 : memref<128x64xf32, #tpu.memory_space<vmem>>) target_semaphore(%run_scoped3A : memref<!tpu.dma_semaphore, #tpu.memory_space<semaphore_mem>>)
      %dma_wait3A = arith.constant 0 : i32
      %dma_wait3A_247 = arith.constant 0 : i32
      %dma_wait3A_248 = tpu.memref_slice %arg8[%dma_wait3A, %dma_wait3A_247] : memref<128x64xf32, #tpu.memory_space<vmem>> -> memref<128x64xf32, #tpu.memory_space<vmem>>
      %dma_wait3A_249 = arith.constant 0 : i32
      %dma_wait3A_250 = tpu.memref_slice %arg10[%add3A_227, %dma_wait3A_249] : memref<10112x64xf32, #tpu.memory_space<vmem_shared>> -> memref<128x64xf32, #tpu.memory_space<vmem_shared>>
      %dma_wait3A_251 = arith.constant 0 : i32
      %dma_wait3A_252 = arith.constant 0 : i32
      %dma_wait3A_253 = tpu.memref_slice %arg8[%dma_wait3A_251, %dma_wait3A_252] : memref<128x64xf32, #tpu.memory_space<vmem>> -> memref<128x64xf32, #tpu.memory_space<vmem>>
      %dma_wait3A_254 = arith.constant 0 : i32
      %dma_wait3A_255 = tpu.memref_slice %arg10[%add3A_227, %dma_wait3A_254] : memref<10112x64xf32, #tpu.memory_space<vmem_shared>> -> memref<128x64xf32, #tpu.memory_space<vmem_shared>>
      tpu.wait_dma2 semaphore(%run_scoped3A : memref<!tpu.dma_semaphore, #tpu.memory_space<semaphore_mem>>) src(%dma_wait3A_255 : memref<128x64xf32, #tpu.memory_space<vmem_shared>>) dst(%dma_wait3A_253 : memref<128x64xf32, #tpu.memory_space<vmem>>)
      tpu.yield
    }) : () -> ()
    %add3A_228 = arith.constant 256 : i32
    %add3A_229 = arith.addi %mul3A_0, %add3A_228 : i32
    "tpu.region"() ({
      %run_scoped3A = tpu.sem_alloc : memref<!tpu.dma_semaphore, #tpu.memory_space<semaphore_mem>>
      %dma_start3A = arith.constant 0 : i32
      %dma_start3A_238 = arith.constant 0 : i32
      %dma_start3A_239 = tpu.memref_slice %arg8[%dma_start3A, %dma_start3A_238] : memref<128x64xf32, #tpu.memory_space<vmem>> -> memref<128x64xf32, #tpu.memory_space<vmem>>
      %dma_start3A_240 = arith.constant 0 : i32
      %dma_start3A_241 = tpu.memref_slice %arg5[%arg0, %add3A_229, %dma_start3A_240] : memref<2x10112x64xf32, #tpu.memory_space<hbm>> -> memref<1x128x64xf32, #tpu.memory_space<hbm>>
      %dma_start3A_242 = tpu.memref_squeeze %dma_start3A_241 : memref<1x128x64xf32, #tpu.memory_space<hbm>> -> memref<128x64xf32, #tpu.memory_space<hbm>>
      %dma_start3A_243 = arith.constant 0 : i32
      %dma_start3A_244 = tpu.memref_slice %arg5[%arg0, %add3A_229, %dma_start3A_243] : memref<2x10112x64xf32, #tpu.memory_space<hbm>> -> memref<1x128x64xf32, #tpu.memory_space<hbm>>
      %dma_start3A_245 = tpu.memref_squeeze %dma_start3A_244 : memref<1x128x64xf32, #tpu.memory_space<hbm>> -> memref<128x64xf32, #tpu.memory_space<hbm>>
      %dma_start3A_246 = arith.constant 0 : i32
      %dma_start3A_247 = arith.constant 0 : i32
      %dma_start3A_248 = tpu.memref_slice %arg8[%dma_start3A_246, %dma_start3A_247] : memref<128x64xf32, #tpu.memory_space<vmem>> -> memref<128x64xf32, #tpu.memory_space<vmem>>
      tpu.enqueue_dma source(%dma_start3A_248 : memref<128x64xf32, #tpu.memory_space<vmem>>) target(%dma_start3A_245 : memref<128x64xf32, #tpu.memory_space<hbm>>) target_semaphore(%run_scoped3A : memref<!tpu.dma_semaphore, #tpu.memory_space<semaphore_mem>>)
      %dma_wait3A = arith.constant 0 : i32
      %dma_wait3A_249 = arith.constant 0 : i32
      %dma_wait3A_250 = tpu.memref_slice %arg8[%dma_wait3A, %dma_wait3A_249] : memref<128x64xf32, #tpu.memory_space<vmem>> -> memref<128x64xf32, #tpu.memory_space<vmem>>
      %dma_wait3A_251 = arith.constant 0 : i32
      %dma_wait3A_252 = tpu.memref_slice %arg5[%arg0, %add3A_229, %dma_wait3A_251] : memref<2x10112x64xf32, #tpu.memory_space<hbm>> -> memref<1x128x64xf32, #tpu.memory_space<hbm>>
      %dma_wait3A_253 = tpu.memref_squeeze %dma_wait3A_252 : memref<1x128x64xf32, #tpu.memory_space<hbm>> -> memref<128x64xf32, #tpu.memory_space<hbm>>
      %dma_wait3A_254 = arith.constant 0 : i32
      %dma_wait3A_255 = tpu.memref_slice %arg5[%arg0, %add3A_229, %dma_wait3A_254] : memref<2x10112x64xf32, #tpu.memory_space<hbm>> -> memref<1x128x64xf32, #tpu.memory_space<hbm>>
      %dma_wait3A_256 = tpu.memref_squeeze %dma_wait3A_255 : memref<1x128x64xf32, #tpu.memory_space<hbm>> -> memref<128x64xf32, #tpu.memory_space<hbm>>
      %dma_wait3A_257 = arith.constant 0 : i32
      %dma_wait3A_258 = arith.constant 0 : i32
      %dma_wait3A_259 = tpu.memref_slice %arg8[%dma_wait3A_257, %dma_wait3A_258] : memref<128x64xf32, #tpu.memory_space<vmem>> -> memref<128x64xf32, #tpu.memory_space<vmem>>
      tpu.wait_dma2 semaphore(%run_scoped3A : memref<!tpu.dma_semaphore, #tpu.memory_space<semaphore_mem>>) src(%dma_wait3A_259 : memref<128x64xf32, #tpu.memory_space<vmem>>) dst(%dma_wait3A_256 : memref<128x64xf32, #tpu.memory_space<hbm>>)
      tpu.yield
    }) : () -> ()
    %add3A_230 = arith.constant 384 : i32
    %add3A_231 = arith.addi %mul3A_0, %add3A_230 : i32
    "tpu.region"() ({
      %run_scoped3A = tpu.sem_alloc : memref<!tpu.dma_semaphore, #tpu.memory_space<semaphore_mem>>
      %dma_start3A = arith.constant 0 : i32
      %dma_start3A_238 = arith.constant 0 : i32
      %dma_start3A_239 = tpu.memref_slice %arg8[%dma_start3A, %dma_start3A_238] : memref<128x64xf32, #tpu.memory_space<vmem>> -> memref<128x64xf32, #tpu.memory_space<vmem>>
      %dma_start3A_240 = arith.constant 0 : i32
      %dma_start3A_241 = tpu.memref_slice %arg10[%add3A_231, %dma_start3A_240] : memref<10112x64xf32, #tpu.memory_space<vmem_shared>> -> memref<128x64xf32, #tpu.memory_space<vmem_shared>>
      %dma_start3A_242 = arith.constant 0 : i32
      %dma_start3A_243 = arith.constant 0 : i32
      %dma_start3A_244 = tpu.memref_slice %arg8[%dma_start3A_242, %dma_start3A_243] : memref<128x64xf32, #tpu.memory_space<vmem>> -> memref<128x64xf32, #tpu.memory_space<vmem>>
      %dma_start3A_245 = arith.constant 0 : i32
      %dma_start3A_246 = tpu.memref_slice %arg10[%add3A_231, %dma_start3A_245] : memref<10112x64xf32, #tpu.memory_space<vmem_shared>> -> memref<128x64xf32, #tpu.memory_space<vmem_shared>>
      tpu.enqueue_dma source(%dma_start3A_246 : memref<128x64xf32, #tpu.memory_space<vmem_shared>>) target(%dma_start3A_244 : memref<128x64xf32, #tpu.memory_space<vmem>>) target_semaphore(%run_scoped3A : memref<!tpu.dma_semaphore, #tpu.memory_space<semaphore_mem>>)
      %dma_wait3A = arith.constant 0 : i32
      %dma_wait3A_247 = arith.constant 0 : i32
      %dma_wait3A_248 = tpu.memref_slice %arg8[%dma_wait3A, %dma_wait3A_247] : memref<128x64xf32, #tpu.memory_space<vmem>> -> memref<128x64xf32, #tpu.memory_space<vmem>>
      %dma_wait3A_249 = arith.constant 0 : i32
      %dma_wait3A_250 = tpu.memref_slice %arg10[%add3A_231, %dma_wait3A_249] : memref<10112x64xf32, #tpu.memory_space<vmem_shared>> -> memref<128x64xf32, #tpu.memory_space<vmem_shared>>
      %dma_wait3A_251 = arith.constant 0 : i32
      %dma_wait3A_252 = arith.constant 0 : i32
      %dma_wait3A_253 = tpu.memref_slice %arg8[%dma_wait3A_251, %dma_wait3A_252] : memref<128x64xf32, #tpu.memory_space<vmem>> -> memref<128x64xf32, #tpu.memory_space<vmem>>
      %dma_wait3A_254 = arith.constant 0 : i32
      %dma_wait3A_255 = tpu.memref_slice %arg10[%add3A_231, %dma_wait3A_254] : memref<10112x64xf32, #tpu.memory_space<vmem_shared>> -> memref<128x64xf32, #tpu.memory_space<vmem_shared>>
      tpu.wait_dma2 semaphore(%run_scoped3A : memref<!tpu.dma_semaphore, #tpu.memory_space<semaphore_mem>>) src(%dma_wait3A_255 : memref<128x64xf32, #tpu.memory_space<vmem_shared>>) dst(%dma_wait3A_253 : memref<128x64xf32, #tpu.memory_space<vmem>>)
      tpu.yield
    }) : () -> ()
    %add3A_232 = arith.constant 384 : i32
    %add3A_233 = arith.addi %mul3A_0, %add3A_232 : i32
    "tpu.region"() ({
      %run_scoped3A = tpu.sem_alloc : memref<!tpu.dma_semaphore, #tpu.memory_space<semaphore_mem>>
      %dma_start3A = arith.constant 0 : i32
      %dma_start3A_238 = arith.constant 0 : i32
      %dma_start3A_239 = tpu.memref_slice %arg8[%dma_start3A, %dma_start3A_238] : memref<128x64xf32, #tpu.memory_space<vmem>> -> memref<128x64xf32, #tpu.memory_space<vmem>>
      %dma_start3A_240 = arith.constant 0 : i32
      %dma_start3A_241 = tpu.memref_slice %arg5[%arg0, %add3A_233, %dma_start3A_240] : memref<2x10112x64xf32, #tpu.memory_space<hbm>> -> memref<1x128x64xf32, #tpu.memory_space<hbm>>
      %dma_start3A_242 = tpu.memref_squeeze %dma_start3A_241 : memref<1x128x64xf32, #tpu.memory_space<hbm>> -> memref<128x64xf32, #tpu.memory_space<hbm>>
      %dma_start3A_243 = arith.constant 0 : i32
      %dma_start3A_244 = tpu.memref_slice %arg5[%arg0, %add3A_233, %dma_start3A_243] : memref<2x10112x64xf32, #tpu.memory_space<hbm>> -> memref<1x128x64xf32, #tpu.memory_space<hbm>>
      %dma_start3A_245 = tpu.memref_squeeze %dma_start3A_244 : memref<1x128x64xf32, #tpu.memory_space<hbm>> -> memref<128x64xf32, #tpu.memory_space<hbm>>
      %dma_start3A_246 = arith.constant 0 : i32
      %dma_start3A_247 = arith.constant 0 : i32
      %dma_start3A_248 = tpu.memref_slice %arg8[%dma_start3A_246, %dma_start3A_247] : memref<128x64xf32, #tpu.memory_space<vmem>> -> memref<128x64xf32, #tpu.memory_space<vmem>>
      tpu.enqueue_dma source(%dma_start3A_248 : memref<128x64xf32, #tpu.memory_space<vmem>>) target(%dma_start3A_245 : memref<128x64xf32, #tpu.memory_space<hbm>>) target_semaphore(%run_scoped3A : memref<!tpu.dma_semaphore, #tpu.memory_space<semaphore_mem>>)
      %dma_wait3A = arith.constant 0 : i32
      %dma_wait3A_249 = arith.constant 0 : i32
      %dma_wait3A_250 = tpu.memref_slice %arg8[%dma_wait3A, %dma_wait3A_249] : memref<128x64xf32, #tpu.memory_space<vmem>> -> memref<128x64xf32, #tpu.memory_space<vmem>>
      %dma_wait3A_251 = arith.constant 0 : i32
      %dma_wait3A_252 = tpu.memref_slice %arg5[%arg0, %add3A_233, %dma_wait3A_251] : memref<2x10112x64xf32, #tpu.memory_space<hbm>> -> memref<1x128x64xf32, #tpu.memory_space<hbm>>
      %dma_wait3A_253 = tpu.memref_squeeze %dma_wait3A_252 : memref<1x128x64xf32, #tpu.memory_space<hbm>> -> memref<128x64xf32, #tpu.memory_space<hbm>>
      %dma_wait3A_254 = arith.constant 0 : i32
      %dma_wait3A_255 = tpu.memref_slice %arg5[%arg0, %add3A_233, %dma_wait3A_254] : memref<2x10112x64xf32, #tpu.memory_space<hbm>> -> memref<1x128x64xf32, #tpu.memory_space<hbm>>
      %dma_wait3A_256 = tpu.memref_squeeze %dma_wait3A_255 : memref<1x128x64xf32, #tpu.memory_space<hbm>> -> memref<128x64xf32, #tpu.memory_space<hbm>>
      %dma_wait3A_257 = arith.constant 0 : i32
      %dma_wait3A_258 = arith.constant 0 : i32
      %dma_wait3A_259 = tpu.memref_slice %arg8[%dma_wait3A_257, %dma_wait3A_258] : memref<128x64xf32, #tpu.memory_space<vmem>> -> memref<128x64xf32, #tpu.memory_space<vmem>>
      tpu.wait_dma2 semaphore(%run_scoped3A : memref<!tpu.dma_semaphore, #tpu.memory_space<semaphore_mem>>) src(%dma_wait3A_259 : memref<128x64xf32, #tpu.memory_space<vmem>>) dst(%dma_wait3A_256 : memref<128x64xf32, #tpu.memory_space<hbm>>)
      tpu.yield
    }) : () -> ()
    %add3A_234 = arith.constant 512 : i32
    %add3A_235 = arith.addi %mul3A_0, %add3A_234 : i32
    "tpu.region"() ({
      %run_scoped3A = tpu.sem_alloc : memref<!tpu.dma_semaphore, #tpu.memory_space<semaphore_mem>>
      %dma_start3A = arith.constant 0 : i32
      %dma_start3A_238 = arith.constant 0 : i32
      %dma_start3A_239 = tpu.memref_slice %arg8[%dma_start3A, %dma_start3A_238] : memref<128x64xf32, #tpu.memory_space<vmem>> -> memref<120x64xf32, #tpu.memory_space<vmem>>
      %dma_start3A_240 = arith.constant 0 : i32
      %dma_start3A_241 = tpu.memref_slice %arg10[%add3A_235, %dma_start3A_240] : memref<10112x64xf32, #tpu.memory_space<vmem_shared>> -> memref<120x64xf32, #tpu.memory_space<vmem_shared>>
      %dma_start3A_242 = arith.constant 0 : i32
      %dma_start3A_243 = arith.constant 0 : i32
      %dma_start3A_244 = tpu.memref_slice %arg8[%dma_start3A_242, %dma_start3A_243] : memref<128x64xf32, #tpu.memory_space<vmem>> -> memref<120x64xf32, #tpu.memory_space<vmem>>
      %dma_start3A_245 = arith.constant 0 : i32
      %dma_start3A_246 = tpu.memref_slice %arg10[%add3A_235, %dma_start3A_245] : memref<10112x64xf32, #tpu.memory_space<vmem_shared>> -> memref<120x64xf32, #tpu.memory_space<vmem_shared>>
      tpu.enqueue_dma source(%dma_start3A_246 : memref<120x64xf32, #tpu.memory_space<vmem_shared>>) target(%dma_start3A_244 : memref<120x64xf32, #tpu.memory_space<vmem>>) target_semaphore(%run_scoped3A : memref<!tpu.dma_semaphore, #tpu.memory_space<semaphore_mem>>)
      %dma_wait3A = arith.constant 0 : i32
      %dma_wait3A_247 = arith.constant 0 : i32
      %dma_wait3A_248 = tpu.memref_slice %arg8[%dma_wait3A, %dma_wait3A_247] : memref<128x64xf32, #tpu.memory_space<vmem>> -> memref<120x64xf32, #tpu.memory_space<vmem>>
      %dma_wait3A_249 = arith.constant 0 : i32
      %dma_wait3A_250 = tpu.memref_slice %arg10[%add3A_235, %dma_wait3A_249] : memref<10112x64xf32, #tpu.memory_space<vmem_shared>> -> memref<120x64xf32, #tpu.memory_space<vmem_shared>>
      %dma_wait3A_251 = arith.constant 0 : i32
      %dma_wait3A_252 = arith.constant 0 : i32
      %dma_wait3A_253 = tpu.memref_slice %arg8[%dma_wait3A_251, %dma_wait3A_252] : memref<128x64xf32, #tpu.memory_space<vmem>> -> memref<120x64xf32, #tpu.memory_space<vmem>>
      %dma_wait3A_254 = arith.constant 0 : i32
      %dma_wait3A_255 = tpu.memref_slice %arg10[%add3A_235, %dma_wait3A_254] : memref<10112x64xf32, #tpu.memory_space<vmem_shared>> -> memref<120x64xf32, #tpu.memory_space<vmem_shared>>
      tpu.wait_dma2 semaphore(%run_scoped3A : memref<!tpu.dma_semaphore, #tpu.memory_space<semaphore_mem>>) src(%dma_wait3A_255 : memref<120x64xf32, #tpu.memory_space<vmem_shared>>) dst(%dma_wait3A_253 : memref<120x64xf32, #tpu.memory_space<vmem>>)
      tpu.yield
    }) : () -> ()
    %add3A_236 = arith.constant 512 : i32
    %add3A_237 = arith.addi %mul3A_0, %add3A_236 : i32
    "tpu.region"() ({
      %run_scoped3A = tpu.sem_alloc : memref<!tpu.dma_semaphore, #tpu.memory_space<semaphore_mem>>
      %dma_start3A = arith.constant 0 : i32
      %dma_start3A_238 = arith.constant 0 : i32
      %dma_start3A_239 = tpu.memref_slice %arg8[%dma_start3A, %dma_start3A_238] : memref<128x64xf32, #tpu.memory_space<vmem>> -> memref<120x64xf32, #tpu.memory_space<vmem>>
      %dma_start3A_240 = arith.constant 0 : i32
      %dma_start3A_241 = tpu.memref_slice %arg5[%arg0, %add3A_237, %dma_start3A_240] : memref<2x10112x64xf32, #tpu.memory_space<hbm>> -> memref<1x120x64xf32, #tpu.memory_space<hbm>>
      %dma_start3A_242 = tpu.memref_squeeze %dma_start3A_241 : memref<1x120x64xf32, #tpu.memory_space<hbm>> -> memref<120x64xf32, #tpu.memory_space<hbm>>
      %dma_start3A_243 = arith.constant 0 : i32
      %dma_start3A_244 = tpu.memref_slice %arg5[%arg0, %add3A_237, %dma_start3A_243] : memref<2x10112x64xf32, #tpu.memory_space<hbm>> -> memref<1x120x64xf32, #tpu.memory_space<hbm>>
      %dma_start3A_245 = tpu.memref_squeeze %dma_start3A_244 : memref<1x120x64xf32, #tpu.memory_space<hbm>> -> memref<120x64xf32, #tpu.memory_space<hbm>>
      %dma_start3A_246 = arith.constant 0 : i32
      %dma_start3A_247 = arith.constant 0 : i32
      %dma_start3A_248 = tpu.memref_slice %arg8[%dma_start3A_246, %dma_start3A_247] : memref<128x64xf32, #tpu.memory_space<vmem>> -> memref<120x64xf32, #tpu.memory_space<vmem>>
      tpu.enqueue_dma source(%dma_start3A_248 : memref<120x64xf32, #tpu.memory_space<vmem>>) target(%dma_start3A_245 : memref<120x64xf32, #tpu.memory_space<hbm>>) target_semaphore(%run_scoped3A : memref<!tpu.dma_semaphore, #tpu.memory_space<semaphore_mem>>)
      %dma_wait3A = arith.constant 0 : i32
      %dma_wait3A_249 = arith.constant 0 : i32
      %dma_wait3A_250 = tpu.memref_slice %arg8[%dma_wait3A, %dma_wait3A_249] : memref<128x64xf32, #tpu.memory_space<vmem>> -> memref<120x64xf32, #tpu.memory_space<vmem>>
      %dma_wait3A_251 = arith.constant 0 : i32
      %dma_wait3A_252 = tpu.memref_slice %arg5[%arg0, %add3A_237, %dma_wait3A_251] : memref<2x10112x64xf32, #tpu.memory_space<hbm>> -> memref<1x120x64xf32, #tpu.memory_space<hbm>>
      %dma_wait3A_253 = tpu.memref_squeeze %dma_wait3A_252 : memref<1x120x64xf32, #tpu.memory_space<hbm>> -> memref<120x64xf32, #tpu.memory_space<hbm>>
      %dma_wait3A_254 = arith.constant 0 : i32
      %dma_wait3A_255 = tpu.memref_slice %arg5[%arg0, %add3A_237, %dma_wait3A_254] : memref<2x10112x64xf32, #tpu.memory_space<hbm>> -> memref<1x120x64xf32, #tpu.memory_space<hbm>>
      %dma_wait3A_256 = tpu.memref_squeeze %dma_wait3A_255 : memref<1x120x64xf32, #tpu.memory_space<hbm>> -> memref<120x64xf32, #tpu.memory_space<hbm>>
      %dma_wait3A_257 = arith.constant 0 : i32
      %dma_wait3A_258 = arith.constant 0 : i32
      %dma_wait3A_259 = tpu.memref_slice %arg8[%dma_wait3A_257, %dma_wait3A_258] : memref<128x64xf32, #tpu.memory_space<vmem>> -> memref<120x64xf32, #tpu.memory_space<vmem>>
      tpu.wait_dma2 semaphore(%run_scoped3A : memref<!tpu.dma_semaphore, #tpu.memory_space<semaphore_mem>>) src(%dma_wait3A_259 : memref<120x64xf32, #tpu.memory_space<vmem>>) dst(%dma_wait3A_256 : memref<120x64xf32, #tpu.memory_space<hbm>>)
      tpu.yield
    }) : () -> ()
    return
  }
}

#map = affine_map<(d0, d1) -> (0, 0, 0)>
#map1 = affine_map<(d0, d1) -> (0)>
module attributes {stable_mosaic.version = 14 : i64} {
  func.func @_degree_kernel(%arg0: i32, %arg1: i32, %arg2: memref<32x80x128xi32, #tpu.memory_space<hbm>>, %arg3: memref<32x80x128xi32, #tpu.memory_space<hbm>>, %arg4: memref<20224xf32, #tpu.memory_space<hbm>>, %arg5: memref<20224xf32, #tpu.memory_space<hbm>>, %arg6: memref<80x128xi32, #tpu.memory_space<vmem>>, %arg7: memref<80x128xi32, #tpu.memory_space<vmem>>, %arg8: memref<128xf32, #tpu.memory_space<vmem>>, %arg9: memref<640xf32, #tpu.memory_space<vmem>>, %arg10: memref<10112xf32, #tpu.memory_space<vmem_shared>>, %arg11: memref<10112xf32, #tpu.memory_space<vmem_shared>>) attributes {dimension_semantics = [#tpu.dimension_semantics<core_parallel>, #tpu.dimension_semantics<subcore_parallel>], iteration_bounds = array<i64: 2, 16>, scalar_prefetch = 0 : i64, scratch_operands = 6 : i64, tpu.core_type = #tpu.core_type<sc_vector_subcore>, window_params = [{transform_indices = #map}, {transform_indices = #map}, {transform_indices = #map1}, {transform_indices = #map1}]} {
    %mul3A = arith.constant 2 : i32
    %mul3A_0 = arith.muli %arg1, %mul3A : i32
    %add3A = arith.addi %mul3A_0, %arg0 : i32
    %mul3A_1 = arith.constant 632 : i32
    %mul3A_2 = arith.muli %arg1, %mul3A_1 : i32
    %broadcast_in_dim3A = arith.constant 0.000000e+00 : f32
    %broadcast_in_dim3A_3 = vector.broadcast %broadcast_in_dim3A : f32 to vector<16xf32>
    %swap3A = arith.constant 0 : index
    %swap3A_4 = tpu.vector_load %arg9[%swap3A] {strides = array<i32>} : memref<640xf32, #tpu.memory_space<vmem>>, vector<16xf32>,
    %swap3A_5 = vector.shape_cast %swap3A_4 : vector<16xf32> to vector<16xf32>
    %swap3A_6 = vector.shape_cast %broadcast_in_dim3A_3 : vector<16xf32> to vector<16xf32>
    tpu.vector_store %arg9[%swap3A], %swap3A_6 {strides = array<i32>} : memref<640xf32, #tpu.memory_space<vmem>>, vector<16xf32>,
    %broadcast_in_dim3A_7 = arith.constant 0.000000e+00 : f32
    %broadcast_in_dim3A_8 = vector.broadcast %broadcast_in_dim3A_7 : f32 to vector<16xf32>
    %swap3A_9 = arith.constant 16 : index
    %swap3A_10 = tpu.vector_load %arg9[%swap3A_9] {strides = array<i32>} : memref<640xf32, #tpu.memory_space<vmem>>, vector<16xf32>,
    %swap3A_11 = vector.shape_cast %swap3A_10 : vector<16xf32> to vector<16xf32>
    %swap3A_12 = vector.shape_cast %broadcast_in_dim3A_8 : vector<16xf32> to vector<16xf32>
    tpu.vector_store %arg9[%swap3A_9], %swap3A_12 {strides = array<i32>} : memref<640xf32, #tpu.memory_space<vmem>>, vector<16xf32>,
    %broadcast_in_dim3A_13 = arith.constant 0.000000e+00 : f32
    %broadcast_in_dim3A_14 = vector.broadcast %broadcast_in_dim3A_13 : f32 to vector<16xf32>
    %swap3A_15 = arith.constant 32 : index
    %swap3A_16 = tpu.vector_load %arg9[%swap3A_15] {strides = array<i32>} : memref<640xf32, #tpu.memory_space<vmem>>, vector<16xf32>,
    %swap3A_17 = vector.shape_cast %swap3A_16 : vector<16xf32> to vector<16xf32>
    %swap3A_18 = vector.shape_cast %broadcast_in_dim3A_14 : vector<16xf32> to vector<16xf32>
    tpu.vector_store %arg9[%swap3A_15], %swap3A_18 {strides = array<i32>} : memref<640xf32, #tpu.memory_space<vmem>>, vector<16xf32>,
    %broadcast_in_dim3A_19 = arith.constant 0.000000e+00 : f32
    %broadcast_in_dim3A_20 = vector.broadcast %broadcast_in_dim3A_19 : f32 to vector<16xf32>
    %swap3A_21 = arith.constant 48 : index
    %swap3A_22 = tpu.vector_load %arg9[%swap3A_21] {strides = array<i32>} : memref<640xf32, #tpu.memory_space<vmem>>, vector<16xf32>,
    %swap3A_23 = vector.shape_cast %swap3A_22 : vector<16xf32> to vector<16xf32>
    %swap3A_24 = vector.shape_cast %broadcast_in_dim3A_20 : vector<16xf32> to vector<16xf32>
    tpu.vector_store %arg9[%swap3A_21], %swap3A_24 {strides = array<i32>} : memref<640xf32, #tpu.memory_space<vmem>>, vector<16xf32>,
    %broadcast_in_dim3A_25 = arith.constant 0.000000e+00 : f32
    %broadcast_in_dim3A_26 = vector.broadcast %broadcast_in_dim3A_25 : f32 to vector<16xf32>
    %swap3A_27 = arith.constant 64 : index
    %swap3A_28 = tpu.vector_load %arg9[%swap3A_27] {strides = array<i32>} : memref<640xf32, #tpu.memory_space<vmem>>, vector<16xf32>,
    %swap3A_29 = vector.shape_cast %swap3A_28 : vector<16xf32> to vector<16xf32>
    %swap3A_30 = vector.shape_cast %broadcast_in_dim3A_26 : vector<16xf32> to vector<16xf32>
    tpu.vector_store %arg9[%swap3A_27], %swap3A_30 {strides = array<i32>} : memref<640xf32, #tpu.memory_space<vmem>>, vector<16xf32>,
    %broadcast_in_dim3A_31 = arith.constant 0.000000e+00 : f32
    %broadcast_in_dim3A_32 = vector.broadcast %broadcast_in_dim3A_31 : f32 to vector<16xf32>
    %swap3A_33 = arith.constant 80 : index
    %swap3A_34 = tpu.vector_load %arg9[%swap3A_33] {strides = array<i32>} : memref<640xf32, #tpu.memory_space<vmem>>, vector<16xf32>,
    %swap3A_35 = vector.shape_cast %swap3A_34 : vector<16xf32> to vector<16xf32>
    %swap3A_36 = vector.shape_cast %broadcast_in_dim3A_32 : vector<16xf32> to vector<16xf32>
    tpu.vector_store %arg9[%swap3A_33], %swap3A_36 {strides = array<i32>} : memref<640xf32, #tpu.memory_space<vmem>>, vector<16xf32>,
    %broadcast_in_dim3A_37 = arith.constant 0.000000e+00 : f32
    %broadcast_in_dim3A_38 = vector.broadcast %broadcast_in_dim3A_37 : f32 to vector<16xf32>
    %swap3A_39 = arith.constant 96 : index
    %swap3A_40 = tpu.vector_load %arg9[%swap3A_39] {strides = array<i32>} : memref<640xf32, #tpu.memory_space<vmem>>, vector<16xf32>,
    %swap3A_41 = vector.shape_cast %swap3A_40 : vector<16xf32> to vector<16xf32>
    %swap3A_42 = vector.shape_cast %broadcast_in_dim3A_38 : vector<16xf32> to vector<16xf32>
    tpu.vector_store %arg9[%swap3A_39], %swap3A_42 {strides = array<i32>} : memref<640xf32, #tpu.memory_space<vmem>>, vector<16xf32>,
    %broadcast_in_dim3A_43 = arith.constant 0.000000e+00 : f32
    %broadcast_in_dim3A_44 = vector.broadcast %broadcast_in_dim3A_43 : f32 to vector<16xf32>
    %swap3A_45 = arith.constant 112 : index
    %swap3A_46 = tpu.vector_load %arg9[%swap3A_45] {strides = array<i32>} : memref<640xf32, #tpu.memory_space<vmem>>, vector<16xf32>,
    %swap3A_47 = vector.shape_cast %swap3A_46 : vector<16xf32> to vector<16xf32>
    %swap3A_48 = vector.shape_cast %broadcast_in_dim3A_44 : vector<16xf32> to vector<16xf32>
    tpu.vector_store %arg9[%swap3A_45], %swap3A_48 {strides = array<i32>} : memref<640xf32, #tpu.memory_space<vmem>>, vector<16xf32>,
    %broadcast_in_dim3A_49 = arith.constant 0.000000e+00 : f32
    %broadcast_in_dim3A_50 = vector.broadcast %broadcast_in_dim3A_49 : f32 to vector<16xf32>
    %swap3A_51 = arith.constant 128 : index
    %swap3A_52 = tpu.vector_load %arg9[%swap3A_51] {strides = array<i32>} : memref<640xf32, #tpu.memory_space<vmem>>, vector<16xf32>,
    %swap3A_53 = vector.shape_cast %swap3A_52 : vector<16xf32> to vector<16xf32>
    %swap3A_54 = vector.shape_cast %broadcast_in_dim3A_50 : vector<16xf32> to vector<16xf32>
    tpu.vector_store %arg9[%swap3A_51], %swap3A_54 {strides = array<i32>} : memref<640xf32, #tpu.memory_space<vmem>>, vector<16xf32>,
    %broadcast_in_dim3A_55 = arith.constant 0.000000e+00 : f32
    %broadcast_in_dim3A_56 = vector.broadcast %broadcast_in_dim3A_55 : f32 to vector<16xf32>
    %swap3A_57 = arith.constant 144 : index
    %swap3A_58 = tpu.vector_load %arg9[%swap3A_57] {strides = array<i32>} : memref<640xf32, #tpu.memory_space<vmem>>, vector<16xf32>,
    %swap3A_59 = vector.shape_cast %swap3A_58 : vector<16xf32> to vector<16xf32>
    %swap3A_60 = vector.shape_cast %broadcast_in_dim3A_56 : vector<16xf32> to vector<16xf32>
    tpu.vector_store %arg9[%swap3A_57], %swap3A_60 {strides = array<i32>} : memref<640xf32, #tpu.memory_space<vmem>>, vector<16xf32>,
    %broadcast_in_dim3A_61 = arith.constant 0.000000e+00 : f32
    %broadcast_in_dim3A_62 = vector.broadcast %broadcast_in_dim3A_61 : f32 to vector<16xf32>
    %swap3A_63 = arith.constant 160 : index
    %swap3A_64 = tpu.vector_load %arg9[%swap3A_63] {strides = array<i32>} : memref<640xf32, #tpu.memory_space<vmem>>, vector<16xf32>,
    %swap3A_65 = vector.shape_cast %swap3A_64 : vector<16xf32> to vector<16xf32>
    %swap3A_66 = vector.shape_cast %broadcast_in_dim3A_62 : vector<16xf32> to vector<16xf32>
    tpu.vector_store %arg9[%swap3A_63], %swap3A_66 {strides = array<i32>} : memref<640xf32, #tpu.memory_space<vmem>>, vector<16xf32>,
    %broadcast_in_dim3A_67 = arith.constant 0.000000e+00 : f32
    %broadcast_in_dim3A_68 = vector.broadcast %broadcast_in_dim3A_67 : f32 to vector<16xf32>
    %swap3A_69 = arith.constant 176 : index
    %swap3A_70 = tpu.vector_load %arg9[%swap3A_69] {strides = array<i32>} : memref<640xf32, #tpu.memory_space<vmem>>, vector<16xf32>,
    %swap3A_71 = vector.shape_cast %swap3A_70 : vector<16xf32> to vector<16xf32>
    %swap3A_72 = vector.shape_cast %broadcast_in_dim3A_68 : vector<16xf32> to vector<16xf32>
    tpu.vector_store %arg9[%swap3A_69], %swap3A_72 {strides = array<i32>} : memref<640xf32, #tpu.memory_space<vmem>>, vector<16xf32>,
    %broadcast_in_dim3A_73 = arith.constant 0.000000e+00 : f32
    %broadcast_in_dim3A_74 = vector.broadcast %broadcast_in_dim3A_73 : f32 to vector<16xf32>
    %swap3A_75 = arith.constant 192 : index
    %swap3A_76 = tpu.vector_load %arg9[%swap3A_75] {strides = array<i32>} : memref<640xf32, #tpu.memory_space<vmem>>, vector<16xf32>,
    %swap3A_77 = vector.shape_cast %swap3A_76 : vector<16xf32> to vector<16xf32>
    %swap3A_78 = vector.shape_cast %broadcast_in_dim3A_74 : vector<16xf32> to vector<16xf32>
    tpu.vector_store %arg9[%swap3A_75], %swap3A_78 {strides = array<i32>} : memref<640xf32, #tpu.memory_space<vmem>>, vector<16xf32>,
    %broadcast_in_dim3A_79 = arith.constant 0.000000e+00 : f32
    %broadcast_in_dim3A_80 = vector.broadcast %broadcast_in_dim3A_79 : f32 to vector<16xf32>
    %swap3A_81 = arith.constant 208 : index
    %swap3A_82 = tpu.vector_load %arg9[%swap3A_81] {strides = array<i32>} : memref<640xf32, #tpu.memory_space<vmem>>, vector<16xf32>,
    %swap3A_83 = vector.shape_cast %swap3A_82 : vector<16xf32> to vector<16xf32>
    %swap3A_84 = vector.shape_cast %broadcast_in_dim3A_80 : vector<16xf32> to vector<16xf32>
    tpu.vector_store %arg9[%swap3A_81], %swap3A_84 {strides = array<i32>} : memref<640xf32, #tpu.memory_space<vmem>>, vector<16xf32>,
    %broadcast_in_dim3A_85 = arith.constant 0.000000e+00 : f32
    %broadcast_in_dim3A_86 = vector.broadcast %broadcast_in_dim3A_85 : f32 to vector<16xf32>
    %swap3A_87 = arith.constant 224 : index
    %swap3A_88 = tpu.vector_load %arg9[%swap3A_87] {strides = array<i32>} : memref<640xf32, #tpu.memory_space<vmem>>, vector<16xf32>,
    %swap3A_89 = vector.shape_cast %swap3A_88 : vector<16xf32> to vector<16xf32>
    %swap3A_90 = vector.shape_cast %broadcast_in_dim3A_86 : vector<16xf32> to vector<16xf32>
    tpu.vector_store %arg9[%swap3A_87], %swap3A_90 {strides = array<i32>} : memref<640xf32, #tpu.memory_space<vmem>>, vector<16xf32>,
    %broadcast_in_dim3A_91 = arith.constant 0.000000e+00 : f32
    %broadcast_in_dim3A_92 = vector.broadcast %broadcast_in_dim3A_91 : f32 to vector<16xf32>
    %swap3A_93 = arith.constant 240 : index
    %swap3A_94 = tpu.vector_load %arg9[%swap3A_93] {strides = array<i32>} : memref<640xf32, #tpu.memory_space<vmem>>, vector<16xf32>,
    %swap3A_95 = vector.shape_cast %swap3A_94 : vector<16xf32> to vector<16xf32>
    %swap3A_96 = vector.shape_cast %broadcast_in_dim3A_92 : vector<16xf32> to vector<16xf32>
    tpu.vector_store %arg9[%swap3A_93], %swap3A_96 {strides = array<i32>} : memref<640xf32, #tpu.memory_space<vmem>>, vector<16xf32>,
    %broadcast_in_dim3A_97 = arith.constant 0.000000e+00 : f32
    %broadcast_in_dim3A_98 = vector.broadcast %broadcast_in_dim3A_97 : f32 to vector<16xf32>
    %swap3A_99 = arith.constant 256 : index
    %swap3A_100 = tpu.vector_load %arg9[%swap3A_99] {strides = array<i32>} : memref<640xf32, #tpu.memory_space<vmem>>, vector<16xf32>,
    %swap3A_101 = vector.shape_cast %swap3A_100 : vector<16xf32> to vector<16xf32>
    %swap3A_102 = vector.shape_cast %broadcast_in_dim3A_98 : vector<16xf32> to vector<16xf32>
    tpu.vector_store %arg9[%swap3A_99], %swap3A_102 {strides = array<i32>} : memref<640xf32, #tpu.memory_space<vmem>>, vector<16xf32>,
    %broadcast_in_dim3A_103 = arith.constant 0.000000e+00 : f32
    %broadcast_in_dim3A_104 = vector.broadcast %broadcast_in_dim3A_103 : f32 to vector<16xf32>
    %swap3A_105 = arith.constant 272 : index
    %swap3A_106 = tpu.vector_load %arg9[%swap3A_105] {strides = array<i32>} : memref<640xf32, #tpu.memory_space<vmem>>, vector<16xf32>,
    %swap3A_107 = vector.shape_cast %swap3A_106 : vector<16xf32> to vector<16xf32>
    %swap3A_108 = vector.shape_cast %broadcast_in_dim3A_104 : vector<16xf32> to vector<16xf32>
    tpu.vector_store %arg9[%swap3A_105], %swap3A_108 {strides = array<i32>} : memref<640xf32, #tpu.memory_space<vmem>>, vector<16xf32>,
    %broadcast_in_dim3A_109 = arith.constant 0.000000e+00 : f32
    %broadcast_in_dim3A_110 = vector.broadcast %broadcast_in_dim3A_109 : f32 to vector<16xf32>
    %swap3A_111 = arith.constant 288 : index
    %swap3A_112 = tpu.vector_load %arg9[%swap3A_111] {strides = array<i32>} : memref<640xf32, #tpu.memory_space<vmem>>, vector<16xf32>,
    %swap3A_113 = vector.shape_cast %swap3A_112 : vector<16xf32> to vector<16xf32>
    %swap3A_114 = vector.shape_cast %broadcast_in_dim3A_110 : vector<16xf32> to vector<16xf32>
    tpu.vector_store %arg9[%swap3A_111], %swap3A_114 {strides = array<i32>} : memref<640xf32, #tpu.memory_space<vmem>>, vector<16xf32>,
    %broadcast_in_dim3A_115 = arith.constant 0.000000e+00 : f32
    %broadcast_in_dim3A_116 = vector.broadcast %broadcast_in_dim3A_115 : f32 to vector<16xf32>
    %swap3A_117 = arith.constant 304 : index
    %swap3A_118 = tpu.vector_load %arg9[%swap3A_117] {strides = array<i32>} : memref<640xf32, #tpu.memory_space<vmem>>, vector<16xf32>,
    %swap3A_119 = vector.shape_cast %swap3A_118 : vector<16xf32> to vector<16xf32>
    %swap3A_120 = vector.shape_cast %broadcast_in_dim3A_116 : vector<16xf32> to vector<16xf32>
    tpu.vector_store %arg9[%swap3A_117], %swap3A_120 {strides = array<i32>} : memref<640xf32, #tpu.memory_space<vmem>>, vector<16xf32>,
    %broadcast_in_dim3A_121 = arith.constant 0.000000e+00 : f32
    %broadcast_in_dim3A_122 = vector.broadcast %broadcast_in_dim3A_121 : f32 to vector<16xf32>
    %swap3A_123 = arith.constant 320 : index
    %swap3A_124 = tpu.vector_load %arg9[%swap3A_123] {strides = array<i32>} : memref<640xf32, #tpu.memory_space<vmem>>, vector<16xf32>,
    %swap3A_125 = vector.shape_cast %swap3A_124 : vector<16xf32> to vector<16xf32>
    %swap3A_126 = vector.shape_cast %broadcast_in_dim3A_122 : vector<16xf32> to vector<16xf32>
    tpu.vector_store %arg9[%swap3A_123], %swap3A_126 {strides = array<i32>} : memref<640xf32, #tpu.memory_space<vmem>>, vector<16xf32>,
    %broadcast_in_dim3A_127 = arith.constant 0.000000e+00 : f32
    %broadcast_in_dim3A_128 = vector.broadcast %broadcast_in_dim3A_127 : f32 to vector<16xf32>
    %swap3A_129 = arith.constant 336 : index
    %swap3A_130 = tpu.vector_load %arg9[%swap3A_129] {strides = array<i32>} : memref<640xf32, #tpu.memory_space<vmem>>, vector<16xf32>,
    %swap3A_131 = vector.shape_cast %swap3A_130 : vector<16xf32> to vector<16xf32>
    %swap3A_132 = vector.shape_cast %broadcast_in_dim3A_128 : vector<16xf32> to vector<16xf32>
    tpu.vector_store %arg9[%swap3A_129], %swap3A_132 {strides = array<i32>} : memref<640xf32, #tpu.memory_space<vmem>>, vector<16xf32>,
    %broadcast_in_dim3A_133 = arith.constant 0.000000e+00 : f32
    %broadcast_in_dim3A_134 = vector.broadcast %broadcast_in_dim3A_133 : f32 to vector<16xf32>
    %swap3A_135 = arith.constant 352 : index
    %swap3A_136 = tpu.vector_load %arg9[%swap3A_135] {strides = array<i32>} : memref<640xf32, #tpu.memory_space<vmem>>, vector<16xf32>,
    %swap3A_137 = vector.shape_cast %swap3A_136 : vector<16xf32> to vector<16xf32>
    %swap3A_138 = vector.shape_cast %broadcast_in_dim3A_134 : vector<16xf32> to vector<16xf32>
    tpu.vector_store %arg9[%swap3A_135], %swap3A_138 {strides = array<i32>} : memref<640xf32, #tpu.memory_space<vmem>>, vector<16xf32>,
    %broadcast_in_dim3A_139 = arith.constant 0.000000e+00 : f32
    %broadcast_in_dim3A_140 = vector.broadcast %broadcast_in_dim3A_139 : f32 to vector<16xf32>
    %swap3A_141 = arith.constant 368 : index
    %swap3A_142 = tpu.vector_load %arg9[%swap3A_141] {strides = array<i32>} : memref<640xf32, #tpu.memory_space<vmem>>, vector<16xf32>,
    %swap3A_143 = vector.shape_cast %swap3A_142 : vector<16xf32> to vector<16xf32>
    %swap3A_144 = vector.shape_cast %broadcast_in_dim3A_140 : vector<16xf32> to vector<16xf32>
    tpu.vector_store %arg9[%swap3A_141], %swap3A_144 {strides = array<i32>} : memref<640xf32, #tpu.memory_space<vmem>>, vector<16xf32>,
    %broadcast_in_dim3A_145 = arith.constant 0.000000e+00 : f32
    %broadcast_in_dim3A_146 = vector.broadcast %broadcast_in_dim3A_145 : f32 to vector<16xf32>
    %swap3A_147 = arith.constant 384 : index
    %swap3A_148 = tpu.vector_load %arg9[%swap3A_147] {strides = array<i32>} : memref<640xf32, #tpu.memory_space<vmem>>, vector<16xf32>,
    %swap3A_149 = vector.shape_cast %swap3A_148 : vector<16xf32> to vector<16xf32>
    %swap3A_150 = vector.shape_cast %broadcast_in_dim3A_146 : vector<16xf32> to vector<16xf32>
    tpu.vector_store %arg9[%swap3A_147], %swap3A_150 {strides = array<i32>} : memref<640xf32, #tpu.memory_space<vmem>>, vector<16xf32>,
    %broadcast_in_dim3A_151 = arith.constant 0.000000e+00 : f32
    %broadcast_in_dim3A_152 = vector.broadcast %broadcast_in_dim3A_151 : f32 to vector<16xf32>
    %swap3A_153 = arith.constant 400 : index
    %swap3A_154 = tpu.vector_load %arg9[%swap3A_153] {strides = array<i32>} : memref<640xf32, #tpu.memory_space<vmem>>, vector<16xf32>,
    %swap3A_155 = vector.shape_cast %swap3A_154 : vector<16xf32> to vector<16xf32>
    %swap3A_156 = vector.shape_cast %broadcast_in_dim3A_152 : vector<16xf32> to vector<16xf32>
    tpu.vector_store %arg9[%swap3A_153], %swap3A_156 {strides = array<i32>} : memref<640xf32, #tpu.memory_space<vmem>>, vector<16xf32>,
    %broadcast_in_dim3A_157 = arith.constant 0.000000e+00 : f32
    %broadcast_in_dim3A_158 = vector.broadcast %broadcast_in_dim3A_157 : f32 to vector<16xf32>
    %swap3A_159 = arith.constant 416 : index
    %swap3A_160 = tpu.vector_load %arg9[%swap3A_159] {strides = array<i32>} : memref<640xf32, #tpu.memory_space<vmem>>, vector<16xf32>,
    %swap3A_161 = vector.shape_cast %swap3A_160 : vector<16xf32> to vector<16xf32>
    %swap3A_162 = vector.shape_cast %broadcast_in_dim3A_158 : vector<16xf32> to vector<16xf32>
    tpu.vector_store %arg9[%swap3A_159], %swap3A_162 {strides = array<i32>} : memref<640xf32, #tpu.memory_space<vmem>>, vector<16xf32>,
    %broadcast_in_dim3A_163 = arith.constant 0.000000e+00 : f32
    %broadcast_in_dim3A_164 = vector.broadcast %broadcast_in_dim3A_163 : f32 to vector<16xf32>
    %swap3A_165 = arith.constant 432 : index
    %swap3A_166 = tpu.vector_load %arg9[%swap3A_165] {strides = array<i32>} : memref<640xf32, #tpu.memory_space<vmem>>, vector<16xf32>,
    %swap3A_167 = vector.shape_cast %swap3A_166 : vector<16xf32> to vector<16xf32>
    %swap3A_168 = vector.shape_cast %broadcast_in_dim3A_164 : vector<16xf32> to vector<16xf32>
    tpu.vector_store %arg9[%swap3A_165], %swap3A_168 {strides = array<i32>} : memref<640xf32, #tpu.memory_space<vmem>>, vector<16xf32>,
    %broadcast_in_dim3A_169 = arith.constant 0.000000e+00 : f32
    %broadcast_in_dim3A_170 = vector.broadcast %broadcast_in_dim3A_169 : f32 to vector<16xf32>
    %swap3A_171 = arith.constant 448 : index
    %swap3A_172 = tpu.vector_load %arg9[%swap3A_171] {strides = array<i32>} : memref<640xf32, #tpu.memory_space<vmem>>, vector<16xf32>,
    %swap3A_173 = vector.shape_cast %swap3A_172 : vector<16xf32> to vector<16xf32>
    %swap3A_174 = vector.shape_cast %broadcast_in_dim3A_170 : vector<16xf32> to vector<16xf32>
    tpu.vector_store %arg9[%swap3A_171], %swap3A_174 {strides = array<i32>} : memref<640xf32, #tpu.memory_space<vmem>>, vector<16xf32>,
    %broadcast_in_dim3A_175 = arith.constant 0.000000e+00 : f32
    %broadcast_in_dim3A_176 = vector.broadcast %broadcast_in_dim3A_175 : f32 to vector<16xf32>
    %swap3A_177 = arith.constant 464 : index
    %swap3A_178 = tpu.vector_load %arg9[%swap3A_177] {strides = array<i32>} : memref<640xf32, #tpu.memory_space<vmem>>, vector<16xf32>,
    %swap3A_179 = vector.shape_cast %swap3A_178 : vector<16xf32> to vector<16xf32>
    %swap3A_180 = vector.shape_cast %broadcast_in_dim3A_176 : vector<16xf32> to vector<16xf32>
    tpu.vector_store %arg9[%swap3A_177], %swap3A_180 {strides = array<i32>} : memref<640xf32, #tpu.memory_space<vmem>>, vector<16xf32>,
    %broadcast_in_dim3A_181 = arith.constant 0.000000e+00 : f32
    %broadcast_in_dim3A_182 = vector.broadcast %broadcast_in_dim3A_181 : f32 to vector<16xf32>
    %swap3A_183 = arith.constant 480 : index
    %swap3A_184 = tpu.vector_load %arg9[%swap3A_183] {strides = array<i32>} : memref<640xf32, #tpu.memory_space<vmem>>, vector<16xf32>,
    %swap3A_185 = vector.shape_cast %swap3A_184 : vector<16xf32> to vector<16xf32>
    %swap3A_186 = vector.shape_cast %broadcast_in_dim3A_182 : vector<16xf32> to vector<16xf32>
    tpu.vector_store %arg9[%swap3A_183], %swap3A_186 {strides = array<i32>} : memref<640xf32, #tpu.memory_space<vmem>>, vector<16xf32>,
    %broadcast_in_dim3A_187 = arith.constant 0.000000e+00 : f32
    %broadcast_in_dim3A_188 = vector.broadcast %broadcast_in_dim3A_187 : f32 to vector<16xf32>
    %swap3A_189 = arith.constant 496 : index
    %swap3A_190 = tpu.vector_load %arg9[%swap3A_189] {strides = array<i32>} : memref<640xf32, #tpu.memory_space<vmem>>, vector<16xf32>,
    %swap3A_191 = vector.shape_cast %swap3A_190 : vector<16xf32> to vector<16xf32>
    %swap3A_192 = vector.shape_cast %broadcast_in_dim3A_188 : vector<16xf32> to vector<16xf32>
    tpu.vector_store %arg9[%swap3A_189], %swap3A_192 {strides = array<i32>} : memref<640xf32, #tpu.memory_space<vmem>>, vector<16xf32>,
    %broadcast_in_dim3A_193 = arith.constant 0.000000e+00 : f32
    %broadcast_in_dim3A_194 = vector.broadcast %broadcast_in_dim3A_193 : f32 to vector<16xf32>
    %swap3A_195 = arith.constant 512 : index
    %swap3A_196 = tpu.vector_load %arg9[%swap3A_195] {strides = array<i32>} : memref<640xf32, #tpu.memory_space<vmem>>, vector<16xf32>,
    %swap3A_197 = vector.shape_cast %swap3A_196 : vector<16xf32> to vector<16xf32>
    %swap3A_198 = vector.shape_cast %broadcast_in_dim3A_194 : vector<16xf32> to vector<16xf32>
    tpu.vector_store %arg9[%swap3A_195], %swap3A_198 {strides = array<i32>} : memref<640xf32, #tpu.memory_space<vmem>>, vector<16xf32>,
    %broadcast_in_dim3A_199 = arith.constant 0.000000e+00 : f32
    %broadcast_in_dim3A_200 = vector.broadcast %broadcast_in_dim3A_199 : f32 to vector<16xf32>
    %swap3A_201 = arith.constant 528 : index
    %swap3A_202 = tpu.vector_load %arg9[%swap3A_201] {strides = array<i32>} : memref<640xf32, #tpu.memory_space<vmem>>, vector<16xf32>,
    %swap3A_203 = vector.shape_cast %swap3A_202 : vector<16xf32> to vector<16xf32>
    %swap3A_204 = vector.shape_cast %broadcast_in_dim3A_200 : vector<16xf32> to vector<16xf32>
    tpu.vector_store %arg9[%swap3A_201], %swap3A_204 {strides = array<i32>} : memref<640xf32, #tpu.memory_space<vmem>>, vector<16xf32>,
    %broadcast_in_dim3A_205 = arith.constant 0.000000e+00 : f32
    %broadcast_in_dim3A_206 = vector.broadcast %broadcast_in_dim3A_205 : f32 to vector<16xf32>
    %swap3A_207 = arith.constant 544 : index
    %swap3A_208 = tpu.vector_load %arg9[%swap3A_207] {strides = array<i32>} : memref<640xf32, #tpu.memory_space<vmem>>, vector<16xf32>,
    %swap3A_209 = vector.shape_cast %swap3A_208 : vector<16xf32> to vector<16xf32>
    %swap3A_210 = vector.shape_cast %broadcast_in_dim3A_206 : vector<16xf32> to vector<16xf32>
    tpu.vector_store %arg9[%swap3A_207], %swap3A_210 {strides = array<i32>} : memref<640xf32, #tpu.memory_space<vmem>>, vector<16xf32>,
    %broadcast_in_dim3A_211 = arith.constant 0.000000e+00 : f32
    %broadcast_in_dim3A_212 = vector.broadcast %broadcast_in_dim3A_211 : f32 to vector<16xf32>
    %swap3A_213 = arith.constant 560 : index
    %swap3A_214 = tpu.vector_load %arg9[%swap3A_213] {strides = array<i32>} : memref<640xf32, #tpu.memory_space<vmem>>, vector<16xf32>,
    %swap3A_215 = vector.shape_cast %swap3A_214 : vector<16xf32> to vector<16xf32>
    %swap3A_216 = vector.shape_cast %broadcast_in_dim3A_212 : vector<16xf32> to vector<16xf32>
    tpu.vector_store %arg9[%swap3A_213], %swap3A_216 {strides = array<i32>} : memref<640xf32, #tpu.memory_space<vmem>>, vector<16xf32>,
    %broadcast_in_dim3A_217 = arith.constant 0.000000e+00 : f32
    %broadcast_in_dim3A_218 = vector.broadcast %broadcast_in_dim3A_217 : f32 to vector<16xf32>
    %swap3A_219 = arith.constant 576 : index
    %swap3A_220 = tpu.vector_load %arg9[%swap3A_219] {strides = array<i32>} : memref<640xf32, #tpu.memory_space<vmem>>, vector<16xf32>,
    %swap3A_221 = vector.shape_cast %swap3A_220 : vector<16xf32> to vector<16xf32>
    %swap3A_222 = vector.shape_cast %broadcast_in_dim3A_218 : vector<16xf32> to vector<16xf32>
    tpu.vector_store %arg9[%swap3A_219], %swap3A_222 {strides = array<i32>} : memref<640xf32, #tpu.memory_space<vmem>>, vector<16xf32>,
    %broadcast_in_dim3A_223 = arith.constant 0.000000e+00 : f32
    %broadcast_in_dim3A_224 = vector.broadcast %broadcast_in_dim3A_223 : f32 to vector<16xf32>
    %swap3A_225 = arith.constant 592 : index
    %swap3A_226 = tpu.vector_load %arg9[%swap3A_225] {strides = array<i32>} : memref<640xf32, #tpu.memory_space<vmem>>, vector<16xf32>,
    %swap3A_227 = vector.shape_cast %swap3A_226 : vector<16xf32> to vector<16xf32>
    %swap3A_228 = vector.shape_cast %broadcast_in_dim3A_224 : vector<16xf32> to vector<16xf32>
    tpu.vector_store %arg9[%swap3A_225], %swap3A_228 {strides = array<i32>} : memref<640xf32, #tpu.memory_space<vmem>>, vector<16xf32>,
    %broadcast_in_dim3A_229 = arith.constant 0.000000e+00 : f32
    %broadcast_in_dim3A_230 = vector.broadcast %broadcast_in_dim3A_229 : f32 to vector<16xf32>
    %swap3A_231 = arith.constant 608 : index
    %swap3A_232 = tpu.vector_load %arg9[%swap3A_231] {strides = array<i32>} : memref<640xf32, #tpu.memory_space<vmem>>, vector<16xf32>,
    %swap3A_233 = vector.shape_cast %swap3A_232 : vector<16xf32> to vector<16xf32>
    %swap3A_234 = vector.shape_cast %broadcast_in_dim3A_230 : vector<16xf32> to vector<16xf32>
    tpu.vector_store %arg9[%swap3A_231], %swap3A_234 {strides = array<i32>} : memref<640xf32, #tpu.memory_space<vmem>>, vector<16xf32>,
    %broadcast_in_dim3A_235 = arith.constant 0.000000e+00 : f32
    %broadcast_in_dim3A_236 = vector.broadcast %broadcast_in_dim3A_235 : f32 to vector<16xf32>
    %swap3A_237 = arith.constant 624 : index
    %swap3A_238 = tpu.vector_load %arg9[%swap3A_237] {strides = array<i32>} : memref<640xf32, #tpu.memory_space<vmem>>, vector<16xf32>,
    %swap3A_239 = vector.shape_cast %swap3A_238 : vector<16xf32> to vector<16xf32>
    %swap3A_240 = vector.shape_cast %broadcast_in_dim3A_236 : vector<16xf32> to vector<16xf32>
    tpu.vector_store %arg9[%swap3A_237], %swap3A_240 {strides = array<i32>} : memref<640xf32, #tpu.memory_space<vmem>>, vector<16xf32>,
    %broadcast_in_dim3A_241 = arith.constant 1.000000e+00 : f32
    %broadcast_in_dim3A_242 = vector.broadcast %broadcast_in_dim3A_241 : f32 to vector<16xf32>
    %swap3A_243 = arith.constant 0 : index
    %swap3A_244 = tpu.vector_load %arg8[%swap3A_243] {strides = array<i32>} : memref<128xf32, #tpu.memory_space<vmem>>, vector<16xf32>,
    %swap3A_245 = vector.shape_cast %swap3A_244 : vector<16xf32> to vector<16xf32>
    %swap3A_246 = vector.shape_cast %broadcast_in_dim3A_242 : vector<16xf32> to vector<16xf32>
    tpu.vector_store %arg8[%swap3A_243], %swap3A_246 {strides = array<i32>} : memref<128xf32, #tpu.memory_space<vmem>>, vector<16xf32>,
    %broadcast_in_dim3A_247 = arith.constant 1.000000e+00 : f32
    %broadcast_in_dim3A_248 = vector.broadcast %broadcast_in_dim3A_247 : f32 to vector<16xf32>
    %swap3A_249 = arith.constant 16 : index
    %swap3A_250 = tpu.vector_load %arg8[%swap3A_249] {strides = array<i32>} : memref<128xf32, #tpu.memory_space<vmem>>, vector<16xf32>,
    %swap3A_251 = vector.shape_cast %swap3A_250 : vector<16xf32> to vector<16xf32>
    %swap3A_252 = vector.shape_cast %broadcast_in_dim3A_248 : vector<16xf32> to vector<16xf32>
    tpu.vector_store %arg8[%swap3A_249], %swap3A_252 {strides = array<i32>} : memref<128xf32, #tpu.memory_space<vmem>>, vector<16xf32>,
    %broadcast_in_dim3A_253 = arith.constant 1.000000e+00 : f32
    %broadcast_in_dim3A_254 = vector.broadcast %broadcast_in_dim3A_253 : f32 to vector<16xf32>
    %swap3A_255 = arith.constant 32 : index
    %swap3A_256 = tpu.vector_load %arg8[%swap3A_255] {strides = array<i32>} : memref<128xf32, #tpu.memory_space<vmem>>, vector<16xf32>,
    %swap3A_257 = vector.shape_cast %swap3A_256 : vector<16xf32> to vector<16xf32>
    %swap3A_258 = vector.shape_cast %broadcast_in_dim3A_254 : vector<16xf32> to vector<16xf32>
    tpu.vector_store %arg8[%swap3A_255], %swap3A_258 {strides = array<i32>} : memref<128xf32, #tpu.memory_space<vmem>>, vector<16xf32>,
    %broadcast_in_dim3A_259 = arith.constant 1.000000e+00 : f32
    %broadcast_in_dim3A_260 = vector.broadcast %broadcast_in_dim3A_259 : f32 to vector<16xf32>
    %swap3A_261 = arith.constant 48 : index
    %swap3A_262 = tpu.vector_load %arg8[%swap3A_261] {strides = array<i32>} : memref<128xf32, #tpu.memory_space<vmem>>, vector<16xf32>,
    %swap3A_263 = vector.shape_cast %swap3A_262 : vector<16xf32> to vector<16xf32>
    %swap3A_264 = vector.shape_cast %broadcast_in_dim3A_260 : vector<16xf32> to vector<16xf32>
    tpu.vector_store %arg8[%swap3A_261], %swap3A_264 {strides = array<i32>} : memref<128xf32, #tpu.memory_space<vmem>>, vector<16xf32>,
    %broadcast_in_dim3A_265 = arith.constant 1.000000e+00 : f32
    %broadcast_in_dim3A_266 = vector.broadcast %broadcast_in_dim3A_265 : f32 to vector<16xf32>
    %swap3A_267 = arith.constant 64 : index
    %swap3A_268 = tpu.vector_load %arg8[%swap3A_267] {strides = array<i32>} : memref<128xf32, #tpu.memory_space<vmem>>, vector<16xf32>,
    %swap3A_269 = vector.shape_cast %swap3A_268 : vector<16xf32> to vector<16xf32>
    %swap3A_270 = vector.shape_cast %broadcast_in_dim3A_266 : vector<16xf32> to vector<16xf32>
    tpu.vector_store %arg8[%swap3A_267], %swap3A_270 {strides = array<i32>} : memref<128xf32, #tpu.memory_space<vmem>>, vector<16xf32>,
    %broadcast_in_dim3A_271 = arith.constant 1.000000e+00 : f32
    %broadcast_in_dim3A_272 = vector.broadcast %broadcast_in_dim3A_271 : f32 to vector<16xf32>
    %swap3A_273 = arith.constant 80 : index
    %swap3A_274 = tpu.vector_load %arg8[%swap3A_273] {strides = array<i32>} : memref<128xf32, #tpu.memory_space<vmem>>, vector<16xf32>,
    %swap3A_275 = vector.shape_cast %swap3A_274 : vector<16xf32> to vector<16xf32>
    %swap3A_276 = vector.shape_cast %broadcast_in_dim3A_272 : vector<16xf32> to vector<16xf32>
    tpu.vector_store %arg8[%swap3A_273], %swap3A_276 {strides = array<i32>} : memref<128xf32, #tpu.memory_space<vmem>>, vector<16xf32>,
    %broadcast_in_dim3A_277 = arith.constant 1.000000e+00 : f32
    %broadcast_in_dim3A_278 = vector.broadcast %broadcast_in_dim3A_277 : f32 to vector<16xf32>
    %swap3A_279 = arith.constant 96 : index
    %swap3A_280 = tpu.vector_load %arg8[%swap3A_279] {strides = array<i32>} : memref<128xf32, #tpu.memory_space<vmem>>, vector<16xf32>,
    %swap3A_281 = vector.shape_cast %swap3A_280 : vector<16xf32> to vector<16xf32>
    %swap3A_282 = vector.shape_cast %broadcast_in_dim3A_278 : vector<16xf32> to vector<16xf32>
    tpu.vector_store %arg8[%swap3A_279], %swap3A_282 {strides = array<i32>} : memref<128xf32, #tpu.memory_space<vmem>>, vector<16xf32>,
    %broadcast_in_dim3A_283 = arith.constant 1.000000e+00 : f32
    %broadcast_in_dim3A_284 = vector.broadcast %broadcast_in_dim3A_283 : f32 to vector<16xf32>
    %swap3A_285 = arith.constant 112 : index
    %swap3A_286 = tpu.vector_load %arg8[%swap3A_285] {strides = array<i32>} : memref<128xf32, #tpu.memory_space<vmem>>, vector<16xf32>,
    %swap3A_287 = vector.shape_cast %swap3A_286 : vector<16xf32> to vector<16xf32>
    %swap3A_288 = vector.shape_cast %broadcast_in_dim3A_284 : vector<16xf32> to vector<16xf32>
    tpu.vector_store %arg8[%swap3A_285], %swap3A_288 {strides = array<i32>} : memref<128xf32, #tpu.memory_space<vmem>>, vector<16xf32>,
    "tpu.region"() ({
      %run_scoped3A = tpu.sem_alloc : memref<!tpu.dma_semaphore, #tpu.memory_space<semaphore_mem>>
      %dma_start3A = arith.constant 0 : i32
      %dma_start3A_301 = tpu.memref_slice %arg9[%dma_start3A] : memref<640xf32, #tpu.memory_space<vmem>> -> memref<632xf32, #tpu.memory_space<vmem>>
      %dma_start3A_302 = tpu.memref_slice %arg10[%mul3A_2] : memref<10112xf32, #tpu.memory_space<vmem_shared>> -> memref<632xf32, #tpu.memory_space<vmem_shared>>
      %dma_start3A_303 = tpu.memref_slice %arg10[%mul3A_2] : memref<10112xf32, #tpu.memory_space<vmem_shared>> -> memref<632xf32, #tpu.memory_space<vmem_shared>>
      %dma_start3A_304 = arith.constant 0 : i32
      %dma_start3A_305 = tpu.memref_slice %arg9[%dma_start3A_304] : memref<640xf32, #tpu.memory_space<vmem>> -> memref<632xf32, #tpu.memory_space<vmem>>
      tpu.enqueue_dma source(%dma_start3A_305 : memref<632xf32, #tpu.memory_space<vmem>>) target(%dma_start3A_303 : memref<632xf32, #tpu.memory_space<vmem_shared>>) target_semaphore(%run_scoped3A : memref<!tpu.dma_semaphore, #tpu.memory_space<semaphore_mem>>)
      %dma_wait3A = arith.constant 0 : i32
      %dma_wait3A_306 = tpu.memref_slice %arg9[%dma_wait3A] : memref<640xf32, #tpu.memory_space<vmem>> -> memref<632xf32, #tpu.memory_space<vmem>>
      %dma_wait3A_307 = tpu.memref_slice %arg10[%mul3A_2] : memref<10112xf32, #tpu.memory_space<vmem_shared>> -> memref<632xf32, #tpu.memory_space<vmem_shared>>
      %dma_wait3A_308 = tpu.memref_slice %arg10[%mul3A_2] : memref<10112xf32, #tpu.memory_space<vmem_shared>> -> memref<632xf32, #tpu.memory_space<vmem_shared>>
      %dma_wait3A_309 = arith.constant 0 : i32
      %dma_wait3A_310 = tpu.memref_slice %arg9[%dma_wait3A_309] : memref<640xf32, #tpu.memory_space<vmem>> -> memref<632xf32, #tpu.memory_space<vmem>>
      tpu.wait_dma2 semaphore(%run_scoped3A : memref<!tpu.dma_semaphore, #tpu.memory_space<semaphore_mem>>) src(%dma_wait3A_310 : memref<632xf32, #tpu.memory_space<vmem>>) dst(%dma_wait3A_308 : memref<632xf32, #tpu.memory_space<vmem_shared>>)
      tpu.yield
    }) : () -> ()
    "tpu.region"() ({
      %run_scoped3A = tpu.sem_alloc : memref<!tpu.dma_semaphore, #tpu.memory_space<semaphore_mem>>
      %dma_start3A = arith.constant 0 : i32
      %dma_start3A_301 = tpu.memref_slice %arg9[%dma_start3A] : memref<640xf32, #tpu.memory_space<vmem>> -> memref<632xf32, #tpu.memory_space<vmem>>
      %dma_start3A_302 = tpu.memref_slice %arg11[%mul3A_2] : memref<10112xf32, #tpu.memory_space<vmem_shared>> -> memref<632xf32, #tpu.memory_space<vmem_shared>>
      %dma_start3A_303 = tpu.memref_slice %arg11[%mul3A_2] : memref<10112xf32, #tpu.memory_space<vmem_shared>> -> memref<632xf32, #tpu.memory_space<vmem_shared>>
      %dma_start3A_304 = arith.constant 0 : i32
      %dma_start3A_305 = tpu.memref_slice %arg9[%dma_start3A_304] : memref<640xf32, #tpu.memory_space<vmem>> -> memref<632xf32, #tpu.memory_space<vmem>>
      tpu.enqueue_dma source(%dma_start3A_305 : memref<632xf32, #tpu.memory_space<vmem>>) target(%dma_start3A_303 : memref<632xf32, #tpu.memory_space<vmem_shared>>) target_semaphore(%run_scoped3A : memref<!tpu.dma_semaphore, #tpu.memory_space<semaphore_mem>>)
      %dma_wait3A = arith.constant 0 : i32
      %dma_wait3A_306 = tpu.memref_slice %arg9[%dma_wait3A] : memref<640xf32, #tpu.memory_space<vmem>> -> memref<632xf32, #tpu.memory_space<vmem>>
      %dma_wait3A_307 = tpu.memref_slice %arg11[%mul3A_2] : memref<10112xf32, #tpu.memory_space<vmem_shared>> -> memref<632xf32, #tpu.memory_space<vmem_shared>>
      %dma_wait3A_308 = tpu.memref_slice %arg11[%mul3A_2] : memref<10112xf32, #tpu.memory_space<vmem_shared>> -> memref<632xf32, #tpu.memory_space<vmem_shared>>
      %dma_wait3A_309 = arith.constant 0 : i32
      %dma_wait3A_310 = tpu.memref_slice %arg9[%dma_wait3A_309] : memref<640xf32, #tpu.memory_space<vmem>> -> memref<632xf32, #tpu.memory_space<vmem>>
      tpu.wait_dma2 semaphore(%run_scoped3A : memref<!tpu.dma_semaphore, #tpu.memory_space<semaphore_mem>>) src(%dma_wait3A_310 : memref<632xf32, #tpu.memory_space<vmem>>) dst(%dma_wait3A_308 : memref<632xf32, #tpu.memory_space<vmem_shared>>)
      tpu.yield
    }) : () -> ()
    "tpu.region"() ({
      %run_scoped3A = tpu.sem_alloc : memref<!tpu.dma_semaphore, #tpu.memory_space<semaphore_mem>>
      %dma_start3A = arith.constant 0 : i32
      %dma_start3A_301 = arith.constant 0 : i32
      %dma_start3A_302 = tpu.memref_slice %arg2[%add3A, %dma_start3A, %dma_start3A_301] : memref<32x80x128xi32, #tpu.memory_space<hbm>> -> memref<1x80x128xi32, #tpu.memory_space<hbm>>
      %dma_start3A_303 = tpu.memref_squeeze %dma_start3A_302 : memref<1x80x128xi32, #tpu.memory_space<hbm>> -> memref<80x128xi32, #tpu.memory_space<hbm>>
      %dma_start3A_304 = arith.constant 0 : i32
      %dma_start3A_305 = arith.constant 0 : i32
      %dma_start3A_306 = tpu.memref_slice %arg2[%add3A, %dma_start3A_304, %dma_start3A_305] : memref<32x80x128xi32, #tpu.memory_space<hbm>> -> memref<1x80x128xi32, #tpu.memory_space<hbm>>
      %dma_start3A_307 = tpu.memref_squeeze %dma_start3A_306 : memref<1x80x128xi32, #tpu.memory_space<hbm>> -> memref<80x128xi32, #tpu.memory_space<hbm>>
      tpu.enqueue_dma source(%dma_start3A_307 : memref<80x128xi32, #tpu.memory_space<hbm>>) target(%arg6 : memref<80x128xi32, #tpu.memory_space<vmem>>) target_semaphore(%run_scoped3A : memref<!tpu.dma_semaphore, #tpu.memory_space<semaphore_mem>>)
      %dma_wait3A = arith.constant 0 : i32
      %dma_wait3A_308 = arith.constant 0 : i32
      %dma_wait3A_309 = tpu.memref_slice %arg2[%add3A, %dma_wait3A, %dma_wait3A_308] : memref<32x80x128xi32, #tpu.memory_space<hbm>> -> memref<1x80x128xi32, #tpu.memory_space<hbm>>
      %dma_wait3A_310 = tpu.memref_squeeze %dma_wait3A_309 : memref<1x80x128xi32, #tpu.memory_space<hbm>> -> memref<80x128xi32, #tpu.memory_space<hbm>>
      %dma_wait3A_311 = arith.constant 0 : i32
      %dma_wait3A_312 = arith.constant 0 : i32
      %dma_wait3A_313 = tpu.memref_slice %arg2[%add3A, %dma_wait3A_311, %dma_wait3A_312] : memref<32x80x128xi32, #tpu.memory_space<hbm>> -> memref<1x80x128xi32, #tpu.memory_space<hbm>>
      %dma_wait3A_314 = tpu.memref_squeeze %dma_wait3A_313 : memref<1x80x128xi32, #tpu.memory_space<hbm>> -> memref<80x128xi32, #tpu.memory_space<hbm>>
      tpu.wait_dma2 semaphore(%run_scoped3A : memref<!tpu.dma_semaphore, #tpu.memory_space<semaphore_mem>>) src(%dma_wait3A_314 : memref<80x128xi32, #tpu.memory_space<hbm>>) dst(%arg6 : memref<80x128xi32, #tpu.memory_space<vmem>>)
      tpu.yield
    }) : () -> ()
    "tpu.region"() ({
      %run_scoped3A = tpu.sem_alloc : memref<!tpu.dma_semaphore, #tpu.memory_space<semaphore_mem>>
      %dma_start3A = arith.constant 0 : i32
      %dma_start3A_301 = arith.constant 0 : i32
      %dma_start3A_302 = tpu.memref_slice %arg3[%add3A, %dma_start3A, %dma_start3A_301] : memref<32x80x128xi32, #tpu.memory_space<hbm>> -> memref<1x80x128xi32, #tpu.memory_space<hbm>>
      %dma_start3A_303 = tpu.memref_squeeze %dma_start3A_302 : memref<1x80x128xi32, #tpu.memory_space<hbm>> -> memref<80x128xi32, #tpu.memory_space<hbm>>
      %dma_start3A_304 = arith.constant 0 : i32
      %dma_start3A_305 = arith.constant 0 : i32
      %dma_start3A_306 = tpu.memref_slice %arg3[%add3A, %dma_start3A_304, %dma_start3A_305] : memref<32x80x128xi32, #tpu.memory_space<hbm>> -> memref<1x80x128xi32, #tpu.memory_space<hbm>>
      %dma_start3A_307 = tpu.memref_squeeze %dma_start3A_306 : memref<1x80x128xi32, #tpu.memory_space<hbm>> -> memref<80x128xi32, #tpu.memory_space<hbm>>
      tpu.enqueue_dma source(%dma_start3A_307 : memref<80x128xi32, #tpu.memory_space<hbm>>) target(%arg7 : memref<80x128xi32, #tpu.memory_space<vmem>>) target_semaphore(%run_scoped3A : memref<!tpu.dma_semaphore, #tpu.memory_space<semaphore_mem>>)
      %dma_wait3A = arith.constant 0 : i32
      %dma_wait3A_308 = arith.constant 0 : i32
      %dma_wait3A_309 = tpu.memref_slice %arg3[%add3A, %dma_wait3A, %dma_wait3A_308] : memref<32x80x128xi32, #tpu.memory_space<hbm>> -> memref<1x80x128xi32, #tpu.memory_space<hbm>>
      %dma_wait3A_310 = tpu.memref_squeeze %dma_wait3A_309 : memref<1x80x128xi32, #tpu.memory_space<hbm>> -> memref<80x128xi32, #tpu.memory_space<hbm>>
      %dma_wait3A_311 = arith.constant 0 : i32
      %dma_wait3A_312 = arith.constant 0 : i32
      %dma_wait3A_313 = tpu.memref_slice %arg3[%add3A, %dma_wait3A_311, %dma_wait3A_312] : memref<32x80x128xi32, #tpu.memory_space<hbm>> -> memref<1x80x128xi32, #tpu.memory_space<hbm>>
      %dma_wait3A_314 = tpu.memref_squeeze %dma_wait3A_313 : memref<1x80x128xi32, #tpu.memory_space<hbm>> -> memref<80x128xi32, #tpu.memory_space<hbm>>
      tpu.wait_dma2 semaphore(%run_scoped3A : memref<!tpu.dma_semaphore, #tpu.memory_space<semaphore_mem>>) src(%dma_wait3A_314 : memref<80x128xi32, #tpu.memory_space<hbm>>) dst(%arg7 : memref<80x128xi32, #tpu.memory_space<vmem>>)
      tpu.yield
    }) : () -> ()
    %barrier3A = arith.constant 0 : index
    tpu.barrier barrier_id(%barrier3A)
    %scan3A = arith.constant 0 : i32
    %scan3A_289 = arith.constant 0 : i32
    %scan3A_290 = arith.constant 80 : i32
    %scan3A_291 = arith.addi %scan3A_289, %scan3A_290 : i32
    %scan3A_292 = arith.constant 1 : i32
    scf.for %scan3A_301 = %scan3A_289 to %scan3A_291 step %scan3A_292  : i32 {
      "tpu.region"() ({
        %run_scoped3A = tpu.sem_alloc : memref<!tpu.dma_semaphore, #tpu.memory_space<semaphore_mem>>
        %dma_start3A = arith.constant 0 : i32
        %dma_start3A_302 = tpu.memref_slice %arg6[%scan3A_301, %dma_start3A] : memref<80x128xi32, #tpu.memory_space<vmem>> -> memref<1x128xi32, #tpu.memory_space<vmem>>
        %dma_start3A_303 = tpu.memref_squeeze %dma_start3A_302 : memref<1x128xi32, #tpu.memory_space<vmem>> -> memref<128xi32, #tpu.memory_space<vmem>>
        %dma_start3A_304 = arith.constant 0 : i32
        %dma_start3A_305 = tpu.memref_slice %arg10[%dma_start3A_304] : memref<10112xf32, #tpu.memory_space<vmem_shared>> -> memref<10112xf32, #tpu.memory_space<vmem_shared>>
        tpu.enqueue_indirect_dma source(%arg8 : memref<128xf32, #tpu.memory_space<vmem>>) target(%dma_start3A_305 : memref<10112xf32, #tpu.memory_space<vmem_shared>>) offsets(%dma_start3A_303 : memref<128xi32, #tpu.memory_space<vmem>>) semaphore(%run_scoped3A : memref<!tpu.dma_semaphore, #tpu.memory_space<semaphore_mem>>) {add = true}
        %dma_wait3A = arith.constant 0 : i32
        %dma_wait3A_306 = tpu.memref_slice %arg6[%scan3A_301, %dma_wait3A] : memref<80x128xi32, #tpu.memory_space<vmem>> -> memref<1x128xi32, #tpu.memory_space<vmem>>
        %dma_wait3A_307 = tpu.memref_squeeze %dma_wait3A_306 : memref<1x128xi32, #tpu.memory_space<vmem>> -> memref<128xi32, #tpu.memory_space<vmem>>
        %dma_wait3A_308 = arith.constant 0 : i32
        %dma_wait3A_309 = tpu.memref_slice %arg10[%dma_wait3A_308] : memref<10112xf32, #tpu.memory_space<vmem_shared>> -> memref<10112xf32, #tpu.memory_space<vmem_shared>>
        tpu.wait_indirect_dma semaphore(%run_scoped3A : memref<!tpu.dma_semaphore, #tpu.memory_space<semaphore_mem>>) src(%arg8 : memref<128xf32, #tpu.memory_space<vmem>>) dst(%dma_wait3A_309 : memref<10112xf32, #tpu.memory_space<vmem_shared>>)
        tpu.yield
      }) : () -> ()
      "tpu.region"() ({
        %run_scoped3A = tpu.sem_alloc : memref<!tpu.dma_semaphore, #tpu.memory_space<semaphore_mem>>
        %dma_start3A = arith.constant 0 : i32
        %dma_start3A_302 = tpu.memref_slice %arg7[%scan3A_301, %dma_start3A] : memref<80x128xi32, #tpu.memory_space<vmem>> -> memref<1x128xi32, #tpu.memory_space<vmem>>
        %dma_start3A_303 = tpu.memref_squeeze %dma_start3A_302 : memref<1x128xi32, #tpu.memory_space<vmem>> -> memref<128xi32, #tpu.memory_space<vmem>>
        %dma_start3A_304 = arith.constant 0 : i32
        %dma_start3A_305 = tpu.memref_slice %arg11[%dma_start3A_304] : memref<10112xf32, #tpu.memory_space<vmem_shared>> -> memref<10112xf32, #tpu.memory_space<vmem_shared>>
        tpu.enqueue_indirect_dma source(%arg8 : memref<128xf32, #tpu.memory_space<vmem>>) target(%dma_start3A_305 : memref<10112xf32, #tpu.memory_space<vmem_shared>>) offsets(%dma_start3A_303 : memref<128xi32, #tpu.memory_space<vmem>>) semaphore(%run_scoped3A : memref<!tpu.dma_semaphore, #tpu.memory_space<semaphore_mem>>) {add = true}
        %dma_wait3A = arith.constant 0 : i32
        %dma_wait3A_306 = tpu.memref_slice %arg7[%scan3A_301, %dma_wait3A] : memref<80x128xi32, #tpu.memory_space<vmem>> -> memref<1x128xi32, #tpu.memory_space<vmem>>
        %dma_wait3A_307 = tpu.memref_squeeze %dma_wait3A_306 : memref<1x128xi32, #tpu.memory_space<vmem>> -> memref<128xi32, #tpu.memory_space<vmem>>
        %dma_wait3A_308 = arith.constant 0 : i32
        %dma_wait3A_309 = tpu.memref_slice %arg11[%dma_wait3A_308] : memref<10112xf32, #tpu.memory_space<vmem_shared>> -> memref<10112xf32, #tpu.memory_space<vmem_shared>>
        tpu.wait_indirect_dma semaphore(%run_scoped3A : memref<!tpu.dma_semaphore, #tpu.memory_space<semaphore_mem>>) src(%arg8 : memref<128xf32, #tpu.memory_space<vmem>>) dst(%dma_wait3A_309 : memref<10112xf32, #tpu.memory_space<vmem_shared>>)
        tpu.yield
      }) : () -> ()
    }
    %scan3A_293 = arith.constant 80 : i32
    %barrier3A_294 = arith.constant 0 : index
    tpu.barrier barrier_id(%barrier3A_294)
    "tpu.region"() ({
      %run_scoped3A = tpu.sem_alloc : memref<!tpu.dma_semaphore, #tpu.memory_space<semaphore_mem>>
      %dma_start3A = arith.constant 0 : i32
      %dma_start3A_301 = tpu.memref_slice %arg9[%dma_start3A] : memref<640xf32, #tpu.memory_space<vmem>> -> memref<632xf32, #tpu.memory_space<vmem>>
      %dma_start3A_302 = tpu.memref_slice %arg10[%mul3A_2] : memref<10112xf32, #tpu.memory_space<vmem_shared>> -> memref<632xf32, #tpu.memory_space<vmem_shared>>
      %dma_start3A_303 = arith.constant 0 : i32
      %dma_start3A_304 = tpu.memref_slice %arg9[%dma_start3A_303] : memref<640xf32, #tpu.memory_space<vmem>> -> memref<632xf32, #tpu.memory_space<vmem>>
      %dma_start3A_305 = tpu.memref_slice %arg10[%mul3A_2] : memref<10112xf32, #tpu.memory_space<vmem_shared>> -> memref<632xf32, #tpu.memory_space<vmem_shared>>
      tpu.enqueue_dma source(%dma_start3A_305 : memref<632xf32, #tpu.memory_space<vmem_shared>>) target(%dma_start3A_304 : memref<632xf32, #tpu.memory_space<vmem>>) target_semaphore(%run_scoped3A : memref<!tpu.dma_semaphore, #tpu.memory_space<semaphore_mem>>)
      %dma_wait3A = arith.constant 0 : i32
      %dma_wait3A_306 = tpu.memref_slice %arg9[%dma_wait3A] : memref<640xf32, #tpu.memory_space<vmem>> -> memref<632xf32, #tpu.memory_space<vmem>>
      %dma_wait3A_307 = tpu.memref_slice %arg10[%mul3A_2] : memref<10112xf32, #tpu.memory_space<vmem_shared>> -> memref<632xf32, #tpu.memory_space<vmem_shared>>
      %dma_wait3A_308 = arith.constant 0 : i32
      %dma_wait3A_309 = tpu.memref_slice %arg9[%dma_wait3A_308] : memref<640xf32, #tpu.memory_space<vmem>> -> memref<632xf32, #tpu.memory_space<vmem>>
      %dma_wait3A_310 = tpu.memref_slice %arg10[%mul3A_2] : memref<10112xf32, #tpu.memory_space<vmem_shared>> -> memref<632xf32, #tpu.memory_space<vmem_shared>>
      tpu.wait_dma2 semaphore(%run_scoped3A : memref<!tpu.dma_semaphore, #tpu.memory_space<semaphore_mem>>) src(%dma_wait3A_310 : memref<632xf32, #tpu.memory_space<vmem_shared>>) dst(%dma_wait3A_309 : memref<632xf32, #tpu.memory_space<vmem>>)
      tpu.yield
    }) : () -> ()
    %mul3A_295 = arith.constant 10112 : i32
    %mul3A_296 = arith.muli %arg0, %mul3A_295 : i32
    %add3A_297 = arith.addi %mul3A_296, %mul3A_2 : i32
    "tpu.region"() ({
      %run_scoped3A = tpu.sem_alloc : memref<!tpu.dma_semaphore, #tpu.memory_space<semaphore_mem>>
      %dma_start3A = arith.constant 0 : i32
      %dma_start3A_301 = tpu.memref_slice %arg9[%dma_start3A] : memref<640xf32, #tpu.memory_space<vmem>> -> memref<632xf32, #tpu.memory_space<vmem>>
      %dma_start3A_302 = tpu.memref_slice %arg4[%add3A_297] : memref<20224xf32, #tpu.memory_space<hbm>> -> memref<632xf32, #tpu.memory_space<hbm>>
      %dma_start3A_303 = tpu.memref_slice %arg4[%add3A_297] : memref<20224xf32, #tpu.memory_space<hbm>> -> memref<632xf32, #tpu.memory_space<hbm>>
      %dma_start3A_304 = arith.constant 0 : i32
      %dma_start3A_305 = tpu.memref_slice %arg9[%dma_start3A_304] : memref<640xf32, #tpu.memory_space<vmem>> -> memref<632xf32, #tpu.memory_space<vmem>>
      tpu.enqueue_dma source(%dma_start3A_305 : memref<632xf32, #tpu.memory_space<vmem>>) target(%dma_start3A_303 : memref<632xf32, #tpu.memory_space<hbm>>) target_semaphore(%run_scoped3A : memref<!tpu.dma_semaphore, #tpu.memory_space<semaphore_mem>>)
      %dma_wait3A = arith.constant 0 : i32
      %dma_wait3A_306 = tpu.memref_slice %arg9[%dma_wait3A] : memref<640xf32, #tpu.memory_space<vmem>> -> memref<632xf32, #tpu.memory_space<vmem>>
      %dma_wait3A_307 = tpu.memref_slice %arg4[%add3A_297] : memref<20224xf32, #tpu.memory_space<hbm>> -> memref<632xf32, #tpu.memory_space<hbm>>
      %dma_wait3A_308 = tpu.memref_slice %arg4[%add3A_297] : memref<20224xf32, #tpu.memory_space<hbm>> -> memref<632xf32, #tpu.memory_space<hbm>>
      %dma_wait3A_309 = arith.constant 0 : i32
      %dma_wait3A_310 = tpu.memref_slice %arg9[%dma_wait3A_309] : memref<640xf32, #tpu.memory_space<vmem>> -> memref<632xf32, #tpu.memory_space<vmem>>
      tpu.wait_dma2 semaphore(%run_scoped3A : memref<!tpu.dma_semaphore, #tpu.memory_space<semaphore_mem>>) src(%dma_wait3A_310 : memref<632xf32, #tpu.memory_space<vmem>>) dst(%dma_wait3A_308 : memref<632xf32, #tpu.memory_space<hbm>>)
      tpu.yield
    }) : () -> ()
    "tpu.region"() ({
      %run_scoped3A = tpu.sem_alloc : memref<!tpu.dma_semaphore, #tpu.memory_space<semaphore_mem>>
      %dma_start3A = arith.constant 0 : i32
      %dma_start3A_301 = tpu.memref_slice %arg9[%dma_start3A] : memref<640xf32, #tpu.memory_space<vmem>> -> memref<632xf32, #tpu.memory_space<vmem>>
      %dma_start3A_302 = tpu.memref_slice %arg11[%mul3A_2] : memref<10112xf32, #tpu.memory_space<vmem_shared>> -> memref<632xf32, #tpu.memory_space<vmem_shared>>
      %dma_start3A_303 = arith.constant 0 : i32
      %dma_start3A_304 = tpu.memref_slice %arg9[%dma_start3A_303] : memref<640xf32, #tpu.memory_space<vmem>> -> memref<632xf32, #tpu.memory_space<vmem>>
      %dma_start3A_305 = tpu.memref_slice %arg11[%mul3A_2] : memref<10112xf32, #tpu.memory_space<vmem_shared>> -> memref<632xf32, #tpu.memory_space<vmem_shared>>
      tpu.enqueue_dma source(%dma_start3A_305 : memref<632xf32, #tpu.memory_space<vmem_shared>>) target(%dma_start3A_304 : memref<632xf32, #tpu.memory_space<vmem>>) target_semaphore(%run_scoped3A : memref<!tpu.dma_semaphore, #tpu.memory_space<semaphore_mem>>)
      %dma_wait3A = arith.constant 0 : i32
      %dma_wait3A_306 = tpu.memref_slice %arg9[%dma_wait3A] : memref<640xf32, #tpu.memory_space<vmem>> -> memref<632xf32, #tpu.memory_space<vmem>>
      %dma_wait3A_307 = tpu.memref_slice %arg11[%mul3A_2] : memref<10112xf32, #tpu.memory_space<vmem_shared>> -> memref<632xf32, #tpu.memory_space<vmem_shared>>
      %dma_wait3A_308 = arith.constant 0 : i32
      %dma_wait3A_309 = tpu.memref_slice %arg9[%dma_wait3A_308] : memref<640xf32, #tpu.memory_space<vmem>> -> memref<632xf32, #tpu.memory_space<vmem>>
      %dma_wait3A_310 = tpu.memref_slice %arg11[%mul3A_2] : memref<10112xf32, #tpu.memory_space<vmem_shared>> -> memref<632xf32, #tpu.memory_space<vmem_shared>>
      tpu.wait_dma2 semaphore(%run_scoped3A : memref<!tpu.dma_semaphore, #tpu.memory_space<semaphore_mem>>) src(%dma_wait3A_310 : memref<632xf32, #tpu.memory_space<vmem_shared>>) dst(%dma_wait3A_309 : memref<632xf32, #tpu.memory_space<vmem>>)
      tpu.yield
    }) : () -> ()
    %mul3A_298 = arith.constant 10112 : i32
    %mul3A_299 = arith.muli %arg0, %mul3A_298 : i32
    %add3A_300 = arith.addi %mul3A_299, %mul3A_2 : i32
    "tpu.region"() ({
      %run_scoped3A = tpu.sem_alloc : memref<!tpu.dma_semaphore, #tpu.memory_space<semaphore_mem>>
      %dma_start3A = arith.constant 0 : i32
      %dma_start3A_301 = tpu.memref_slice %arg9[%dma_start3A] : memref<640xf32, #tpu.memory_space<vmem>> -> memref<632xf32, #tpu.memory_space<vmem>>
      %dma_start3A_302 = tpu.memref_slice %arg5[%add3A_300] : memref<20224xf32, #tpu.memory_space<hbm>> -> memref<632xf32, #tpu.memory_space<hbm>>
      %dma_start3A_303 = tpu.memref_slice %arg5[%add3A_300] : memref<20224xf32, #tpu.memory_space<hbm>> -> memref<632xf32, #tpu.memory_space<hbm>>
      %dma_start3A_304 = arith.constant 0 : i32
      %dma_start3A_305 = tpu.memref_slice %arg9[%dma_start3A_304] : memref<640xf32, #tpu.memory_space<vmem>> -> memref<632xf32, #tpu.memory_space<vmem>>
      tpu.enqueue_dma source(%dma_start3A_305 : memref<632xf32, #tpu.memory_space<vmem>>) target(%dma_start3A_303 : memref<632xf32, #tpu.memory_space<hbm>>) target_semaphore(%run_scoped3A : memref<!tpu.dma_semaphore, #tpu.memory_space<semaphore_mem>>)
      %dma_wait3A = arith.constant 0 : i32
      %dma_wait3A_306 = tpu.memref_slice %arg9[%dma_wait3A] : memref<640xf32, #tpu.memory_space<vmem>> -> memref<632xf32, #tpu.memory_space<vmem>>
      %dma_wait3A_307 = tpu.memref_slice %arg5[%add3A_300] : memref<20224xf32, #tpu.memory_space<hbm>> -> memref<632xf32, #tpu.memory_space<hbm>>
      %dma_wait3A_308 = tpu.memref_slice %arg5[%add3A_300] : memref<20224xf32, #tpu.memory_space<hbm>> -> memref<632xf32, #tpu.memory_space<hbm>>
      %dma_wait3A_309 = arith.constant 0 : i32
      %dma_wait3A_310 = tpu.memref_slice %arg9[%dma_wait3A_309] : memref<640xf32, #tpu.memory_space<vmem>> -> memref<632xf32, #tpu.memory_space<vmem>>
      tpu.wait_dma2 semaphore(%run_scoped3A : memref<!tpu.dma_semaphore, #tpu.memory_space<semaphore_mem>>) src(%dma_wait3A_310 : memref<632xf32, #tpu.memory_space<vmem>>) dst(%dma_wait3A_308 : memref<632xf32, #tpu.memory_space<hbm>>)
      tpu.yield
    }) : () -> ()
    return
  }
}

#map = affine_map<(d0, d1) -> (0, 0)>
#map1 = affine_map<(d0, d1) -> (0, 0, 0)>
module attributes {stable_mosaic.version = 14 : i64} {
  func.func @agg_kernel(%arg0: i32, %arg1: i32, %arg2: memref<10112x64xf32, #tpu.memory_space<hbm>>, %arg3: memref<32x80x128xi32, #tpu.memory_space<hbm>>, %arg4: memref<32x80x128xi32, #tpu.memory_space<hbm>>, %arg5: memref<2x10112x64xf32, #tpu.memory_space<hbm>>, %arg6: memref<42x128xi32, #tpu.memory_space<vmem>>, %arg7: memref<40x128xi32, #tpu.memory_space<vmem>>, %arg8: memref<128x64xf32, #tpu.memory_space<vmem>>, %arg9: memref<128x64xf32, #tpu.memory_space<vmem>>, %arg10: memref<10112x64xf32, #tpu.memory_space<vmem_shared>>, %arg11: memref<!tpu.dma_semaphore, #tpu.memory_space<semaphore_mem>>, %arg12: memref<10112x64xf32, #tpu.memory_space<vmem_shared>>) attributes {dimension_semantics = [#tpu.dimension_semantics<core_parallel>, #tpu.dimension_semantics<subcore_parallel>], iteration_bounds = array<i64: 2, 16>, scalar_prefetch = 0 : i64, scratch_operands = 7 : i64, tpu.core_type = #tpu.core_type<sc_vector_subcore>, window_params = [{transform_indices = #map}, {transform_indices = #map1}, {transform_indices = #map1}, {transform_indices = #map1}]} {
    %mul3A = arith.constant 2 : i32
    %mul3A_0 = arith.muli %arg1, %mul3A : i32
    %add3A = arith.addi %mul3A_0, %arg0 : i32
    %mul3A_1 = arith.constant 632 : i32
    %mul3A_2 = arith.muli %arg1, %mul3A_1 : i32
    %scan3A = arith.constant 0 : i32
    %scan3A_3 = arith.constant 0 : i32
    %scan3A_4 = arith.constant 128 : i32
    %scan3A_5 = arith.addi %scan3A_3, %scan3A_4 : i32
    %scan3A_6 = arith.constant 1 : i32
    scf.for %scan3A_197 = %scan3A_3 to %scan3A_5 step %scan3A_6  : i32 {
      %broadcast_in_dim3A_198 = arith.constant 0.000000e+00 : f32
      %broadcast_in_dim3A_199 = vector.broadcast %broadcast_in_dim3A_198 : f32 to vector<16xf32>
      %swap3A_200 = arith.index_cast %scan3A_197 : i32 to index
      %swap3A_201 = arith.constant 0 : index
      %swap3A_202 = tpu.vector_load %arg8[%swap3A_200, %swap3A_201] {strides = array<i32>} : memref<128x64xf32, #tpu.memory_space<vmem>>, vector<1x16xf32>,
      %swap3A_203 = vector.shape_cast %swap3A_202 : vector<1x16xf32> to vector<16xf32>
      %swap3A_204 = vector.shape_cast %broadcast_in_dim3A_199 : vector<16xf32> to vector<1x16xf32>
      tpu.vector_store %arg8[%swap3A_200, %swap3A_201], %swap3A_204 {strides = array<i32>} : memref<128x64xf32, #tpu.memory_space<vmem>>, vector<1x16xf32>,
      %broadcast_in_dim3A_205 = arith.constant 0.000000e+00 : f32
      %broadcast_in_dim3A_206 = vector.broadcast %broadcast_in_dim3A_205 : f32 to vector<16xf32>
      %swap3A_207 = arith.index_cast %scan3A_197 : i32 to index
      %swap3A_208 = arith.constant 16 : index
      %swap3A_209 = tpu.vector_load %arg8[%swap3A_207, %swap3A_208] {strides = array<i32>} : memref<128x64xf32, #tpu.memory_space<vmem>>, vector<1x16xf32>,
      %swap3A_210 = vector.shape_cast %swap3A_209 : vector<1x16xf32> to vector<16xf32>
      %swap3A_211 = vector.shape_cast %broadcast_in_dim3A_206 : vector<16xf32> to vector<1x16xf32>
      tpu.vector_store %arg8[%swap3A_207, %swap3A_208], %swap3A_211 {strides = array<i32>} : memref<128x64xf32, #tpu.memory_space<vmem>>, vector<1x16xf32>,
      %broadcast_in_dim3A_212 = arith.constant 0.000000e+00 : f32
      %broadcast_in_dim3A_213 = vector.broadcast %broadcast_in_dim3A_212 : f32 to vector<16xf32>
      %swap3A_214 = arith.index_cast %scan3A_197 : i32 to index
      %swap3A_215 = arith.constant 32 : index
      %swap3A_216 = tpu.vector_load %arg8[%swap3A_214, %swap3A_215] {strides = array<i32>} : memref<128x64xf32, #tpu.memory_space<vmem>>, vector<1x16xf32>,
      %swap3A_217 = vector.shape_cast %swap3A_216 : vector<1x16xf32> to vector<16xf32>
      %swap3A_218 = vector.shape_cast %broadcast_in_dim3A_213 : vector<16xf32> to vector<1x16xf32>
      tpu.vector_store %arg8[%swap3A_214, %swap3A_215], %swap3A_218 {strides = array<i32>} : memref<128x64xf32, #tpu.memory_space<vmem>>, vector<1x16xf32>,
      %broadcast_in_dim3A_219 = arith.constant 0.000000e+00 : f32
      %broadcast_in_dim3A_220 = vector.broadcast %broadcast_in_dim3A_219 : f32 to vector<16xf32>
      %swap3A_221 = arith.index_cast %scan3A_197 : i32 to index
      %swap3A_222 = arith.constant 48 : index
      %swap3A_223 = tpu.vector_load %arg8[%swap3A_221, %swap3A_222] {strides = array<i32>} : memref<128x64xf32, #tpu.memory_space<vmem>>, vector<1x16xf32>,
      %swap3A_224 = vector.shape_cast %swap3A_223 : vector<1x16xf32> to vector<16xf32>
      %swap3A_225 = vector.shape_cast %broadcast_in_dim3A_220 : vector<16xf32> to vector<1x16xf32>
      tpu.vector_store %arg8[%swap3A_221, %swap3A_222], %swap3A_225 {strides = array<i32>} : memref<128x64xf32, #tpu.memory_space<vmem>>, vector<1x16xf32>,
    }
    %scan3A_7 = arith.constant 128 : i32
    %add3A_8 = arith.constant 0 : i32
    %add3A_9 = arith.addi %mul3A_2, %add3A_8 : i32
    "tpu.region"() ({
      %run_scoped3A = tpu.sem_alloc : memref<!tpu.dma_semaphore, #tpu.memory_space<semaphore_mem>>
      %dma_start3A = arith.constant 0 : i32
      %dma_start3A_197 = arith.constant 0 : i32
      %dma_start3A_198 = tpu.memref_slice %arg8[%dma_start3A, %dma_start3A_197] : memref<128x64xf32, #tpu.memory_space<vmem>> -> memref<128x64xf32, #tpu.memory_space<vmem>>
      %dma_start3A_199 = arith.constant 0 : i32
      %dma_start3A_200 = tpu.memref_slice %arg10[%add3A_9, %dma_start3A_199] : memref<10112x64xf32, #tpu.memory_space<vmem_shared>> -> memref<128x64xf32, #tpu.memory_space<vmem_shared>>
      %dma_start3A_201 = arith.constant 0 : i32
      %dma_start3A_202 = tpu.memref_slice %arg10[%add3A_9, %dma_start3A_201] : memref<10112x64xf32, #tpu.memory_space<vmem_shared>> -> memref<128x64xf32, #tpu.memory_space<vmem_shared>>
      %dma_start3A_203 = arith.constant 0 : i32
      %dma_start3A_204 = arith.constant 0 : i32
      %dma_start3A_205 = tpu.memref_slice %arg8[%dma_start3A_203, %dma_start3A_204] : memref<128x64xf32, #tpu.memory_space<vmem>> -> memref<128x64xf32, #tpu.memory_space<vmem>>
      tpu.enqueue_dma source(%dma_start3A_205 : memref<128x64xf32, #tpu.memory_space<vmem>>) target(%dma_start3A_202 : memref<128x64xf32, #tpu.memory_space<vmem_shared>>) target_semaphore(%run_scoped3A : memref<!tpu.dma_semaphore, #tpu.memory_space<semaphore_mem>>)
      %dma_wait3A = arith.constant 0 : i32
      %dma_wait3A_206 = arith.constant 0 : i32
      %dma_wait3A_207 = tpu.memref_slice %arg8[%dma_wait3A, %dma_wait3A_206] : memref<128x64xf32, #tpu.memory_space<vmem>> -> memref<128x64xf32, #tpu.memory_space<vmem>>
      %dma_wait3A_208 = arith.constant 0 : i32
      %dma_wait3A_209 = tpu.memref_slice %arg10[%add3A_9, %dma_wait3A_208] : memref<10112x64xf32, #tpu.memory_space<vmem_shared>> -> memref<128x64xf32, #tpu.memory_space<vmem_shared>>
      %dma_wait3A_210 = arith.constant 0 : i32
      %dma_wait3A_211 = tpu.memref_slice %arg10[%add3A_9, %dma_wait3A_210] : memref<10112x64xf32, #tpu.memory_space<vmem_shared>> -> memref<128x64xf32, #tpu.memory_space<vmem_shared>>
      %dma_wait3A_212 = arith.constant 0 : i32
      %dma_wait3A_213 = arith.constant 0 : i32
      %dma_wait3A_214 = tpu.memref_slice %arg8[%dma_wait3A_212, %dma_wait3A_213] : memref<128x64xf32, #tpu.memory_space<vmem>> -> memref<128x64xf32, #tpu.memory_space<vmem>>
      tpu.wait_dma2 semaphore(%run_scoped3A : memref<!tpu.dma_semaphore, #tpu.memory_space<semaphore_mem>>) src(%dma_wait3A_214 : memref<128x64xf32, #tpu.memory_space<vmem>>) dst(%dma_wait3A_211 : memref<128x64xf32, #tpu.memory_space<vmem_shared>>)
      tpu.yield
    }) : () -> ()
    %add3A_10 = arith.constant 128 : i32
    %add3A_11 = arith.addi %mul3A_2, %add3A_10 : i32
    "tpu.region"() ({
      %run_scoped3A = tpu.sem_alloc : memref<!tpu.dma_semaphore, #tpu.memory_space<semaphore_mem>>
      %dma_start3A = arith.constant 0 : i32
      %dma_start3A_197 = arith.constant 0 : i32
      %dma_start3A_198 = tpu.memref_slice %arg8[%dma_start3A, %dma_start3A_197] : memref<128x64xf32, #tpu.memory_space<vmem>> -> memref<128x64xf32, #tpu.memory_space<vmem>>
      %dma_start3A_199 = arith.constant 0 : i32
      %dma_start3A_200 = tpu.memref_slice %arg10[%add3A_11, %dma_start3A_199] : memref<10112x64xf32, #tpu.memory_space<vmem_shared>> -> memref<128x64xf32, #tpu.memory_space<vmem_shared>>
      %dma_start3A_201 = arith.constant 0 : i32
      %dma_start3A_202 = tpu.memref_slice %arg10[%add3A_11, %dma_start3A_201] : memref<10112x64xf32, #tpu.memory_space<vmem_shared>> -> memref<128x64xf32, #tpu.memory_space<vmem_shared>>
      %dma_start3A_203 = arith.constant 0 : i32
      %dma_start3A_204 = arith.constant 0 : i32
      %dma_start3A_205 = tpu.memref_slice %arg8[%dma_start3A_203, %dma_start3A_204] : memref<128x64xf32, #tpu.memory_space<vmem>> -> memref<128x64xf32, #tpu.memory_space<vmem>>
      tpu.enqueue_dma source(%dma_start3A_205 : memref<128x64xf32, #tpu.memory_space<vmem>>) target(%dma_start3A_202 : memref<128x64xf32, #tpu.memory_space<vmem_shared>>) target_semaphore(%run_scoped3A : memref<!tpu.dma_semaphore, #tpu.memory_space<semaphore_mem>>)
      %dma_wait3A = arith.constant 0 : i32
      %dma_wait3A_206 = arith.constant 0 : i32
      %dma_wait3A_207 = tpu.memref_slice %arg8[%dma_wait3A, %dma_wait3A_206] : memref<128x64xf32, #tpu.memory_space<vmem>> -> memref<128x64xf32, #tpu.memory_space<vmem>>
      %dma_wait3A_208 = arith.constant 0 : i32
      %dma_wait3A_209 = tpu.memref_slice %arg10[%add3A_11, %dma_wait3A_208] : memref<10112x64xf32, #tpu.memory_space<vmem_shared>> -> memref<128x64xf32, #tpu.memory_space<vmem_shared>>
      %dma_wait3A_210 = arith.constant 0 : i32
      %dma_wait3A_211 = tpu.memref_slice %arg10[%add3A_11, %dma_wait3A_210] : memref<10112x64xf32, #tpu.memory_space<vmem_shared>> -> memref<128x64xf32, #tpu.memory_space<vmem_shared>>
      %dma_wait3A_212 = arith.constant 0 : i32
      %dma_wait3A_213 = arith.constant 0 : i32
      %dma_wait3A_214 = tpu.memref_slice %arg8[%dma_wait3A_212, %dma_wait3A_213] : memref<128x64xf32, #tpu.memory_space<vmem>> -> memref<128x64xf32, #tpu.memory_space<vmem>>
      tpu.wait_dma2 semaphore(%run_scoped3A : memref<!tpu.dma_semaphore, #tpu.memory_space<semaphore_mem>>) src(%dma_wait3A_214 : memref<128x64xf32, #tpu.memory_space<vmem>>) dst(%dma_wait3A_211 : memref<128x64xf32, #tpu.memory_space<vmem_shared>>)
      tpu.yield
    }) : () -> ()
    %add3A_12 = arith.constant 256 : i32
    %add3A_13 = arith.addi %mul3A_2, %add3A_12 : i32
    "tpu.region"() ({
      %run_scoped3A = tpu.sem_alloc : memref<!tpu.dma_semaphore, #tpu.memory_space<semaphore_mem>>
      %dma_start3A = arith.constant 0 : i32
      %dma_start3A_197 = arith.constant 0 : i32
      %dma_start3A_198 = tpu.memref_slice %arg8[%dma_start3A, %dma_start3A_197] : memref<128x64xf32, #tpu.memory_space<vmem>> -> memref<128x64xf32, #tpu.memory_space<vmem>>
      %dma_start3A_199 = arith.constant 0 : i32
      %dma_start3A_200 = tpu.memref_slice %arg10[%add3A_13, %dma_start3A_199] : memref<10112x64xf32, #tpu.memory_space<vmem_shared>> -> memref<128x64xf32, #tpu.memory_space<vmem_shared>>
      %dma_start3A_201 = arith.constant 0 : i32
      %dma_start3A_202 = tpu.memref_slice %arg10[%add3A_13, %dma_start3A_201] : memref<10112x64xf32, #tpu.memory_space<vmem_shared>> -> memref<128x64xf32, #tpu.memory_space<vmem_shared>>
      %dma_start3A_203 = arith.constant 0 : i32
      %dma_start3A_204 = arith.constant 0 : i32
      %dma_start3A_205 = tpu.memref_slice %arg8[%dma_start3A_203, %dma_start3A_204] : memref<128x64xf32, #tpu.memory_space<vmem>> -> memref<128x64xf32, #tpu.memory_space<vmem>>
      tpu.enqueue_dma source(%dma_start3A_205 : memref<128x64xf32, #tpu.memory_space<vmem>>) target(%dma_start3A_202 : memref<128x64xf32, #tpu.memory_space<vmem_shared>>) target_semaphore(%run_scoped3A : memref<!tpu.dma_semaphore, #tpu.memory_space<semaphore_mem>>)
      %dma_wait3A = arith.constant 0 : i32
      %dma_wait3A_206 = arith.constant 0 : i32
      %dma_wait3A_207 = tpu.memref_slice %arg8[%dma_wait3A, %dma_wait3A_206] : memref<128x64xf32, #tpu.memory_space<vmem>> -> memref<128x64xf32, #tpu.memory_space<vmem>>
      %dma_wait3A_208 = arith.constant 0 : i32
      %dma_wait3A_209 = tpu.memref_slice %arg10[%add3A_13, %dma_wait3A_208] : memref<10112x64xf32, #tpu.memory_space<vmem_shared>> -> memref<128x64xf32, #tpu.memory_space<vmem_shared>>
      %dma_wait3A_210 = arith.constant 0 : i32
      %dma_wait3A_211 = tpu.memref_slice %arg10[%add3A_13, %dma_wait3A_210] : memref<10112x64xf32, #tpu.memory_space<vmem_shared>> -> memref<128x64xf32, #tpu.memory_space<vmem_shared>>
      %dma_wait3A_212 = arith.constant 0 : i32
      %dma_wait3A_213 = arith.constant 0 : i32
      %dma_wait3A_214 = tpu.memref_slice %arg8[%dma_wait3A_212, %dma_wait3A_213] : memref<128x64xf32, #tpu.memory_space<vmem>> -> memref<128x64xf32, #tpu.memory_space<vmem>>
      tpu.wait_dma2 semaphore(%run_scoped3A : memref<!tpu.dma_semaphore, #tpu.memory_space<semaphore_mem>>) src(%dma_wait3A_214 : memref<128x64xf32, #tpu.memory_space<vmem>>) dst(%dma_wait3A_211 : memref<128x64xf32, #tpu.memory_space<vmem_shared>>)
      tpu.yield
    }) : () -> ()
    %add3A_14 = arith.constant 384 : i32
    %add3A_15 = arith.addi %mul3A_2, %add3A_14 : i32
    "tpu.region"() ({
      %run_scoped3A = tpu.sem_alloc : memref<!tpu.dma_semaphore, #tpu.memory_space<semaphore_mem>>
      %dma_start3A = arith.constant 0 : i32
      %dma_start3A_197 = arith.constant 0 : i32
      %dma_start3A_198 = tpu.memref_slice %arg8[%dma_start3A, %dma_start3A_197] : memref<128x64xf32, #tpu.memory_space<vmem>> -> memref<128x64xf32, #tpu.memory_space<vmem>>
      %dma_start3A_199 = arith.constant 0 : i32
      %dma_start3A_200 = tpu.memref_slice %arg10[%add3A_15, %dma_start3A_199] : memref<10112x64xf32, #tpu.memory_space<vmem_shared>> -> memref<128x64xf32, #tpu.memory_space<vmem_shared>>
      %dma_start3A_201 = arith.constant 0 : i32
      %dma_start3A_202 = tpu.memref_slice %arg10[%add3A_15, %dma_start3A_201] : memref<10112x64xf32, #tpu.memory_space<vmem_shared>> -> memref<128x64xf32, #tpu.memory_space<vmem_shared>>
      %dma_start3A_203 = arith.constant 0 : i32
      %dma_start3A_204 = arith.constant 0 : i32
      %dma_start3A_205 = tpu.memref_slice %arg8[%dma_start3A_203, %dma_start3A_204] : memref<128x64xf32, #tpu.memory_space<vmem>> -> memref<128x64xf32, #tpu.memory_space<vmem>>
      tpu.enqueue_dma source(%dma_start3A_205 : memref<128x64xf32, #tpu.memory_space<vmem>>) target(%dma_start3A_202 : memref<128x64xf32, #tpu.memory_space<vmem_shared>>) target_semaphore(%run_scoped3A : memref<!tpu.dma_semaphore, #tpu.memory_space<semaphore_mem>>)
      %dma_wait3A = arith.constant 0 : i32
      %dma_wait3A_206 = arith.constant 0 : i32
      %dma_wait3A_207 = tpu.memref_slice %arg8[%dma_wait3A, %dma_wait3A_206] : memref<128x64xf32, #tpu.memory_space<vmem>> -> memref<128x64xf32, #tpu.memory_space<vmem>>
      %dma_wait3A_208 = arith.constant 0 : i32
      %dma_wait3A_209 = tpu.memref_slice %arg10[%add3A_15, %dma_wait3A_208] : memref<10112x64xf32, #tpu.memory_space<vmem_shared>> -> memref<128x64xf32, #tpu.memory_space<vmem_shared>>
      %dma_wait3A_210 = arith.constant 0 : i32
      %dma_wait3A_211 = tpu.memref_slice %arg10[%add3A_15, %dma_wait3A_210] : memref<10112x64xf32, #tpu.memory_space<vmem_shared>> -> memref<128x64xf32, #tpu.memory_space<vmem_shared>>
      %dma_wait3A_212 = arith.constant 0 : i32
      %dma_wait3A_213 = arith.constant 0 : i32
      %dma_wait3A_214 = tpu.memref_slice %arg8[%dma_wait3A_212, %dma_wait3A_213] : memref<128x64xf32, #tpu.memory_space<vmem>> -> memref<128x64xf32, #tpu.memory_space<vmem>>
      tpu.wait_dma2 semaphore(%run_scoped3A : memref<!tpu.dma_semaphore, #tpu.memory_space<semaphore_mem>>) src(%dma_wait3A_214 : memref<128x64xf32, #tpu.memory_space<vmem>>) dst(%dma_wait3A_211 : memref<128x64xf32, #tpu.memory_space<vmem_shared>>)
      tpu.yield
    }) : () -> ()
    %add3A_16 = arith.constant 512 : i32
    %add3A_17 = arith.addi %mul3A_2, %add3A_16 : i32
    "tpu.region"() ({
      %run_scoped3A = tpu.sem_alloc : memref<!tpu.dma_semaphore, #tpu.memory_space<semaphore_mem>>
      %dma_start3A = arith.constant 0 : i32
      %dma_start3A_197 = arith.constant 0 : i32
      %dma_start3A_198 = tpu.memref_slice %arg8[%dma_start3A, %dma_start3A_197] : memref<128x64xf32, #tpu.memory_space<vmem>> -> memref<120x64xf32, #tpu.memory_space<vmem>>
      %dma_start3A_199 = arith.constant 0 : i32
      %dma_start3A_200 = tpu.memref_slice %arg10[%add3A_17, %dma_start3A_199] : memref<10112x64xf32, #tpu.memory_space<vmem_shared>> -> memref<120x64xf32, #tpu.memory_space<vmem_shared>>
      %dma_start3A_201 = arith.constant 0 : i32
      %dma_start3A_202 = tpu.memref_slice %arg10[%add3A_17, %dma_start3A_201] : memref<10112x64xf32, #tpu.memory_space<vmem_shared>> -> memref<120x64xf32, #tpu.memory_space<vmem_shared>>
      %dma_start3A_203 = arith.constant 0 : i32
      %dma_start3A_204 = arith.constant 0 : i32
      %dma_start3A_205 = tpu.memref_slice %arg8[%dma_start3A_203, %dma_start3A_204] : memref<128x64xf32, #tpu.memory_space<vmem>> -> memref<120x64xf32, #tpu.memory_space<vmem>>
      tpu.enqueue_dma source(%dma_start3A_205 : memref<120x64xf32, #tpu.memory_space<vmem>>) target(%dma_start3A_202 : memref<120x64xf32, #tpu.memory_space<vmem_shared>>) target_semaphore(%run_scoped3A : memref<!tpu.dma_semaphore, #tpu.memory_space<semaphore_mem>>)
      %dma_wait3A = arith.constant 0 : i32
      %dma_wait3A_206 = arith.constant 0 : i32
      %dma_wait3A_207 = tpu.memref_slice %arg8[%dma_wait3A, %dma_wait3A_206] : memref<128x64xf32, #tpu.memory_space<vmem>> -> memref<120x64xf32, #tpu.memory_space<vmem>>
      %dma_wait3A_208 = arith.constant 0 : i32
      %dma_wait3A_209 = tpu.memref_slice %arg10[%add3A_17, %dma_wait3A_208] : memref<10112x64xf32, #tpu.memory_space<vmem_shared>> -> memref<120x64xf32, #tpu.memory_space<vmem_shared>>
      %dma_wait3A_210 = arith.constant 0 : i32
      %dma_wait3A_211 = tpu.memref_slice %arg10[%add3A_17, %dma_wait3A_210] : memref<10112x64xf32, #tpu.memory_space<vmem_shared>> -> memref<120x64xf32, #tpu.memory_space<vmem_shared>>
      %dma_wait3A_212 = arith.constant 0 : i32
      %dma_wait3A_213 = arith.constant 0 : i32
      %dma_wait3A_214 = tpu.memref_slice %arg8[%dma_wait3A_212, %dma_wait3A_213] : memref<128x64xf32, #tpu.memory_space<vmem>> -> memref<120x64xf32, #tpu.memory_space<vmem>>
      tpu.wait_dma2 semaphore(%run_scoped3A : memref<!tpu.dma_semaphore, #tpu.memory_space<semaphore_mem>>) src(%dma_wait3A_214 : memref<120x64xf32, #tpu.memory_space<vmem>>) dst(%dma_wait3A_211 : memref<120x64xf32, #tpu.memory_space<vmem_shared>>)
      tpu.yield
    }) : () -> ()
    %add3A_18 = arith.constant 0 : i32
    %add3A_19 = arith.addi %mul3A_2, %add3A_18 : i32
    "tpu.region"() ({
      %run_scoped3A = tpu.sem_alloc : memref<!tpu.dma_semaphore, #tpu.memory_space<semaphore_mem>>
      %dma_start3A = arith.constant 0 : i32
      %dma_start3A_197 = arith.constant 0 : i32
      %dma_start3A_198 = tpu.memref_slice %arg9[%dma_start3A, %dma_start3A_197] : memref<128x64xf32, #tpu.memory_space<vmem>> -> memref<128x64xf32, #tpu.memory_space<vmem>>
      %dma_start3A_199 = arith.constant 0 : i32
      %dma_start3A_200 = tpu.memref_slice %arg2[%add3A_19, %dma_start3A_199] : memref<10112x64xf32, #tpu.memory_space<hbm>> -> memref<128x64xf32, #tpu.memory_space<hbm>>
      %dma_start3A_201 = arith.constant 0 : i32
      %dma_start3A_202 = arith.constant 0 : i32
      %dma_start3A_203 = tpu.memref_slice %arg9[%dma_start3A_201, %dma_start3A_202] : memref<128x64xf32, #tpu.memory_space<vmem>> -> memref<128x64xf32, #tpu.memory_space<vmem>>
      %dma_start3A_204 = arith.constant 0 : i32
      %dma_start3A_205 = tpu.memref_slice %arg2[%add3A_19, %dma_start3A_204] : memref<10112x64xf32, #tpu.memory_space<hbm>> -> memref<128x64xf32, #tpu.memory_space<hbm>>
      tpu.enqueue_dma source(%dma_start3A_205 : memref<128x64xf32, #tpu.memory_space<hbm>>) target(%dma_start3A_203 : memref<128x64xf32, #tpu.memory_space<vmem>>) target_semaphore(%run_scoped3A : memref<!tpu.dma_semaphore, #tpu.memory_space<semaphore_mem>>)
      %dma_wait3A = arith.constant 0 : i32
      %dma_wait3A_206 = arith.constant 0 : i32
      %dma_wait3A_207 = tpu.memref_slice %arg9[%dma_wait3A, %dma_wait3A_206] : memref<128x64xf32, #tpu.memory_space<vmem>> -> memref<128x64xf32, #tpu.memory_space<vmem>>
      %dma_wait3A_208 = arith.constant 0 : i32
      %dma_wait3A_209 = tpu.memref_slice %arg2[%add3A_19, %dma_wait3A_208] : memref<10112x64xf32, #tpu.memory_space<hbm>> -> memref<128x64xf32, #tpu.memory_space<hbm>>
      %dma_wait3A_210 = arith.constant 0 : i32
      %dma_wait3A_211 = arith.constant 0 : i32
      %dma_wait3A_212 = tpu.memref_slice %arg9[%dma_wait3A_210, %dma_wait3A_211] : memref<128x64xf32, #tpu.memory_space<vmem>> -> memref<128x64xf32, #tpu.memory_space<vmem>>
      %dma_wait3A_213 = arith.constant 0 : i32
      %dma_wait3A_214 = tpu.memref_slice %arg2[%add3A_19, %dma_wait3A_213] : memref<10112x64xf32, #tpu.memory_space<hbm>> -> memref<128x64xf32, #tpu.memory_space<hbm>>
      tpu.wait_dma2 semaphore(%run_scoped3A : memref<!tpu.dma_semaphore, #tpu.memory_space<semaphore_mem>>) src(%dma_wait3A_214 : memref<128x64xf32, #tpu.memory_space<hbm>>) dst(%dma_wait3A_212 : memref<128x64xf32, #tpu.memory_space<vmem>>)
      tpu.yield
    }) : () -> ()
    %add3A_20 = arith.constant 0 : i32
    %add3A_21 = arith.addi %mul3A_2, %add3A_20 : i32
    "tpu.region"() ({
      %run_scoped3A = tpu.sem_alloc : memref<!tpu.dma_semaphore, #tpu.memory_space<semaphore_mem>>
      %dma_start3A = arith.constant 0 : i32
      %dma_start3A_197 = arith.constant 0 : i32
      %dma_start3A_198 = tpu.memref_slice %arg9[%dma_start3A, %dma_start3A_197] : memref<128x64xf32, #tpu.memory_space<vmem>> -> memref<128x64xf32, #tpu.memory_space<vmem>>
      %dma_start3A_199 = arith.constant 0 : i32
      %dma_start3A_200 = tpu.memref_slice %arg12[%add3A_21, %dma_start3A_199] : memref<10112x64xf32, #tpu.memory_space<vmem_shared>> -> memref<128x64xf32, #tpu.memory_space<vmem_shared>>
      %dma_start3A_201 = arith.constant 0 : i32
      %dma_start3A_202 = tpu.memref_slice %arg12[%add3A_21, %dma_start3A_201] : memref<10112x64xf32, #tpu.memory_space<vmem_shared>> -> memref<128x64xf32, #tpu.memory_space<vmem_shared>>
      %dma_start3A_203 = arith.constant 0 : i32
      %dma_start3A_204 = arith.constant 0 : i32
      %dma_start3A_205 = tpu.memref_slice %arg9[%dma_start3A_203, %dma_start3A_204] : memref<128x64xf32, #tpu.memory_space<vmem>> -> memref<128x64xf32, #tpu.memory_space<vmem>>
      tpu.enqueue_dma source(%dma_start3A_205 : memref<128x64xf32, #tpu.memory_space<vmem>>) target(%dma_start3A_202 : memref<128x64xf32, #tpu.memory_space<vmem_shared>>) target_semaphore(%run_scoped3A : memref<!tpu.dma_semaphore, #tpu.memory_space<semaphore_mem>>)
      %dma_wait3A = arith.constant 0 : i32
      %dma_wait3A_206 = arith.constant 0 : i32
      %dma_wait3A_207 = tpu.memref_slice %arg9[%dma_wait3A, %dma_wait3A_206] : memref<128x64xf32, #tpu.memory_space<vmem>> -> memref<128x64xf32, #tpu.memory_space<vmem>>
      %dma_wait3A_208 = arith.constant 0 : i32
      %dma_wait3A_209 = tpu.memref_slice %arg12[%add3A_21, %dma_wait3A_208] : memref<10112x64xf32, #tpu.memory_space<vmem_shared>> -> memref<128x64xf32, #tpu.memory_space<vmem_shared>>
      %dma_wait3A_210 = arith.constant 0 : i32
      %dma_wait3A_211 = tpu.memref_slice %arg12[%add3A_21, %dma_wait3A_210] : memref<10112x64xf32, #tpu.memory_space<vmem_shared>> -> memref<128x64xf32, #tpu.memory_space<vmem_shared>>
      %dma_wait3A_212 = arith.constant 0 : i32
      %dma_wait3A_213 = arith.constant 0 : i32
      %dma_wait3A_214 = tpu.memref_slice %arg9[%dma_wait3A_212, %dma_wait3A_213] : memref<128x64xf32, #tpu.memory_space<vmem>> -> memref<128x64xf32, #tpu.memory_space<vmem>>
      tpu.wait_dma2 semaphore(%run_scoped3A : memref<!tpu.dma_semaphore, #tpu.memory_space<semaphore_mem>>) src(%dma_wait3A_214 : memref<128x64xf32, #tpu.memory_space<vmem>>) dst(%dma_wait3A_211 : memref<128x64xf32, #tpu.memory_space<vmem_shared>>)
      tpu.yield
    }) : () -> ()
    %add3A_22 = arith.constant 128 : i32
    %add3A_23 = arith.addi %mul3A_2, %add3A_22 : i32
    "tpu.region"() ({
      %run_scoped3A = tpu.sem_alloc : memref<!tpu.dma_semaphore, #tpu.memory_space<semaphore_mem>>
      %dma_start3A = arith.constant 0 : i32
      %dma_start3A_197 = arith.constant 0 : i32
      %dma_start3A_198 = tpu.memref_slice %arg9[%dma_start3A, %dma_start3A_197] : memref<128x64xf32, #tpu.memory_space<vmem>> -> memref<128x64xf32, #tpu.memory_space<vmem>>
      %dma_start3A_199 = arith.constant 0 : i32
      %dma_start3A_200 = tpu.memref_slice %arg2[%add3A_23, %dma_start3A_199] : memref<10112x64xf32, #tpu.memory_space<hbm>> -> memref<128x64xf32, #tpu.memory_space<hbm>>
      %dma_start3A_201 = arith.constant 0 : i32
      %dma_start3A_202 = arith.constant 0 : i32
      %dma_start3A_203 = tpu.memref_slice %arg9[%dma_start3A_201, %dma_start3A_202] : memref<128x64xf32, #tpu.memory_space<vmem>> -> memref<128x64xf32, #tpu.memory_space<vmem>>
      %dma_start3A_204 = arith.constant 0 : i32
      %dma_start3A_205 = tpu.memref_slice %arg2[%add3A_23, %dma_start3A_204] : memref<10112x64xf32, #tpu.memory_space<hbm>> -> memref<128x64xf32, #tpu.memory_space<hbm>>
      tpu.enqueue_dma source(%dma_start3A_205 : memref<128x64xf32, #tpu.memory_space<hbm>>) target(%dma_start3A_203 : memref<128x64xf32, #tpu.memory_space<vmem>>) target_semaphore(%run_scoped3A : memref<!tpu.dma_semaphore, #tpu.memory_space<semaphore_mem>>)
      %dma_wait3A = arith.constant 0 : i32
      %dma_wait3A_206 = arith.constant 0 : i32
      %dma_wait3A_207 = tpu.memref_slice %arg9[%dma_wait3A, %dma_wait3A_206] : memref<128x64xf32, #tpu.memory_space<vmem>> -> memref<128x64xf32, #tpu.memory_space<vmem>>
      %dma_wait3A_208 = arith.constant 0 : i32
      %dma_wait3A_209 = tpu.memref_slice %arg2[%add3A_23, %dma_wait3A_208] : memref<10112x64xf32, #tpu.memory_space<hbm>> -> memref<128x64xf32, #tpu.memory_space<hbm>>
      %dma_wait3A_210 = arith.constant 0 : i32
      %dma_wait3A_211 = arith.constant 0 : i32
      %dma_wait3A_212 = tpu.memref_slice %arg9[%dma_wait3A_210, %dma_wait3A_211] : memref<128x64xf32, #tpu.memory_space<vmem>> -> memref<128x64xf32, #tpu.memory_space<vmem>>
      %dma_wait3A_213 = arith.constant 0 : i32
      %dma_wait3A_214 = tpu.memref_slice %arg2[%add3A_23, %dma_wait3A_213] : memref<10112x64xf32, #tpu.memory_space<hbm>> -> memref<128x64xf32, #tpu.memory_space<hbm>>
      tpu.wait_dma2 semaphore(%run_scoped3A : memref<!tpu.dma_semaphore, #tpu.memory_space<semaphore_mem>>) src(%dma_wait3A_214 : memref<128x64xf32, #tpu.memory_space<hbm>>) dst(%dma_wait3A_212 : memref<128x64xf32, #tpu.memory_space<vmem>>)
      tpu.yield
    }) : () -> ()
    %add3A_24 = arith.constant 128 : i32
    %add3A_25 = arith.addi %mul3A_2, %add3A_24 : i32
    "tpu.region"() ({
      %run_scoped3A = tpu.sem_alloc : memref<!tpu.dma_semaphore, #tpu.memory_space<semaphore_mem>>
      %dma_start3A = arith.constant 0 : i32
      %dma_start3A_197 = arith.constant 0 : i32
      %dma_start3A_198 = tpu.memref_slice %arg9[%dma_start3A, %dma_start3A_197] : memref<128x64xf32, #tpu.memory_space<vmem>> -> memref<128x64xf32, #tpu.memory_space<vmem>>
      %dma_start3A_199 = arith.constant 0 : i32
      %dma_start3A_200 = tpu.memref_slice %arg12[%add3A_25, %dma_start3A_199] : memref<10112x64xf32, #tpu.memory_space<vmem_shared>> -> memref<128x64xf32, #tpu.memory_space<vmem_shared>>
      %dma_start3A_201 = arith.constant 0 : i32
      %dma_start3A_202 = tpu.memref_slice %arg12[%add3A_25, %dma_start3A_201] : memref<10112x64xf32, #tpu.memory_space<vmem_shared>> -> memref<128x64xf32, #tpu.memory_space<vmem_shared>>
      %dma_start3A_203 = arith.constant 0 : i32
      %dma_start3A_204 = arith.constant 0 : i32
      %dma_start3A_205 = tpu.memref_slice %arg9[%dma_start3A_203, %dma_start3A_204] : memref<128x64xf32, #tpu.memory_space<vmem>> -> memref<128x64xf32, #tpu.memory_space<vmem>>
      tpu.enqueue_dma source(%dma_start3A_205 : memref<128x64xf32, #tpu.memory_space<vmem>>) target(%dma_start3A_202 : memref<128x64xf32, #tpu.memory_space<vmem_shared>>) target_semaphore(%run_scoped3A : memref<!tpu.dma_semaphore, #tpu.memory_space<semaphore_mem>>)
      %dma_wait3A = arith.constant 0 : i32
      %dma_wait3A_206 = arith.constant 0 : i32
      %dma_wait3A_207 = tpu.memref_slice %arg9[%dma_wait3A, %dma_wait3A_206] : memref<128x64xf32, #tpu.memory_space<vmem>> -> memref<128x64xf32, #tpu.memory_space<vmem>>
      %dma_wait3A_208 = arith.constant 0 : i32
      %dma_wait3A_209 = tpu.memref_slice %arg12[%add3A_25, %dma_wait3A_208] : memref<10112x64xf32, #tpu.memory_space<vmem_shared>> -> memref<128x64xf32, #tpu.memory_space<vmem_shared>>
      %dma_wait3A_210 = arith.constant 0 : i32
      %dma_wait3A_211 = tpu.memref_slice %arg12[%add3A_25, %dma_wait3A_210] : memref<10112x64xf32, #tpu.memory_space<vmem_shared>> -> memref<128x64xf32, #tpu.memory_space<vmem_shared>>
      %dma_wait3A_212 = arith.constant 0 : i32
      %dma_wait3A_213 = arith.constant 0 : i32
      %dma_wait3A_214 = tpu.memref_slice %arg9[%dma_wait3A_212, %dma_wait3A_213] : memref<128x64xf32, #tpu.memory_space<vmem>> -> memref<128x64xf32, #tpu.memory_space<vmem>>
      tpu.wait_dma2 semaphore(%run_scoped3A : memref<!tpu.dma_semaphore, #tpu.memory_space<semaphore_mem>>) src(%dma_wait3A_214 : memref<128x64xf32, #tpu.memory_space<vmem>>) dst(%dma_wait3A_211 : memref<128x64xf32, #tpu.memory_space<vmem_shared>>)
      tpu.yield
    }) : () -> ()
    %add3A_26 = arith.constant 256 : i32
    %add3A_27 = arith.addi %mul3A_2, %add3A_26 : i32
    "tpu.region"() ({
      %run_scoped3A = tpu.sem_alloc : memref<!tpu.dma_semaphore, #tpu.memory_space<semaphore_mem>>
      %dma_start3A = arith.constant 0 : i32
      %dma_start3A_197 = arith.constant 0 : i32
      %dma_start3A_198 = tpu.memref_slice %arg9[%dma_start3A, %dma_start3A_197] : memref<128x64xf32, #tpu.memory_space<vmem>> -> memref<128x64xf32, #tpu.memory_space<vmem>>
      %dma_start3A_199 = arith.constant 0 : i32
      %dma_start3A_200 = tpu.memref_slice %arg2[%add3A_27, %dma_start3A_199] : memref<10112x64xf32, #tpu.memory_space<hbm>> -> memref<128x64xf32, #tpu.memory_space<hbm>>
      %dma_start3A_201 = arith.constant 0 : i32
      %dma_start3A_202 = arith.constant 0 : i32
      %dma_start3A_203 = tpu.memref_slice %arg9[%dma_start3A_201, %dma_start3A_202] : memref<128x64xf32, #tpu.memory_space<vmem>> -> memref<128x64xf32, #tpu.memory_space<vmem>>
      %dma_start3A_204 = arith.constant 0 : i32
      %dma_start3A_205 = tpu.memref_slice %arg2[%add3A_27, %dma_start3A_204] : memref<10112x64xf32, #tpu.memory_space<hbm>> -> memref<128x64xf32, #tpu.memory_space<hbm>>
      tpu.enqueue_dma source(%dma_start3A_205 : memref<128x64xf32, #tpu.memory_space<hbm>>) target(%dma_start3A_203 : memref<128x64xf32, #tpu.memory_space<vmem>>) target_semaphore(%run_scoped3A : memref<!tpu.dma_semaphore, #tpu.memory_space<semaphore_mem>>)
      %dma_wait3A = arith.constant 0 : i32
      %dma_wait3A_206 = arith.constant 0 : i32
      %dma_wait3A_207 = tpu.memref_slice %arg9[%dma_wait3A, %dma_wait3A_206] : memref<128x64xf32, #tpu.memory_space<vmem>> -> memref<128x64xf32, #tpu.memory_space<vmem>>
      %dma_wait3A_208 = arith.constant 0 : i32
      %dma_wait3A_209 = tpu.memref_slice %arg2[%add3A_27, %dma_wait3A_208] : memref<10112x64xf32, #tpu.memory_space<hbm>> -> memref<128x64xf32, #tpu.memory_space<hbm>>
      %dma_wait3A_210 = arith.constant 0 : i32
      %dma_wait3A_211 = arith.constant 0 : i32
      %dma_wait3A_212 = tpu.memref_slice %arg9[%dma_wait3A_210, %dma_wait3A_211] : memref<128x64xf32, #tpu.memory_space<vmem>> -> memref<128x64xf32, #tpu.memory_space<vmem>>
      %dma_wait3A_213 = arith.constant 0 : i32
      %dma_wait3A_214 = tpu.memref_slice %arg2[%add3A_27, %dma_wait3A_213] : memref<10112x64xf32, #tpu.memory_space<hbm>> -> memref<128x64xf32, #tpu.memory_space<hbm>>
      tpu.wait_dma2 semaphore(%run_scoped3A : memref<!tpu.dma_semaphore, #tpu.memory_space<semaphore_mem>>) src(%dma_wait3A_214 : memref<128x64xf32, #tpu.memory_space<hbm>>) dst(%dma_wait3A_212 : memref<128x64xf32, #tpu.memory_space<vmem>>)
      tpu.yield
    }) : () -> ()
    %add3A_28 = arith.constant 256 : i32
    %add3A_29 = arith.addi %mul3A_2, %add3A_28 : i32
    "tpu.region"() ({
      %run_scoped3A = tpu.sem_alloc : memref<!tpu.dma_semaphore, #tpu.memory_space<semaphore_mem>>
      %dma_start3A = arith.constant 0 : i32
      %dma_start3A_197 = arith.constant 0 : i32
      %dma_start3A_198 = tpu.memref_slice %arg9[%dma_start3A, %dma_start3A_197] : memref<128x64xf32, #tpu.memory_space<vmem>> -> memref<128x64xf32, #tpu.memory_space<vmem>>
      %dma_start3A_199 = arith.constant 0 : i32
      %dma_start3A_200 = tpu.memref_slice %arg12[%add3A_29, %dma_start3A_199] : memref<10112x64xf32, #tpu.memory_space<vmem_shared>> -> memref<128x64xf32, #tpu.memory_space<vmem_shared>>
      %dma_start3A_201 = arith.constant 0 : i32
      %dma_start3A_202 = tpu.memref_slice %arg12[%add3A_29, %dma_start3A_201] : memref<10112x64xf32, #tpu.memory_space<vmem_shared>> -> memref<128x64xf32, #tpu.memory_space<vmem_shared>>
      %dma_start3A_203 = arith.constant 0 : i32
      %dma_start3A_204 = arith.constant 0 : i32
      %dma_start3A_205 = tpu.memref_slice %arg9[%dma_start3A_203, %dma_start3A_204] : memref<128x64xf32, #tpu.memory_space<vmem>> -> memref<128x64xf32, #tpu.memory_space<vmem>>
      tpu.enqueue_dma source(%dma_start3A_205 : memref<128x64xf32, #tpu.memory_space<vmem>>) target(%dma_start3A_202 : memref<128x64xf32, #tpu.memory_space<vmem_shared>>) target_semaphore(%run_scoped3A : memref<!tpu.dma_semaphore, #tpu.memory_space<semaphore_mem>>)
      %dma_wait3A = arith.constant 0 : i32
      %dma_wait3A_206 = arith.constant 0 : i32
      %dma_wait3A_207 = tpu.memref_slice %arg9[%dma_wait3A, %dma_wait3A_206] : memref<128x64xf32, #tpu.memory_space<vmem>> -> memref<128x64xf32, #tpu.memory_space<vmem>>
      %dma_wait3A_208 = arith.constant 0 : i32
      %dma_wait3A_209 = tpu.memref_slice %arg12[%add3A_29, %dma_wait3A_208] : memref<10112x64xf32, #tpu.memory_space<vmem_shared>> -> memref<128x64xf32, #tpu.memory_space<vmem_shared>>
      %dma_wait3A_210 = arith.constant 0 : i32
      %dma_wait3A_211 = tpu.memref_slice %arg12[%add3A_29, %dma_wait3A_210] : memref<10112x64xf32, #tpu.memory_space<vmem_shared>> -> memref<128x64xf32, #tpu.memory_space<vmem_shared>>
      %dma_wait3A_212 = arith.constant 0 : i32
      %dma_wait3A_213 = arith.constant 0 : i32
      %dma_wait3A_214 = tpu.memref_slice %arg9[%dma_wait3A_212, %dma_wait3A_213] : memref<128x64xf32, #tpu.memory_space<vmem>> -> memref<128x64xf32, #tpu.memory_space<vmem>>
      tpu.wait_dma2 semaphore(%run_scoped3A : memref<!tpu.dma_semaphore, #tpu.memory_space<semaphore_mem>>) src(%dma_wait3A_214 : memref<128x64xf32, #tpu.memory_space<vmem>>) dst(%dma_wait3A_211 : memref<128x64xf32, #tpu.memory_space<vmem_shared>>)
      tpu.yield
    }) : () -> ()
    %add3A_30 = arith.constant 384 : i32
    %add3A_31 = arith.addi %mul3A_2, %add3A_30 : i32
    "tpu.region"() ({
      %run_scoped3A = tpu.sem_alloc : memref<!tpu.dma_semaphore, #tpu.memory_space<semaphore_mem>>
      %dma_start3A = arith.constant 0 : i32
      %dma_start3A_197 = arith.constant 0 : i32
      %dma_start3A_198 = tpu.memref_slice %arg9[%dma_start3A, %dma_start3A_197] : memref<128x64xf32, #tpu.memory_space<vmem>> -> memref<128x64xf32, #tpu.memory_space<vmem>>
      %dma_start3A_199 = arith.constant 0 : i32
      %dma_start3A_200 = tpu.memref_slice %arg2[%add3A_31, %dma_start3A_199] : memref<10112x64xf32, #tpu.memory_space<hbm>> -> memref<128x64xf32, #tpu.memory_space<hbm>>
      %dma_start3A_201 = arith.constant 0 : i32
      %dma_start3A_202 = arith.constant 0 : i32
      %dma_start3A_203 = tpu.memref_slice %arg9[%dma_start3A_201, %dma_start3A_202] : memref<128x64xf32, #tpu.memory_space<vmem>> -> memref<128x64xf32, #tpu.memory_space<vmem>>
      %dma_start3A_204 = arith.constant 0 : i32
      %dma_start3A_205 = tpu.memref_slice %arg2[%add3A_31, %dma_start3A_204] : memref<10112x64xf32, #tpu.memory_space<hbm>> -> memref<128x64xf32, #tpu.memory_space<hbm>>
      tpu.enqueue_dma source(%dma_start3A_205 : memref<128x64xf32, #tpu.memory_space<hbm>>) target(%dma_start3A_203 : memref<128x64xf32, #tpu.memory_space<vmem>>) target_semaphore(%run_scoped3A : memref<!tpu.dma_semaphore, #tpu.memory_space<semaphore_mem>>)
      %dma_wait3A = arith.constant 0 : i32
      %dma_wait3A_206 = arith.constant 0 : i32
      %dma_wait3A_207 = tpu.memref_slice %arg9[%dma_wait3A, %dma_wait3A_206] : memref<128x64xf32, #tpu.memory_space<vmem>> -> memref<128x64xf32, #tpu.memory_space<vmem>>
      %dma_wait3A_208 = arith.constant 0 : i32
      %dma_wait3A_209 = tpu.memref_slice %arg2[%add3A_31, %dma_wait3A_208] : memref<10112x64xf32, #tpu.memory_space<hbm>> -> memref<128x64xf32, #tpu.memory_space<hbm>>
      %dma_wait3A_210 = arith.constant 0 : i32
      %dma_wait3A_211 = arith.constant 0 : i32
      %dma_wait3A_212 = tpu.memref_slice %arg9[%dma_wait3A_210, %dma_wait3A_211] : memref<128x64xf32, #tpu.memory_space<vmem>> -> memref<128x64xf32, #tpu.memory_space<vmem>>
      %dma_wait3A_213 = arith.constant 0 : i32
      %dma_wait3A_214 = tpu.memref_slice %arg2[%add3A_31, %dma_wait3A_213] : memref<10112x64xf32, #tpu.memory_space<hbm>> -> memref<128x64xf32, #tpu.memory_space<hbm>>
      tpu.wait_dma2 semaphore(%run_scoped3A : memref<!tpu.dma_semaphore, #tpu.memory_space<semaphore_mem>>) src(%dma_wait3A_214 : memref<128x64xf32, #tpu.memory_space<hbm>>) dst(%dma_wait3A_212 : memref<128x64xf32, #tpu.memory_space<vmem>>)
      tpu.yield
    }) : () -> ()
    %add3A_32 = arith.constant 384 : i32
    %add3A_33 = arith.addi %mul3A_2, %add3A_32 : i32
    "tpu.region"() ({
      %run_scoped3A = tpu.sem_alloc : memref<!tpu.dma_semaphore, #tpu.memory_space<semaphore_mem>>
      %dma_start3A = arith.constant 0 : i32
      %dma_start3A_197 = arith.constant 0 : i32
      %dma_start3A_198 = tpu.memref_slice %arg9[%dma_start3A, %dma_start3A_197] : memref<128x64xf32, #tpu.memory_space<vmem>> -> memref<128x64xf32, #tpu.memory_space<vmem>>
      %dma_start3A_199 = arith.constant 0 : i32
      %dma_start3A_200 = tpu.memref_slice %arg12[%add3A_33, %dma_start3A_199] : memref<10112x64xf32, #tpu.memory_space<vmem_shared>> -> memref<128x64xf32, #tpu.memory_space<vmem_shared>>
      %dma_start3A_201 = arith.constant 0 : i32
      %dma_start3A_202 = tpu.memref_slice %arg12[%add3A_33, %dma_start3A_201] : memref<10112x64xf32, #tpu.memory_space<vmem_shared>> -> memref<128x64xf32, #tpu.memory_space<vmem_shared>>
      %dma_start3A_203 = arith.constant 0 : i32
      %dma_start3A_204 = arith.constant 0 : i32
      %dma_start3A_205 = tpu.memref_slice %arg9[%dma_start3A_203, %dma_start3A_204] : memref<128x64xf32, #tpu.memory_space<vmem>> -> memref<128x64xf32, #tpu.memory_space<vmem>>
      tpu.enqueue_dma source(%dma_start3A_205 : memref<128x64xf32, #tpu.memory_space<vmem>>) target(%dma_start3A_202 : memref<128x64xf32, #tpu.memory_space<vmem_shared>>) target_semaphore(%run_scoped3A : memref<!tpu.dma_semaphore, #tpu.memory_space<semaphore_mem>>)
      %dma_wait3A = arith.constant 0 : i32
      %dma_wait3A_206 = arith.constant 0 : i32
      %dma_wait3A_207 = tpu.memref_slice %arg9[%dma_wait3A, %dma_wait3A_206] : memref<128x64xf32, #tpu.memory_space<vmem>> -> memref<128x64xf32, #tpu.memory_space<vmem>>
      %dma_wait3A_208 = arith.constant 0 : i32
      %dma_wait3A_209 = tpu.memref_slice %arg12[%add3A_33, %dma_wait3A_208] : memref<10112x64xf32, #tpu.memory_space<vmem_shared>> -> memref<128x64xf32, #tpu.memory_space<vmem_shared>>
      %dma_wait3A_210 = arith.constant 0 : i32
      %dma_wait3A_211 = tpu.memref_slice %arg12[%add3A_33, %dma_wait3A_210] : memref<10112x64xf32, #tpu.memory_space<vmem_shared>> -> memref<128x64xf32, #tpu.memory_space<vmem_shared>>
      %dma_wait3A_212 = arith.constant 0 : i32
      %dma_wait3A_213 = arith.constant 0 : i32
      %dma_wait3A_214 = tpu.memref_slice %arg9[%dma_wait3A_212, %dma_wait3A_213] : memref<128x64xf32, #tpu.memory_space<vmem>> -> memref<128x64xf32, #tpu.memory_space<vmem>>
      tpu.wait_dma2 semaphore(%run_scoped3A : memref<!tpu.dma_semaphore, #tpu.memory_space<semaphore_mem>>) src(%dma_wait3A_214 : memref<128x64xf32, #tpu.memory_space<vmem>>) dst(%dma_wait3A_211 : memref<128x64xf32, #tpu.memory_space<vmem_shared>>)
      tpu.yield
    }) : () -> ()
    %add3A_34 = arith.constant 512 : i32
    %add3A_35 = arith.addi %mul3A_2, %add3A_34 : i32
    "tpu.region"() ({
      %run_scoped3A = tpu.sem_alloc : memref<!tpu.dma_semaphore, #tpu.memory_space<semaphore_mem>>
      %dma_start3A = arith.constant 0 : i32
      %dma_start3A_197 = arith.constant 0 : i32
      %dma_start3A_198 = tpu.memref_slice %arg9[%dma_start3A, %dma_start3A_197] : memref<128x64xf32, #tpu.memory_space<vmem>> -> memref<120x64xf32, #tpu.memory_space<vmem>>
      %dma_start3A_199 = arith.constant 0 : i32
      %dma_start3A_200 = tpu.memref_slice %arg2[%add3A_35, %dma_start3A_199] : memref<10112x64xf32, #tpu.memory_space<hbm>> -> memref<120x64xf32, #tpu.memory_space<hbm>>
      %dma_start3A_201 = arith.constant 0 : i32
      %dma_start3A_202 = arith.constant 0 : i32
      %dma_start3A_203 = tpu.memref_slice %arg9[%dma_start3A_201, %dma_start3A_202] : memref<128x64xf32, #tpu.memory_space<vmem>> -> memref<120x64xf32, #tpu.memory_space<vmem>>
      %dma_start3A_204 = arith.constant 0 : i32
      %dma_start3A_205 = tpu.memref_slice %arg2[%add3A_35, %dma_start3A_204] : memref<10112x64xf32, #tpu.memory_space<hbm>> -> memref<120x64xf32, #tpu.memory_space<hbm>>
      tpu.enqueue_dma source(%dma_start3A_205 : memref<120x64xf32, #tpu.memory_space<hbm>>) target(%dma_start3A_203 : memref<120x64xf32, #tpu.memory_space<vmem>>) target_semaphore(%run_scoped3A : memref<!tpu.dma_semaphore, #tpu.memory_space<semaphore_mem>>)
      %dma_wait3A = arith.constant 0 : i32
      %dma_wait3A_206 = arith.constant 0 : i32
      %dma_wait3A_207 = tpu.memref_slice %arg9[%dma_wait3A, %dma_wait3A_206] : memref<128x64xf32, #tpu.memory_space<vmem>> -> memref<120x64xf32, #tpu.memory_space<vmem>>
      %dma_wait3A_208 = arith.constant 0 : i32
      %dma_wait3A_209 = tpu.memref_slice %arg2[%add3A_35, %dma_wait3A_208] : memref<10112x64xf32, #tpu.memory_space<hbm>> -> memref<120x64xf32, #tpu.memory_space<hbm>>
      %dma_wait3A_210 = arith.constant 0 : i32
      %dma_wait3A_211 = arith.constant 0 : i32
      %dma_wait3A_212 = tpu.memref_slice %arg9[%dma_wait3A_210, %dma_wait3A_211] : memref<128x64xf32, #tpu.memory_space<vmem>> -> memref<120x64xf32, #tpu.memory_space<vmem>>
      %dma_wait3A_213 = arith.constant 0 : i32
      %dma_wait3A_214 = tpu.memref_slice %arg2[%add3A_35, %dma_wait3A_213] : memref<10112x64xf32, #tpu.memory_space<hbm>> -> memref<120x64xf32, #tpu.memory_space<hbm>>
      tpu.wait_dma2 semaphore(%run_scoped3A : memref<!tpu.dma_semaphore, #tpu.memory_space<semaphore_mem>>) src(%dma_wait3A_214 : memref<120x64xf32, #tpu.memory_space<hbm>>) dst(%dma_wait3A_212 : memref<120x64xf32, #tpu.memory_space<vmem>>)
      tpu.yield
    }) : () -> ()
    %add3A_36 = arith.constant 512 : i32
    %add3A_37 = arith.addi %mul3A_2, %add3A_36 : i32
    "tpu.region"() ({
      %run_scoped3A = tpu.sem_alloc : memref<!tpu.dma_semaphore, #tpu.memory_space<semaphore_mem>>
      %dma_start3A = arith.constant 0 : i32
      %dma_start3A_197 = arith.constant 0 : i32
      %dma_start3A_198 = tpu.memref_slice %arg9[%dma_start3A, %dma_start3A_197] : memref<128x64xf32, #tpu.memory_space<vmem>> -> memref<120x64xf32, #tpu.memory_space<vmem>>
      %dma_start3A_199 = arith.constant 0 : i32
      %dma_start3A_200 = tpu.memref_slice %arg12[%add3A_37, %dma_start3A_199] : memref<10112x64xf32, #tpu.memory_space<vmem_shared>> -> memref<120x64xf32, #tpu.memory_space<vmem_shared>>
      %dma_start3A_201 = arith.constant 0 : i32
      %dma_start3A_202 = tpu.memref_slice %arg12[%add3A_37, %dma_start3A_201] : memref<10112x64xf32, #tpu.memory_space<vmem_shared>> -> memref<120x64xf32, #tpu.memory_space<vmem_shared>>
      %dma_start3A_203 = arith.constant 0 : i32
      %dma_start3A_204 = arith.constant 0 : i32
      %dma_start3A_205 = tpu.memref_slice %arg9[%dma_start3A_203, %dma_start3A_204] : memref<128x64xf32, #tpu.memory_space<vmem>> -> memref<120x64xf32, #tpu.memory_space<vmem>>
      tpu.enqueue_dma source(%dma_start3A_205 : memref<120x64xf32, #tpu.memory_space<vmem>>) target(%dma_start3A_202 : memref<120x64xf32, #tpu.memory_space<vmem_shared>>) target_semaphore(%run_scoped3A : memref<!tpu.dma_semaphore, #tpu.memory_space<semaphore_mem>>)
      %dma_wait3A = arith.constant 0 : i32
      %dma_wait3A_206 = arith.constant 0 : i32
      %dma_wait3A_207 = tpu.memref_slice %arg9[%dma_wait3A, %dma_wait3A_206] : memref<128x64xf32, #tpu.memory_space<vmem>> -> memref<120x64xf32, #tpu.memory_space<vmem>>
      %dma_wait3A_208 = arith.constant 0 : i32
      %dma_wait3A_209 = tpu.memref_slice %arg12[%add3A_37, %dma_wait3A_208] : memref<10112x64xf32, #tpu.memory_space<vmem_shared>> -> memref<120x64xf32, #tpu.memory_space<vmem_shared>>
      %dma_wait3A_210 = arith.constant 0 : i32
      %dma_wait3A_211 = tpu.memref_slice %arg12[%add3A_37, %dma_wait3A_210] : memref<10112x64xf32, #tpu.memory_space<vmem_shared>> -> memref<120x64xf32, #tpu.memory_space<vmem_shared>>
      %dma_wait3A_212 = arith.constant 0 : i32
      %dma_wait3A_213 = arith.constant 0 : i32
      %dma_wait3A_214 = tpu.memref_slice %arg9[%dma_wait3A_212, %dma_wait3A_213] : memref<128x64xf32, #tpu.memory_space<vmem>> -> memref<120x64xf32, #tpu.memory_space<vmem>>
      tpu.wait_dma2 semaphore(%run_scoped3A : memref<!tpu.dma_semaphore, #tpu.memory_space<semaphore_mem>>) src(%dma_wait3A_214 : memref<120x64xf32, #tpu.memory_space<vmem>>) dst(%dma_wait3A_211 : memref<120x64xf32, #tpu.memory_space<vmem_shared>>)
      tpu.yield
    }) : () -> ()
    %broadcast_in_dim3A = arith.constant 0 : i32
    %broadcast_in_dim3A_38 = vector.broadcast %broadcast_in_dim3A : i32 to vector<16xi32>
    %swap3A = arith.constant 40 : i32
    %swap3A_39 = arith.index_cast %swap3A : i32 to index
    %swap3A_40 = arith.constant 0 : index
    %swap3A_41 = tpu.vector_load %arg6[%swap3A_39, %swap3A_40] {strides = array<i32>} : memref<42x128xi32, #tpu.memory_space<vmem>>, vector<1x16xi32>,
    %swap3A_42 = vector.shape_cast %swap3A_41 : vector<1x16xi32> to vector<16xi32>
    %swap3A_43 = vector.shape_cast %broadcast_in_dim3A_38 : vector<16xi32> to vector<1x16xi32>
    tpu.vector_store %arg6[%swap3A_39, %swap3A_40], %swap3A_43 {strides = array<i32>} : memref<42x128xi32, #tpu.memory_space<vmem>>, vector<1x16xi32>,
    %broadcast_in_dim3A_44 = arith.constant 0 : i32
    %broadcast_in_dim3A_45 = vector.broadcast %broadcast_in_dim3A_44 : i32 to vector<16xi32>
    %swap3A_46 = arith.constant 40 : i32
    %swap3A_47 = arith.index_cast %swap3A_46 : i32 to index
    %swap3A_48 = arith.constant 16 : index
    %swap3A_49 = tpu.vector_load %arg6[%swap3A_47, %swap3A_48] {strides = array<i32>} : memref<42x128xi32, #tpu.memory_space<vmem>>, vector<1x16xi32>,
    %swap3A_50 = vector.shape_cast %swap3A_49 : vector<1x16xi32> to vector<16xi32>
    %swap3A_51 = vector.shape_cast %broadcast_in_dim3A_45 : vector<16xi32> to vector<1x16xi32>
    tpu.vector_store %arg6[%swap3A_47, %swap3A_48], %swap3A_51 {strides = array<i32>} : memref<42x128xi32, #tpu.memory_space<vmem>>, vector<1x16xi32>,
    %broadcast_in_dim3A_52 = arith.constant 0 : i32
    %broadcast_in_dim3A_53 = vector.broadcast %broadcast_in_dim3A_52 : i32 to vector<16xi32>
    %swap3A_54 = arith.constant 40 : i32
    %swap3A_55 = arith.index_cast %swap3A_54 : i32 to index
    %swap3A_56 = arith.constant 32 : index
    %swap3A_57 = tpu.vector_load %arg6[%swap3A_55, %swap3A_56] {strides = array<i32>} : memref<42x128xi32, #tpu.memory_space<vmem>>, vector<1x16xi32>,
    %swap3A_58 = vector.shape_cast %swap3A_57 : vector<1x16xi32> to vector<16xi32>
    %swap3A_59 = vector.shape_cast %broadcast_in_dim3A_53 : vector<16xi32> to vector<1x16xi32>
    tpu.vector_store %arg6[%swap3A_55, %swap3A_56], %swap3A_59 {strides = array<i32>} : memref<42x128xi32, #tpu.memory_space<vmem>>, vector<1x16xi32>,
    %broadcast_in_dim3A_60 = arith.constant 0 : i32
    %broadcast_in_dim3A_61 = vector.broadcast %broadcast_in_dim3A_60 : i32 to vector<16xi32>
    %swap3A_62 = arith.constant 40 : i32
    %swap3A_63 = arith.index_cast %swap3A_62 : i32 to index
    %swap3A_64 = arith.constant 48 : index
    %swap3A_65 = tpu.vector_load %arg6[%swap3A_63, %swap3A_64] {strides = array<i32>} : memref<42x128xi32, #tpu.memory_space<vmem>>, vector<1x16xi32>,
    %swap3A_66 = vector.shape_cast %swap3A_65 : vector<1x16xi32> to vector<16xi32>
    %swap3A_67 = vector.shape_cast %broadcast_in_dim3A_61 : vector<16xi32> to vector<1x16xi32>
    tpu.vector_store %arg6[%swap3A_63, %swap3A_64], %swap3A_67 {strides = array<i32>} : memref<42x128xi32, #tpu.memory_space<vmem>>, vector<1x16xi32>,
    %broadcast_in_dim3A_68 = arith.constant 0 : i32
    %broadcast_in_dim3A_69 = vector.broadcast %broadcast_in_dim3A_68 : i32 to vector<16xi32>
    %swap3A_70 = arith.constant 40 : i32
    %swap3A_71 = arith.index_cast %swap3A_70 : i32 to index
    %swap3A_72 = arith.constant 64 : index
    %swap3A_73 = tpu.vector_load %arg6[%swap3A_71, %swap3A_72] {strides = array<i32>} : memref<42x128xi32, #tpu.memory_space<vmem>>, vector<1x16xi32>,
    %swap3A_74 = vector.shape_cast %swap3A_73 : vector<1x16xi32> to vector<16xi32>
    %swap3A_75 = vector.shape_cast %broadcast_in_dim3A_69 : vector<16xi32> to vector<1x16xi32>
    tpu.vector_store %arg6[%swap3A_71, %swap3A_72], %swap3A_75 {strides = array<i32>} : memref<42x128xi32, #tpu.memory_space<vmem>>, vector<1x16xi32>,
    %broadcast_in_dim3A_76 = arith.constant 0 : i32
    %broadcast_in_dim3A_77 = vector.broadcast %broadcast_in_dim3A_76 : i32 to vector<16xi32>
    %swap3A_78 = arith.constant 40 : i32
    %swap3A_79 = arith.index_cast %swap3A_78 : i32 to index
    %swap3A_80 = arith.constant 80 : index
    %swap3A_81 = tpu.vector_load %arg6[%swap3A_79, %swap3A_80] {strides = array<i32>} : memref<42x128xi32, #tpu.memory_space<vmem>>, vector<1x16xi32>,
    %swap3A_82 = vector.shape_cast %swap3A_81 : vector<1x16xi32> to vector<16xi32>
    %swap3A_83 = vector.shape_cast %broadcast_in_dim3A_77 : vector<16xi32> to vector<1x16xi32>
    tpu.vector_store %arg6[%swap3A_79, %swap3A_80], %swap3A_83 {strides = array<i32>} : memref<42x128xi32, #tpu.memory_space<vmem>>, vector<1x16xi32>,
    %broadcast_in_dim3A_84 = arith.constant 0 : i32
    %broadcast_in_dim3A_85 = vector.broadcast %broadcast_in_dim3A_84 : i32 to vector<16xi32>
    %swap3A_86 = arith.constant 40 : i32
    %swap3A_87 = arith.index_cast %swap3A_86 : i32 to index
    %swap3A_88 = arith.constant 96 : index
    %swap3A_89 = tpu.vector_load %arg6[%swap3A_87, %swap3A_88] {strides = array<i32>} : memref<42x128xi32, #tpu.memory_space<vmem>>, vector<1x16xi32>,
    %swap3A_90 = vector.shape_cast %swap3A_89 : vector<1x16xi32> to vector<16xi32>
    %swap3A_91 = vector.shape_cast %broadcast_in_dim3A_85 : vector<16xi32> to vector<1x16xi32>
    tpu.vector_store %arg6[%swap3A_87, %swap3A_88], %swap3A_91 {strides = array<i32>} : memref<42x128xi32, #tpu.memory_space<vmem>>, vector<1x16xi32>,
    %broadcast_in_dim3A_92 = arith.constant 0 : i32
    %broadcast_in_dim3A_93 = vector.broadcast %broadcast_in_dim3A_92 : i32 to vector<16xi32>
    %swap3A_94 = arith.constant 40 : i32
    %swap3A_95 = arith.index_cast %swap3A_94 : i32 to index
    %swap3A_96 = arith.constant 112 : index
    %swap3A_97 = tpu.vector_load %arg6[%swap3A_95, %swap3A_96] {strides = array<i32>} : memref<42x128xi32, #tpu.memory_space<vmem>>, vector<1x16xi32>,
    %swap3A_98 = vector.shape_cast %swap3A_97 : vector<1x16xi32> to vector<16xi32>
    %swap3A_99 = vector.shape_cast %broadcast_in_dim3A_93 : vector<16xi32> to vector<1x16xi32>
    tpu.vector_store %arg6[%swap3A_95, %swap3A_96], %swap3A_99 {strides = array<i32>} : memref<42x128xi32, #tpu.memory_space<vmem>>, vector<1x16xi32>,
    %broadcast_in_dim3A_100 = arith.constant 0 : i32
    %broadcast_in_dim3A_101 = vector.broadcast %broadcast_in_dim3A_100 : i32 to vector<16xi32>
    %swap3A_102 = arith.constant 41 : i32
    %swap3A_103 = arith.index_cast %swap3A_102 : i32 to index
    %swap3A_104 = arith.constant 0 : index
    %swap3A_105 = tpu.vector_load %arg6[%swap3A_103, %swap3A_104] {strides = array<i32>} : memref<42x128xi32, #tpu.memory_space<vmem>>, vector<1x16xi32>,
    %swap3A_106 = vector.shape_cast %swap3A_105 : vector<1x16xi32> to vector<16xi32>
    %swap3A_107 = vector.shape_cast %broadcast_in_dim3A_101 : vector<16xi32> to vector<1x16xi32>
    tpu.vector_store %arg6[%swap3A_103, %swap3A_104], %swap3A_107 {strides = array<i32>} : memref<42x128xi32, #tpu.memory_space<vmem>>, vector<1x16xi32>,
    %broadcast_in_dim3A_108 = arith.constant 0 : i32
    %broadcast_in_dim3A_109 = vector.broadcast %broadcast_in_dim3A_108 : i32 to vector<16xi32>
    %swap3A_110 = arith.constant 41 : i32
    %swap3A_111 = arith.index_cast %swap3A_110 : i32 to index
    %swap3A_112 = arith.constant 16 : index
    %swap3A_113 = tpu.vector_load %arg6[%swap3A_111, %swap3A_112] {strides = array<i32>} : memref<42x128xi32, #tpu.memory_space<vmem>>, vector<1x16xi32>,
    %swap3A_114 = vector.shape_cast %swap3A_113 : vector<1x16xi32> to vector<16xi32>
    %swap3A_115 = vector.shape_cast %broadcast_in_dim3A_109 : vector<16xi32> to vector<1x16xi32>
    tpu.vector_store %arg6[%swap3A_111, %swap3A_112], %swap3A_115 {strides = array<i32>} : memref<42x128xi32, #tpu.memory_space<vmem>>, vector<1x16xi32>,
    %broadcast_in_dim3A_116 = arith.constant 0 : i32
    %broadcast_in_dim3A_117 = vector.broadcast %broadcast_in_dim3A_116 : i32 to vector<16xi32>
    %swap3A_118 = arith.constant 41 : i32
    %swap3A_119 = arith.index_cast %swap3A_118 : i32 to index
    %swap3A_120 = arith.constant 32 : index
    %swap3A_121 = tpu.vector_load %arg6[%swap3A_119, %swap3A_120] {strides = array<i32>} : memref<42x128xi32, #tpu.memory_space<vmem>>, vector<1x16xi32>,
    %swap3A_122 = vector.shape_cast %swap3A_121 : vector<1x16xi32> to vector<16xi32>
    %swap3A_123 = vector.shape_cast %broadcast_in_dim3A_117 : vector<16xi32> to vector<1x16xi32>
    tpu.vector_store %arg6[%swap3A_119, %swap3A_120], %swap3A_123 {strides = array<i32>} : memref<42x128xi32, #tpu.memory_space<vmem>>, vector<1x16xi32>,
    %broadcast_in_dim3A_124 = arith.constant 0 : i32
    %broadcast_in_dim3A_125 = vector.broadcast %broadcast_in_dim3A_124 : i32 to vector<16xi32>
    %swap3A_126 = arith.constant 41 : i32
    %swap3A_127 = arith.index_cast %swap3A_126 : i32 to index
    %swap3A_128 = arith.constant 48 : index
    %swap3A_129 = tpu.vector_load %arg6[%swap3A_127, %swap3A_128] {strides = array<i32>} : memref<42x128xi32, #tpu.memory_space<vmem>>, vector<1x16xi32>,
    %swap3A_130 = vector.shape_cast %swap3A_129 : vector<1x16xi32> to vector<16xi32>
    %swap3A_131 = vector.shape_cast %broadcast_in_dim3A_125 : vector<16xi32> to vector<1x16xi32>
    tpu.vector_store %arg6[%swap3A_127, %swap3A_128], %swap3A_131 {strides = array<i32>} : memref<42x128xi32, #tpu.memory_space<vmem>>, vector<1x16xi32>,
    %broadcast_in_dim3A_132 = arith.constant 0 : i32
    %broadcast_in_dim3A_133 = vector.broadcast %broadcast_in_dim3A_132 : i32 to vector<16xi32>
    %swap3A_134 = arith.constant 41 : i32
    %swap3A_135 = arith.index_cast %swap3A_134 : i32 to index
    %swap3A_136 = arith.constant 64 : index
    %swap3A_137 = tpu.vector_load %arg6[%swap3A_135, %swap3A_136] {strides = array<i32>} : memref<42x128xi32, #tpu.memory_space<vmem>>, vector<1x16xi32>,
    %swap3A_138 = vector.shape_cast %swap3A_137 : vector<1x16xi32> to vector<16xi32>
    %swap3A_139 = vector.shape_cast %broadcast_in_dim3A_133 : vector<16xi32> to vector<1x16xi32>
    tpu.vector_store %arg6[%swap3A_135, %swap3A_136], %swap3A_139 {strides = array<i32>} : memref<42x128xi32, #tpu.memory_space<vmem>>, vector<1x16xi32>,
    %broadcast_in_dim3A_140 = arith.constant 0 : i32
    %broadcast_in_dim3A_141 = vector.broadcast %broadcast_in_dim3A_140 : i32 to vector<16xi32>
    %swap3A_142 = arith.constant 41 : i32
    %swap3A_143 = arith.index_cast %swap3A_142 : i32 to index
    %swap3A_144 = arith.constant 80 : index
    %swap3A_145 = tpu.vector_load %arg6[%swap3A_143, %swap3A_144] {strides = array<i32>} : memref<42x128xi32, #tpu.memory_space<vmem>>, vector<1x16xi32>,
    %swap3A_146 = vector.shape_cast %swap3A_145 : vector<1x16xi32> to vector<16xi32>
    %swap3A_147 = vector.shape_cast %broadcast_in_dim3A_141 : vector<16xi32> to vector<1x16xi32>
    tpu.vector_store %arg6[%swap3A_143, %swap3A_144], %swap3A_147 {strides = array<i32>} : memref<42x128xi32, #tpu.memory_space<vmem>>, vector<1x16xi32>,
    %broadcast_in_dim3A_148 = arith.constant 0 : i32
    %broadcast_in_dim3A_149 = vector.broadcast %broadcast_in_dim3A_148 : i32 to vector<16xi32>
    %swap3A_150 = arith.constant 41 : i32
    %swap3A_151 = arith.index_cast %swap3A_150 : i32 to index
    %swap3A_152 = arith.constant 96 : index
    %swap3A_153 = tpu.vector_load %arg6[%swap3A_151, %swap3A_152] {strides = array<i32>} : memref<42x128xi32, #tpu.memory_space<vmem>>, vector<1x16xi32>,
    %swap3A_154 = vector.shape_cast %swap3A_153 : vector<1x16xi32> to vector<16xi32>
    %swap3A_155 = vector.shape_cast %broadcast_in_dim3A_149 : vector<16xi32> to vector<1x16xi32>
    tpu.vector_store %arg6[%swap3A_151, %swap3A_152], %swap3A_155 {strides = array<i32>} : memref<42x128xi32, #tpu.memory_space<vmem>>, vector<1x16xi32>,
    %broadcast_in_dim3A_156 = arith.constant 0 : i32
    %broadcast_in_dim3A_157 = vector.broadcast %broadcast_in_dim3A_156 : i32 to vector<16xi32>
    %swap3A_158 = arith.constant 41 : i32
    %swap3A_159 = arith.index_cast %swap3A_158 : i32 to index
    %swap3A_160 = arith.constant 112 : index
    %swap3A_161 = tpu.vector_load %arg6[%swap3A_159, %swap3A_160] {strides = array<i32>} : memref<42x128xi32, #tpu.memory_space<vmem>>, vector<1x16xi32>,
    %swap3A_162 = vector.shape_cast %swap3A_161 : vector<1x16xi32> to vector<16xi32>
    %swap3A_163 = vector.shape_cast %broadcast_in_dim3A_157 : vector<16xi32> to vector<1x16xi32>
    tpu.vector_store %arg6[%swap3A_159, %swap3A_160], %swap3A_163 {strides = array<i32>} : memref<42x128xi32, #tpu.memory_space<vmem>>, vector<1x16xi32>,
    %barrier3A = arith.constant 0 : index
    tpu.barrier barrier_id(%barrier3A)
    "tpu.region"() ({
      %run_scoped3A = tpu.sem_alloc : memref<!tpu.dma_semaphore, #tpu.memory_space<semaphore_mem>>
      %dma_start3A = arith.constant 0 : i32
      %dma_start3A_197 = arith.constant 0 : i32
      %dma_start3A_198 = tpu.memref_slice %arg6[%dma_start3A, %dma_start3A_197] : memref<42x128xi32, #tpu.memory_space<vmem>> -> memref<40x128xi32, #tpu.memory_space<vmem>>
      %dma_start3A_199 = arith.constant 0 : i32
      %dma_start3A_200 = arith.constant 0 : i32
      %dma_start3A_201 = tpu.memref_slice %arg3[%add3A, %dma_start3A_199, %dma_start3A_200] : memref<32x80x128xi32, #tpu.memory_space<hbm>> -> memref<1x40x128xi32, #tpu.memory_space<hbm>>
      %dma_start3A_202 = tpu.memref_squeeze %dma_start3A_201 : memref<1x40x128xi32, #tpu.memory_space<hbm>> -> memref<40x128xi32, #tpu.memory_space<hbm>>
      %dma_start3A_203 = arith.constant 0 : i32
      %dma_start3A_204 = arith.constant 0 : i32
      %dma_start3A_205 = tpu.memref_slice %arg6[%dma_start3A_203, %dma_start3A_204] : memref<42x128xi32, #tpu.memory_space<vmem>> -> memref<40x128xi32, #tpu.memory_space<vmem>>
      %dma_start3A_206 = arith.constant 0 : i32
      %dma_start3A_207 = arith.constant 0 : i32
      %dma_start3A_208 = tpu.memref_slice %arg3[%add3A, %dma_start3A_206, %dma_start3A_207] : memref<32x80x128xi32, #tpu.memory_space<hbm>> -> memref<1x40x128xi32, #tpu.memory_space<hbm>>
      %dma_start3A_209 = tpu.memref_squeeze %dma_start3A_208 : memref<1x40x128xi32, #tpu.memory_space<hbm>> -> memref<40x128xi32, #tpu.memory_space<hbm>>
      tpu.enqueue_dma source(%dma_start3A_209 : memref<40x128xi32, #tpu.memory_space<hbm>>) target(%dma_start3A_205 : memref<40x128xi32, #tpu.memory_space<vmem>>) target_semaphore(%run_scoped3A : memref<!tpu.dma_semaphore, #tpu.memory_space<semaphore_mem>>)
      %dma_wait3A = arith.constant 0 : i32
      %dma_wait3A_210 = arith.constant 0 : i32
      %dma_wait3A_211 = tpu.memref_slice %arg6[%dma_wait3A, %dma_wait3A_210] : memref<42x128xi32, #tpu.memory_space<vmem>> -> memref<40x128xi32, #tpu.memory_space<vmem>>
      %dma_wait3A_212 = arith.constant 0 : i32
      %dma_wait3A_213 = arith.constant 0 : i32
      %dma_wait3A_214 = tpu.memref_slice %arg3[%add3A, %dma_wait3A_212, %dma_wait3A_213] : memref<32x80x128xi32, #tpu.memory_space<hbm>> -> memref<1x40x128xi32, #tpu.memory_space<hbm>>
      %dma_wait3A_215 = tpu.memref_squeeze %dma_wait3A_214 : memref<1x40x128xi32, #tpu.memory_space<hbm>> -> memref<40x128xi32, #tpu.memory_space<hbm>>
      %dma_wait3A_216 = arith.constant 0 : i32
      %dma_wait3A_217 = arith.constant 0 : i32
      %dma_wait3A_218 = tpu.memref_slice %arg6[%dma_wait3A_216, %dma_wait3A_217] : memref<42x128xi32, #tpu.memory_space<vmem>> -> memref<40x128xi32, #tpu.memory_space<vmem>>
      %dma_wait3A_219 = arith.constant 0 : i32
      %dma_wait3A_220 = arith.constant 0 : i32
      %dma_wait3A_221 = tpu.memref_slice %arg3[%add3A, %dma_wait3A_219, %dma_wait3A_220] : memref<32x80x128xi32, #tpu.memory_space<hbm>> -> memref<1x40x128xi32, #tpu.memory_space<hbm>>
      %dma_wait3A_222 = tpu.memref_squeeze %dma_wait3A_221 : memref<1x40x128xi32, #tpu.memory_space<hbm>> -> memref<40x128xi32, #tpu.memory_space<hbm>>
      tpu.wait_dma2 semaphore(%run_scoped3A : memref<!tpu.dma_semaphore, #tpu.memory_space<semaphore_mem>>) src(%dma_wait3A_222 : memref<40x128xi32, #tpu.memory_space<hbm>>) dst(%dma_wait3A_218 : memref<40x128xi32, #tpu.memory_space<vmem>>)
      tpu.yield
    }) : () -> ()
    "tpu.region"() ({
      %run_scoped3A = tpu.sem_alloc : memref<!tpu.dma_semaphore, #tpu.memory_space<semaphore_mem>>
      %dma_start3A = arith.constant 0 : i32
      %dma_start3A_197 = arith.constant 0 : i32
      %dma_start3A_198 = tpu.memref_slice %arg4[%add3A, %dma_start3A, %dma_start3A_197] : memref<32x80x128xi32, #tpu.memory_space<hbm>> -> memref<1x40x128xi32, #tpu.memory_space<hbm>>
      %dma_start3A_199 = tpu.memref_squeeze %dma_start3A_198 : memref<1x40x128xi32, #tpu.memory_space<hbm>> -> memref<40x128xi32, #tpu.memory_space<hbm>>
      %dma_start3A_200 = arith.constant 0 : i32
      %dma_start3A_201 = arith.constant 0 : i32
      %dma_start3A_202 = tpu.memref_slice %arg4[%add3A, %dma_start3A_200, %dma_start3A_201] : memref<32x80x128xi32, #tpu.memory_space<hbm>> -> memref<1x40x128xi32, #tpu.memory_space<hbm>>
      %dma_start3A_203 = tpu.memref_squeeze %dma_start3A_202 : memref<1x40x128xi32, #tpu.memory_space<hbm>> -> memref<40x128xi32, #tpu.memory_space<hbm>>
      tpu.enqueue_dma source(%dma_start3A_203 : memref<40x128xi32, #tpu.memory_space<hbm>>) target(%arg7 : memref<40x128xi32, #tpu.memory_space<vmem>>) target_semaphore(%run_scoped3A : memref<!tpu.dma_semaphore, #tpu.memory_space<semaphore_mem>>)
      %dma_wait3A = arith.constant 0 : i32
      %dma_wait3A_204 = arith.constant 0 : i32
      %dma_wait3A_205 = tpu.memref_slice %arg4[%add3A, %dma_wait3A, %dma_wait3A_204] : memref<32x80x128xi32, #tpu.memory_space<hbm>> -> memref<1x40x128xi32, #tpu.memory_space<hbm>>
      %dma_wait3A_206 = tpu.memref_squeeze %dma_wait3A_205 : memref<1x40x128xi32, #tpu.memory_space<hbm>> -> memref<40x128xi32, #tpu.memory_space<hbm>>
      %dma_wait3A_207 = arith.constant 0 : i32
      %dma_wait3A_208 = arith.constant 0 : i32
      %dma_wait3A_209 = tpu.memref_slice %arg4[%add3A, %dma_wait3A_207, %dma_wait3A_208] : memref<32x80x128xi32, #tpu.memory_space<hbm>> -> memref<1x40x128xi32, #tpu.memory_space<hbm>>
      %dma_wait3A_210 = tpu.memref_squeeze %dma_wait3A_209 : memref<1x40x128xi32, #tpu.memory_space<hbm>> -> memref<40x128xi32, #tpu.memory_space<hbm>>
      tpu.wait_dma2 semaphore(%run_scoped3A : memref<!tpu.dma_semaphore, #tpu.memory_space<semaphore_mem>>) src(%dma_wait3A_210 : memref<40x128xi32, #tpu.memory_space<hbm>>) dst(%arg7 : memref<40x128xi32, #tpu.memory_space<vmem>>)
      tpu.yield
    }) : () -> ()
    %scan3A_164 = arith.constant 0 : i32
    %scan3A_165 = arith.constant 0 : i32
    %scan3A_166 = arith.constant 40 : i32
    %scan3A_167 = arith.addi %scan3A_165, %scan3A_166 : i32
    %scan3A_168 = arith.constant 1 : i32
    scf.for %scan3A_197 = %scan3A_165 to %scan3A_167 step %scan3A_168  : i32 {
      "tpu.region"() ({
        %run_scoped3A = tpu.sem_alloc : memref<!tpu.dma_semaphore, #tpu.memory_space<semaphore_mem>>
        %dma_start3A = arith.constant 0 : i32
        %dma_start3A_198 = tpu.memref_slice %arg6[%scan3A_197, %dma_start3A] : memref<42x128xi32, #tpu.memory_space<vmem>> -> memref<1x128xi32, #tpu.memory_space<vmem>>
        %dma_start3A_199 = tpu.memref_squeeze %dma_start3A_198 : memref<1x128xi32, #tpu.memory_space<vmem>> -> memref<128xi32, #tpu.memory_space<vmem>>
        %dma_start3A_200 = arith.constant 0 : i32
        %dma_start3A_201 = arith.constant 0 : i32
        %dma_start3A_202 = tpu.memref_slice %arg12[%dma_start3A_200, %dma_start3A_201] : memref<10112x64xf32, #tpu.memory_space<vmem_shared>> -> memref<10112x64xf32, #tpu.memory_space<vmem_shared>>
        tpu.enqueue_indirect_dma source(%dma_start3A_202 : memref<10112x64xf32, #tpu.memory_space<vmem_shared>>) target(%arg8 : memref<128x64xf32, #tpu.memory_space<vmem>>) offsets(%dma_start3A_199 : memref<128xi32, #tpu.memory_space<vmem>>) semaphore(%run_scoped3A : memref<!tpu.dma_semaphore, #tpu.memory_space<semaphore_mem>>)
        %dma_wait3A = arith.constant 0 : i32
        %dma_wait3A_203 = tpu.memref_slice %arg6[%scan3A_197, %dma_wait3A] : memref<42x128xi32, #tpu.memory_space<vmem>> -> memref<1x128xi32, #tpu.memory_space<vmem>>
        %dma_wait3A_204 = tpu.memref_squeeze %dma_wait3A_203 : memref<1x128xi32, #tpu.memory_space<vmem>> -> memref<128xi32, #tpu.memory_space<vmem>>
        %dma_wait3A_205 = arith.constant 0 : i32
        %dma_wait3A_206 = arith.constant 0 : i32
        %dma_wait3A_207 = tpu.memref_slice %arg12[%dma_wait3A_205, %dma_wait3A_206] : memref<10112x64xf32, #tpu.memory_space<vmem_shared>> -> memref<10112x64xf32, #tpu.memory_space<vmem_shared>>
        tpu.wait_indirect_dma semaphore(%run_scoped3A : memref<!tpu.dma_semaphore, #tpu.memory_space<semaphore_mem>>) src(%dma_wait3A_207 : memref<10112x64xf32, #tpu.memory_space<vmem_shared>>) dst(%arg8 : memref<128x64xf32, #tpu.memory_space<vmem>>)
        tpu.yield
      }) : () -> ()
      "tpu.region"() ({
        %run_scoped3A = tpu.sem_alloc : memref<!tpu.dma_semaphore, #tpu.memory_space<semaphore_mem>>
        %dma_start3A = arith.constant 0 : i32
        %dma_start3A_198 = tpu.memref_slice %arg7[%scan3A_197, %dma_start3A] : memref<40x128xi32, #tpu.memory_space<vmem>> -> memref<1x128xi32, #tpu.memory_space<vmem>>
        %dma_start3A_199 = tpu.memref_squeeze %dma_start3A_198 : memref<1x128xi32, #tpu.memory_space<vmem>> -> memref<128xi32, #tpu.memory_space<vmem>>
        %dma_start3A_200 = arith.constant 0 : i32
        %dma_start3A_201 = arith.constant 0 : i32
        %dma_start3A_202 = tpu.memref_slice %arg10[%dma_start3A_200, %dma_start3A_201] : memref<10112x64xf32, #tpu.memory_space<vmem_shared>> -> memref<10112x64xf32, #tpu.memory_space<vmem_shared>>
        tpu.enqueue_indirect_dma source(%arg8 : memref<128x64xf32, #tpu.memory_space<vmem>>) target(%dma_start3A_202 : memref<10112x64xf32, #tpu.memory_space<vmem_shared>>) offsets(%dma_start3A_199 : memref<128xi32, #tpu.memory_space<vmem>>) semaphore(%run_scoped3A : memref<!tpu.dma_semaphore, #tpu.memory_space<semaphore_mem>>) {add = true}
        %dma_wait3A = arith.constant 0 : i32
        %dma_wait3A_203 = tpu.memref_slice %arg7[%scan3A_197, %dma_wait3A] : memref<40x128xi32, #tpu.memory_space<vmem>> -> memref<1x128xi32, #tpu.memory_space<vmem>>
        %dma_wait3A_204 = tpu.memref_squeeze %dma_wait3A_203 : memref<1x128xi32, #tpu.memory_space<vmem>> -> memref<128xi32, #tpu.memory_space<vmem>>
        %dma_wait3A_205 = arith.constant 0 : i32
        %dma_wait3A_206 = arith.constant 0 : i32
        %dma_wait3A_207 = tpu.memref_slice %arg10[%dma_wait3A_205, %dma_wait3A_206] : memref<10112x64xf32, #tpu.memory_space<vmem_shared>> -> memref<10112x64xf32, #tpu.memory_space<vmem_shared>>
        tpu.wait_indirect_dma semaphore(%run_scoped3A : memref<!tpu.dma_semaphore, #tpu.memory_space<semaphore_mem>>) src(%arg8 : memref<128x64xf32, #tpu.memory_space<vmem>>) dst(%dma_wait3A_207 : memref<10112x64xf32, #tpu.memory_space<vmem_shared>>)
        tpu.yield
      }) : () -> ()
    }
    %scan3A_169 = arith.constant 40 : i32
    "tpu.region"() ({
      %run_scoped3A = tpu.sem_alloc : memref<!tpu.dma_semaphore, #tpu.memory_space<semaphore_mem>>
      %dma_start3A = arith.constant 0 : i32
      %dma_start3A_197 = arith.constant 0 : i32
      %dma_start3A_198 = tpu.memref_slice %arg6[%dma_start3A, %dma_start3A_197] : memref<42x128xi32, #tpu.memory_space<vmem>> -> memref<40x128xi32, #tpu.memory_space<vmem>>
      %dma_start3A_199 = arith.constant 40 : i32
      %dma_start3A_200 = arith.constant 0 : i32
      %dma_start3A_201 = tpu.memref_slice %arg3[%add3A, %dma_start3A_199, %dma_start3A_200] : memref<32x80x128xi32, #tpu.memory_space<hbm>> -> memref<1x40x128xi32, #tpu.memory_space<hbm>>
      %dma_start3A_202 = tpu.memref_squeeze %dma_start3A_201 : memref<1x40x128xi32, #tpu.memory_space<hbm>> -> memref<40x128xi32, #tpu.memory_space<hbm>>
      %dma_start3A_203 = arith.constant 0 : i32
      %dma_start3A_204 = arith.constant 0 : i32
      %dma_start3A_205 = tpu.memref_slice %arg6[%dma_start3A_203, %dma_start3A_204] : memref<42x128xi32, #tpu.memory_space<vmem>> -> memref<40x128xi32, #tpu.memory_space<vmem>>
      %dma_start3A_206 = arith.constant 40 : i32
      %dma_start3A_207 = arith.constant 0 : i32
      %dma_start3A_208 = tpu.memref_slice %arg3[%add3A, %dma_start3A_206, %dma_start3A_207] : memref<32x80x128xi32, #tpu.memory_space<hbm>> -> memref<1x40x128xi32, #tpu.memory_space<hbm>>
      %dma_start3A_209 = tpu.memref_squeeze %dma_start3A_208 : memref<1x40x128xi32, #tpu.memory_space<hbm>> -> memref<40x128xi32, #tpu.memory_space<hbm>>
      tpu.enqueue_dma source(%dma_start3A_209 : memref<40x128xi32, #tpu.memory_space<hbm>>) target(%dma_start3A_205 : memref<40x128xi32, #tpu.memory_space<vmem>>) target_semaphore(%run_scoped3A : memref<!tpu.dma_semaphore, #tpu.memory_space<semaphore_mem>>)
      %dma_wait3A = arith.constant 0 : i32
      %dma_wait3A_210 = arith.constant 0 : i32
      %dma_wait3A_211 = tpu.memref_slice %arg6[%dma_wait3A, %dma_wait3A_210] : memref<42x128xi32, #tpu.memory_space<vmem>> -> memref<40x128xi32, #tpu.memory_space<vmem>>
      %dma_wait3A_212 = arith.constant 40 : i32
      %dma_wait3A_213 = arith.constant 0 : i32
      %dma_wait3A_214 = tpu.memref_slice %arg3[%add3A, %dma_wait3A_212, %dma_wait3A_213] : memref<32x80x128xi32, #tpu.memory_space<hbm>> -> memref<1x40x128xi32, #tpu.memory_space<hbm>>
      %dma_wait3A_215 = tpu.memref_squeeze %dma_wait3A_214 : memref<1x40x128xi32, #tpu.memory_space<hbm>> -> memref<40x128xi32, #tpu.memory_space<hbm>>
      %dma_wait3A_216 = arith.constant 0 : i32
      %dma_wait3A_217 = arith.constant 0 : i32
      %dma_wait3A_218 = tpu.memref_slice %arg6[%dma_wait3A_216, %dma_wait3A_217] : memref<42x128xi32, #tpu.memory_space<vmem>> -> memref<40x128xi32, #tpu.memory_space<vmem>>
      %dma_wait3A_219 = arith.constant 40 : i32
      %dma_wait3A_220 = arith.constant 0 : i32
      %dma_wait3A_221 = tpu.memref_slice %arg3[%add3A, %dma_wait3A_219, %dma_wait3A_220] : memref<32x80x128xi32, #tpu.memory_space<hbm>> -> memref<1x40x128xi32, #tpu.memory_space<hbm>>
      %dma_wait3A_222 = tpu.memref_squeeze %dma_wait3A_221 : memref<1x40x128xi32, #tpu.memory_space<hbm>> -> memref<40x128xi32, #tpu.memory_space<hbm>>
      tpu.wait_dma2 semaphore(%run_scoped3A : memref<!tpu.dma_semaphore, #tpu.memory_space<semaphore_mem>>) src(%dma_wait3A_222 : memref<40x128xi32, #tpu.memory_space<hbm>>) dst(%dma_wait3A_218 : memref<40x128xi32, #tpu.memory_space<vmem>>)
      tpu.yield
    }) : () -> ()
    "tpu.region"() ({
      %run_scoped3A = tpu.sem_alloc : memref<!tpu.dma_semaphore, #tpu.memory_space<semaphore_mem>>
      %dma_start3A = arith.constant 40 : i32
      %dma_start3A_197 = arith.constant 0 : i32
      %dma_start3A_198 = tpu.memref_slice %arg4[%add3A, %dma_start3A, %dma_start3A_197] : memref<32x80x128xi32, #tpu.memory_space<hbm>> -> memref<1x40x128xi32, #tpu.memory_space<hbm>>
      %dma_start3A_199 = tpu.memref_squeeze %dma_start3A_198 : memref<1x40x128xi32, #tpu.memory_space<hbm>> -> memref<40x128xi32, #tpu.memory_space<hbm>>
      %dma_start3A_200 = arith.constant 40 : i32
      %dma_start3A_201 = arith.constant 0 : i32
      %dma_start3A_202 = tpu.memref_slice %arg4[%add3A, %dma_start3A_200, %dma_start3A_201] : memref<32x80x128xi32, #tpu.memory_space<hbm>> -> memref<1x40x128xi32, #tpu.memory_space<hbm>>
      %dma_start3A_203 = tpu.memref_squeeze %dma_start3A_202 : memref<1x40x128xi32, #tpu.memory_space<hbm>> -> memref<40x128xi32, #tpu.memory_space<hbm>>
      tpu.enqueue_dma source(%dma_start3A_203 : memref<40x128xi32, #tpu.memory_space<hbm>>) target(%arg7 : memref<40x128xi32, #tpu.memory_space<vmem>>) target_semaphore(%run_scoped3A : memref<!tpu.dma_semaphore, #tpu.memory_space<semaphore_mem>>)
      %dma_wait3A = arith.constant 40 : i32
      %dma_wait3A_204 = arith.constant 0 : i32
      %dma_wait3A_205 = tpu.memref_slice %arg4[%add3A, %dma_wait3A, %dma_wait3A_204] : memref<32x80x128xi32, #tpu.memory_space<hbm>> -> memref<1x40x128xi32, #tpu.memory_space<hbm>>
      %dma_wait3A_206 = tpu.memref_squeeze %dma_wait3A_205 : memref<1x40x128xi32, #tpu.memory_space<hbm>> -> memref<40x128xi32, #tpu.memory_space<hbm>>
      %dma_wait3A_207 = arith.constant 40 : i32
      %dma_wait3A_208 = arith.constant 0 : i32
      %dma_wait3A_209 = tpu.memref_slice %arg4[%add3A, %dma_wait3A_207, %dma_wait3A_208] : memref<32x80x128xi32, #tpu.memory_space<hbm>> -> memref<1x40x128xi32, #tpu.memory_space<hbm>>
      %dma_wait3A_210 = tpu.memref_squeeze %dma_wait3A_209 : memref<1x40x128xi32, #tpu.memory_space<hbm>> -> memref<40x128xi32, #tpu.memory_space<hbm>>
      tpu.wait_dma2 semaphore(%run_scoped3A : memref<!tpu.dma_semaphore, #tpu.memory_space<semaphore_mem>>) src(%dma_wait3A_210 : memref<40x128xi32, #tpu.memory_space<hbm>>) dst(%arg7 : memref<40x128xi32, #tpu.memory_space<vmem>>)
      tpu.yield
    }) : () -> ()
    %scan3A_170 = arith.constant 0 : i32
    %scan3A_171 = arith.constant 0 : i32
    %scan3A_172 = arith.constant 40 : i32
    %scan3A_173 = arith.addi %scan3A_171, %scan3A_172 : i32
    %scan3A_174 = arith.constant 1 : i32
    scf.for %scan3A_197 = %scan3A_171 to %scan3A_173 step %scan3A_174  : i32 {
      "tpu.region"() ({
        %run_scoped3A = tpu.sem_alloc : memref<!tpu.dma_semaphore, #tpu.memory_space<semaphore_mem>>
        %dma_start3A = arith.constant 0 : i32
        %dma_start3A_198 = tpu.memref_slice %arg6[%scan3A_197, %dma_start3A] : memref<42x128xi32, #tpu.memory_space<vmem>> -> memref<1x128xi32, #tpu.memory_space<vmem>>
        %dma_start3A_199 = tpu.memref_squeeze %dma_start3A_198 : memref<1x128xi32, #tpu.memory_space<vmem>> -> memref<128xi32, #tpu.memory_space<vmem>>
        %dma_start3A_200 = arith.constant 0 : i32
        %dma_start3A_201 = arith.constant 0 : i32
        %dma_start3A_202 = tpu.memref_slice %arg12[%dma_start3A_200, %dma_start3A_201] : memref<10112x64xf32, #tpu.memory_space<vmem_shared>> -> memref<10112x64xf32, #tpu.memory_space<vmem_shared>>
        tpu.enqueue_indirect_dma source(%dma_start3A_202 : memref<10112x64xf32, #tpu.memory_space<vmem_shared>>) target(%arg8 : memref<128x64xf32, #tpu.memory_space<vmem>>) offsets(%dma_start3A_199 : memref<128xi32, #tpu.memory_space<vmem>>) semaphore(%run_scoped3A : memref<!tpu.dma_semaphore, #tpu.memory_space<semaphore_mem>>)
        %dma_wait3A = arith.constant 0 : i32
        %dma_wait3A_203 = tpu.memref_slice %arg6[%scan3A_197, %dma_wait3A] : memref<42x128xi32, #tpu.memory_space<vmem>> -> memref<1x128xi32, #tpu.memory_space<vmem>>
        %dma_wait3A_204 = tpu.memref_squeeze %dma_wait3A_203 : memref<1x128xi32, #tpu.memory_space<vmem>> -> memref<128xi32, #tpu.memory_space<vmem>>
        %dma_wait3A_205 = arith.constant 0 : i32
        %dma_wait3A_206 = arith.constant 0 : i32
        %dma_wait3A_207 = tpu.memref_slice %arg12[%dma_wait3A_205, %dma_wait3A_206] : memref<10112x64xf32, #tpu.memory_space<vmem_shared>> -> memref<10112x64xf32, #tpu.memory_space<vmem_shared>>
        tpu.wait_indirect_dma semaphore(%run_scoped3A : memref<!tpu.dma_semaphore, #tpu.memory_space<semaphore_mem>>) src(%dma_wait3A_207 : memref<10112x64xf32, #tpu.memory_space<vmem_shared>>) dst(%arg8 : memref<128x64xf32, #tpu.memory_space<vmem>>)
        tpu.yield
      }) : () -> ()
      "tpu.region"() ({
        %run_scoped3A = tpu.sem_alloc : memref<!tpu.dma_semaphore, #tpu.memory_space<semaphore_mem>>
        %dma_start3A = arith.constant 0 : i32
        %dma_start3A_198 = tpu.memref_slice %arg7[%scan3A_197, %dma_start3A] : memref<40x128xi32, #tpu.memory_space<vmem>> -> memref<1x128xi32, #tpu.memory_space<vmem>>
        %dma_start3A_199 = tpu.memref_squeeze %dma_start3A_198 : memref<1x128xi32, #tpu.memory_space<vmem>> -> memref<128xi32, #tpu.memory_space<vmem>>
        %dma_start3A_200 = arith.constant 0 : i32
        %dma_start3A_201 = arith.constant 0 : i32
        %dma_start3A_202 = tpu.memref_slice %arg10[%dma_start3A_200, %dma_start3A_201] : memref<10112x64xf32, #tpu.memory_space<vmem_shared>> -> memref<10112x64xf32, #tpu.memory_space<vmem_shared>>
        tpu.enqueue_indirect_dma source(%arg8 : memref<128x64xf32, #tpu.memory_space<vmem>>) target(%dma_start3A_202 : memref<10112x64xf32, #tpu.memory_space<vmem_shared>>) offsets(%dma_start3A_199 : memref<128xi32, #tpu.memory_space<vmem>>) semaphore(%run_scoped3A : memref<!tpu.dma_semaphore, #tpu.memory_space<semaphore_mem>>) {add = true}
        %dma_wait3A = arith.constant 0 : i32
        %dma_wait3A_203 = tpu.memref_slice %arg7[%scan3A_197, %dma_wait3A] : memref<40x128xi32, #tpu.memory_space<vmem>> -> memref<1x128xi32, #tpu.memory_space<vmem>>
        %dma_wait3A_204 = tpu.memref_squeeze %dma_wait3A_203 : memref<1x128xi32, #tpu.memory_space<vmem>> -> memref<128xi32, #tpu.memory_space<vmem>>
        %dma_wait3A_205 = arith.constant 0 : i32
        %dma_wait3A_206 = arith.constant 0 : i32
        %dma_wait3A_207 = tpu.memref_slice %arg10[%dma_wait3A_205, %dma_wait3A_206] : memref<10112x64xf32, #tpu.memory_space<vmem_shared>> -> memref<10112x64xf32, #tpu.memory_space<vmem_shared>>
        tpu.wait_indirect_dma semaphore(%run_scoped3A : memref<!tpu.dma_semaphore, #tpu.memory_space<semaphore_mem>>) src(%arg8 : memref<128x64xf32, #tpu.memory_space<vmem>>) dst(%dma_wait3A_207 : memref<10112x64xf32, #tpu.memory_space<vmem_shared>>)
        tpu.yield
      }) : () -> ()
    }
    %scan3A_175 = arith.constant 40 : i32
    %barrier3A_176 = arith.constant 0 : index
    tpu.barrier barrier_id(%barrier3A_176)
    %add3A_177 = arith.constant 0 : i32
    %add3A_178 = arith.addi %mul3A_2, %add3A_177 : i32
    "tpu.region"() ({
      %run_scoped3A = tpu.sem_alloc : memref<!tpu.dma_semaphore, #tpu.memory_space<semaphore_mem>>
      %dma_start3A = arith.constant 0 : i32
      %dma_start3A_197 = arith.constant 0 : i32
      %dma_start3A_198 = tpu.memref_slice %arg8[%dma_start3A, %dma_start3A_197] : memref<128x64xf32, #tpu.memory_space<vmem>> -> memref<128x64xf32, #tpu.memory_space<vmem>>
      %dma_start3A_199 = arith.constant 0 : i32
      %dma_start3A_200 = tpu.memref_slice %arg10[%add3A_178, %dma_start3A_199] : memref<10112x64xf32, #tpu.memory_space<vmem_shared>> -> memref<128x64xf32, #tpu.memory_space<vmem_shared>>
      %dma_start3A_201 = arith.constant 0 : i32
      %dma_start3A_202 = arith.constant 0 : i32
      %dma_start3A_203 = tpu.memref_slice %arg8[%dma_start3A_201, %dma_start3A_202] : memref<128x64xf32, #tpu.memory_space<vmem>> -> memref<128x64xf32, #tpu.memory_space<vmem>>
      %dma_start3A_204 = arith.constant 0 : i32
      %dma_start3A_205 = tpu.memref_slice %arg10[%add3A_178, %dma_start3A_204] : memref<10112x64xf32, #tpu.memory_space<vmem_shared>> -> memref<128x64xf32, #tpu.memory_space<vmem_shared>>
      tpu.enqueue_dma source(%dma_start3A_205 : memref<128x64xf32, #tpu.memory_space<vmem_shared>>) target(%dma_start3A_203 : memref<128x64xf32, #tpu.memory_space<vmem>>) target_semaphore(%run_scoped3A : memref<!tpu.dma_semaphore, #tpu.memory_space<semaphore_mem>>)
      %dma_wait3A = arith.constant 0 : i32
      %dma_wait3A_206 = arith.constant 0 : i32
      %dma_wait3A_207 = tpu.memref_slice %arg8[%dma_wait3A, %dma_wait3A_206] : memref<128x64xf32, #tpu.memory_space<vmem>> -> memref<128x64xf32, #tpu.memory_space<vmem>>
      %dma_wait3A_208 = arith.constant 0 : i32
      %dma_wait3A_209 = tpu.memref_slice %arg10[%add3A_178, %dma_wait3A_208] : memref<10112x64xf32, #tpu.memory_space<vmem_shared>> -> memref<128x64xf32, #tpu.memory_space<vmem_shared>>
      %dma_wait3A_210 = arith.constant 0 : i32
      %dma_wait3A_211 = arith.constant 0 : i32
      %dma_wait3A_212 = tpu.memref_slice %arg8[%dma_wait3A_210, %dma_wait3A_211] : memref<128x64xf32, #tpu.memory_space<vmem>> -> memref<128x64xf32, #tpu.memory_space<vmem>>
      %dma_wait3A_213 = arith.constant 0 : i32
      %dma_wait3A_214 = tpu.memref_slice %arg10[%add3A_178, %dma_wait3A_213] : memref<10112x64xf32, #tpu.memory_space<vmem_shared>> -> memref<128x64xf32, #tpu.memory_space<vmem_shared>>
      tpu.wait_dma2 semaphore(%run_scoped3A : memref<!tpu.dma_semaphore, #tpu.memory_space<semaphore_mem>>) src(%dma_wait3A_214 : memref<128x64xf32, #tpu.memory_space<vmem_shared>>) dst(%dma_wait3A_212 : memref<128x64xf32, #tpu.memory_space<vmem>>)
      tpu.yield
    }) : () -> ()
    %add3A_179 = arith.constant 0 : i32
    %add3A_180 = arith.addi %mul3A_2, %add3A_179 : i32
    "tpu.region"() ({
      %run_scoped3A = tpu.sem_alloc : memref<!tpu.dma_semaphore, #tpu.memory_space<semaphore_mem>>
      %dma_start3A = arith.constant 0 : i32
      %dma_start3A_197 = arith.constant 0 : i32
      %dma_start3A_198 = tpu.memref_slice %arg8[%dma_start3A, %dma_start3A_197] : memref<128x64xf32, #tpu.memory_space<vmem>> -> memref<128x64xf32, #tpu.memory_space<vmem>>
      %dma_start3A_199 = arith.constant 0 : i32
      %dma_start3A_200 = tpu.memref_slice %arg5[%arg0, %add3A_180, %dma_start3A_199] : memref<2x10112x64xf32, #tpu.memory_space<hbm>> -> memref<1x128x64xf32, #tpu.memory_space<hbm>>
      %dma_start3A_201 = tpu.memref_squeeze %dma_start3A_200 : memref<1x128x64xf32, #tpu.memory_space<hbm>> -> memref<128x64xf32, #tpu.memory_space<hbm>>
      %dma_start3A_202 = arith.constant 0 : i32
      %dma_start3A_203 = tpu.memref_slice %arg5[%arg0, %add3A_180, %dma_start3A_202] : memref<2x10112x64xf32, #tpu.memory_space<hbm>> -> memref<1x128x64xf32, #tpu.memory_space<hbm>>
      %dma_start3A_204 = tpu.memref_squeeze %dma_start3A_203 : memref<1x128x64xf32, #tpu.memory_space<hbm>> -> memref<128x64xf32, #tpu.memory_space<hbm>>
      %dma_start3A_205 = arith.constant 0 : i32
      %dma_start3A_206 = arith.constant 0 : i32
      %dma_start3A_207 = tpu.memref_slice %arg8[%dma_start3A_205, %dma_start3A_206] : memref<128x64xf32, #tpu.memory_space<vmem>> -> memref<128x64xf32, #tpu.memory_space<vmem>>
      tpu.enqueue_dma source(%dma_start3A_207 : memref<128x64xf32, #tpu.memory_space<vmem>>) target(%dma_start3A_204 : memref<128x64xf32, #tpu.memory_space<hbm>>) target_semaphore(%run_scoped3A : memref<!tpu.dma_semaphore, #tpu.memory_space<semaphore_mem>>)
      %dma_wait3A = arith.constant 0 : i32
      %dma_wait3A_208 = arith.constant 0 : i32
      %dma_wait3A_209 = tpu.memref_slice %arg8[%dma_wait3A, %dma_wait3A_208] : memref<128x64xf32, #tpu.memory_space<vmem>> -> memref<128x64xf32, #tpu.memory_space<vmem>>
      %dma_wait3A_210 = arith.constant 0 : i32
      %dma_wait3A_211 = tpu.memref_slice %arg5[%arg0, %add3A_180, %dma_wait3A_210] : memref<2x10112x64xf32, #tpu.memory_space<hbm>> -> memref<1x128x64xf32, #tpu.memory_space<hbm>>
      %dma_wait3A_212 = tpu.memref_squeeze %dma_wait3A_211 : memref<1x128x64xf32, #tpu.memory_space<hbm>> -> memref<128x64xf32, #tpu.memory_space<hbm>>
      %dma_wait3A_213 = arith.constant 0 : i32
      %dma_wait3A_214 = tpu.memref_slice %arg5[%arg0, %add3A_180, %dma_wait3A_213] : memref<2x10112x64xf32, #tpu.memory_space<hbm>> -> memref<1x128x64xf32, #tpu.memory_space<hbm>>
      %dma_wait3A_215 = tpu.memref_squeeze %dma_wait3A_214 : memref<1x128x64xf32, #tpu.memory_space<hbm>> -> memref<128x64xf32, #tpu.memory_space<hbm>>
      %dma_wait3A_216 = arith.constant 0 : i32
      %dma_wait3A_217 = arith.constant 0 : i32
      %dma_wait3A_218 = tpu.memref_slice %arg8[%dma_wait3A_216, %dma_wait3A_217] : memref<128x64xf32, #tpu.memory_space<vmem>> -> memref<128x64xf32, #tpu.memory_space<vmem>>
      tpu.wait_dma2 semaphore(%run_scoped3A : memref<!tpu.dma_semaphore, #tpu.memory_space<semaphore_mem>>) src(%dma_wait3A_218 : memref<128x64xf32, #tpu.memory_space<vmem>>) dst(%dma_wait3A_215 : memref<128x64xf32, #tpu.memory_space<hbm>>)
      tpu.yield
    }) : () -> ()
    %add3A_181 = arith.constant 128 : i32
    %add3A_182 = arith.addi %mul3A_2, %add3A_181 : i32
    "tpu.region"() ({
      %run_scoped3A = tpu.sem_alloc : memref<!tpu.dma_semaphore, #tpu.memory_space<semaphore_mem>>
      %dma_start3A = arith.constant 0 : i32
      %dma_start3A_197 = arith.constant 0 : i32
      %dma_start3A_198 = tpu.memref_slice %arg8[%dma_start3A, %dma_start3A_197] : memref<128x64xf32, #tpu.memory_space<vmem>> -> memref<128x64xf32, #tpu.memory_space<vmem>>
      %dma_start3A_199 = arith.constant 0 : i32
      %dma_start3A_200 = tpu.memref_slice %arg10[%add3A_182, %dma_start3A_199] : memref<10112x64xf32, #tpu.memory_space<vmem_shared>> -> memref<128x64xf32, #tpu.memory_space<vmem_shared>>
      %dma_start3A_201 = arith.constant 0 : i32
      %dma_start3A_202 = arith.constant 0 : i32
      %dma_start3A_203 = tpu.memref_slice %arg8[%dma_start3A_201, %dma_start3A_202] : memref<128x64xf32, #tpu.memory_space<vmem>> -> memref<128x64xf32, #tpu.memory_space<vmem>>
      %dma_start3A_204 = arith.constant 0 : i32
      %dma_start3A_205 = tpu.memref_slice %arg10[%add3A_182, %dma_start3A_204] : memref<10112x64xf32, #tpu.memory_space<vmem_shared>> -> memref<128x64xf32, #tpu.memory_space<vmem_shared>>
      tpu.enqueue_dma source(%dma_start3A_205 : memref<128x64xf32, #tpu.memory_space<vmem_shared>>) target(%dma_start3A_203 : memref<128x64xf32, #tpu.memory_space<vmem>>) target_semaphore(%run_scoped3A : memref<!tpu.dma_semaphore, #tpu.memory_space<semaphore_mem>>)
      %dma_wait3A = arith.constant 0 : i32
      %dma_wait3A_206 = arith.constant 0 : i32
      %dma_wait3A_207 = tpu.memref_slice %arg8[%dma_wait3A, %dma_wait3A_206] : memref<128x64xf32, #tpu.memory_space<vmem>> -> memref<128x64xf32, #tpu.memory_space<vmem>>
      %dma_wait3A_208 = arith.constant 0 : i32
      %dma_wait3A_209 = tpu.memref_slice %arg10[%add3A_182, %dma_wait3A_208] : memref<10112x64xf32, #tpu.memory_space<vmem_shared>> -> memref<128x64xf32, #tpu.memory_space<vmem_shared>>
      %dma_wait3A_210 = arith.constant 0 : i32
      %dma_wait3A_211 = arith.constant 0 : i32
      %dma_wait3A_212 = tpu.memref_slice %arg8[%dma_wait3A_210, %dma_wait3A_211] : memref<128x64xf32, #tpu.memory_space<vmem>> -> memref<128x64xf32, #tpu.memory_space<vmem>>
      %dma_wait3A_213 = arith.constant 0 : i32
      %dma_wait3A_214 = tpu.memref_slice %arg10[%add3A_182, %dma_wait3A_213] : memref<10112x64xf32, #tpu.memory_space<vmem_shared>> -> memref<128x64xf32, #tpu.memory_space<vmem_shared>>
      tpu.wait_dma2 semaphore(%run_scoped3A : memref<!tpu.dma_semaphore, #tpu.memory_space<semaphore_mem>>) src(%dma_wait3A_214 : memref<128x64xf32, #tpu.memory_space<vmem_shared>>) dst(%dma_wait3A_212 : memref<128x64xf32, #tpu.memory_space<vmem>>)
      tpu.yield
    }) : () -> ()
    %add3A_183 = arith.constant 128 : i32
    %add3A_184 = arith.addi %mul3A_2, %add3A_183 : i32
    "tpu.region"() ({
      %run_scoped3A = tpu.sem_alloc : memref<!tpu.dma_semaphore, #tpu.memory_space<semaphore_mem>>
      %dma_start3A = arith.constant 0 : i32
      %dma_start3A_197 = arith.constant 0 : i32
      %dma_start3A_198 = tpu.memref_slice %arg8[%dma_start3A, %dma_start3A_197] : memref<128x64xf32, #tpu.memory_space<vmem>> -> memref<128x64xf32, #tpu.memory_space<vmem>>
      %dma_start3A_199 = arith.constant 0 : i32
      %dma_start3A_200 = tpu.memref_slice %arg5[%arg0, %add3A_184, %dma_start3A_199] : memref<2x10112x64xf32, #tpu.memory_space<hbm>> -> memref<1x128x64xf32, #tpu.memory_space<hbm>>
      %dma_start3A_201 = tpu.memref_squeeze %dma_start3A_200 : memref<1x128x64xf32, #tpu.memory_space<hbm>> -> memref<128x64xf32, #tpu.memory_space<hbm>>
      %dma_start3A_202 = arith.constant 0 : i32
      %dma_start3A_203 = tpu.memref_slice %arg5[%arg0, %add3A_184, %dma_start3A_202] : memref<2x10112x64xf32, #tpu.memory_space<hbm>> -> memref<1x128x64xf32, #tpu.memory_space<hbm>>
      %dma_start3A_204 = tpu.memref_squeeze %dma_start3A_203 : memref<1x128x64xf32, #tpu.memory_space<hbm>> -> memref<128x64xf32, #tpu.memory_space<hbm>>
      %dma_start3A_205 = arith.constant 0 : i32
      %dma_start3A_206 = arith.constant 0 : i32
      %dma_start3A_207 = tpu.memref_slice %arg8[%dma_start3A_205, %dma_start3A_206] : memref<128x64xf32, #tpu.memory_space<vmem>> -> memref<128x64xf32, #tpu.memory_space<vmem>>
      tpu.enqueue_dma source(%dma_start3A_207 : memref<128x64xf32, #tpu.memory_space<vmem>>) target(%dma_start3A_204 : memref<128x64xf32, #tpu.memory_space<hbm>>) target_semaphore(%run_scoped3A : memref<!tpu.dma_semaphore, #tpu.memory_space<semaphore_mem>>)
      %dma_wait3A = arith.constant 0 : i32
      %dma_wait3A_208 = arith.constant 0 : i32
      %dma_wait3A_209 = tpu.memref_slice %arg8[%dma_wait3A, %dma_wait3A_208] : memref<128x64xf32, #tpu.memory_space<vmem>> -> memref<128x64xf32, #tpu.memory_space<vmem>>
      %dma_wait3A_210 = arith.constant 0 : i32
      %dma_wait3A_211 = tpu.memref_slice %arg5[%arg0, %add3A_184, %dma_wait3A_210] : memref<2x10112x64xf32, #tpu.memory_space<hbm>> -> memref<1x128x64xf32, #tpu.memory_space<hbm>>
      %dma_wait3A_212 = tpu.memref_squeeze %dma_wait3A_211 : memref<1x128x64xf32, #tpu.memory_space<hbm>> -> memref<128x64xf32, #tpu.memory_space<hbm>>
      %dma_wait3A_213 = arith.constant 0 : i32
      %dma_wait3A_214 = tpu.memref_slice %arg5[%arg0, %add3A_184, %dma_wait3A_213] : memref<2x10112x64xf32, #tpu.memory_space<hbm>> -> memref<1x128x64xf32, #tpu.memory_space<hbm>>
      %dma_wait3A_215 = tpu.memref_squeeze %dma_wait3A_214 : memref<1x128x64xf32, #tpu.memory_space<hbm>> -> memref<128x64xf32, #tpu.memory_space<hbm>>
      %dma_wait3A_216 = arith.constant 0 : i32
      %dma_wait3A_217 = arith.constant 0 : i32
      %dma_wait3A_218 = tpu.memref_slice %arg8[%dma_wait3A_216, %dma_wait3A_217] : memref<128x64xf32, #tpu.memory_space<vmem>> -> memref<128x64xf32, #tpu.memory_space<vmem>>
      tpu.wait_dma2 semaphore(%run_scoped3A : memref<!tpu.dma_semaphore, #tpu.memory_space<semaphore_mem>>) src(%dma_wait3A_218 : memref<128x64xf32, #tpu.memory_space<vmem>>) dst(%dma_wait3A_215 : memref<128x64xf32, #tpu.memory_space<hbm>>)
      tpu.yield
    }) : () -> ()
    %add3A_185 = arith.constant 256 : i32
    %add3A_186 = arith.addi %mul3A_2, %add3A_185 : i32
    "tpu.region"() ({
      %run_scoped3A = tpu.sem_alloc : memref<!tpu.dma_semaphore, #tpu.memory_space<semaphore_mem>>
      %dma_start3A = arith.constant 0 : i32
      %dma_start3A_197 = arith.constant 0 : i32
      %dma_start3A_198 = tpu.memref_slice %arg8[%dma_start3A, %dma_start3A_197] : memref<128x64xf32, #tpu.memory_space<vmem>> -> memref<128x64xf32, #tpu.memory_space<vmem>>
      %dma_start3A_199 = arith.constant 0 : i32
      %dma_start3A_200 = tpu.memref_slice %arg10[%add3A_186, %dma_start3A_199] : memref<10112x64xf32, #tpu.memory_space<vmem_shared>> -> memref<128x64xf32, #tpu.memory_space<vmem_shared>>
      %dma_start3A_201 = arith.constant 0 : i32
      %dma_start3A_202 = arith.constant 0 : i32
      %dma_start3A_203 = tpu.memref_slice %arg8[%dma_start3A_201, %dma_start3A_202] : memref<128x64xf32, #tpu.memory_space<vmem>> -> memref<128x64xf32, #tpu.memory_space<vmem>>
      %dma_start3A_204 = arith.constant 0 : i32
      %dma_start3A_205 = tpu.memref_slice %arg10[%add3A_186, %dma_start3A_204] : memref<10112x64xf32, #tpu.memory_space<vmem_shared>> -> memref<128x64xf32, #tpu.memory_space<vmem_shared>>
      tpu.enqueue_dma source(%dma_start3A_205 : memref<128x64xf32, #tpu.memory_space<vmem_shared>>) target(%dma_start3A_203 : memref<128x64xf32, #tpu.memory_space<vmem>>) target_semaphore(%run_scoped3A : memref<!tpu.dma_semaphore, #tpu.memory_space<semaphore_mem>>)
      %dma_wait3A = arith.constant 0 : i32
      %dma_wait3A_206 = arith.constant 0 : i32
      %dma_wait3A_207 = tpu.memref_slice %arg8[%dma_wait3A, %dma_wait3A_206] : memref<128x64xf32, #tpu.memory_space<vmem>> -> memref<128x64xf32, #tpu.memory_space<vmem>>
      %dma_wait3A_208 = arith.constant 0 : i32
      %dma_wait3A_209 = tpu.memref_slice %arg10[%add3A_186, %dma_wait3A_208] : memref<10112x64xf32, #tpu.memory_space<vmem_shared>> -> memref<128x64xf32, #tpu.memory_space<vmem_shared>>
      %dma_wait3A_210 = arith.constant 0 : i32
      %dma_wait3A_211 = arith.constant 0 : i32
      %dma_wait3A_212 = tpu.memref_slice %arg8[%dma_wait3A_210, %dma_wait3A_211] : memref<128x64xf32, #tpu.memory_space<vmem>> -> memref<128x64xf32, #tpu.memory_space<vmem>>
      %dma_wait3A_213 = arith.constant 0 : i32
      %dma_wait3A_214 = tpu.memref_slice %arg10[%add3A_186, %dma_wait3A_213] : memref<10112x64xf32, #tpu.memory_space<vmem_shared>> -> memref<128x64xf32, #tpu.memory_space<vmem_shared>>
      tpu.wait_dma2 semaphore(%run_scoped3A : memref<!tpu.dma_semaphore, #tpu.memory_space<semaphore_mem>>) src(%dma_wait3A_214 : memref<128x64xf32, #tpu.memory_space<vmem_shared>>) dst(%dma_wait3A_212 : memref<128x64xf32, #tpu.memory_space<vmem>>)
      tpu.yield
    }) : () -> ()
    %add3A_187 = arith.constant 256 : i32
    %add3A_188 = arith.addi %mul3A_2, %add3A_187 : i32
    "tpu.region"() ({
      %run_scoped3A = tpu.sem_alloc : memref<!tpu.dma_semaphore, #tpu.memory_space<semaphore_mem>>
      %dma_start3A = arith.constant 0 : i32
      %dma_start3A_197 = arith.constant 0 : i32
      %dma_start3A_198 = tpu.memref_slice %arg8[%dma_start3A, %dma_start3A_197] : memref<128x64xf32, #tpu.memory_space<vmem>> -> memref<128x64xf32, #tpu.memory_space<vmem>>
      %dma_start3A_199 = arith.constant 0 : i32
      %dma_start3A_200 = tpu.memref_slice %arg5[%arg0, %add3A_188, %dma_start3A_199] : memref<2x10112x64xf32, #tpu.memory_space<hbm>> -> memref<1x128x64xf32, #tpu.memory_space<hbm>>
      %dma_start3A_201 = tpu.memref_squeeze %dma_start3A_200 : memref<1x128x64xf32, #tpu.memory_space<hbm>> -> memref<128x64xf32, #tpu.memory_space<hbm>>
      %dma_start3A_202 = arith.constant 0 : i32
      %dma_start3A_203 = tpu.memref_slice %arg5[%arg0, %add3A_188, %dma_start3A_202] : memref<2x10112x64xf32, #tpu.memory_space<hbm>> -> memref<1x128x64xf32, #tpu.memory_space<hbm>>
      %dma_start3A_204 = tpu.memref_squeeze %dma_start3A_203 : memref<1x128x64xf32, #tpu.memory_space<hbm>> -> memref<128x64xf32, #tpu.memory_space<hbm>>
      %dma_start3A_205 = arith.constant 0 : i32
      %dma_start3A_206 = arith.constant 0 : i32
      %dma_start3A_207 = tpu.memref_slice %arg8[%dma_start3A_205, %dma_start3A_206] : memref<128x64xf32, #tpu.memory_space<vmem>> -> memref<128x64xf32, #tpu.memory_space<vmem>>
      tpu.enqueue_dma source(%dma_start3A_207 : memref<128x64xf32, #tpu.memory_space<vmem>>) target(%dma_start3A_204 : memref<128x64xf32, #tpu.memory_space<hbm>>) target_semaphore(%run_scoped3A : memref<!tpu.dma_semaphore, #tpu.memory_space<semaphore_mem>>)
      %dma_wait3A = arith.constant 0 : i32
      %dma_wait3A_208 = arith.constant 0 : i32
      %dma_wait3A_209 = tpu.memref_slice %arg8[%dma_wait3A, %dma_wait3A_208] : memref<128x64xf32, #tpu.memory_space<vmem>> -> memref<128x64xf32, #tpu.memory_space<vmem>>
      %dma_wait3A_210 = arith.constant 0 : i32
      %dma_wait3A_211 = tpu.memref_slice %arg5[%arg0, %add3A_188, %dma_wait3A_210] : memref<2x10112x64xf32, #tpu.memory_space<hbm>> -> memref<1x128x64xf32, #tpu.memory_space<hbm>>
      %dma_wait3A_212 = tpu.memref_squeeze %dma_wait3A_211 : memref<1x128x64xf32, #tpu.memory_space<hbm>> -> memref<128x64xf32, #tpu.memory_space<hbm>>
      %dma_wait3A_213 = arith.constant 0 : i32
      %dma_wait3A_214 = tpu.memref_slice %arg5[%arg0, %add3A_188, %dma_wait3A_213] : memref<2x10112x64xf32, #tpu.memory_space<hbm>> -> memref<1x128x64xf32, #tpu.memory_space<hbm>>
      %dma_wait3A_215 = tpu.memref_squeeze %dma_wait3A_214 : memref<1x128x64xf32, #tpu.memory_space<hbm>> -> memref<128x64xf32, #tpu.memory_space<hbm>>
      %dma_wait3A_216 = arith.constant 0 : i32
      %dma_wait3A_217 = arith.constant 0 : i32
      %dma_wait3A_218 = tpu.memref_slice %arg8[%dma_wait3A_216, %dma_wait3A_217] : memref<128x64xf32, #tpu.memory_space<vmem>> -> memref<128x64xf32, #tpu.memory_space<vmem>>
      tpu.wait_dma2 semaphore(%run_scoped3A : memref<!tpu.dma_semaphore, #tpu.memory_space<semaphore_mem>>) src(%dma_wait3A_218 : memref<128x64xf32, #tpu.memory_space<vmem>>) dst(%dma_wait3A_215 : memref<128x64xf32, #tpu.memory_space<hbm>>)
      tpu.yield
    }) : () -> ()
    %add3A_189 = arith.constant 384 : i32
    %add3A_190 = arith.addi %mul3A_2, %add3A_189 : i32
    "tpu.region"() ({
      %run_scoped3A = tpu.sem_alloc : memref<!tpu.dma_semaphore, #tpu.memory_space<semaphore_mem>>
      %dma_start3A = arith.constant 0 : i32
      %dma_start3A_197 = arith.constant 0 : i32
      %dma_start3A_198 = tpu.memref_slice %arg8[%dma_start3A, %dma_start3A_197] : memref<128x64xf32, #tpu.memory_space<vmem>> -> memref<128x64xf32, #tpu.memory_space<vmem>>
      %dma_start3A_199 = arith.constant 0 : i32
      %dma_start3A_200 = tpu.memref_slice %arg10[%add3A_190, %dma_start3A_199] : memref<10112x64xf32, #tpu.memory_space<vmem_shared>> -> memref<128x64xf32, #tpu.memory_space<vmem_shared>>
      %dma_start3A_201 = arith.constant 0 : i32
      %dma_start3A_202 = arith.constant 0 : i32
      %dma_start3A_203 = tpu.memref_slice %arg8[%dma_start3A_201, %dma_start3A_202] : memref<128x64xf32, #tpu.memory_space<vmem>> -> memref<128x64xf32, #tpu.memory_space<vmem>>
      %dma_start3A_204 = arith.constant 0 : i32
      %dma_start3A_205 = tpu.memref_slice %arg10[%add3A_190, %dma_start3A_204] : memref<10112x64xf32, #tpu.memory_space<vmem_shared>> -> memref<128x64xf32, #tpu.memory_space<vmem_shared>>
      tpu.enqueue_dma source(%dma_start3A_205 : memref<128x64xf32, #tpu.memory_space<vmem_shared>>) target(%dma_start3A_203 : memref<128x64xf32, #tpu.memory_space<vmem>>) target_semaphore(%run_scoped3A : memref<!tpu.dma_semaphore, #tpu.memory_space<semaphore_mem>>)
      %dma_wait3A = arith.constant 0 : i32
      %dma_wait3A_206 = arith.constant 0 : i32
      %dma_wait3A_207 = tpu.memref_slice %arg8[%dma_wait3A, %dma_wait3A_206] : memref<128x64xf32, #tpu.memory_space<vmem>> -> memref<128x64xf32, #tpu.memory_space<vmem>>
      %dma_wait3A_208 = arith.constant 0 : i32
      %dma_wait3A_209 = tpu.memref_slice %arg10[%add3A_190, %dma_wait3A_208] : memref<10112x64xf32, #tpu.memory_space<vmem_shared>> -> memref<128x64xf32, #tpu.memory_space<vmem_shared>>
      %dma_wait3A_210 = arith.constant 0 : i32
      %dma_wait3A_211 = arith.constant 0 : i32
      %dma_wait3A_212 = tpu.memref_slice %arg8[%dma_wait3A_210, %dma_wait3A_211] : memref<128x64xf32, #tpu.memory_space<vmem>> -> memref<128x64xf32, #tpu.memory_space<vmem>>
      %dma_wait3A_213 = arith.constant 0 : i32
      %dma_wait3A_214 = tpu.memref_slice %arg10[%add3A_190, %dma_wait3A_213] : memref<10112x64xf32, #tpu.memory_space<vmem_shared>> -> memref<128x64xf32, #tpu.memory_space<vmem_shared>>
      tpu.wait_dma2 semaphore(%run_scoped3A : memref<!tpu.dma_semaphore, #tpu.memory_space<semaphore_mem>>) src(%dma_wait3A_214 : memref<128x64xf32, #tpu.memory_space<vmem_shared>>) dst(%dma_wait3A_212 : memref<128x64xf32, #tpu.memory_space<vmem>>)
      tpu.yield
    }) : () -> ()
    %add3A_191 = arith.constant 384 : i32
    %add3A_192 = arith.addi %mul3A_2, %add3A_191 : i32
    "tpu.region"() ({
      %run_scoped3A = tpu.sem_alloc : memref<!tpu.dma_semaphore, #tpu.memory_space<semaphore_mem>>
      %dma_start3A = arith.constant 0 : i32
      %dma_start3A_197 = arith.constant 0 : i32
      %dma_start3A_198 = tpu.memref_slice %arg8[%dma_start3A, %dma_start3A_197] : memref<128x64xf32, #tpu.memory_space<vmem>> -> memref<128x64xf32, #tpu.memory_space<vmem>>
      %dma_start3A_199 = arith.constant 0 : i32
      %dma_start3A_200 = tpu.memref_slice %arg5[%arg0, %add3A_192, %dma_start3A_199] : memref<2x10112x64xf32, #tpu.memory_space<hbm>> -> memref<1x128x64xf32, #tpu.memory_space<hbm>>
      %dma_start3A_201 = tpu.memref_squeeze %dma_start3A_200 : memref<1x128x64xf32, #tpu.memory_space<hbm>> -> memref<128x64xf32, #tpu.memory_space<hbm>>
      %dma_start3A_202 = arith.constant 0 : i32
      %dma_start3A_203 = tpu.memref_slice %arg5[%arg0, %add3A_192, %dma_start3A_202] : memref<2x10112x64xf32, #tpu.memory_space<hbm>> -> memref<1x128x64xf32, #tpu.memory_space<hbm>>
      %dma_start3A_204 = tpu.memref_squeeze %dma_start3A_203 : memref<1x128x64xf32, #tpu.memory_space<hbm>> -> memref<128x64xf32, #tpu.memory_space<hbm>>
      %dma_start3A_205 = arith.constant 0 : i32
      %dma_start3A_206 = arith.constant 0 : i32
      %dma_start3A_207 = tpu.memref_slice %arg8[%dma_start3A_205, %dma_start3A_206] : memref<128x64xf32, #tpu.memory_space<vmem>> -> memref<128x64xf32, #tpu.memory_space<vmem>>
      tpu.enqueue_dma source(%dma_start3A_207 : memref<128x64xf32, #tpu.memory_space<vmem>>) target(%dma_start3A_204 : memref<128x64xf32, #tpu.memory_space<hbm>>) target_semaphore(%run_scoped3A : memref<!tpu.dma_semaphore, #tpu.memory_space<semaphore_mem>>)
      %dma_wait3A = arith.constant 0 : i32
      %dma_wait3A_208 = arith.constant 0 : i32
      %dma_wait3A_209 = tpu.memref_slice %arg8[%dma_wait3A, %dma_wait3A_208] : memref<128x64xf32, #tpu.memory_space<vmem>> -> memref<128x64xf32, #tpu.memory_space<vmem>>
      %dma_wait3A_210 = arith.constant 0 : i32
      %dma_wait3A_211 = tpu.memref_slice %arg5[%arg0, %add3A_192, %dma_wait3A_210] : memref<2x10112x64xf32, #tpu.memory_space<hbm>> -> memref<1x128x64xf32, #tpu.memory_space<hbm>>
      %dma_wait3A_212 = tpu.memref_squeeze %dma_wait3A_211 : memref<1x128x64xf32, #tpu.memory_space<hbm>> -> memref<128x64xf32, #tpu.memory_space<hbm>>
      %dma_wait3A_213 = arith.constant 0 : i32
      %dma_wait3A_214 = tpu.memref_slice %arg5[%arg0, %add3A_192, %dma_wait3A_213] : memref<2x10112x64xf32, #tpu.memory_space<hbm>> -> memref<1x128x64xf32, #tpu.memory_space<hbm>>
      %dma_wait3A_215 = tpu.memref_squeeze %dma_wait3A_214 : memref<1x128x64xf32, #tpu.memory_space<hbm>> -> memref<128x64xf32, #tpu.memory_space<hbm>>
      %dma_wait3A_216 = arith.constant 0 : i32
      %dma_wait3A_217 = arith.constant 0 : i32
      %dma_wait3A_218 = tpu.memref_slice %arg8[%dma_wait3A_216, %dma_wait3A_217] : memref<128x64xf32, #tpu.memory_space<vmem>> -> memref<128x64xf32, #tpu.memory_space<vmem>>
      tpu.wait_dma2 semaphore(%run_scoped3A : memref<!tpu.dma_semaphore, #tpu.memory_space<semaphore_mem>>) src(%dma_wait3A_218 : memref<128x64xf32, #tpu.memory_space<vmem>>) dst(%dma_wait3A_215 : memref<128x64xf32, #tpu.memory_space<hbm>>)
      tpu.yield
    }) : () -> ()
    %add3A_193 = arith.constant 512 : i32
    %add3A_194 = arith.addi %mul3A_2, %add3A_193 : i32
    "tpu.region"() ({
      %run_scoped3A = tpu.sem_alloc : memref<!tpu.dma_semaphore, #tpu.memory_space<semaphore_mem>>
      %dma_start3A = arith.constant 0 : i32
      %dma_start3A_197 = arith.constant 0 : i32
      %dma_start3A_198 = tpu.memref_slice %arg8[%dma_start3A, %dma_start3A_197] : memref<128x64xf32, #tpu.memory_space<vmem>> -> memref<120x64xf32, #tpu.memory_space<vmem>>
      %dma_start3A_199 = arith.constant 0 : i32
      %dma_start3A_200 = tpu.memref_slice %arg10[%add3A_194, %dma_start3A_199] : memref<10112x64xf32, #tpu.memory_space<vmem_shared>> -> memref<120x64xf32, #tpu.memory_space<vmem_shared>>
      %dma_start3A_201 = arith.constant 0 : i32
      %dma_start3A_202 = arith.constant 0 : i32
      %dma_start3A_203 = tpu.memref_slice %arg8[%dma_start3A_201, %dma_start3A_202] : memref<128x64xf32, #tpu.memory_space<vmem>> -> memref<120x64xf32, #tpu.memory_space<vmem>>
      %dma_start3A_204 = arith.constant 0 : i32
      %dma_start3A_205 = tpu.memref_slice %arg10[%add3A_194, %dma_start3A_204] : memref<10112x64xf32, #tpu.memory_space<vmem_shared>> -> memref<120x64xf32, #tpu.memory_space<vmem_shared>>
      tpu.enqueue_dma source(%dma_start3A_205 : memref<120x64xf32, #tpu.memory_space<vmem_shared>>) target(%dma_start3A_203 : memref<120x64xf32, #tpu.memory_space<vmem>>) target_semaphore(%run_scoped3A : memref<!tpu.dma_semaphore, #tpu.memory_space<semaphore_mem>>)
      %dma_wait3A = arith.constant 0 : i32
      %dma_wait3A_206 = arith.constant 0 : i32
      %dma_wait3A_207 = tpu.memref_slice %arg8[%dma_wait3A, %dma_wait3A_206] : memref<128x64xf32, #tpu.memory_space<vmem>> -> memref<120x64xf32, #tpu.memory_space<vmem>>
      %dma_wait3A_208 = arith.constant 0 : i32
      %dma_wait3A_209 = tpu.memref_slice %arg10[%add3A_194, %dma_wait3A_208] : memref<10112x64xf32, #tpu.memory_space<vmem_shared>> -> memref<120x64xf32, #tpu.memory_space<vmem_shared>>
      %dma_wait3A_210 = arith.constant 0 : i32
      %dma_wait3A_211 = arith.constant 0 : i32
      %dma_wait3A_212 = tpu.memref_slice %arg8[%dma_wait3A_210, %dma_wait3A_211] : memref<128x64xf32, #tpu.memory_space<vmem>> -> memref<120x64xf32, #tpu.memory_space<vmem>>
      %dma_wait3A_213 = arith.constant 0 : i32
      %dma_wait3A_214 = tpu.memref_slice %arg10[%add3A_194, %dma_wait3A_213] : memref<10112x64xf32, #tpu.memory_space<vmem_shared>> -> memref<120x64xf32, #tpu.memory_space<vmem_shared>>
      tpu.wait_dma2 semaphore(%run_scoped3A : memref<!tpu.dma_semaphore, #tpu.memory_space<semaphore_mem>>) src(%dma_wait3A_214 : memref<120x64xf32, #tpu.memory_space<vmem_shared>>) dst(%dma_wait3A_212 : memref<120x64xf32, #tpu.memory_space<vmem>>)
      tpu.yield
    }) : () -> ()
    %add3A_195 = arith.constant 512 : i32
    %add3A_196 = arith.addi %mul3A_2, %add3A_195 : i32
    "tpu.region"() ({
      %run_scoped3A = tpu.sem_alloc : memref<!tpu.dma_semaphore, #tpu.memory_space<semaphore_mem>>
      %dma_start3A = arith.constant 0 : i32
      %dma_start3A_197 = arith.constant 0 : i32
      %dma_start3A_198 = tpu.memref_slice %arg8[%dma_start3A, %dma_start3A_197] : memref<128x64xf32, #tpu.memory_space<vmem>> -> memref<120x64xf32, #tpu.memory_space<vmem>>
      %dma_start3A_199 = arith.constant 0 : i32
      %dma_start3A_200 = tpu.memref_slice %arg5[%arg0, %add3A_196, %dma_start3A_199] : memref<2x10112x64xf32, #tpu.memory_space<hbm>> -> memref<1x120x64xf32, #tpu.memory_space<hbm>>
      %dma_start3A_201 = tpu.memref_squeeze %dma_start3A_200 : memref<1x120x64xf32, #tpu.memory_space<hbm>> -> memref<120x64xf32, #tpu.memory_space<hbm>>
      %dma_start3A_202 = arith.constant 0 : i32
      %dma_start3A_203 = tpu.memref_slice %arg5[%arg0, %add3A_196, %dma_start3A_202] : memref<2x10112x64xf32, #tpu.memory_space<hbm>> -> memref<1x120x64xf32, #tpu.memory_space<hbm>>
      %dma_start3A_204 = tpu.memref_squeeze %dma_start3A_203 : memref<1x120x64xf32, #tpu.memory_space<hbm>> -> memref<120x64xf32, #tpu.memory_space<hbm>>
      %dma_start3A_205 = arith.constant 0 : i32
      %dma_start3A_206 = arith.constant 0 : i32
      %dma_start3A_207 = tpu.memref_slice %arg8[%dma_start3A_205, %dma_start3A_206] : memref<128x64xf32, #tpu.memory_space<vmem>> -> memref<120x64xf32, #tpu.memory_space<vmem>>
      tpu.enqueue_dma source(%dma_start3A_207 : memref<120x64xf32, #tpu.memory_space<vmem>>) target(%dma_start3A_204 : memref<120x64xf32, #tpu.memory_space<hbm>>) target_semaphore(%run_scoped3A : memref<!tpu.dma_semaphore, #tpu.memory_space<semaphore_mem>>)
      %dma_wait3A = arith.constant 0 : i32
      %dma_wait3A_208 = arith.constant 0 : i32
      %dma_wait3A_209 = tpu.memref_slice %arg8[%dma_wait3A, %dma_wait3A_208] : memref<128x64xf32, #tpu.memory_space<vmem>> -> memref<120x64xf32, #tpu.memory_space<vmem>>
      %dma_wait3A_210 = arith.constant 0 : i32
      %dma_wait3A_211 = tpu.memref_slice %arg5[%arg0, %add3A_196, %dma_wait3A_210] : memref<2x10112x64xf32, #tpu.memory_space<hbm>> -> memref<1x120x64xf32, #tpu.memory_space<hbm>>
      %dma_wait3A_212 = tpu.memref_squeeze %dma_wait3A_211 : memref<1x120x64xf32, #tpu.memory_space<hbm>> -> memref<120x64xf32, #tpu.memory_space<hbm>>
      %dma_wait3A_213 = arith.constant 0 : i32
      %dma_wait3A_214 = tpu.memref_slice %arg5[%arg0, %add3A_196, %dma_wait3A_213] : memref<2x10112x64xf32, #tpu.memory_space<hbm>> -> memref<1x120x64xf32, #tpu.memory_space<hbm>>
      %dma_wait3A_215 = tpu.memref_squeeze %dma_wait3A_214 : memref<1x120x64xf32, #tpu.memory_space<hbm>> -> memref<120x64xf32, #tpu.memory_space<hbm>>
      %dma_wait3A_216 = arith.constant 0 : i32
      %dma_wait3A_217 = arith.constant 0 : i32
      %dma_wait3A_218 = tpu.memref_slice %arg8[%dma_wait3A_216, %dma_wait3A_217] : memref<128x64xf32, #tpu.memory_space<vmem>> -> memref<120x64xf32, #tpu.memory_space<vmem>>
      tpu.wait_dma2 semaphore(%run_scoped3A : memref<!tpu.dma_semaphore, #tpu.memory_space<semaphore_mem>>) src(%dma_wait3A_218 : memref<120x64xf32, #tpu.memory_space<vmem>>) dst(%dma_wait3A_215 : memref<120x64xf32, #tpu.memory_space<hbm>>)
      tpu.yield
    }) : () -> ()
    return
  }
}

module attributes {stable_mosaic.version = 14 : i64} {
  func.func @_norm_body(%arg0: memref<10112x128xf32, #tpu.memory_space<vmem>>, %arg1: memref<128x128xf32, #tpu.memory_space<vmem>>, %arg2: memref<2x10112xf32, #tpu.memory_space<vmem>>, %arg3: memref<2x10112xf32, #tpu.memory_space<vmem>>, %arg4: memref<2x10112x64xf32, #tpu.memory_space<vmem>>, %arg5: memref<10112x128xf32, #tpu.memory_space<vmem>>, %arg6: memref<10112x128xf32, #tpu.memory_space<vmem>>) attributes {dimension_semantics = [], scalar_prefetch = 0 : i64, scratch_operands = 0 : i64, tpu.core_type = #tpu.core_type<tc>} {
    %get3A = arith.constant 0 : index
    %get3A_0 = arith.constant 0 : index
    %get3A_1 = vector.load %arg2[%get3A, %get3A_0] : memref<2x10112xf32, #tpu.memory_space<vmem>>, vector<1x10112xf32>
    %get3A_2 = vector.shape_cast %get3A_1 : vector<1x10112xf32> to vector<10112xf32>
    %get3A_3 = arith.constant 1 : index
    %get3A_4 = arith.constant 0 : index
    %get3A_5 = vector.load %arg2[%get3A_3, %get3A_4] : memref<2x10112xf32, #tpu.memory_space<vmem>>, vector<1x10112xf32>
    %get3A_6 = vector.shape_cast %get3A_5 : vector<1x10112xf32> to vector<10112xf32>
    %add3A = arith.addf %get3A_2, %get3A_6 : vector<10112xf32>
    %get3A_7 = arith.constant 0 : index
    %get3A_8 = arith.constant 0 : index
    %get3A_9 = vector.load %arg3[%get3A_7, %get3A_8] : memref<2x10112xf32, #tpu.memory_space<vmem>>, vector<1x10112xf32>
    %get3A_10 = vector.shape_cast %get3A_9 : vector<1x10112xf32> to vector<10112xf32>
    %get3A_11 = arith.constant 1 : index
    %get3A_12 = arith.constant 0 : index
    %get3A_13 = vector.load %arg3[%get3A_11, %get3A_12] : memref<2x10112xf32, #tpu.memory_space<vmem>>, vector<1x10112xf32>
    %get3A_14 = vector.shape_cast %get3A_13 : vector<1x10112xf32> to vector<10112xf32>
    %add3A_15 = arith.addf %get3A_10, %get3A_14 : vector<10112xf32>
    %max3A = arith.constant 1.000000e+00 : f32
    %max3A_16 = vector.broadcast %max3A : f32 to vector<10112xf32>
    %max3A_17 = arith.maximumf %add3A, %max3A_16 : vector<10112xf32>
    %rsqrt3A = math.rsqrt %max3A_17 : vector<10112xf32>
    %max3A_18 = arith.constant 1.000000e+00 : f32
    %max3A_19 = vector.broadcast %max3A_18 : f32 to vector<10112xf32>
    %max3A_20 = arith.maximumf %add3A_15, %max3A_19 : vector<10112xf32>
    %rsqrt3A_21 = math.rsqrt %max3A_20 : vector<10112xf32>
    %broadcast_in_dim3A = vector.shape_cast %rsqrt3A : vector<10112xf32> to vector<10112x1xf32>
    %broadcast_in_dim3A_22 = vector.shape_cast %broadcast_in_dim3A : vector<10112x1xf32> to vector<10112x1xf32>
    %broadcast_in_dim3A_23 = vector.broadcast %broadcast_in_dim3A_22 : vector<10112x1xf32> to vector<10112x128xf32>
    %swap3A = arith.constant 0 : index
    %swap3A_24 = arith.constant 0 : index
    %swap3A_25 = vector.load %arg5[%swap3A, %swap3A_24] : memref<10112x128xf32, #tpu.memory_space<vmem>>, vector<10112x128xf32>
    tpu.vector_store %arg5[%swap3A, %swap3A_24], %broadcast_in_dim3A_23 {strides = array<i32>} : memref<10112x128xf32, #tpu.memory_space<vmem>>, vector<10112x128xf32>,
    %broadcast_in_dim3A_26 = vector.shape_cast %rsqrt3A_21 : vector<10112xf32> to vector<10112x1xf32>
    %broadcast_in_dim3A_27 = vector.shape_cast %broadcast_in_dim3A_26 : vector<10112x1xf32> to vector<10112x1xf32>
    %broadcast_in_dim3A_28 = vector.broadcast %broadcast_in_dim3A_27 : vector<10112x1xf32> to vector<10112x128xf32>
    %swap3A_29 = arith.constant 0 : index
    %swap3A_30 = arith.constant 0 : index
    %swap3A_31 = vector.load %arg6[%swap3A_29, %swap3A_30] : memref<10112x128xf32, #tpu.memory_space<vmem>>, vector<10112x128xf32>
    tpu.vector_store %arg6[%swap3A_29, %swap3A_30], %broadcast_in_dim3A_28 {strides = array<i32>} : memref<10112x128xf32, #tpu.memory_space<vmem>>, vector<10112x128xf32>,
    %get3A_32 = arith.constant 0 : index
    %get3A_33 = arith.constant 0 : index
    %get3A_34 = vector.load %arg0[%get3A_32, %get3A_33] : memref<10112x128xf32, #tpu.memory_space<vmem>>, vector<10112x128xf32>
    %get3A_35 = arith.constant 0 : index
    %get3A_36 = arith.constant 0 : index
    %get3A_37 = vector.load %arg1[%get3A_35, %get3A_36] : memref<128x128xf32, #tpu.memory_space<vmem>>, vector<128x128xf32>
    %dot_general3A = arith.constant dense<0.000000e+00> : vector<10112x128xf32>
    %dot_general3A_38 = tpu.matmul %get3A_34, %get3A_37, %dot_general3A {dimension_numbers = #tpu.dot_dimension_numbers<[1], [0], [0], [1], [0, 0, 1, 1], [], []>, transpose_lhs_hint = false} : vector<10112x128xf32>, vector<128x128xf32>, vector<10112x128xf32> -> vector<10112x128xf32>
    %broadcast_in_dim3A_39 = vector.shape_cast %rsqrt3A : vector<10112xf32> to vector<10112x1xf32>
    %mul3A = vector.broadcast %broadcast_in_dim3A_39 : vector<10112x1xf32> to vector<10112x128xf32>
    %mul3A_40 = arith.mulf %dot_general3A_38, %mul3A : vector<10112x128xf32>
    %slice3A = vector.extract_strided_slice %mul3A_40 {offsets = [0, 0], sizes = [10112, 64], strides = [1, 1]} : vector<10112x128xf32> to vector<10112x64xf32>
    %swap3A_41 = arith.constant 0 : index
    %swap3A_42 = arith.constant 0 : index
    %swap3A_43 = arith.constant 0 : index
    %swap3A_44 = vector.load %arg4[%swap3A_41, %swap3A_42, %swap3A_43] : memref<2x10112x64xf32, #tpu.memory_space<vmem>>, vector<1x10112x64xf32>
    %swap3A_45 = vector.shape_cast %swap3A_44 : vector<1x10112x64xf32> to vector<10112x64xf32>
    %swap3A_46 = vector.shape_cast %slice3A : vector<10112x64xf32> to vector<1x10112x64xf32>
    tpu.vector_store %arg4[%swap3A_41, %swap3A_42, %swap3A_43], %swap3A_46 {strides = array<i32>} : memref<2x10112x64xf32, #tpu.memory_space<vmem>>, vector<1x10112x64xf32>,
    %slice3A_47 = vector.extract_strided_slice %mul3A_40 {offsets = [0, 64], sizes = [10112, 64], strides = [1, 1]} : vector<10112x128xf32> to vector<10112x64xf32>
    %swap3A_48 = arith.constant 1 : index
    %swap3A_49 = arith.constant 0 : index
    %swap3A_50 = arith.constant 0 : index
    %swap3A_51 = vector.load %arg4[%swap3A_48, %swap3A_49, %swap3A_50] : memref<2x10112x64xf32, #tpu.memory_space<vmem>>, vector<1x10112x64xf32>
    %swap3A_52 = vector.shape_cast %swap3A_51 : vector<1x10112x64xf32> to vector<10112x64xf32>
    %swap3A_53 = vector.shape_cast %slice3A_47 : vector<10112x64xf32> to vector<1x10112x64xf32>
    tpu.vector_store %arg4[%swap3A_48, %swap3A_49, %swap3A_50], %swap3A_53 {strides = array<i32>} : memref<2x10112x64xf32, #tpu.memory_space<vmem>>, vector<1x10112x64xf32>,
    return
  }
}

module attributes {stable_mosaic.version = 14 : i64} {
  func.func @_mid_body(%arg0: memref<2x10112x64xf32, #tpu.memory_space<vmem>>, %arg1: memref<10112x128xf32, #tpu.memory_space<vmem>>, %arg2: memref<10112x128xf32, #tpu.memory_space<vmem>>, %arg3: memref<1x128xf32, #tpu.memory_space<vmem>>, %arg4: memref<128x64xf32, #tpu.memory_space<vmem>>, %arg5: memref<10112x64xf32, #tpu.memory_space<vmem>>) attributes {dimension_semantics = [], scalar_prefetch = 0 : i64, scratch_operands = 0 : i64, tpu.core_type = #tpu.core_type<tc>} {
    %get3A = arith.constant 0 : index
    %get3A_0 = arith.constant 0 : index
    %get3A_1 = arith.constant 0 : index
    %get3A_2 = vector.load %arg0[%get3A, %get3A_0, %get3A_1] : memref<2x10112x64xf32, #tpu.memory_space<vmem>>, vector<1x10112x64xf32>
    %get3A_3 = vector.shape_cast %get3A_2 : vector<1x10112x64xf32> to vector<10112x64xf32>
    %get3A_4 = arith.constant 1 : index
    %get3A_5 = arith.constant 0 : index
    %get3A_6 = arith.constant 0 : index
    %get3A_7 = vector.load %arg0[%get3A_4, %get3A_5, %get3A_6] : memref<2x10112x64xf32, #tpu.memory_space<vmem>>, vector<1x10112x64xf32>
    %get3A_8 = vector.shape_cast %get3A_7 : vector<1x10112x64xf32> to vector<10112x64xf32>
    %concatenate3A = tpu.concatenate %get3A_3, %get3A_8 in 1 : vector<10112x64xf32>, vector<10112x64xf32> -> vector<10112x128xf32>
    %get3A_9 = arith.constant 0 : index
    %get3A_10 = arith.constant 0 : index
    %get3A_11 = vector.load %arg1[%get3A_9, %get3A_10] : memref<10112x128xf32, #tpu.memory_space<vmem>>, vector<10112x128xf32>
    %mul3A = arith.mulf %concatenate3A, %get3A_11 : vector<10112x128xf32>
    %get3A_12 = arith.constant 0 : index
    %get3A_13 = arith.constant 0 : index
    %get3A_14 = vector.load %arg3[%get3A_12, %get3A_13] : memref<1x128xf32, #tpu.memory_space<vmem>>, vector<1x128xf32>
    %add3A = vector.broadcast %get3A_14 : vector<1x128xf32> to vector<10112x128xf32>
    %add3A_15 = arith.addf %mul3A, %add3A : vector<10112x128xf32>
    %max3A = arith.constant 0.000000e+00 : f32
    %max3A_16 = vector.broadcast %max3A : f32 to vector<10112x128xf32>
    %max3A_17 = arith.maximumf %add3A_15, %max3A_16 : vector<10112x128xf32>
    %get3A_18 = arith.constant 0 : index
    %get3A_19 = arith.constant 0 : index
    %get3A_20 = vector.load %arg2[%get3A_18, %get3A_19] : memref<10112x128xf32, #tpu.memory_space<vmem>>, vector<10112x128xf32>
    %mul3A_21 = arith.mulf %max3A_17, %get3A_20 : vector<10112x128xf32>
    %get3A_22 = arith.constant 0 : index
    %get3A_23 = arith.constant 0 : index
    %get3A_24 = vector.load %arg4[%get3A_22, %get3A_23] : memref<128x64xf32, #tpu.memory_space<vmem>>, vector<128x64xf32>
    %dot_general3A = arith.constant dense<0.000000e+00> : vector<10112x64xf32>
    %dot_general3A_25 = tpu.matmul %mul3A_21, %get3A_24, %dot_general3A {dimension_numbers = #tpu.dot_dimension_numbers<[1], [0], [0], [1], [0, 0, 1, 1], [], []>, transpose_lhs_hint = false} : vector<10112x128xf32>, vector<128x64xf32>, vector<10112x64xf32> -> vector<10112x64xf32>
    %swap3A = arith.constant 0 : index
    %swap3A_26 = arith.constant 0 : index
    %swap3A_27 = vector.load %arg5[%swap3A, %swap3A_26] : memref<10112x64xf32, #tpu.memory_space<vmem>>, vector<10112x64xf32>
    tpu.vector_store %arg5[%swap3A, %swap3A_26], %dot_general3A_25 {strides = array<i32>} : memref<10112x64xf32, #tpu.memory_space<vmem>>, vector<10112x64xf32>,
    return
  }
}

module attributes {stable_mosaic.version = 14 : i64} {
  func.func @_final_body(%arg0: memref<2x10112x64xf32, #tpu.memory_space<vmem>>, %arg1: memref<10112x64xf32, #tpu.memory_space<vmem>>, %arg2: memref<1x64xf32, #tpu.memory_space<vmem>>, %arg3: memref<10112x64xf32, #tpu.memory_space<vmem>>) attributes {dimension_semantics = [], scalar_prefetch = 0 : i64, scratch_operands = 0 : i64, tpu.core_type = #tpu.core_type<tc>} {
    %get3A = arith.constant 0 : index
    %get3A_0 = arith.constant 0 : index
    %get3A_1 = arith.constant 0 : index
    %get3A_2 = vector.load %arg0[%get3A, %get3A_0, %get3A_1] : memref<2x10112x64xf32, #tpu.memory_space<vmem>>, vector<1x10112x64xf32>
    %get3A_3 = vector.shape_cast %get3A_2 : vector<1x10112x64xf32> to vector<10112x64xf32>
    %get3A_4 = arith.constant 1 : index
    %get3A_5 = arith.constant 0 : index
    %get3A_6 = arith.constant 0 : index
    %get3A_7 = vector.load %arg0[%get3A_4, %get3A_5, %get3A_6] : memref<2x10112x64xf32, #tpu.memory_space<vmem>>, vector<1x10112x64xf32>
    %get3A_8 = vector.shape_cast %get3A_7 : vector<1x10112x64xf32> to vector<10112x64xf32>
    %add3A = arith.addf %get3A_3, %get3A_8 : vector<10112x64xf32>
    %get3A_9 = arith.constant 0 : index
    %get3A_10 = arith.constant 0 : index
    %get3A_11 = vector.load %arg1[%get3A_9, %get3A_10] : memref<10112x64xf32, #tpu.memory_space<vmem>>, vector<10112x64xf32>
    %mul3A = arith.mulf %add3A, %get3A_11 : vector<10112x64xf32>
    %get3A_12 = arith.constant 0 : index
    %get3A_13 = arith.constant 0 : index
    %get3A_14 = vector.load %arg2[%get3A_12, %get3A_13] : memref<1x64xf32, #tpu.memory_space<vmem>>, vector<1x64xf32>
    %add3A_15 = vector.broadcast %get3A_14 : vector<1x64xf32> to vector<10112x64xf32>
    %add3A_16 = arith.addf %mul3A, %add3A_15 : vector<10112x64xf32>
    %swap3A = arith.constant 0 : index
    %swap3A_17 = arith.constant 0 : index
    %swap3A_18 = vector.load %arg3[%swap3A, %swap3A_17] : memref<10112x64xf32, #tpu.memory_space<vmem>>, vector<10112x64xf32>
    tpu.vector_store %arg3[%swap3A, %swap3A_17], %add3A_16 {strides = array<i32>} : memref<10112x64xf32, #tpu.memory_space<vmem>>, vector<10112x64xf32>,
    return
  }
}

</mosaic_0001>

<sc_bundles>
// kernel: kernel.11.cloned.1.call-start
scs
__scs_entry_jumppad:
0x0: {  	(pc) =	sbr.rel $0x88, $3  }
0x1: {  	(tag) =	ssettag $0x0;
	lr =	simm.s32 $0x1  }
0x2: {  	[smem:$0x3F9B] =	sst lr;
	_ =	strace $0xD0000000  }
0x3: {  	_ = 	snop  }
0x4: {  	_ = 	snop  }
0x5: {  	_ = 	snop  }
0x6: {  	_ = 	snop  }
0x7: {  	_ = 	snop  }
__scs_overlays_trampoline_lowered:
0x8: {  	[smem:$0x3FAA] =	sst s0  }
0x9: {  	[smem:$0x3FAB] =	sst s1  }
0xa: {  	[smem:$0x3FAC] =	sst s2  }
0xb: {  	[smem:$0x3FAD] =	sst s3  }
0xc: {  	[smem:$0x3FAE] =	sst s4  }
0xd: {  	[smem:$0x3FAF] =	sst s5  }
0xe: {  	[smem:$0x3FB0] =	sst s6  }
0xf: {  	[smem:$0x3FB1] =	sst s7  }
0x10: {  	[smem:$0x3FB2] =	sst s8  }
0x11: {  	[smem:$0x3FB3] =	sst s9;
	s0 =	simm.s32 @!p0 $0x0  }
0x12: {  	s1 =	sld [smem:$0x3F99];
	s0 =	simm.s32 @p0 $0x1  }
0x13: {  	[smem:$0x3FB4] =	sst s0;
	s0 =	simm.s32 @!p1 $0x0  }
0x14: {  	s2 =	sld [smem:$0x3F98];
	s0 =	simm.s32 @p1 $0x1  }
0x15: {  	[smem:$0x3FB5] =	sst s0;
	s0 =	simm.s32 @!p2 $0x0  }
0x16: {  	s3 =	sld [smem:$0x3FDB];
	s0 =	simm.s32 @p2 $0x1  }
0x17: {  	s4 =	simm.s32 $0x1BF5;
	[smem:$0x3FB7] =	sst s0  }
0x18: {  	s0 =	sld [smem:$0x3F9A];
	_ =	swait.ge [sflag:s4], $0x0  }
0x19: {  	s7 =	sld [smem:$0x3F9B]  }
0x1a: {  	s8 =	sadd.s32 $0xFFFFE003, lr  }
0x1b: {  	s9 =	sadd.s32 $0xFFFFFEF7, lr;
	s5 =	simm.s32 $0xFFFFFFFF;
	p2 =	slt.u32 s8, $0xFFFFF086  }
0x1c: {  	p1 =	slt.u32 s9, $0xF7A;
	s5 =	simm.s32 @!p2 $0x0  }
0x1d: {  	s5 =	simm.s32 @p1 $0x1;
	p0 =	seq.s32 s7, s2  }
0x1e: {  	s7 =	smul.u32 @!p0 $0xF7A, s2;
	p2 =	seq.s32 @!p0 s5, $0x0  }
0x1f: {  	s9 =	smul.u32 $0xF7A, s1;
	s8 =	simm.s32 @!p0 $0x1BF5;
	p2 =	por !p2, p0  }
0x20: {  	[sflag:s8] =	ssyncset.s32 @!p0 $0xFFFFF086;
	s6 =	sadd.s32 @!p0 s3, s7;
	s7 =	simm.s32 @!p0 $0x108  }
0x21: {  	s3 =	sadd.s32 s3, s9;
	s6 =	sadd.s32 @!p0 $0x88, s6;
	s7 =	simm.s32 @p2 $0x1082  }
0x22: {  	[simem:s7], [sflag:s8] =	dma.local @!p0 [hbm:s6], $0xF7A  }
0x23: {  	s9 =	sor.u32 $0xD0000000, s2;
	s6 =	simm.s32 $0x108;
	_ =	swait.ge @!p0 [sflag:s8], $0x0  }
0x24: {  	s3 =	sadd.s32 $0x88, s3;
	s6 =	simm.s32 @!p1 $0x1082;
	[sflag:s4] =	ssyncset.s32 $0xFFFFF086  }
0x25: {  	[simem:s6], [sflag:s4] =	dma.local [hbm:s3], $0xF7A  }
0x26: {  	[smem:$0x3F9B] =	sst s1;
	(tag) =	ssettag s2;
	_ =	strace s9  }
0x27: {  	s1 =	sld [smem:$0x3FAB]  }
0x28: {  	s2 =	sld [smem:$0x3FAC]  }
0x29: {  	s4 =	sld [smem:$0x3FAE]  }
0x2a: {  	p0 =	seq.s32 s5, $0x0;
	s5 =	sld [smem:$0x3FAF]  }
0x2b: {  	s6 =	sld [smem:$0x3FB0]  }
0x2c: {  	s7 =	sld [smem:$0x3FB1]  }
0x2d: {  	s3 =	simm.s32 $0x108;
	s8 =	sld [smem:$0x3FB2]  }
0x2e: {  	s3 =	simm.s32 @!p0 $0x1082;
	s9 =	sld [smem:$0x3FB3]  }
0x2f: {  	lr =	sadd.s32 s0, s3;
	s0 =	sld [smem:$0x3FAA]  }
0x30: {  	s3 =	sld [smem:$0x3FAD]  }
0x31: {  	[smem:$0x3FB6] =	sst s10  }
0x32: {  	s10 =	sld [smem:$0x3FB4];
	_ =	sdelay $0x3  }
0x33: {  	p0 =	seq.s32 s10, $0x1;
	s10 =	sld [smem:$0x3FB6];
	_ =	sdelay $0x3  }
0x34: {  	[smem:$0x3FB6] =	sst s10  }
0x35: {  	s10 =	sld [smem:$0x3FB5];
	_ =	sdelay $0x3  }
0x36: {  	p1 =	seq.s32 s10, $0x1;
	s10 =	sld [smem:$0x3FB6];
	_ =	sdelay $0x3  }
0x37: {  	[smem:$0x3FB6] =	sst s10  }
0x38: {  	s10 =	sld [smem:$0x3FB7]  }
0x39: {  	_ = 	snop;
	(pc) =	sbr.ind lr, $3  }
0x3a: {  	_ = 	snop  }
0x3b: {  	_ = 	snop  }
0x3c: {  	p2 =	seq.s32 s10, $0x1;
	s10 =	sld [smem:$0x3FB6]  }
0x3d: {  	_ =	shalt  }
0x3e: {  	_ =	shalt  }
0x3f: {  	_ =	shalt  }
0x40: {  	_ =	shalt  }
0x41: {  	_ =	shalt  }
0x42: {  	_ =	shalt  }
0x43: {  	_ =	shalt  }
0x44: {  	_ =	shalt  }
0x45: {  	_ =	shalt  }
0x46: {  	_ =	shalt  }
0x47: {  	_ =	shalt  }
0x48: {  	_ =	shalt  }
0x49: {  	_ =	shalt  }
0x4a: {  	_ =	shalt  }
0x4b: {  	_ =	shalt  }
0x4c: {  	_ =	shalt  }
0x4d: {  	_ =	shalt  }
0x4e: {  	_ =	shalt  }
0x4f: {  	_ =	shalt  }
0x50: {  	_ =	shalt  }
0x51: {  	_ =	shalt  }
0x52: {  	_ =	shalt  }
0x53: {  	_ =	shalt  }
0x54: {  	_ =	shalt  }
0x55: {  	_ =	shalt  }
0x56: {  	_ =	shalt  }
0x57: {  	_ =	shalt  }
0x58: {  	_ =	shalt  }
0x59: {  	_ =	shalt  }
0x5a: {  	_ =	shalt  }
0x5b: {  	_ =	shalt  }
0x5c: {  	_ =	shalt  }
0x5d: {  	_ =	shalt  }
0x5e: {  	_ =	shalt  }
0x5f: {  	_ =	shalt  }
0x60: {  	_ =	shalt  }
0x61: {  	_ =	shalt  }
0x62: {  	_ =	shalt  }
0x63: {  	_ =	shalt  }
0x64: {  	_ =	shalt  }
0x65: {  	_ =	shalt  }
0x66: {  	_ =	shalt  }
0x67: {  	_ =	shalt  }
0x68: {  	_ =	shalt  }
0x69: {  	_ =	shalt  }
0x6a: {  	_ =	shalt  }
0x6b: {  	_ =	shalt  }
0x6c: {  	_ =	shalt  }
0x6d: {  	_ =	shalt  }
0x6e: {  	_ =	shalt  }
0x6f: {  	_ =	shalt  }
0x70: {  	_ =	shalt  }
0x71: {  	_ =	shalt  }
0x72: {  	_ =	shalt  }
0x73: {  	_ =	shalt  }
0x74: {  	_ =	shalt  }
0x75: {  	_ =	shalt  }
0x76: {  	_ =	shalt  }
0x77: {  	_ =	shalt  }
0x78: {  	_ =	shalt  }
0x79: {  	_ =	shalt  }
0x7a: {  	_ =	shalt  }
0x7b: {  	_ =	shalt  }
0x7c: {  	_ =	shalt  }
0x7d: {  	_ =	shalt  }
0x7e: {  	_ =	shalt  }
0x7f: {  	_ =	shalt  }
0x80: {  	_ =	shalt  }
0x81: {  	_ =	shalt  }
0x82: {  	_ =	shalt  }
0x83: {  	_ =	shalt  }
0x84: {  	_ =	shalt  }
0x85: {  	_ =	shalt  }
0x86: {  	_ =	shalt  }
0x87: {  	_ =	shalt  }
.Lfunc_end0:
.L_simem_size_0:
called_computation.1_lowered:
.L_overlay_start_0:
0x88: {  	s2 =	sld [smem:$0x3FD9]  }
0x89: {  	s3 =	sld [smem:$0x3FFE];
	_ =	sdelay $0x1  }
0x8a: {  	s1 =	srdreg.scid  }
0x8b: {  	s0 =	sand.u32 $0x1, s1  }
0x8c: {  	s16 =	sshll.u32 s0, $0xA;
	s2 =	sadd.s32 s3, s2  }
0x8d: {  	s2 =	sadd.s32 s2, s16  }
0x8e: {  	[smem:$0x3FC2] =	sst s2  }
0x8f: {  	_ = 	snop  }
0x90: {  	(tm) =	ssettm $0x1  }
0x91: {  	s17 =	sld [smem:$0x3FFB];
	_ =	sdelay $0x3  }
0x92: {  	_ =	strace s17  }
0x93: {  	s2 =	sld [smem:$0x3FFC];
	_ =	sdelay $0x3  }
0x94: {  	_ =	strace s2  }
0x95: {  	s2 =	sld [smem:$0x3FFD];
	_ =	sdelay $0x3  }
0x96: {  	_ =	strace s2  }
0x97: {  	_ =	strace $0x8FFFFFFF  }
0x98: {  	s18 =	sld [smem:$0x3FDB];
	_ =	sdelay $0x1  }
0x99: {  	s19 =	simm.s32 $_scs_section_size  }
0x9a: {  	s4 =	simm.s32 $_size__tile_overlayer_lowered;
	s5 =	simm.s32 $_tile_overlayer_lowered  }
0x9b: {  	s22 =	simm.s32 $0x1BFF;
	s21 =	sshll.u32 s5, $0x1;
	s2 =	sadd.s32 s19, s18  }
0x9c: {  	s6 =	simm.s32 $0x0;
	s20 =	sshll.u32 s4, $0x1;
	s4 =	sadd.s32 s21, s2  }
0x9d: {  	[timem:s6], [sflag:s22] =	dma.local [hbm:s4], s20  }
0x9e: {  	_ =	swait.ge [sflag:s22], s20  }
0x9f: {  	s3 =	ssub.s32 $0x0, s20;
	[sflag:s22] =	ssyncset.done $0x0  }
0xa0: {  	[sflag:s22] =	ssyncadd.s32 s3;
	_ =	sdelay $0x1  }
0xa1: {  	s23 =	simm.s32 $0x1B8B  }
0xa2: {  	_ =	swait.ge [sflag:s23], $0x1  }
0xa3: {  	[sflag:s23] =	ssyncset.done $0x0  }
0xa4: {  	s25 =	simm.s32 $0x1B8E;
	s24 =	sld [smem:$0x3FFE];
	[sflag:s23] =	ssyncadd.s32 $0xFFFFFFFF  }
0xa5: {  	s26 =	simm.s32 $execute0_lowered;
	[smem:$0x3FD2] =	sst s25  }
0xa6: {  	s4 =	sshll.u32 s26, $0x1;
	_ =	strace $0x80000049;
	[dreg:$0x1] =	wrdreg $0xFFFFFFFF  }
0xa7: {  	s28 =	simm.s32 $_size_execute0_lowered;
	s2 =	sadd.s32 s2, s4;
	[dreg:$0x0] =	wrdreg $0x0  }
0xa8: {  	s4 =	sshll.u32 s28, $0x1;
	[dreg:$0x2] =	wrdreg s2  }
0xa9: {  	[dreg:$0x3] =	wrdreg s4  }
0xaa: {  	[dreg:$0x4] =	wrdreg $0xC0  }
0xab: {  	_ =	task [dreg:s6], $0x5FFFF  }
0xac: {  	[dreg:$0x1] =	wrdreg $0xFFFFFFFF  }
0xad: {  	[dreg:$0x0] =	wrdreg $0x60  }
0xae: {  	[dreg:$0x2] =	wrdreg s24  }
0xaf: {  	[dreg:$0x3] =	wrdreg $0x69000  }
0xb0: {  	[dreg:$0x4] =	wrdreg $0x107000  }
0xb1: {  	[dreg:$0x5] =	wrdreg $0x9  }
0xb2: {  	_ =	task.clear_ibuf [dreg:s6], $0x6FFFF;
	_ =	strace $0x90000049  }
0xb3: {  	s29 =	simm.s32 $0x9;
	_ =	strace $0x8000004B  }
0xb4: {  	_ =	swait.ge [sflag:s29], $0x1  }
0xb5: {  	[sflag:s29] =	ssyncadd.s32 $0xFFFFFFFF  }
0xb6: {  	_ =	strace $0x9000004B  }
0xb7: {  	_ =	sfence  }
0xb8: {  	s30 =	sld [smem:$0x0];
	_ =	sdelay $0x2  }
0xb9: {  	s31 =	sshll.u32 s1, $0xD;
	s1 =	sshrl.u32 s1, $0x2  }
0xba: {  	s3 =	sand.u32 $0x4000, s31;
	s1 =	sadd.s32 s1, s30  }
0xbb: {  	s0 =	sor.u32 s3, s0;
	s1 =	sshll.u32 s1, $0x11  }
0xbc: {  	s0 =	sor.u32 s1, s0  }
0xbd: {  	s0 =	sadd.s32 $0x8F2B, s0  }
0xbe: {  	[sflag:s0] =	ssyncadd.remote.s32 $0x1  }
0xbf: {  	_ =	sfence.sel $0xFFFF  }
0xc0: {  	[dreg:$0x0] =	wrdreg $0xFFFFFFFF;
	(pc) =	sbr.abs _section_cstart, $3  }
0xc1: {  	[dreg:$0x1] =	wrdreg $0xFFFFFFFF  }
0xc2: {  	_ =	task.clear_ibuf [dreg:s6], $0x2FFFF;
	_ =	strace $0x9FFFFFFF  }
0xc3: {  	(tm) =	ssettm $0x7FFFFFFF  }
tec
execute0_lowered:
.L_overlay_start_1:
0x0: {  	(tag) =	ssettag $0x1  }
0x1: {  	s0 =	rddreg [dreg:$0x0]  }
0x2: {  	s1 =	simm.s32 $0x0;
	s2 =	srdreg.scid;
	s12 =	stileid.u32  }
0x3: {  	[smem:$0x7FF] =	sst s1;
	s2 =	sand.u32 $0x1, s2;
	s3 =	smul.u32 $0x9E00, s12  }
0x4: {  	s4 =	sadd.s32 $0x64A00, s0;
	s5 =	sadd.s32 $0xBA00, s0;
	s12 =	smul.u32 $0x5000, s12  }
0x5: {  	s7 =	sadd.s32 $0x1A00, s0;
	s6 =	smul.u32 $0x9E000, s2;
	s2 =	ssub.s32 $0x2, s2  }
0x6: {  	s0 =	sadd.s32 $0x15A00, s0;
	s8 =	sshrl.u32 s2, $0x1;
	s10 =	sadd.s32 $0x2000, s3  }
0x7: {  	s16 =	sadd.s32 $0x4000, s3;
	s31 =	sadd.s32 $0x6000, s3;
	s18 =	sshrl.u32 s12, $0x3  }
0x8: {  	s9 =	sadd.s32 s3, s6;
	s2 =	ssub.s32 s2, s8;
	s13 =	sadd.s32 s6, s10  }
0x9: {  	s11 =	sadd.s32 s6, s16;
	s17 =	sadd.s32 s6, s31;
	s12 =	sadd.s32 s5, s18  }
0xa: {  	s20 =	sadd.s32 $0x280, s18;
	s23 =	sadd.s32 $0x500, s18;
	[dreg:$0xf] =	wrdreg s2  }
0xb: {  	s8 =	sshrl.u32 s9, $0x3;
	s9 =	sshrl.u32 s13, $0x3;
	[dreg:$0x6] =	wrdreg s12  }
0xc: {  	s21 =	sshrl.u32 s17, $0x3;
	s13 =	sadd.s32 s7, s18;
	s17 =	rddreg [dreg:$0x1]  }
0xd: {  	s22 =	sadd.s32 s5, s20;
	s12 =	sadd.s32 s7, s20;
	s20 =	rddreg [dreg:$0x2]  }
0xe: {  	s19 =	sshrl.u32 s11, $0x3;
	s2 =	sadd.s32 $0x8000, s3;
	[dreg:$0x7] =	wrdreg s13  }
0xf: {  	s24 =	sadd.s32 s5, s23;
	s11 =	sadd.s32 $0x780, s18;
	[dreg:$0x8] =	wrdreg s22  }
0x10: {  	s25 =	sadd.s32 s7, s23;
	s14 =	sadd.s32 s4, s8;
	[dreg:$0x9] =	wrdreg s12  }
0x11: {  	s15 =	sadd.s32 s4, s9;
	s6 =	sadd.s32 s6, s2;
	[dreg:$0xa] =	wrdreg s24  }
0x12: {  	[dreg:$0xb] =	wrdreg s25;
	s5 =	sadd.s32 s5, s11;
	s26 =	sadd.s32 s7, s11  }
0x13: {  	s7 =	sadd.s32 s4, s19;
	s13 =	sadd.s32 s4, s21;
	s18 =	sadd.s32 s0, s9  }
0x14: {  	s19 =	sadd.s32 s0, s19;
	s21 =	sadd.s32 s0, s21;
	s23 =	sadd.s32 s3, s17  }
0x15: {  	s24 =	sadd.s32 s3, s20;
	s25 =	sadd.s32 s10, s17;
	[dreg:$0x4] =	wrdreg s14  }
0x16: {  	s28 =	sadd.s32 s16, s17;
	s29 =	sadd.s32 s16, s20;
	[dreg:$0x5] =	wrdreg s15  }
0x17: {  	s30 =	sadd.s32 s31, s17;
	s31 =	sadd.s32 s31, s20;
	[dreg:$0xc] =	wrdreg s5  }
0x18: {  	s16 =	sadd.s32 s2, s17;
	s3 =	simm.s32 $0x2900;
	[dreg:$0xd] =	wrdreg s26  }
0x19: {  	[dreg:$0xe] =	wrdreg s7;
	s11 =	sshrl.u32 s6, $0x3;
	s15 =	sadd.s32 s0, s8  }
0x1a: {  	s26 =	sadd.s32 s10, s20;
	s5 =	simm.s32 $0x4900;
	s6 =	simm.s32 $0x1500  }
0x1b: {  	s7 =	simm.s32 $0x80;
	s8 =	simm.s32 $0x0;
	_ =	strace $0x8000004A  }
0x1c: {  	s14 =	sadd.s32 s4, s11;
	s22 =	sadd.s32 s0, s11;
	s12 =	rddreg [dreg:$0xf]  }
0x1d: {  	v0 =	vimm.f32 $0.0e+00;
	v1 =	vimm.s32 $0x0;
	s0 =	sadd.s32 s2, s20;
	s4 =	simm.s32 $0x1;
	s2 =	smax.u32 s12, $0x1  }
.LBB2_1:
0x1e: {  	s10 =	simm.s32 $0x100;
	s9 =	simm.s32 $0x0  }
.LBB2_2:
0x1f: {  	p0 =	sne.s32 s10, $0x7F00;
	[tilespmem:s9+$0x2930] =	vst v0;
	s11 =	smov.u32 s10;
	s10 =	sadd.s32 $0x100, s10  }
.Ltmp0:
0x20: {  	[tilespmem:s9+$0x2920] =	vst v0;
	(pc) =	sbr.rel @p0 .LBB2_2-.Ltmp0, $3  }
0x21: {  	[tilespmem:s9+$0x2900] =	vst v0  }
0x22: {  	[tilespmem:s9+$0x2910] =	vst v0;
	_ =	sdelay $0x1  }
0x23: {  	s9 =	sshra.s32 s11, $0x2  }
0x24: {  	[tilespmem:s9+$0x2930] =	vst v0  }
0x25: {  	[tilespmem:s9+$0x2920] =	vst v0  }
0x26: {  	[tilespmem:s9+$0x2900] =	vst v0  }
0x27: {  	[tilespmem:s9+$0x2910] =	vst v0  }
0x28: {  	[spmem:s23] =	stream.linear.scatter [tilespmem:s3], [sflag:$0x1], $0x2000, $0x38;
	[tilespmem:$0x1A500] =	vst v63  }
0x29: {  	_ =	swait.ge [sflag:s4], $0x2000  }
0x2a: {  	[sflag:s4] =	ssyncset.done $0x0  }
0x2b: {  	s9 =	simm.s32 $0x0;
	s10 =	rddreg [dreg:$0x4];
	[sflag:s4] =	ssyncadd.s32 $0xFFFFE000  }
0x2c: {  	[tilespmem:s5], [sflag:$0x1] =	stream.linear.gather [hbm4b:s10+s9], $0x2000, $0x38;
	[tilespmem:$0x1A500] =	vst v63  }
0x2d: {  	_ =	swait.ge [sflag:s4], $0x2000  }
0x2e: {  	[sflag:s4] =	ssyncset.done $0x0  }
0x2f: {  	[sflag:s4] =	ssyncadd.s32 $0xFFFFE000  }
0x30: {  	[spmem:s24] =	stream.linear.scatter [tilespmem:s5], [sflag:$0x1], $0x2000, $0x38;
	[tilespmem:$0x1A500] =	vst v63  }
0x31: {  	_ =	swait.ge [sflag:s4], $0x2000  }
0x32: {  	[sflag:s4] =	ssyncset.done $0x0  }
0x33: {  	[sflag:s4] =	ssyncadd.s32 $0xFFFFE000  }
0x34: {  	[spmem:s25] =	stream.linear.scatter [tilespmem:s3], [sflag:$0x1], $0x2000, $0x38;
	[tilespmem:$0x1A500] =	vst v63  }
0x35: {  	_ =	swait.ge [sflag:s4], $0x2000  }
0x36: {  	[sflag:s4] =	ssyncset.done $0x0  }
0x37: {  	s11 =	rddreg [dreg:$0x5];
	[sflag:s4] =	ssyncadd.s32 $0xFFFFE000  }
0x38: {  	[tilespmem:s5], [sflag:$0x1] =	stream.linear.gather [hbm4b:s11+s9], $0x2000, $0x38;
	[tilespmem:$0x1A500] =	vst v63  }
0x39: {  	_ =	swait.ge [sflag:s4], $0x2000  }
0x3a: {  	[sflag:s4] =	ssyncset.done $0x0  }
0x3b: {  	[sflag:s4] =	ssyncadd.s32 $0xFFFFE000  }
0x3c: {  	[spmem:s26] =	stream.linear.scatter [tilespmem:s5], [sflag:$0x1], $0x2000, $0x38;
	[tilespmem:$0x1A500] =	vst v63  }
0x3d: {  	_ =	swait.ge [sflag:s4], $0x2000  }
0x3e: {  	[sflag:s4] =	ssyncset.done $0x0  }
0x3f: {  	[sflag:s4] =	ssyncadd.s32 $0xFFFFE000  }
0x40: {  	[spmem:s28] =	stream.linear.scatter [tilespmem:s3], [sflag:$0x1], $0x2000, $0x38;
	[tilespmem:$0x1A500] =	vst v63  }
0x41: {  	_ =	swait.ge [sflag:s4], $0x2000  }
0x42: {  	[sflag:s4] =	ssyncset.done $0x0  }
0x43: {  	s12 =	rddreg [dreg:$0xe];
	[sflag:s4] =	ssyncadd.s32 $0xFFFFE000  }
0x44: {  	[tilespmem:s5], [sflag:$0x1] =	stream.linear.gather [hbm4b:s12+s9], $0x2000, $0x38;
	[tilespmem:$0x1A500] =	vst v63  }
0x45: {  	_ =	swait.ge [sflag:s4], $0x2000  }
0x46: {  	[sflag:s4] =	ssyncset.done $0x0  }
0x47: {  	[sflag:s4] =	ssyncadd.s32 $0xFFFFE000  }
0x48: {  	[spmem:s29] =	stream.linear.scatter [tilespmem:s5], [sflag:$0x1], $0x2000, $0x38;
	[tilespmem:$0x1A500] =	vst v63  }
0x49: {  	_ =	swait.ge [sflag:s4], $0x2000  }
0x4a: {  	[sflag:s4] =	ssyncset.done $0x0  }
0x4b: {  	[sflag:s4] =	ssyncadd.s32 $0xFFFFE000  }
0x4c: {  	[spmem:s30] =	stream.linear.scatter [tilespmem:s3], [sflag:$0x1], $0x2000, $0x38;
	[tilespmem:$0x1A500] =	vst v63  }
0x4d: {  	_ =	swait.ge [sflag:s4], $0x2000  }
0x4e: {  	[sflag:s4] =	ssyncset.done $0x0  }
0x4f: {  	[sflag:s4] =	ssyncadd.s32 $0xFFFFE000  }
0x50: {  	[tilespmem:s5], [sflag:$0x1] =	stream.linear.gather [hbm4b:s13+s9], $0x2000, $0x38;
	[tilespmem:$0x1A500] =	vst v63  }
0x51: {  	_ =	swait.ge [sflag:s4], $0x2000  }
0x52: {  	[sflag:s4] =	ssyncset.done $0x0  }
0x53: {  	[sflag:s4] =	ssyncadd.s32 $0xFFFFE000  }
0x54: {  	[spmem:s31] =	stream.linear.scatter [tilespmem:s5], [sflag:$0x1], $0x2000, $0x38;
	[tilespmem:$0x1A500] =	vst v63  }
0x55: {  	_ =	swait.ge [sflag:s4], $0x2000  }
0x56: {  	[sflag:s4] =	ssyncset.done $0x0  }
0x57: {  	[sflag:s4] =	ssyncadd.s32 $0xFFFFE000  }
0x58: {  	[spmem:s16] =	stream.linear.scatter [tilespmem:s3], [sflag:$0x1], $0x1E00, $0x38;
	[tilespmem:$0x1A500] =	vst v63  }
0x59: {  	_ =	swait.ge [sflag:s4], $0x1E00  }
0x5a: {  	[sflag:s4] =	ssyncset.done $0x0  }
0x5b: {  	[sflag:s4] =	ssyncadd.s32 $0xFFFFE200  }
0x5c: {  	[tilespmem:s5], [sflag:$0x1] =	stream.linear.gather [hbm4b:s14+s9], $0x1E00, $0x38;
	[tilespmem:$0x1A500] =	vst v63  }
0x5d: {  	_ =	swait.ge [sflag:s4], $0x1E00  }
0x5e: {  	[sflag:s4] =	ssyncset.done $0x0  }
0x5f: {  	[sflag:s4] =	ssyncadd.s32 $0xFFFFE200  }
0x60: {  	[spmem:s0] =	stream.linear.scatter [tilespmem:s5], [sflag:$0x1], $0x1E00, $0x38;
	[tilespmem:$0x1A500] =	vst v63  }
0x61: {  	_ =	swait.ge [sflag:s4], $0x1E00  }
0x62: {  	[sflag:s4] =	ssyncset.done $0x0  }
0x63: {  	[sflag:s4] =	ssyncadd.s32 $0xFFFFE200  }
0x64: {  	[tilespmem:$0x1400] =	vst v1  }
0x65: {  	[tilespmem:$0x1410] =	vst v1  }
0x66: {  	[tilespmem:$0x1420] =	vst v1  }
0x67: {  	[tilespmem:$0x1430] =	vst v1  }
0x68: {  	[tilespmem:$0x1440] =	vst v1  }
0x69: {  	[tilespmem:$0x1450] =	vst v1  }
0x6a: {  	[tilespmem:$0x1460] =	vst v1  }
0x6b: {  	[tilespmem:$0x1470] =	vst v1  }
0x6c: {  	[tilespmem:$0x1480] =	vst v1  }
0x6d: {  	[tilespmem:$0x1490] =	vst v1  }
0x6e: {  	[tilespmem:$0x14A0] =	vst v1  }
0x6f: {  	[tilespmem:$0x14B0] =	vst v1  }
0x70: {  	[tilespmem:$0x14C0] =	vst v1  }
0x71: {  	[tilespmem:$0x14D0] =	vst v1  }
0x72: {  	[tilespmem:$0x14E0] =	vst v1  }
0x73: {  	[tilespmem:$0x14F0] =	vst v1  }
0x74: {  	[bflag:$0x0] =	sbarrier.arrive $0xFFFF  }
0x75: {  	s11 =	rddreg [dreg:$0x6]  }
0x76: {  	[tilespmem:s9], [sflag:$0x1] =	stream.linear.gather [hbm4b:s11+s9], $0x1400, $0x38;
	[tilespmem:$0x1A500] =	vst v63  }
0x77: {  	_ =	swait.ge [sflag:s4], $0x1400  }
0x78: {  	[sflag:s4] =	ssyncset.done $0x0  }
0x79: {  	s12 =	rddreg [dreg:$0x7];
	[sflag:s4] =	ssyncadd.s32 $0xFFFFEC00  }
0x7a: {  	[tilespmem:s6], [sflag:$0x1] =	stream.linear.gather [hbm4b:s12+s9], $0x1400, $0x38;
	[tilespmem:$0x1A500] =	vst v63  }
0x7b: {  	_ =	swait.ge [sflag:s4], $0x1400  }
0x7c: {  	[sflag:s4] =	ssyncset.done $0x0  }
0x7d: {  	s11 =	simm.s32 $0x0;
	[sflag:s4] =	ssyncadd.s32 $0xFFFFEC00  }
0x7e: {  	[tilespmem:s3], [sflag:$0x1] =	stream.indirect.gather [spmem:s20], $0x40, s11, s7, $0xb8;
	[tilespmem:$0x1A500] =	vst v63  }
0x7f: {  	_ =	swait.ge [sflag:s4], $0x2000  }
0x80: {  	[sflag:s4] =	ssyncset.done $0x0  }
0x81: {  	s12 =	simm.s32 $0x1500;
	[sflag:s4] =	ssyncadd.s32 $0xFFFFE000  }
0x82: {  	[spmem:s17] =	stream.indirect.scatter.add.f32 [tilespmem:s3], [sflag:$0x1], $0x40, s12, s7, $0xb8;
	[tilespmem:$0x1A500] =	vst v63  }
0x83: {  	_ =	swait.ge [sflag:s4], $0x2000  }
0x84: {  	s10 =	simm.s32 $0x400;
	s9 =	simm.s32 $0x200;
	[sflag:s4] =	ssyncset.done $0x0  }
.LBB2_4:
0x85: {  	s11 =	sshra.s32 s9, $0x2  }
0x86: {  	[sflag:s4] =	ssyncadd.s32 $0xFFFFE000;
	s9 =	smov.u32 s10;
	s12 =	sadd.s32 $0x200, s10  }
0x87: {  	[tilespmem:s3], [sflag:$0x1] =	stream.indirect.gather [spmem:s20], $0x40, s11, s7, $0xb8;
	[tilespmem:$0x1A500] =	vst v63  }
0x88: {  	p0 =	sne.s32 s10, $0x4E00;
	_ =	swait.ge [sflag:s4], $0x2000  }
.Ltmp1:
0x89: {  	[sflag:s4] =	ssyncset.done $0x0;
	(pc) =	sbr.rel @p0 .LBB2_4-.Ltmp1, $4  }
0x8a: {  	s10 =	sadd.s32 $0x1500, s11;
	[sflag:s4] =	ssyncadd.s32 $0xFFFFE000  }
0x8b: {  	[spmem:s17] =	stream.indirect.scatter.add.f32 [tilespmem:s3], [sflag:$0x1], $0x40, s10, s7, $0xb8;
	[tilespmem:$0x1A500] =	vst v63  }
0x8c: {  	_ =	swait.ge [sflag:s4], $0x2000  }
0x8d: {  	s10 =	smov.u32 s12;
	[sflag:s4] =	ssyncset.done $0x0  }
0x8e: {  	s9 =	sshra.s32 s9, $0x2;
	[sflag:s4] =	ssyncadd.s32 $0xFFFFE000  }
0x8f: {  	[tilespmem:s3], [sflag:$0x1] =	stream.indirect.gather [spmem:s20], $0x40, s9, s7, $0xb8;
	[tilespmem:$0x1A500] =	vst v63  }
0x90: {  	_ =	swait.ge [sflag:s4], $0x2000  }
0x91: {  	[sflag:s4] =	ssyncset.done $0x0  }
0x92: {  	s9 =	sadd.s32 $0x1500, s9;
	[sflag:s4] =	ssyncadd.s32 $0xFFFFE000  }
0x93: {  	[spmem:s17] =	stream.indirect.scatter.add.f32 [tilespmem:s3], [sflag:$0x1], $0x40, s9, s7, $0xb8;
	[tilespmem:$0x1A500] =	vst v63  }
0x94: {  	_ =	swait.ge [sflag:s4], $0x2000  }
0x95: {  	[sflag:s4] =	ssyncset.done $0x0  }
0x96: {  	s11 =	simm.s32 $0x0;
	s10 =	rddreg [dreg:$0x8];
	[sflag:s4] =	ssyncadd.s32 $0xFFFFE000  }
0x97: {  	[tilespmem:s11], [sflag:$0x1] =	stream.linear.gather [hbm4b:s10+s11], $0x1400, $0x38;
	[tilespmem:$0x1A500] =	vst v63  }
0x98: {  	_ =	swait.ge [sflag:s4], $0x1400  }
0x99: {  	[sflag:s4] =	ssyncset.done $0x0  }
0x9a: {  	s12 =	rddreg [dreg:$0x9];
	[sflag:s4] =	ssyncadd.s32 $0xFFFFEC00  }
0x9b: {  	[tilespmem:s6], [sflag:$0x1] =	stream.linear.gather [hbm4b:s12+s11], $0x1400, $0x38;
	[tilespmem:$0x1A500] =	vst v63  }
0x9c: {  	_ =	swait.ge [sflag:s4], $0x1400  }
0x9d: {  	[sflag:s4] =	ssyncset.done $0x0  }
0x9e: {  	s11 =	simm.s32 $0x0;
	[sflag:s4] =	ssyncadd.s32 $0xFFFFEC00  }
0x9f: {  	[tilespmem:s3], [sflag:$0x1] =	stream.indirect.gather [spmem:s20], $0x40, s11, s7, $0xb8;
	[tilespmem:$0x1A500] =	vst v63  }
0xa0: {  	_ =	swait.ge [sflag:s4], $0x2000  }
0xa1: {  	[sflag:s4] =	ssyncset.done $0x0  }
0xa2: {  	s12 =	simm.s32 $0x1500;
	[sflag:s4] =	ssyncadd.s32 $0xFFFFE000  }
0xa3: {  	[spmem:s17] =	stream.indirect.scatter.add.f32 [tilespmem:s3], [sflag:$0x1], $0x40, s12, s7, $0xb8;
	[tilespmem:$0x1A500] =	vst v63  }
0xa4: {  	_ =	swait.ge [sflag:s4], $0x2000  }
0xa5: {  	s9 =	simm.s32 $0x200;
	s10 =	simm.s32 $0x400;
	[sflag:s4] =	ssyncset.done $0x0  }
.LBB2_6:
0xa6: {  	s11 =	sshra.s32 s9, $0x2  }
0xa7: {  	[sflag:s4] =	ssyncadd.s32 $0xFFFFE000;
	s9 =	smov.u32 s10;
	s12 =	sadd.s32 $0x200, s10  }
0xa8: {  	[tilespmem:s3], [sflag:$0x1] =	stream.indirect.gather [spmem:s20], $0x40, s11, s7, $0xb8;
	[tilespmem:$0x1A500] =	vst v63  }
0xa9: {  	p0 =	sne.s32 s10, $0x4E00;
	_ =	swait.ge [sflag:s4], $0x2000  }
.Ltmp2:
0xaa: {  	[sflag:s4] =	ssyncset.done $0x0;
	(pc) =	sbr.rel @p0 .LBB2_6-.Ltmp2, $4  }
0xab: {  	s10 =	sadd.s32 $0x1500, s11;
	[sflag:s4] =	ssyncadd.s32 $0xFFFFE000  }
0xac: {  	[spmem:s17] =	stream.indirect.scatter.add.f32 [tilespmem:s3], [sflag:$0x1], $0x40, s10, s7, $0xb8;
	[tilespmem:$0x1A500] =	vst v63  }
0xad: {  	_ =	swait.ge [sflag:s4], $0x2000  }
0xae: {  	s10 =	smov.u32 s12;
	[sflag:s4] =	ssyncset.done $0x0  }
0xaf: {  	s9 =	sshra.s32 s9, $0x2;
	[sflag:s4] =	ssyncadd.s32 $0xFFFFE000  }
0xb0: {  	[tilespmem:s3], [sflag:$0x1] =	stream.indirect.gather [spmem:s20], $0x40, s9, s7, $0xb8;
	[tilespmem:$0x1A500] =	vst v63  }
0xb1: {  	_ =	swait.ge [sflag:s4], $0x2000  }
0xb2: {  	[sflag:s4] =	ssyncset.done $0x0  }
0xb3: {  	s9 =	sadd.s32 $0x1500, s9;
	[sflag:s4] =	ssyncadd.s32 $0xFFFFE000  }
0xb4: {  	[spmem:s17] =	stream.indirect.scatter.add.f32 [tilespmem:s3], [sflag:$0x1], $0x40, s9, s7, $0xb8;
	[tilespmem:$0x1A500] =	vst v63  }
0xb5: {  	_ =	swait.ge [sflag:s4], $0x2000  }
0xb6: {  	[sflag:s4] =	ssyncset.done $0x0  }
0xb7: {  	s11 =	simm.s32 $0x0;
	s10 =	rddreg [dreg:$0xa];
	[sflag:s4] =	ssyncadd.s32 $0xFFFFE000  }
0xb8: {  	[tilespmem:s11], [sflag:$0x1] =	stream.linear.gather [hbm4b:s10+s11], $0x1400, $0x38;
	[tilespmem:$0x1A500] =	vst v63  }
0xb9: {  	_ =	swait.ge [sflag:s4], $0x1400  }
0xba: {  	[sflag:s4] =	ssyncset.done $0x0  }
0xbb: {  	s12 =	rddreg [dreg:$0xb];
	[sflag:s4] =	ssyncadd.s32 $0xFFFFEC00  }
0xbc: {  	[tilespmem:s6], [sflag:$0x1] =	stream.linear.gather [hbm4b:s12+s11], $0x1400, $0x38;
	[tilespmem:$0x1A500] =	vst v63  }
0xbd: {  	_ =	swait.ge [sflag:s4], $0x1400  }
0xbe: {  	[sflag:s4] =	ssyncset.done $0x0  }
0xbf: {  	s11 =	simm.s32 $0x0;
	[sflag:s4] =	ssyncadd.s32 $0xFFFFEC00  }
0xc0: {  	[tilespmem:s3], [sflag:$0x1] =	stream.indirect.gather [spmem:s20], $0x40, s11, s7, $0xb8;
	[tilespmem:$0x1A500] =	vst v63  }
0xc1: {  	_ =	swait.ge [sflag:s4], $0x2000  }
0xc2: {  	[sflag:s4] =	ssyncset.done $0x0  }
0xc3: {  	s12 =	simm.s32 $0x1500;
	[sflag:s4] =	ssyncadd.s32 $0xFFFFE000  }
0xc4: {  	[spmem:s17] =	stream.indirect.scatter.add.f32 [tilespmem:s3], [sflag:$0x1], $0x40, s12, s7, $0xb8;
	[tilespmem:$0x1A500] =	vst v63  }
0xc5: {  	_ =	swait.ge [sflag:s4], $0x2000  }
0xc6: {  	s9 =	simm.s32 $0x200;
	s10 =	simm.s32 $0x400;
	[sflag:s4] =	ssyncset.done $0x0  }
.LBB2_8:
0xc7: {  	s11 =	sshra.s32 s9, $0x2  }
0xc8: {  	[sflag:s4] =	ssyncadd.s32 $0xFFFFE000;
	s9 =	smov.u32 s10;
	s12 =	sadd.s32 $0x200, s10  }
0xc9: {  	[tilespmem:s3], [sflag:$0x1] =	stream.indirect.gather [spmem:s20], $0x40, s11, s7, $0xb8;
	[tilespmem:$0x1A500] =	vst v63  }
0xca: {  	p0 =	sne.s32 s10, $0x4E00;
	_ =	swait.ge [sflag:s4], $0x2000  }
.Ltmp3:
0xcb: {  	[sflag:s4] =	ssyncset.done $0x0;
	(pc) =	sbr.rel @p0 .LBB2_8-.Ltmp3, $4  }
0xcc: {  	s10 =	sadd.s32 $0x1500, s11;
	[sflag:s4] =	ssyncadd.s32 $0xFFFFE000  }
0xcd: {  	[spmem:s17] =	stream.indirect.scatter.add.f32 [tilespmem:s3], [sflag:$0x1], $0x40, s10, s7, $0xb8;
	[tilespmem:$0x1A500] =	vst v63  }
0xce: {  	_ =	swait.ge [sflag:s4], $0x2000  }
0xcf: {  	s10 =	smov.u32 s12;
	[sflag:s4] =	ssyncset.done $0x0  }
0xd0: {  	s9 =	sshra.s32 s9, $0x2;
	[sflag:s4] =	ssyncadd.s32 $0xFFFFE000  }
0xd1: {  	[tilespmem:s3], [sflag:$0x1] =	stream.indirect.gather [spmem:s20], $0x40, s9, s7, $0xb8;
	[tilespmem:$0x1A500] =	vst v63  }
0xd2: {  	_ =	swait.ge [sflag:s4], $0x2000  }
0xd3: {  	[sflag:s4] =	ssyncset.done $0x0  }
0xd4: {  	s9 =	sadd.s32 $0x1500, s9;
	[sflag:s4] =	ssyncadd.s32 $0xFFFFE000  }
0xd5: {  	[spmem:s17] =	stream.indirect.scatter.add.f32 [tilespmem:s3], [sflag:$0x1], $0x40, s9, s7, $0xb8;
	[tilespmem:$0x1A500] =	vst v63  }
0xd6: {  	_ =	swait.ge [sflag:s4], $0x2000  }
0xd7: {  	[sflag:s4] =	ssyncset.done $0x0  }
0xd8: {  	s11 =	simm.s32 $0x0;
	s10 =	rddreg [dreg:$0xc];
	[sflag:s4] =	ssyncadd.s32 $0xFFFFE000  }
0xd9: {  	[tilespmem:s11], [sflag:$0x1] =	stream.linear.gather [hbm4b:s10+s11], $0x1400, $0x38;
	[tilespmem:$0x1A500] =	vst v63  }
0xda: {  	_ =	swait.ge [sflag:s4], $0x1400  }
0xdb: {  	[sflag:s4] =	ssyncset.done $0x0  }
0xdc: {  	s12 =	rddreg [dreg:$0xd];
	[sflag:s4] =	ssyncadd.s32 $0xFFFFEC00  }
0xdd: {  	[tilespmem:s6], [sflag:$0x1] =	stream.linear.gather [hbm4b:s12+s11], $0x1400, $0x38;
	[tilespmem:$0x1A500] =	vst v63  }
0xde: {  	_ =	swait.ge [sflag:s4], $0x1400  }
0xdf: {  	[sflag:s4] =	ssyncset.done $0x0  }
0xe0: {  	s11 =	simm.s32 $0x0;
	[sflag:s4] =	ssyncadd.s32 $0xFFFFEC00  }
0xe1: {  	[tilespmem:s3], [sflag:$0x1] =	stream.indirect.gather [spmem:s20], $0x40, s11, s7, $0xb8;
	[tilespmem:$0x1A500] =	vst v63  }
0xe2: {  	_ =	swait.ge [sflag:s4], $0x2000  }
0xe3: {  	[sflag:s4] =	ssyncset.done $0x0  }
0xe4: {  	s12 =	simm.s32 $0x1500;
	[sflag:s4] =	ssyncadd.s32 $0xFFFFE000  }
0xe5: {  	[spmem:s17] =	stream.indirect.scatter.add.f32 [tilespmem:s3], [sflag:$0x1], $0x40, s12, s7, $0xb8;
	[tilespmem:$0x1A500] =	vst v63  }
0xe6: {  	_ =	swait.ge [sflag:s4], $0x2000  }
0xe7: {  	s9 =	simm.s32 $0x200;
	s10 =	simm.s32 $0x400;
	[sflag:s4] =	ssyncset.done $0x0  }
.LBB2_10:
0xe8: {  	s11 =	sshra.s32 s9, $0x2  }
0xe9: {  	[sflag:s4] =	ssyncadd.s32 $0xFFFFE000;
	s9 =	smov.u32 s10;
	s12 =	sadd.s32 $0x200, s10  }
0xea: {  	[tilespmem:s3], [sflag:$0x1] =	stream.indirect.gather [spmem:s20], $0x40, s11, s7, $0xb8;
	[tilespmem:$0x1A500] =	vst v63  }
0xeb: {  	p0 =	sne.s32 s10, $0x4E00;
	_ =	swait.ge [sflag:s4], $0x2000  }
.Ltmp4:
0xec: {  	[sflag:s4] =	ssyncset.done $0x0;
	(pc) =	sbr.rel @p0 .LBB2_10-.Ltmp4, $4  }
0xed: {  	s10 =	sadd.s32 $0x1500, s11;
	[sflag:s4] =	ssyncadd.s32 $0xFFFFE000  }
0xee: {  	[spmem:s17] =	stream.indirect.scatter.add.f32 [tilespmem:s3], [sflag:$0x1], $0x40, s10, s7, $0xb8;
	[tilespmem:$0x1A500] =	vst v63  }
0xef: {  	_ =	swait.ge [sflag:s4], $0x2000  }
0xf0: {  	s10 =	smov.u32 s12;
	[sflag:s4] =	ssyncset.done $0x0  }
0xf1: {  	s9 =	sshra.s32 s9, $0x2;
	[sflag:s4] =	ssyncadd.s32 $0xFFFFE000  }
0xf2: {  	[tilespmem:s3], [sflag:$0x1] =	stream.indirect.gather [spmem:s20], $0x40, s9, s7, $0xb8;
	[tilespmem:$0x1A500] =	vst v63  }
0xf3: {  	_ =	swait.ge [sflag:s4], $0x2000  }
0xf4: {  	[sflag:s4] =	ssyncset.done $0x0  }
0xf5: {  	s9 =	sadd.s32 $0x1500, s9;
	[sflag:s4] =	ssyncadd.s32 $0xFFFFE000  }
0xf6: {  	[spmem:s17] =	stream.indirect.scatter.add.f32 [tilespmem:s3], [sflag:$0x1], $0x40, s9, s7, $0xb8;
	[tilespmem:$0x1A500] =	vst v63  }
0xf7: {  	_ =	swait.ge [sflag:s4], $0x2000  }
0xf8: {  	[sflag:s4] =	ssyncset.done $0x0  }
0xf9: {  	[sflag:s4] =	ssyncadd.s32 $0xFFFFE000  }
0xfa: {  	[bflag:$0x0] =	sbarrier.arrive $0xFFFF  }
0xfb: {  	[tilespmem:s3], [sflag:$0x1] =	stream.linear.gather [spmem:s23], $0x2000, $0x38;
	[tilespmem:$0x1A500] =	vst v63  }
0xfc: {  	_ =	swait.ge [sflag:s4], $0x2000  }
0xfd: {  	[sflag:s4] =	ssyncset.done $0x0  }
0xfe: {  	[sflag:s4] =	ssyncadd.s32 $0xFFFFE000  }
0xff: {  	[hbm4b:s15+s1] =	stream.linear.scatter [tilespmem:s3], [sflag:$0x1], $0x2000, $0x38;
	[tilespmem:$0x1A500] =	vst v63  }
0x100: {  	_ =	swait.ge [sflag:s4], $0x2000  }
0x101: {  	[sflag:s4] =	ssyncset.done $0x0  }
0x102: {  	[sflag:s4] =	ssyncadd.s32 $0xFFFFE000  }
0x103: {  	[tilespmem:s3], [sflag:$0x1] =	stream.linear.gather [spmem:s25], $0x2000, $0x38;
	[tilespmem:$0x1A500] =	vst v63  }
0x104: {  	_ =	swait.ge [sflag:s4], $0x2000  }
0x105: {  	[sflag:s4] =	ssyncset.done $0x0  }
0x106: {  	[sflag:s4] =	ssyncadd.s32 $0xFFFFE000  }
0x107: {  	[hbm4b:s18+s1] =	stream.linear.scatter [tilespmem:s3], [sflag:$0x1], $0x2000, $0x38;
	[tilespmem:$0x1A500] =	vst v63  }
0x108: {  	_ =	swait.ge [sflag:s4], $0x2000  }
0x109: {  	[sflag:s4] =	ssyncset.done $0x0  }
0x10a: {  	[sflag:s4] =	ssyncadd.s32 $0xFFFFE000  }
0x10b: {  	[tilespmem:s3], [sflag:$0x1] =	stream.linear.gather [spmem:s28], $0x2000, $0x38;
	[tilespmem:$0x1A500] =	vst v63  }
0x10c: {  	_ =	swait.ge [sflag:s4], $0x2000  }
0x10d: {  	[sflag:s4] =	ssyncset.done $0x0  }
0x10e: {  	[sflag:s4] =	ssyncadd.s32 $0xFFFFE000  }
0x10f: {  	[hbm4b:s19+s1] =	stream.linear.scatter [tilespmem:s3], [sflag:$0x1], $0x2000, $0x38;
	[tilespmem:$0x1A500] =	vst v63  }
0x110: {  	_ =	swait.ge [sflag:s4], $0x2000  }
0x111: {  	[sflag:s4] =	ssyncset.done $0x0  }
0x112: {  	[sflag:s4] =	ssyncadd.s32 $0xFFFFE000  }
0x113: {  	[tilespmem:s3], [sflag:$0x1] =	stream.linear.gather [spmem:s30], $0x2000, $0x38;
	[tilespmem:$0x1A500] =	vst v63  }
0x114: {  	_ =	swait.ge [sflag:s4], $0x2000  }
0x115: {  	[sflag:s4] =	ssyncset.done $0x0  }
0x116: {  	[sflag:s4] =	ssyncadd.s32 $0xFFFFE000  }
0x117: {  	[hbm4b:s21+s1] =	stream.linear.scatter [tilespmem:s3], [sflag:$0x1], $0x2000, $0x38;
	[tilespmem:$0x1A500] =	vst v63  }
0x118: {  	_ =	swait.ge [sflag:s4], $0x2000  }
0x119: {  	[sflag:s4] =	ssyncset.done $0x0  }
0x11a: {  	[sflag:s4] =	ssyncadd.s32 $0xFFFFE000  }
0x11b: {  	[tilespmem:s3], [sflag:$0x1] =	stream.linear.gather [spmem:s16], $0x1E00, $0x38;
	[tilespmem:$0x1A500] =	vst v63  }
0x11c: {  	s8 =	sadd.s32 $0x1, s8;
	_ =	swait.ge [sflag:s4], $0x1E00  }
0x11d: {  	p0 =	sne.s32 s8, s2;
	[sflag:s4] =	ssyncset.done $0x0  }
.Ltmp5:
0x11e: {  	[sflag:s4] =	ssyncadd.s32 $0xFFFFE200;
	(pc) =	sbr.rel @p0 .LBB2_1-.Ltmp5, $4  }
0x11f: {  	[hbm4b:s22+s1] =	stream.linear.scatter [tilespmem:s3], [sflag:$0x1], $0x1E00, $0x38;
	[tilespmem:$0x1A500] =	vst v63  }
0x120: {  	_ =	swait.ge [sflag:s4], $0x1E00  }
0x121: {  	[sflag:s4] =	ssyncset.done $0x0  }
0x122: {  	[sflag:s4] =	ssyncadd.s32 $0xFFFFE200  }
0x123: {  	_ =	sfence.sel $0x180000  }
0x124: {  	[bflag:$0x0] =	sbarrier.arrive $0xFFFF  }
0x125: {  	_ =	strace $0x9000004A  }
0x126: {  	s0 =	stileid.u32;
	[bflag:$0x2] =	sbarrier.arrive $0xFFFF  }
0x127: {  	p0 =	sne.s32 s0, $0x0;
	s0 =	rddreg [dreg:$0x3]  }
0x128: {  	s0 =	sadd.s32 @!p0 $0x100000, s0  }
0x129: {  	[sflag:s0] =	ssyncadd.tile.s32 @!p0 $0x1;
	_ =	shalt  }
.Lfunc_end2:
_tile_overlayer_lowered:
.L_overlay_start_2:
0x12a: {  	(tag) =	ssettag $0x2  }
0x12b: {  	s0 =	rddreg [dreg:$0x0];
	s2 =	stileid.u32  }
0x12c: {  	s1 =	rddreg [dreg:$0x1];
	p0 =	sne.s32 s2, $0x0  }
0x12d: {  	s3 =	rddreg [dreg:$0x2];
	[bflag:$0x3] =	sbarrier.arrive $0xFFFF;
	s2 =	simm.s32 @!p0 $0x1C01  }
0x12e: {  	[timem:s3], [sflag:s2] =	dma.local @!p0 [hbm:s0], s1  }
0x12f: {  	s0 =	simm.s32 @!p0 $0x1  }
0x130: {  	_ =	swait.ge @!p0 [sflag:s0], s1  }
0x131: {  	s1 =	ssub.s32 @!p0 $0x0, s1;
	[sflag:s0] =	ssyncset.done @!p0 $0x0  }
0x132: {  	[sflag:s0] =	ssyncadd.s32 @!p0 s1  }
0x133: {  	[bflag:$0x3] =	sbarrier.arrive $0xFFFF  }
0x134: {  	_ =	shalt  }

// kernel: kernel.14.cloned.1.call-start
scs
__scs_entry_jumppad:
0x0: {  	(pc) =	sbr.rel $0x88, $3  }
0x1: {  	(tag) =	ssettag $0x0;
	lr =	simm.s32 $0x1  }
0x2: {  	[smem:$0x3F9B] =	sst lr;
	_ =	strace $0xD0000000  }
0x3: {  	_ = 	snop  }
0x4: {  	_ = 	snop  }
0x5: {  	_ = 	snop  }
0x6: {  	_ = 	snop  }
0x7: {  	_ = 	snop  }
__scs_overlays_trampoline_lowered:
0x8: {  	[smem:$0x3FAA] =	sst s0  }
0x9: {  	[smem:$0x3FAB] =	sst s1  }
0xa: {  	[smem:$0x3FAC] =	sst s2  }
0xb: {  	[smem:$0x3FAD] =	sst s3  }
0xc: {  	[smem:$0x3FAE] =	sst s4  }
0xd: {  	[smem:$0x3FAF] =	sst s5  }
0xe: {  	[smem:$0x3FB0] =	sst s6  }
0xf: {  	[smem:$0x3FB1] =	sst s7  }
0x10: {  	[smem:$0x3FB2] =	sst s8  }
0x11: {  	[smem:$0x3FB3] =	sst s9;
	s0 =	simm.s32 @!p0 $0x0  }
0x12: {  	s1 =	sld [smem:$0x3F99];
	s0 =	simm.s32 @p0 $0x1  }
0x13: {  	[smem:$0x3FB4] =	sst s0;
	s0 =	simm.s32 @!p1 $0x0  }
0x14: {  	s2 =	sld [smem:$0x3F98];
	s0 =	simm.s32 @p1 $0x1  }
0x15: {  	[smem:$0x3FB5] =	sst s0;
	s0 =	simm.s32 @!p2 $0x0  }
0x16: {  	s3 =	sld [smem:$0x3FDB];
	s0 =	simm.s32 @p2 $0x1  }
0x17: {  	s4 =	simm.s32 $0x1BF5;
	[smem:$0x3FB7] =	sst s0  }
0x18: {  	s0 =	sld [smem:$0x3F9A];
	_ =	swait.ge [sflag:s4], $0x0  }
0x19: {  	s7 =	sld [smem:$0x3F9B]  }
0x1a: {  	s8 =	sadd.s32 $0xFFFFE003, lr  }
0x1b: {  	s9 =	sadd.s32 $0xFFFFFEF7, lr;
	s5 =	simm.s32 $0xFFFFFFFF;
	p2 =	slt.u32 s8, $0xFFFFF086  }
0x1c: {  	p1 =	slt.u32 s9, $0xF7A;
	s5 =	simm.s32 @!p2 $0x0  }
0x1d: {  	s5 =	simm.s32 @p1 $0x1;
	p0 =	seq.s32 s7, s2  }
0x1e: {  	s7 =	smul.u32 @!p0 $0xF7A, s2;
	p2 =	seq.s32 @!p0 s5, $0x0  }
0x1f: {  	s9 =	smul.u32 $0xF7A, s1;
	s8 =	simm.s32 @!p0 $0x1BF5;
	p2 =	por !p2, p0  }
0x20: {  	[sflag:s8] =	ssyncset.s32 @!p0 $0xFFFFF086;
	s6 =	sadd.s32 @!p0 s3, s7;
	s7 =	simm.s32 @!p0 $0x108  }
0x21: {  	s3 =	sadd.s32 s3, s9;
	s6 =	sadd.s32 @!p0 $0x88, s6;
	s7 =	simm.s32 @p2 $0x1082  }
0x22: {  	[simem:s7], [sflag:s8] =	dma.local @!p0 [hbm:s6], $0xF7A  }
0x23: {  	s9 =	sor.u32 $0xD0000000, s2;
	s6 =	simm.s32 $0x108;
	_ =	swait.ge @!p0 [sflag:s8], $0x0  }
0x24: {  	s3 =	sadd.s32 $0x88, s3;
	s6 =	simm.s32 @!p1 $0x1082;
	[sflag:s4] =	ssyncset.s32 $0xFFFFF086  }
0x25: {  	[simem:s6], [sflag:s4] =	dma.local [hbm:s3], $0xF7A  }
0x26: {  	[smem:$0x3F9B] =	sst s1;
	(tag) =	ssettag s2;
	_ =	strace s9  }
0x27: {  	s1 =	sld [smem:$0x3FAB]  }
0x28: {  	s2 =	sld [smem:$0x3FAC]  }
0x29: {  	s4 =	sld [smem:$0x3FAE]  }
0x2a: {  	p0 =	seq.s32 s5, $0x0;
	s5 =	sld [smem:$0x3FAF]  }
0x2b: {  	s6 =	sld [smem:$0x3FB0]  }
0x2c: {  	s7 =	sld [smem:$0x3FB1]  }
0x2d: {  	s3 =	simm.s32 $0x108;
	s8 =	sld [smem:$0x3FB2]  }
0x2e: {  	s3 =	simm.s32 @!p0 $0x1082;
	s9 =	sld [smem:$0x3FB3]  }
0x2f: {  	lr =	sadd.s32 s0, s3;
	s0 =	sld [smem:$0x3FAA]  }
0x30: {  	s3 =	sld [smem:$0x3FAD]  }
0x31: {  	[smem:$0x3FB6] =	sst s10  }
0x32: {  	s10 =	sld [smem:$0x3FB4];
	_ =	sdelay $0x3  }
0x33: {  	p0 =	seq.s32 s10, $0x1;
	s10 =	sld [smem:$0x3FB6];
	_ =	sdelay $0x3  }
0x34: {  	[smem:$0x3FB6] =	sst s10  }
0x35: {  	s10 =	sld [smem:$0x3FB5];
	_ =	sdelay $0x3  }
0x36: {  	p1 =	seq.s32 s10, $0x1;
	s10 =	sld [smem:$0x3FB6];
	_ =	sdelay $0x3  }
0x37: {  	[smem:$0x3FB6] =	sst s10  }
0x38: {  	s10 =	sld [smem:$0x3FB7]  }
0x39: {  	_ = 	snop;
	(pc) =	sbr.ind lr, $3  }
0x3a: {  	_ = 	snop  }
0x3b: {  	_ = 	snop  }
0x3c: {  	p2 =	seq.s32 s10, $0x1;
	s10 =	sld [smem:$0x3FB6]  }
0x3d: {  	_ =	shalt  }
0x3e: {  	_ =	shalt  }
0x3f: {  	_ =	shalt  }
0x40: {  	_ =	shalt  }
0x41: {  	_ =	shalt  }
0x42: {  	_ =	shalt  }
0x43: {  	_ =	shalt  }
0x44: {  	_ =	shalt  }
0x45: {  	_ =	shalt  }
0x46: {  	_ =	shalt  }
0x47: {  	_ =	shalt  }
0x48: {  	_ =	shalt  }
0x49: {  	_ =	shalt  }
0x4a: {  	_ =	shalt  }
0x4b: {  	_ =	shalt  }
0x4c: {  	_ =	shalt  }
0x4d: {  	_ =	shalt  }
0x4e: {  	_ =	shalt  }
0x4f: {  	_ =	shalt  }
0x50: {  	_ =	shalt  }
0x51: {  	_ =	shalt  }
0x52: {  	_ =	shalt  }
0x53: {  	_ =	shalt  }
0x54: {  	_ =	shalt  }
0x55: {  	_ =	shalt  }
0x56: {  	_ =	shalt  }
0x57: {  	_ =	shalt  }
0x58: {  	_ =	shalt  }
0x59: {  	_ =	shalt  }
0x5a: {  	_ =	shalt  }
0x5b: {  	_ =	shalt  }
0x5c: {  	_ =	shalt  }
0x5d: {  	_ =	shalt  }
0x5e: {  	_ =	shalt  }
0x5f: {  	_ =	shalt  }
0x60: {  	_ =	shalt  }
0x61: {  	_ =	shalt  }
0x62: {  	_ =	shalt  }
0x63: {  	_ =	shalt  }
0x64: {  	_ =	shalt  }
0x65: {  	_ =	shalt  }
0x66: {  	_ =	shalt  }
0x67: {  	_ =	shalt  }
0x68: {  	_ =	shalt  }
0x69: {  	_ =	shalt  }
0x6a: {  	_ =	shalt  }
0x6b: {  	_ =	shalt  }
0x6c: {  	_ =	shalt  }
0x6d: {  	_ =	shalt  }
0x6e: {  	_ =	shalt  }
0x6f: {  	_ =	shalt  }
0x70: {  	_ =	shalt  }
0x71: {  	_ =	shalt  }
0x72: {  	_ =	shalt  }
0x73: {  	_ =	shalt  }
0x74: {  	_ =	shalt  }
0x75: {  	_ =	shalt  }
0x76: {  	_ =	shalt  }
0x77: {  	_ =	shalt  }
0x78: {  	_ =	shalt  }
0x79: {  	_ =	shalt  }
0x7a: {  	_ =	shalt  }
0x7b: {  	_ =	shalt  }
0x7c: {  	_ =	shalt  }
0x7d: {  	_ =	shalt  }
0x7e: {  	_ =	shalt  }
0x7f: {  	_ =	shalt  }
0x80: {  	_ =	shalt  }
0x81: {  	_ =	shalt  }
0x82: {  	_ =	shalt  }
0x83: {  	_ =	shalt  }
0x84: {  	_ =	shalt  }
0x85: {  	_ =	shalt  }
0x86: {  	_ =	shalt  }
0x87: {  	_ =	shalt  }
.Lfunc_end0:
.L_simem_size_0:
called_computation.2_lowered:
.L_overlay_start_0:
0x88: {  	s2 =	sld [smem:$0x3FD9]  }
0x89: {  	s3 =	sld [smem:$0x3FFE];
	_ =	sdelay $0x1  }
0x8a: {  	s1 =	srdreg.scid  }
0x8b: {  	s0 =	sand.u32 $0x1, s1  }
0x8c: {  	s17 =	sshll.u32 s0, $0xA;
	s2 =	sadd.s32 s3, s2  }
0x8d: {  	s2 =	sadd.s32 s2, s17  }
0x8e: {  	[smem:$0x3FC2] =	sst s2  }
0x8f: {  	_ = 	snop  }
0x90: {  	s2 =	sld [smem:$0x3FD0];
	(tm) =	ssettm $0x1  }
0x91: {  	s18 =	sld [smem:$0x3FFB];
	_ =	sdelay $0x3  }
0x92: {  	_ =	strace s18  }
0x93: {  	s3 =	sld [smem:$0x3FFC];
	_ =	sdelay $0x3  }
0x94: {  	_ =	strace s3  }
0x95: {  	s3 =	sld [smem:$0x3FFD];
	_ =	sdelay $0x3  }
0x96: {  	_ =	strace s3  }
0x97: {  	_ =	strace $0x8FFFFFFF  }
0x98: {  	s19 =	sld [smem:$0x3FDB];
	_ =	sdelay $0x1  }
0x99: {  	s4 =	simm.s32 $_scs_section_size  }
0x9a: {  	s5 =	simm.s32 $_size__tile_overlayer_lowered;
	s6 =	simm.s32 $_tile_overlayer_lowered  }
0x9b: {  	s22 =	simm.s32 $0x1BFF;
	s21 =	sshll.u32 s6, $0x1;
	s3 =	sadd.s32 s4, s19  }
0x9c: {  	s7 =	simm.s32 $0x0;
	s20 =	sshll.u32 s5, $0x1;
	s5 =	sadd.s32 s21, s3  }
0x9d: {  	[timem:s7], [sflag:s22] =	dma.local [hbm:s5], s20  }
0x9e: {  	_ =	swait.ge [sflag:s22], s20  }
0x9f: {  	s4 =	ssub.s32 $0x0, s20;
	[sflag:s22] =	ssyncset.done $0x0  }
0xa0: {  	[sflag:s22] =	ssyncadd.s32 s4;
	_ =	sdelay $0x1  }
0xa1: {  	s23 =	simm.s32 $0x1B8B  }
0xa2: {  	_ =	swait.ge [sflag:s23], $0x1  }
0xa3: {  	[sflag:s23] =	ssyncset.done $0x0  }
0xa4: {  	s25 =	simm.s32 $0x1B8E;
	s24 =	sld [smem:$0x3FFE];
	[sflag:s23] =	ssyncadd.s32 $0xFFFFFFFF  }
0xa5: {  	s26 =	simm.s32 $execute0_lowered;
	[smem:$0x3FD2] =	sst s25  }
0xa6: {  	s5 =	sshll.u32 s26, $0x1;
	_ =	strace $0x8000004C;
	[dreg:$0x1] =	wrdreg $0xFFFFFFFF  }
0xa7: {  	s28 =	simm.s32 $_size_execute0_lowered;
	s3 =	sadd.s32 s3, s5;
	[dreg:$0x0] =	wrdreg $0x0  }
0xa8: {  	s5 =	sshll.u32 s28, $0x1;
	[dreg:$0x2] =	wrdreg s3  }
0xa9: {  	[dreg:$0x3] =	wrdreg s5  }
0xaa: {  	[dreg:$0x4] =	wrdreg $0xC0  }
0xab: {  	_ =	task [dreg:s7], $0x5FFFF  }
0xac: {  	[dreg:$0x1] =	wrdreg $0xFFFFFFFF  }
0xad: {  	[dreg:$0x0] =	wrdreg $0x60  }
0xae: {  	[dreg:$0x2] =	wrdreg s2  }
0xaf: {  	[dreg:$0x3] =	wrdreg s24  }
0xb0: {  	[dreg:$0x4] =	wrdreg $0x69000  }
0xb1: {  	[dreg:$0x5] =	wrdreg $0x107000  }
0xb2: {  	[dreg:$0x6] =	wrdreg $0x9  }
0xb3: {  	_ =	task.clear_ibuf [dreg:s7], $0x7FFFF;
	_ =	strace $0x9000004C  }
0xb4: {  	s29 =	simm.s32 $0x9;
	_ =	strace $0x8000004E  }
0xb5: {  	_ =	swait.ge [sflag:s29], $0x1  }
0xb6: {  	[sflag:s29] =	ssyncadd.s32 $0xFFFFFFFF  }
0xb7: {  	_ =	strace $0x9000004E  }
0xb8: {  	_ =	sfence  }
0xb9: {  	s30 =	sld [smem:$0x0];
	_ =	sdelay $0x2  }
0xba: {  	s31 =	sshll.u32 s1, $0xD;
	s1 =	sshrl.u32 s1, $0x2  }
0xbb: {  	s3 =	sand.u32 $0x4000, s31;
	s1 =	sadd.s32 s1, s30  }
0xbc: {  	s0 =	sor.u32 s3, s0;
	s1 =	sshll.u32 s1, $0x11  }
0xbd: {  	s0 =	sor.u32 s1, s0  }
0xbe: {  	s0 =	sadd.s32 $0x8F2B, s0  }
0xbf: {  	[sflag:s0] =	ssyncadd.remote.s32 $0x1  }
0xc0: {  	_ =	sfence.sel $0xFFFF  }
0xc1: {  	[dreg:$0x0] =	wrdreg $0xFFFFFFFF;
	(pc) =	sbr.abs _section_cstart, $3  }
0xc2: {  	[dreg:$0x1] =	wrdreg $0xFFFFFFFF  }
0xc3: {  	_ =	task.clear_ibuf [dreg:s7], $0x2FFFF;
	_ =	strace $0x9FFFFFFF  }
0xc4: {  	(tm) =	ssettm $0x7FFFFFFF  }
0xc5: {  	_ =	shalt  }
tec
execute0_lowered:
.L_overlay_start_1:
0x0: {  	(tag) =	ssettag $0x1  }
0x1: {  	s0 =	rddreg [dreg:$0x0]  }
0x2: {  	s4 =	rddreg [dreg:$0x1]  }
0x3: {  	s1 =	rddreg [dreg:$0x2]  }
0x4: {  	s2 =	rddreg [dreg:$0x3];
	s3 =	simm.s32 $0x0  }
0x5: {  	s5 =	srdreg.scid;
	s11 =	stileid.u32;
	s31 =	simm.s32 $0x2900  }
0x6: {  	[smem:$0x7FF] =	sst s3;
	s6 =	sadd.s32 $0xBA00, s4;
	s5 =	sand.u32 $0x1, s5  }
0x7: {  	s7 =	sadd.s32 $0x1A00, s4;
	s10 =	sshll.u32 s11, $0x1;
	s20 =	smul.u32 $0x9E00, s11  }
0x8: {  	s4 =	sadd.s32 $0x15A00, s4;
	_ =	strace $0x8000004D;
	s8 =	ssub.s32 $0x2, s5  }
0x9: {  	s18 =	sor.u32 s5, s10;
	s5 =	smul.u32 $0x9E000, s5;
	s9 =	sshrl.u32 s8, $0x1  }
0xa: {  	s22 =	sadd.s32 $0x2000, s20;
	s24 =	sadd.s32 $0x4000, s20;
	s19 =	sshrl.u32 s20, $0x3  }
0xb: {  	s26 =	sadd.s32 $0x6000, s20;
	s29 =	sadd.s32 $0x8000, s20;
	s8 =	ssub.s32 s8, s9  }
0xc: {  	s10 =	sadd.s32 s0, s19;
	s21 =	sshrl.u32 s22, $0x3;
	s23 =	sshrl.u32 s24, $0x3  }
0xd: {  	s9 =	smul.u32 $0x2800, s18;
	s11 =	sshrl.u32 s26, $0x3;
	s12 =	sshrl.u32 s29, $0x3  }
0xe: {  	s16 =	sadd.s32 s20, s5;
	s18 =	sadd.s32 s5, s22;
	s28 =	sadd.s32 s29, s1  }
0xf: {  	[dreg:$0x5] =	wrdreg s10;
	s10 =	sadd.s32 s0, s21;
	s25 =	sadd.s32 s0, s23  }
0x10: {  	s17 =	sshrl.u32 s16, $0x3;
	s19 =	sshrl.u32 s18, $0x3;
	s21 =	sadd.s32 s5, s24  }
0x11: {  	s23 =	sadd.s32 s5, s26;
	s5 =	sadd.s32 s5, s29;
	[dreg:$0x6] =	wrdreg s10  }
0x12: {  	s29 =	sadd.s32 s29, s2;
	s30 =	smax.u32 s8, $0x1;
	[dreg:$0x7] =	wrdreg s25  }
0x13: {  	s9 =	sshrl.u32 s9, $0x3;
	s10 =	sadd.s32 s0, s11;
	s0 =	sadd.s32 s0, s12  }
0x14: {  	s25 =	sshrl.u32 s5, $0x3;
	s5 =	simm.s32 $0x1500;
	[dreg:$0x8] =	wrdreg s10  }
0x15: {  	[dreg:$0x9] =	wrdreg s0;
	s13 =	sadd.s32 s6, s9;
	s14 =	sadd.s32 s7, s9  }
0x16: {  	s15 =	sadd.s32 $0x280, s9;
	s0 =	sshrl.u32 s21, $0x3;
	s18 =	sadd.s32 s4, s25  }
0x17: {  	s21 =	sadd.s32 s22, s1;
	s22 =	sadd.s32 s22, s2;
	[dreg:$0xa] =	wrdreg s13  }
0x18: {  	s25 =	sadd.s32 s26, s1;
	s26 =	sadd.s32 s26, s2;
	[dreg:$0xb] =	wrdreg s14  }
0x19: {  	s12 =	sadd.s32 s6, s15;
	s13 =	sadd.s32 s7, s15;
	s14 =	sadd.s32 s4, s17  }
0x1a: {  	s15 =	sadd.s32 s4, s19;
	s6 =	sshrl.u32 s23, $0x3;
	s16 =	sadd.s32 s4, s0  }
0x1b: {  	s19 =	sadd.s32 s20, s1;
	s20 =	sadd.s32 s20, s2;
	s23 =	sadd.s32 s24, s1  }
0x1c: {  	s24 =	sadd.s32 s24, s2;
	s0 =	simm.s32 $0x1;
	s7 =	simm.s32 $0x0  }
0x1d: {  	v0 =	vimm.f32 $0.0e+00;
	v1 =	vimm.s32 $0x0;
	s17 =	sadd.s32 s4, s6;
	s4 =	simm.s32 $0x4900;
	s6 =	simm.s32 $0x80  }
.LBB2_1:
0x1e: {  	s9 =	simm.s32 $0x100;
	s8 =	simm.s32 $0x0  }
.LBB2_2:
0x1f: {  	p0 =	sne.s32 s9, $0x7F00;
	[tilespmem:s8+$0x2930] =	vst v0;
	s10 =	smov.u32 s9;
	s9 =	sadd.s32 $0x100, s9  }
.Ltmp0:
0x20: {  	[tilespmem:s8+$0x2920] =	vst v0;
	(pc) =	sbr.rel @p0 .LBB2_2-.Ltmp0, $3  }
0x21: {  	[tilespmem:s8+$0x2900] =	vst v0  }
0x22: {  	[tilespmem:s8+$0x2910] =	vst v0;
	_ =	sdelay $0x1  }
0x23: {  	s8 =	sshra.s32 s10, $0x2  }
0x24: {  	[tilespmem:s8+$0x2930] =	vst v0  }
0x25: {  	[tilespmem:s8+$0x2920] =	vst v0  }
0x26: {  	[tilespmem:s8+$0x2900] =	vst v0  }
0x27: {  	[tilespmem:s8+$0x2910] =	vst v0  }
0x28: {  	[spmem:s19] =	stream.linear.scatter [tilespmem:s31], [sflag:$0x1], $0x2000, $0x38;
	[tilespmem:$0x1A500] =	vst v63  }
0x29: {  	_ =	swait.ge [sflag:s0], $0x2000  }
0x2a: {  	[sflag:s0] =	ssyncset.done $0x0  }
0x2b: {  	[sflag:s0] =	ssyncadd.s32 $0xFFFFE000  }
0x2c: {  	[spmem:s21] =	stream.linear.scatter [tilespmem:s31], [sflag:$0x1], $0x2000, $0x38;
	[tilespmem:$0x1A500] =	vst v63  }
0x2d: {  	_ =	swait.ge [sflag:s0], $0x2000  }
0x2e: {  	[sflag:s0] =	ssyncset.done $0x0  }
0x2f: {  	[sflag:s0] =	ssyncadd.s32 $0xFFFFE000  }
0x30: {  	[spmem:s23] =	stream.linear.scatter [tilespmem:s31], [sflag:$0x1], $0x2000, $0x38;
	[tilespmem:$0x1A500] =	vst v63  }
0x31: {  	_ =	swait.ge [sflag:s0], $0x2000  }
0x32: {  	[sflag:s0] =	ssyncset.done $0x0  }
0x33: {  	[sflag:s0] =	ssyncadd.s32 $0xFFFFE000  }
0x34: {  	[spmem:s25] =	stream.linear.scatter [tilespmem:s31], [sflag:$0x1], $0x2000, $0x38;
	[tilespmem:$0x1A500] =	vst v63  }
0x35: {  	_ =	swait.ge [sflag:s0], $0x2000  }
0x36: {  	[sflag:s0] =	ssyncset.done $0x0  }
0x37: {  	[sflag:s0] =	ssyncadd.s32 $0xFFFFE000  }
0x38: {  	[spmem:s28] =	stream.linear.scatter [tilespmem:s31], [sflag:$0x1], $0x1E00, $0x38;
	[tilespmem:$0x1A500] =	vst v63  }
0x39: {  	_ =	swait.ge [sflag:s0], $0x1E00  }
0x3a: {  	[sflag:s0] =	ssyncset.done $0x0  }
0x3b: {  	s8 =	simm.s32 $0x0;
	s9 =	rddreg [dreg:$0x5];
	[sflag:s0] =	ssyncadd.s32 $0xFFFFE200  }
0x3c: {  	[tilespmem:s4], [sflag:$0x1] =	stream.linear.gather [hbm4b:s9+s8], $0x2000, $0x38;
	[tilespmem:$0x1A500] =	vst v63  }
0x3d: {  	_ =	swait.ge [sflag:s0], $0x2000  }
0x3e: {  	[sflag:s0] =	ssyncset.done $0x0  }
0x3f: {  	[sflag:s0] =	ssyncadd.s32 $0xFFFFE000  }
0x40: {  	[spmem:s20] =	stream.linear.scatter [tilespmem:s4], [sflag:$0x1], $0x2000, $0x38;
	[tilespmem:$0x1A500] =	vst v63  }
0x41: {  	_ =	swait.ge [sflag:s0], $0x2000  }
0x42: {  	[sflag:s0] =	ssyncset.done $0x0  }
0x43: {  	s10 =	rddreg [dreg:$0x6];
	[sflag:s0] =	ssyncadd.s32 $0xFFFFE000  }
0x44: {  	[tilespmem:s4], [sflag:$0x1] =	stream.linear.gather [hbm4b:s10+s8], $0x2000, $0x38;
	[tilespmem:$0x1A500] =	vst v63  }
0x45: {  	_ =	swait.ge [sflag:s0], $0x2000  }
0x46: {  	[sflag:s0] =	ssyncset.done $0x0  }
0x47: {  	[sflag:s0] =	ssyncadd.s32 $0xFFFFE000  }
0x48: {  	[spmem:s22] =	stream.linear.scatter [tilespmem:s4], [sflag:$0x1], $0x2000, $0x38;
	[tilespmem:$0x1A500] =	vst v63  }
0x49: {  	_ =	swait.ge [sflag:s0], $0x2000  }
0x4a: {  	[sflag:s0] =	ssyncset.done $0x0  }
0x4b: {  	s11 =	rddreg [dreg:$0x7];
	[sflag:s0] =	ssyncadd.s32 $0xFFFFE000  }
0x4c: {  	[tilespmem:s4], [sflag:$0x1] =	stream.linear.gather [hbm4b:s11+s8], $0x2000, $0x38;
	[tilespmem:$0x1A500] =	vst v63  }
0x4d: {  	_ =	swait.ge [sflag:s0], $0x2000  }
0x4e: {  	[sflag:s0] =	ssyncset.done $0x0  }
0x4f: {  	[sflag:s0] =	ssyncadd.s32 $0xFFFFE000  }
0x50: {  	[spmem:s24] =	stream.linear.scatter [tilespmem:s4], [sflag:$0x1], $0x2000, $0x38;
	[tilespmem:$0x1A500] =	vst v63  }
0x51: {  	_ =	swait.ge [sflag:s0], $0x2000  }
0x52: {  	[sflag:s0] =	ssyncset.done $0x0  }
0x53: {  	s10 =	rddreg [dreg:$0x8];
	[sflag:s0] =	ssyncadd.s32 $0xFFFFE000  }
0x54: {  	[tilespmem:s4], [sflag:$0x1] =	stream.linear.gather [hbm4b:s10+s8], $0x2000, $0x38;
	[tilespmem:$0x1A500] =	vst v63  }
0x55: {  	_ =	swait.ge [sflag:s0], $0x2000  }
0x56: {  	[sflag:s0] =	ssyncset.done $0x0  }
0x57: {  	[sflag:s0] =	ssyncadd.s32 $0xFFFFE000  }
0x58: {  	[spmem:s26] =	stream.linear.scatter [tilespmem:s4], [sflag:$0x1], $0x2000, $0x38;
	[tilespmem:$0x1A500] =	vst v63  }
0x59: {  	_ =	swait.ge [sflag:s0], $0x2000  }
0x5a: {  	[sflag:s0] =	ssyncset.done $0x0  }
0x5b: {  	s11 =	rddreg [dreg:$0x9];
	[sflag:s0] =	ssyncadd.s32 $0xFFFFE000  }
0x5c: {  	[tilespmem:s4], [sflag:$0x1] =	stream.linear.gather [hbm4b:s11+s8], $0x1E00, $0x38;
	[tilespmem:$0x1A500] =	vst v63  }
0x5d: {  	_ =	swait.ge [sflag:s0], $0x1E00  }
0x5e: {  	[sflag:s0] =	ssyncset.done $0x0  }
0x5f: {  	[sflag:s0] =	ssyncadd.s32 $0xFFFFE200  }
0x60: {  	[spmem:s29] =	stream.linear.scatter [tilespmem:s4], [sflag:$0x1], $0x1E00, $0x38;
	[tilespmem:$0x1A500] =	vst v63  }
0x61: {  	_ =	swait.ge [sflag:s0], $0x1E00  }
0x62: {  	[sflag:s0] =	ssyncset.done $0x0  }
0x63: {  	[sflag:s0] =	ssyncadd.s32 $0xFFFFE200  }
0x64: {  	[tilespmem:$0x1400] =	vst v1  }
0x65: {  	[tilespmem:$0x1410] =	vst v1  }
0x66: {  	[tilespmem:$0x1420] =	vst v1  }
0x67: {  	[tilespmem:$0x1430] =	vst v1  }
0x68: {  	[tilespmem:$0x1440] =	vst v1  }
0x69: {  	[tilespmem:$0x1450] =	vst v1  }
0x6a: {  	[tilespmem:$0x1460] =	vst v1  }
0x6b: {  	[tilespmem:$0x1470] =	vst v1  }
0x6c: {  	[tilespmem:$0x1480] =	vst v1  }
0x6d: {  	[tilespmem:$0x1490] =	vst v1  }
0x6e: {  	[tilespmem:$0x14A0] =	vst v1  }
0x6f: {  	[tilespmem:$0x14B0] =	vst v1  }
0x70: {  	[tilespmem:$0x14C0] =	vst v1  }
0x71: {  	[tilespmem:$0x14D0] =	vst v1  }
0x72: {  	[tilespmem:$0x14E0] =	vst v1  }
0x73: {  	[tilespmem:$0x14F0] =	vst v1  }
0x74: {  	[bflag:$0x0] =	sbarrier.arrive $0xFFFF  }
0x75: {  	s10 =	rddreg [dreg:$0xa]  }
0x76: {  	[tilespmem:s8], [sflag:$0x1] =	stream.linear.gather [hbm4b:s10+s8], $0x1400, $0x38;
	[tilespmem:$0x1A500] =	vst v63  }
0x77: {  	_ =	swait.ge [sflag:s0], $0x1400  }
0x78: {  	[sflag:s0] =	ssyncset.done $0x0  }
0x79: {  	s11 =	rddreg [dreg:$0xb];
	[sflag:s0] =	ssyncadd.s32 $0xFFFFEC00  }
0x7a: {  	[tilespmem:s5], [sflag:$0x1] =	stream.linear.gather [hbm4b:s11+s8], $0x1400, $0x38;
	[tilespmem:$0x1A500] =	vst v63  }
0x7b: {  	_ =	swait.ge [sflag:s0], $0x1400  }
0x7c: {  	[sflag:s0] =	ssyncset.done $0x0  }
0x7d: {  	s10 =	simm.s32 $0x0;
	[sflag:s0] =	ssyncadd.s32 $0xFFFFEC00  }
0x7e: {  	[tilespmem:s31], [sflag:$0x1] =	stream.indirect.gather [spmem:s2], $0x40, s10, s6, $0xb8;
	[tilespmem:$0x1A500] =	vst v63  }
0x7f: {  	_ =	swait.ge [sflag:s0], $0x2000  }
0x80: {  	[sflag:s0] =	ssyncset.done $0x0  }
0x81: {  	s11 =	simm.s32 $0x1500;
	[sflag:s0] =	ssyncadd.s32 $0xFFFFE000  }
0x82: {  	[spmem:s1] =	stream.indirect.scatter.add.f32 [tilespmem:s31], [sflag:$0x1], $0x40, s11, s6, $0xb8;
	[tilespmem:$0x1A500] =	vst v63  }
0x83: {  	_ =	swait.ge [sflag:s0], $0x2000  }
0x84: {  	s9 =	simm.s32 $0x400;
	s8 =	simm.s32 $0x200;
	[sflag:s0] =	ssyncset.done $0x0  }
.LBB2_4:
0x85: {  	s10 =	sshra.s32 s8, $0x2  }
0x86: {  	[sflag:s0] =	ssyncadd.s32 $0xFFFFE000;
	s8 =	smov.u32 s9;
	s11 =	sadd.s32 $0x200, s9  }
0x87: {  	[tilespmem:s31], [sflag:$0x1] =	stream.indirect.gather [spmem:s2], $0x40, s10, s6, $0xb8;
	[tilespmem:$0x1A500] =	vst v63  }
0x88: {  	p0 =	sne.s32 s9, $0x4E00;
	_ =	swait.ge [sflag:s0], $0x2000  }
.Ltmp1:
0x89: {  	[sflag:s0] =	ssyncset.done $0x0;
	(pc) =	sbr.rel @p0 .LBB2_4-.Ltmp1, $4  }
0x8a: {  	s9 =	sadd.s32 $0x1500, s10;
	[sflag:s0] =	ssyncadd.s32 $0xFFFFE000  }
0x8b: {  	[spmem:s1] =	stream.indirect.scatter.add.f32 [tilespmem:s31], [sflag:$0x1], $0x40, s9, s6, $0xb8;
	[tilespmem:$0x1A500] =	vst v63  }
0x8c: {  	_ =	swait.ge [sflag:s0], $0x2000  }
0x8d: {  	s9 =	smov.u32 s11;
	[sflag:s0] =	ssyncset.done $0x0  }
0x8e: {  	s8 =	sshra.s32 s8, $0x2;
	[sflag:s0] =	ssyncadd.s32 $0xFFFFE000  }
0x8f: {  	[tilespmem:s31], [sflag:$0x1] =	stream.indirect.gather [spmem:s2], $0x40, s8, s6, $0xb8;
	[tilespmem:$0x1A500] =	vst v63  }
0x90: {  	_ =	swait.ge [sflag:s0], $0x2000  }
0x91: {  	[sflag:s0] =	ssyncset.done $0x0  }
0x92: {  	s8 =	sadd.s32 $0x1500, s8;
	[sflag:s0] =	ssyncadd.s32 $0xFFFFE000  }
0x93: {  	[spmem:s1] =	stream.indirect.scatter.add.f32 [tilespmem:s31], [sflag:$0x1], $0x40, s8, s6, $0xb8;
	[tilespmem:$0x1A500] =	vst v63  }
0x94: {  	_ =	swait.ge [sflag:s0], $0x2000  }
0x95: {  	[sflag:s0] =	ssyncset.done $0x0  }
0x96: {  	s9 =	simm.s32 $0x0;
	[sflag:s0] =	ssyncadd.s32 $0xFFFFE000  }
0x97: {  	[tilespmem:s9], [sflag:$0x1] =	stream.linear.gather [hbm4b:s12+s9], $0x1400, $0x38;
	[tilespmem:$0x1A500] =	vst v63  }
0x98: {  	_ =	swait.ge [sflag:s0], $0x1400  }
0x99: {  	[sflag:s0] =	ssyncset.done $0x0  }
0x9a: {  	[sflag:s0] =	ssyncadd.s32 $0xFFFFEC00  }
0x9b: {  	[tilespmem:s5], [sflag:$0x1] =	stream.linear.gather [hbm4b:s13+s9], $0x1400, $0x38;
	[tilespmem:$0x1A500] =	vst v63  }
0x9c: {  	_ =	swait.ge [sflag:s0], $0x1400  }
0x9d: {  	[sflag:s0] =	ssyncset.done $0x0  }
0x9e: {  	s10 =	simm.s32 $0x0;
	[sflag:s0] =	ssyncadd.s32 $0xFFFFEC00  }
0x9f: {  	[tilespmem:s31], [sflag:$0x1] =	stream.indirect.gather [spmem:s2], $0x40, s10, s6, $0xb8;
	[tilespmem:$0x1A500] =	vst v63  }
0xa0: {  	_ =	swait.ge [sflag:s0], $0x2000  }
0xa1: {  	[sflag:s0] =	ssyncset.done $0x0  }
0xa2: {  	s11 =	simm.s32 $0x1500;
	[sflag:s0] =	ssyncadd.s32 $0xFFFFE000  }
0xa3: {  	[spmem:s1] =	stream.indirect.scatter.add.f32 [tilespmem:s31], [sflag:$0x1], $0x40, s11, s6, $0xb8;
	[tilespmem:$0x1A500] =	vst v63  }
0xa4: {  	_ =	swait.ge [sflag:s0], $0x2000  }
0xa5: {  	s8 =	simm.s32 $0x200;
	s9 =	simm.s32 $0x400;
	[sflag:s0] =	ssyncset.done $0x0  }
.LBB2_6:
0xa6: {  	s10 =	sshra.s32 s8, $0x2  }
0xa7: {  	[sflag:s0] =	ssyncadd.s32 $0xFFFFE000;
	s8 =	smov.u32 s9;
	s11 =	sadd.s32 $0x200, s9  }
0xa8: {  	[tilespmem:s31], [sflag:$0x1] =	stream.indirect.gather [spmem:s2], $0x40, s10, s6, $0xb8;
	[tilespmem:$0x1A500] =	vst v63  }
0xa9: {  	p0 =	sne.s32 s9, $0x4E00;
	_ =	swait.ge [sflag:s0], $0x2000  }
.Ltmp2:
0xaa: {  	[sflag:s0] =	ssyncset.done $0x0;
	(pc) =	sbr.rel @p0 .LBB2_6-.Ltmp2, $4  }
0xab: {  	s9 =	sadd.s32 $0x1500, s10;
	[sflag:s0] =	ssyncadd.s32 $0xFFFFE000  }
0xac: {  	[spmem:s1] =	stream.indirect.scatter.add.f32 [tilespmem:s31], [sflag:$0x1], $0x40, s9, s6, $0xb8;
	[tilespmem:$0x1A500] =	vst v63  }
0xad: {  	_ =	swait.ge [sflag:s0], $0x2000  }
0xae: {  	s9 =	smov.u32 s11;
	[sflag:s0] =	ssyncset.done $0x0  }
0xaf: {  	s8 =	sshra.s32 s8, $0x2;
	[sflag:s0] =	ssyncadd.s32 $0xFFFFE000  }
0xb0: {  	[tilespmem:s31], [sflag:$0x1] =	stream.indirect.gather [spmem:s2], $0x40, s8, s6, $0xb8;
	[tilespmem:$0x1A500] =	vst v63  }
0xb1: {  	_ =	swait.ge [sflag:s0], $0x2000  }
0xb2: {  	[sflag:s0] =	ssyncset.done $0x0  }
0xb3: {  	s8 =	sadd.s32 $0x1500, s8;
	[sflag:s0] =	ssyncadd.s32 $0xFFFFE000  }
0xb4: {  	[spmem:s1] =	stream.indirect.scatter.add.f32 [tilespmem:s31], [sflag:$0x1], $0x40, s8, s6, $0xb8;
	[tilespmem:$0x1A500] =	vst v63  }
0xb5: {  	_ =	swait.ge [sflag:s0], $0x2000  }
0xb6: {  	[sflag:s0] =	ssyncset.done $0x0  }
0xb7: {  	[sflag:s0] =	ssyncadd.s32 $0xFFFFE000  }
0xb8: {  	[bflag:$0x0] =	sbarrier.arrive $0xFFFF  }
0xb9: {  	[tilespmem:s31], [sflag:$0x1] =	stream.linear.gather [spmem:s19], $0x2000, $0x38;
	[tilespmem:$0x1A500] =	vst v63  }
0xba: {  	_ =	swait.ge [sflag:s0], $0x2000  }
0xbb: {  	[sflag:s0] =	ssyncset.done $0x0  }
0xbc: {  	[sflag:s0] =	ssyncadd.s32 $0xFFFFE000  }
0xbd: {  	[hbm4b:s14+s3] =	stream.linear.scatter [tilespmem:s31], [sflag:$0x1], $0x2000, $0x38;
	[tilespmem:$0x1A500] =	vst v63  }
0xbe: {  	_ =	swait.ge [sflag:s0], $0x2000  }
0xbf: {  	[sflag:s0] =	ssyncset.done $0x0  }
0xc0: {  	[sflag:s0] =	ssyncadd.s32 $0xFFFFE000  }
0xc1: {  	[tilespmem:s31], [sflag:$0x1] =	stream.linear.gather [spmem:s21], $0x2000, $0x38;
	[tilespmem:$0x1A500] =	vst v63  }
0xc2: {  	_ =	swait.ge [sflag:s0], $0x2000  }
0xc3: {  	[sflag:s0] =	ssyncset.done $0x0  }
0xc4: {  	[sflag:s0] =	ssyncadd.s32 $0xFFFFE000  }
0xc5: {  	[hbm4b:s15+s3] =	stream.linear.scatter [tilespmem:s31], [sflag:$0x1], $0x2000, $0x38;
	[tilespmem:$0x1A500] =	vst v63  }
0xc6: {  	_ =	swait.ge [sflag:s0], $0x2000  }
0xc7: {  	[sflag:s0] =	ssyncset.done $0x0  }
0xc8: {  	[sflag:s0] =	ssyncadd.s32 $0xFFFFE000  }
0xc9: {  	[tilespmem:s31], [sflag:$0x1] =	stream.linear.gather [spmem:s23], $0x2000, $0x38;
	[tilespmem:$0x1A500] =	vst v63  }
0xca: {  	_ =	swait.ge [sflag:s0], $0x2000  }
0xcb: {  	[sflag:s0] =	ssyncset.done $0x0  }
0xcc: {  	[sflag:s0] =	ssyncadd.s32 $0xFFFFE000  }
0xcd: {  	[hbm4b:s16+s3] =	stream.linear.scatter [tilespmem:s31], [sflag:$0x1], $0x2000, $0x38;
	[tilespmem:$0x1A500] =	vst v63  }
0xce: {  	_ =	swait.ge [sflag:s0], $0x2000  }
0xcf: {  	[sflag:s0] =	ssyncset.done $0x0  }
0xd0: {  	[sflag:s0] =	ssyncadd.s32 $0xFFFFE000  }
0xd1: {  	[tilespmem:s31], [sflag:$0x1] =	stream.linear.gather [spmem:s25], $0x2000, $0x38;
	[tilespmem:$0x1A500] =	vst v63  }
0xd2: {  	_ =	swait.ge [sflag:s0], $0x2000  }
0xd3: {  	[sflag:s0] =	ssyncset.done $0x0  }
0xd4: {  	[sflag:s0] =	ssyncadd.s32 $0xFFFFE000  }
0xd5: {  	[hbm4b:s17+s3] =	stream.linear.scatter [tilespmem:s31], [sflag:$0x1], $0x2000, $0x38;
	[tilespmem:$0x1A500] =	vst v63  }
0xd6: {  	_ =	swait.ge [sflag:s0], $0x2000  }
0xd7: {  	[sflag:s0] =	ssyncset.done $0x0  }
0xd8: {  	[sflag:s0] =	ssyncadd.s32 $0xFFFFE000  }
0xd9: {  	[tilespmem:s31], [sflag:$0x1] =	stream.linear.gather [spmem:s28], $0x1E00, $0x38;
	[tilespmem:$0x1A500] =	vst v63  }
0xda: {  	s7 =	sadd.s32 $0x1, s7;
	_ =	swait.ge [sflag:s0], $0x1E00  }
0xdb: {  	p0 =	sne.s32 s7, s30;
	[sflag:s0] =	ssyncset.done $0x0  }
.Ltmp3:
0xdc: {  	[sflag:s0] =	ssyncadd.s32 $0xFFFFE200;
	(pc) =	sbr.rel @p0 .LBB2_1-.Ltmp3, $4  }
0xdd: {  	[hbm4b:s18+s3] =	stream.linear.scatter [tilespmem:s31], [sflag:$0x1], $0x1E00, $0x38;
	[tilespmem:$0x1A500] =	vst v63  }
0xde: {  	_ =	swait.ge [sflag:s0], $0x1E00  }
0xdf: {  	[sflag:s0] =	ssyncset.done $0x0  }
0xe0: {  	[sflag:s0] =	ssyncadd.s32 $0xFFFFE200  }
0xe1: {  	_ =	sfence.sel $0x180000  }
0xe2: {  	[bflag:$0x0] =	sbarrier.arrive $0xFFFF  }
0xe3: {  	_ =	strace $0x9000004D  }
0xe4: {  	s0 =	stileid.u32;
	[bflag:$0x2] =	sbarrier.arrive $0xFFFF  }
0xe5: {  	p0 =	sne.s32 s0, $0x0;
	s0 =	rddreg [dreg:$0x4]  }
0xe6: {  	s0 =	sadd.s32 @!p0 $0x100000, s0  }
0xe7: {  	[sflag:s0] =	ssyncadd.tile.s32 @!p0 $0x1;
	_ =	shalt  }
.Lfunc_end2:
_tile_overlayer_lowered:
.L_overlay_start_2:
0xe8: {  	(tag) =	ssettag $0x2  }
0xe9: {  	s0 =	rddreg [dreg:$0x0];
	s2 =	stileid.u32  }
0xea: {  	s1 =	rddreg [dreg:$0x1];
	p0 =	sne.s32 s2, $0x0  }
0xeb: {  	s3 =	rddreg [dreg:$0x2];
	[bflag:$0x3] =	sbarrier.arrive $0xFFFF;
	s2 =	simm.s32 @!p0 $0x1C01  }
0xec: {  	[timem:s3], [sflag:s2] =	dma.local @!p0 [hbm:s0], s1  }
0xed: {  	s0 =	simm.s32 @!p0 $0x1  }
0xee: {  	_ =	swait.ge @!p0 [sflag:s0], s1  }
0xef: {  	s1 =	ssub.s32 @!p0 $0x0, s1;
	[sflag:s0] =	ssyncset.done @!p0 $0x0  }
0xf0: {  	[sflag:s0] =	ssyncadd.s32 @!p0 s1  }
0xf1: {  	[bflag:$0x3] =	sbarrier.arrive $0xFFFF  }
0xf2: {  	_ =	shalt  }

// kernel: kernel.8.cloned.1.call-start
scs
__scs_entry_jumppad:
0x0: {  	(pc) =	sbr.rel $0x88, $3  }
0x1: {  	(tag) =	ssettag $0x0;
	lr =	simm.s32 $0x1  }
0x2: {  	[smem:$0x3F9B] =	sst lr;
	_ =	strace $0xD0000000  }
0x3: {  	_ = 	snop  }
0x4: {  	_ = 	snop  }
0x5: {  	_ = 	snop  }
0x6: {  	_ = 	snop  }
0x7: {  	_ = 	snop  }
__scs_overlays_trampoline_lowered:
0x8: {  	[smem:$0x3FAA] =	sst s0  }
0x9: {  	[smem:$0x3FAB] =	sst s1  }
0xa: {  	[smem:$0x3FAC] =	sst s2  }
0xb: {  	[smem:$0x3FAD] =	sst s3  }
0xc: {  	[smem:$0x3FAE] =	sst s4  }
0xd: {  	[smem:$0x3FAF] =	sst s5  }
0xe: {  	[smem:$0x3FB0] =	sst s6  }
0xf: {  	[smem:$0x3FB1] =	sst s7  }
0x10: {  	[smem:$0x3FB2] =	sst s8  }
0x11: {  	[smem:$0x3FB3] =	sst s9;
	s0 =	simm.s32 @!p0 $0x0  }
0x12: {  	s1 =	sld [smem:$0x3F99];
	s0 =	simm.s32 @p0 $0x1  }
0x13: {  	[smem:$0x3FB4] =	sst s0;
	s0 =	simm.s32 @!p1 $0x0  }
0x14: {  	s2 =	sld [smem:$0x3F98];
	s0 =	simm.s32 @p1 $0x1  }
0x15: {  	[smem:$0x3FB5] =	sst s0;
	s0 =	simm.s32 @!p2 $0x0  }
0x16: {  	s3 =	sld [smem:$0x3FDB];
	s0 =	simm.s32 @p2 $0x1  }
0x17: {  	s4 =	simm.s32 $0x1BF5;
	[smem:$0x3FB7] =	sst s0  }
0x18: {  	s0 =	sld [smem:$0x3F9A];
	_ =	swait.ge [sflag:s4], $0x0  }
0x19: {  	s7 =	sld [smem:$0x3F9B]  }
0x1a: {  	s8 =	sadd.s32 $0xFFFFE003, lr  }
0x1b: {  	s9 =	sadd.s32 $0xFFFFFEF7, lr;
	s5 =	simm.s32 $0xFFFFFFFF;
	p2 =	slt.u32 s8, $0xFFFFF086  }
0x1c: {  	p1 =	slt.u32 s9, $0xF7A;
	s5 =	simm.s32 @!p2 $0x0  }
0x1d: {  	s5 =	simm.s32 @p1 $0x1;
	p0 =	seq.s32 s7, s2  }
0x1e: {  	s7 =	smul.u32 @!p0 $0xF7A, s2;
	p2 =	seq.s32 @!p0 s5, $0x0  }
0x1f: {  	s9 =	smul.u32 $0xF7A, s1;
	s8 =	simm.s32 @!p0 $0x1BF5;
	p2 =	por !p2, p0  }
0x20: {  	[sflag:s8] =	ssyncset.s32 @!p0 $0xFFFFF086;
	s6 =	sadd.s32 @!p0 s3, s7;
	s7 =	simm.s32 @!p0 $0x108  }
0x21: {  	s3 =	sadd.s32 s3, s9;
	s6 =	sadd.s32 @!p0 $0x88, s6;
	s7 =	simm.s32 @p2 $0x1082  }
0x22: {  	[simem:s7], [sflag:s8] =	dma.local @!p0 [hbm:s6], $0xF7A  }
0x23: {  	s9 =	sor.u32 $0xD0000000, s2;
	s6 =	simm.s32 $0x108;
	_ =	swait.ge @!p0 [sflag:s8], $0x0  }
0x24: {  	s3 =	sadd.s32 $0x88, s3;
	s6 =	simm.s32 @!p1 $0x1082;
	[sflag:s4] =	ssyncset.s32 $0xFFFFF086  }
0x25: {  	[simem:s6], [sflag:s4] =	dma.local [hbm:s3], $0xF7A  }
0x26: {  	[smem:$0x3F9B] =	sst s1;
	(tag) =	ssettag s2;
	_ =	strace s9  }
0x27: {  	s1 =	sld [smem:$0x3FAB]  }
0x28: {  	s2 =	sld [smem:$0x3FAC]  }
0x29: {  	s4 =	sld [smem:$0x3FAE]  }
0x2a: {  	p0 =	seq.s32 s5, $0x0;
	s5 =	sld [smem:$0x3FAF]  }
0x2b: {  	s6 =	sld [smem:$0x3FB0]  }
0x2c: {  	s7 =	sld [smem:$0x3FB1]  }
0x2d: {  	s3 =	simm.s32 $0x108;
	s8 =	sld [smem:$0x3FB2]  }
0x2e: {  	s3 =	simm.s32 @!p0 $0x1082;
	s9 =	sld [smem:$0x3FB3]  }
0x2f: {  	lr =	sadd.s32 s0, s3;
	s0 =	sld [smem:$0x3FAA]  }
0x30: {  	s3 =	sld [smem:$0x3FAD]  }
0x31: {  	[smem:$0x3FB6] =	sst s10  }
0x32: {  	s10 =	sld [smem:$0x3FB4];
	_ =	sdelay $0x3  }
0x33: {  	p0 =	seq.s32 s10, $0x1;
	s10 =	sld [smem:$0x3FB6];
	_ =	sdelay $0x3  }
0x34: {  	[smem:$0x3FB6] =	sst s10  }
0x35: {  	s10 =	sld [smem:$0x3FB5];
	_ =	sdelay $0x3  }
0x36: {  	p1 =	seq.s32 s10, $0x1;
	s10 =	sld [smem:$0x3FB6];
	_ =	sdelay $0x3  }
0x37: {  	[smem:$0x3FB6] =	sst s10  }
0x38: {  	s10 =	sld [smem:$0x3FB7]  }
0x39: {  	_ = 	snop;
	(pc) =	sbr.ind lr, $3  }
0x3a: {  	_ = 	snop  }
0x3b: {  	_ = 	snop  }
0x3c: {  	p2 =	seq.s32 s10, $0x1;
	s10 =	sld [smem:$0x3FB6]  }
0x3d: {  	_ =	shalt  }
0x3e: {  	_ =	shalt  }
0x3f: {  	_ =	shalt  }
0x40: {  	_ =	shalt  }
0x41: {  	_ =	shalt  }
0x42: {  	_ =	shalt  }
0x43: {  	_ =	shalt  }
0x44: {  	_ =	shalt  }
0x45: {  	_ =	shalt  }
0x46: {  	_ =	shalt  }
0x47: {  	_ =	shalt  }
0x48: {  	_ =	shalt  }
0x49: {  	_ =	shalt  }
0x4a: {  	_ =	shalt  }
0x4b: {  	_ =	shalt  }
0x4c: {  	_ =	shalt  }
0x4d: {  	_ =	shalt  }
0x4e: {  	_ =	shalt  }
0x4f: {  	_ =	shalt  }
0x50: {  	_ =	shalt  }
0x51: {  	_ =	shalt  }
0x52: {  	_ =	shalt  }
0x53: {  	_ =	shalt  }
0x54: {  	_ =	shalt  }
0x55: {  	_ =	shalt  }
0x56: {  	_ =	shalt  }
0x57: {  	_ =	shalt  }
0x58: {  	_ =	shalt  }
0x59: {  	_ =	shalt  }
0x5a: {  	_ =	shalt  }
0x5b: {  	_ =	shalt  }
0x5c: {  	_ =	shalt  }
0x5d: {  	_ =	shalt  }
0x5e: {  	_ =	shalt  }
0x5f: {  	_ =	shalt  }
0x60: {  	_ =	shalt  }
0x61: {  	_ =	shalt  }
0x62: {  	_ =	shalt  }
0x63: {  	_ =	shalt  }
0x64: {  	_ =	shalt  }
0x65: {  	_ =	shalt  }
0x66: {  	_ =	shalt  }
0x67: {  	_ =	shalt  }
0x68: {  	_ =	shalt  }
0x69: {  	_ =	shalt  }
0x6a: {  	_ =	shalt  }
0x6b: {  	_ =	shalt  }
0x6c: {  	_ =	shalt  }
0x6d: {  	_ =	shalt  }
0x6e: {  	_ =	shalt  }
0x6f: {  	_ =	shalt  }
0x70: {  	_ =	shalt  }
0x71: {  	_ =	shalt  }
0x72: {  	_ =	shalt  }
0x73: {  	_ =	shalt  }
0x74: {  	_ =	shalt  }
0x75: {  	_ =	shalt  }
0x76: {  	_ =	shalt  }
0x77: {  	_ =	shalt  }
0x78: {  	_ =	shalt  }
0x79: {  	_ =	shalt  }
0x7a: {  	_ =	shalt  }
0x7b: {  	_ =	shalt  }
0x7c: {  	_ =	shalt  }
0x7d: {  	_ =	shalt  }
0x7e: {  	_ =	shalt  }
0x7f: {  	_ =	shalt  }
0x80: {  	_ =	shalt  }
0x81: {  	_ =	shalt  }
0x82: {  	_ =	shalt  }
0x83: {  	_ =	shalt  }
0x84: {  	_ =	shalt  }
0x85: {  	_ =	shalt  }
0x86: {  	_ =	shalt  }
0x87: {  	_ =	shalt  }
.Lfunc_end0:
.L_simem_size_0:
called_computation_lowered:
.L_overlay_start_0:
0x88: {  	s2 =	sld [smem:$0x3FD9]  }
0x89: {  	s3 =	sld [smem:$0x3FFE];
	_ =	sdelay $0x1  }
0x8a: {  	s1 =	srdreg.scid  }
0x8b: {  	s0 =	sand.u32 $0x1, s1  }
0x8c: {  	s17 =	sshll.u32 s0, $0xA;
	s2 =	sadd.s32 s3, s2  }
0x8d: {  	s2 =	sadd.s32 s2, s17  }
0x8e: {  	[smem:$0x3FC2] =	sst s2  }
0x8f: {  	_ = 	snop  }
0x90: {  	s2 =	sld [smem:$0x3FD0];
	(tm) =	ssettm $0x1  }
0x91: {  	s18 =	sld [smem:$0x3FFB];
	_ =	sdelay $0x3  }
0x92: {  	_ =	strace s18  }
0x93: {  	s3 =	sld [smem:$0x3FFC];
	_ =	sdelay $0x3  }
0x94: {  	_ =	strace s3  }
0x95: {  	s3 =	sld [smem:$0x3FFD];
	_ =	sdelay $0x3  }
0x96: {  	_ =	strace s3  }
0x97: {  	_ =	strace $0x8FFFFFFF  }
0x98: {  	s19 =	sld [smem:$0x3FDB];
	_ =	sdelay $0x1  }
0x99: {  	s4 =	simm.s32 $_scs_section_size  }
0x9a: {  	s5 =	simm.s32 $_size__tile_overlayer_lowered;
	s6 =	simm.s32 $_tile_overlayer_lowered  }
0x9b: {  	s22 =	simm.s32 $0x1BFF;
	s21 =	sshll.u32 s6, $0x1;
	s3 =	sadd.s32 s4, s19  }
0x9c: {  	s7 =	simm.s32 $0x0;
	s20 =	sshll.u32 s5, $0x1;
	s5 =	sadd.s32 s21, s3  }
0x9d: {  	[timem:s7], [sflag:s22] =	dma.local [hbm:s5], s20  }
0x9e: {  	_ =	swait.ge [sflag:s22], s20  }
0x9f: {  	s4 =	ssub.s32 $0x0, s20;
	[sflag:s22] =	ssyncset.done $0x0  }
0xa0: {  	[sflag:s22] =	ssyncadd.s32 s4;
	_ =	sdelay $0x1  }
0xa1: {  	s23 =	simm.s32 $0x1B8B  }
0xa2: {  	_ =	swait.ge [sflag:s23], $0x1  }
0xa3: {  	[sflag:s23] =	ssyncset.done $0x0  }
0xa4: {  	s25 =	simm.s32 $0x1B8E;
	s24 =	sld [smem:$0x3FFE];
	[sflag:s23] =	ssyncadd.s32 $0xFFFFFFFF  }
0xa5: {  	s26 =	simm.s32 $execute0_lowered;
	[smem:$0x3FD2] =	sst s25  }
0xa6: {  	s5 =	sshll.u32 s26, $0x1;
	_ =	strace $0x80000046;
	[dreg:$0x1] =	wrdreg $0xFFFFFFFF  }
0xa7: {  	s28 =	simm.s32 $_size_execute0_lowered;
	s3 =	sadd.s32 s3, s5;
	[dreg:$0x0] =	wrdreg $0x0  }
0xa8: {  	s5 =	sshll.u32 s28, $0x1;
	[dreg:$0x2] =	wrdreg s3  }
0xa9: {  	[dreg:$0x3] =	wrdreg s5  }
0xaa: {  	[dreg:$0x4] =	wrdreg $0xC0  }
0xab: {  	_ =	task [dreg:s7], $0x5FFFF  }
0xac: {  	[dreg:$0x1] =	wrdreg $0xFFFFFFFF  }
0xad: {  	[dreg:$0x0] =	wrdreg $0x60  }
0xae: {  	[dreg:$0x2] =	wrdreg s24  }
0xaf: {  	[dreg:$0x3] =	wrdreg s2  }
0xb0: {  	[dreg:$0x4] =	wrdreg $0x53000  }
0xb1: {  	[dreg:$0x5] =	wrdreg $0x55780  }
0xb2: {  	[dreg:$0x6] =	wrdreg $0x9  }
0xb3: {  	_ =	task.clear_ibuf [dreg:s7], $0x7FFFF;
	_ =	strace $0x90000046  }
0xb4: {  	s29 =	simm.s32 $0x9;
	_ =	strace $0x80000048  }
0xb5: {  	_ =	swait.ge [sflag:s29], $0x1  }
0xb6: {  	[sflag:s29] =	ssyncadd.s32 $0xFFFFFFFF  }
0xb7: {  	_ =	strace $0x90000048  }
0xb8: {  	_ =	sfence  }
0xb9: {  	s30 =	sld [smem:$0x0];
	_ =	sdelay $0x2  }
0xba: {  	s31 =	sshll.u32 s1, $0xD;
	s1 =	sshrl.u32 s1, $0x2  }
0xbb: {  	s3 =	sand.u32 $0x4000, s31;
	s1 =	sadd.s32 s1, s30  }
0xbc: {  	s0 =	sor.u32 s3, s0;
	s1 =	sshll.u32 s1, $0x11  }
0xbd: {  	s0 =	sor.u32 s1, s0  }
0xbe: {  	s0 =	sadd.s32 $0x8F2B, s0  }
0xbf: {  	[sflag:s0] =	ssyncadd.remote.s32 $0x1  }
0xc0: {  	_ =	sfence.sel $0xFFFF  }
0xc1: {  	[dreg:$0x0] =	wrdreg $0xFFFFFFFF;
	(pc) =	sbr.abs _section_cstart, $3  }
0xc2: {  	[dreg:$0x1] =	wrdreg $0xFFFFFFFF  }
0xc3: {  	_ =	task.clear_ibuf [dreg:s7], $0x2FFFF;
	_ =	strace $0x9FFFFFFF  }
0xc4: {  	(tm) =	ssettm $0x7FFFFFFF  }
0xc5: {  	_ =	shalt  }
tec
execute0_lowered:
.L_overlay_start_1:
0x0: {  	(tag) =	ssettag $0x1  }
0x1: {  	s5 =	rddreg [dreg:$0x0]  }
0x2: {  	s9 =	rddreg [dreg:$0x1]  }
0x3: {  	s2 =	rddreg [dreg:$0x2]  }
0x4: {  	s3 =	rddreg [dreg:$0x3]  }
0x5: {  	s0 =	rddreg [dreg:$0x4];
	s4 =	srdreg.scid  }
0x6: {  	s1 =	stileid.u32;
	s14 =	simm.s32 $0x2800;
	s15 =	simm.s32 $0x80  }
0x7: {  	s16 =	simm.s32 $0x5000;
	s17 =	simm.s32 $0x0;
	s6 =	sand.u32 $0x1, s4  }
0x8: {  	s7 =	sshll.u32 s1, $0x1;
	s8 =	smul.u32 $0x278, s1;
	s4 =	simm.s32 $0x0  }
0x9: {  	s7 =	sor.u32 s6, s7;
	s10 =	smul.u32 $0x2780, s6;
	s6 =	ssub.s32 $0x2, s6  }
0xa: {  	[smem:$0x7FF] =	sst s4;
	s7 =	smul.u32 $0x500, s7;
	s31 =	sshrl.u32 s6, $0x1  }
0xb: {  	_ =	strace $0x80000047;
	s10 =	sadd.s32 s8, s10;
	s13 =	ssub.s32 s6, s31  }
0xc: {  	s6 =	sadd.s32 s8, s3;
	s11 =	sadd.s32 s7, s5;
	s10 =	sshrl.u32 s10, $0x3  }
0xd: {  	s12 =	sadd.s32 s10, s5;
	s5 =	sadd.s32 s8, s2;
	s7 =	sadd.s32 $0xBA00, s11  }
0xe: {  	s8 =	sadd.s32 $0x1A00, s11;
	s9 =	sadd.s32 s9, s10;
	s11 =	smax.u32 s13, $0x1  }
0xf: {  	v0 =	vimm.f32 $0.0e+00;
	v1 =	vimm.f32 $1.000000000e+00;
	s13 =	simm.s32 $0x1;
	s10 =	sadd.s32 $0x15A00, s12;
	s12 =	simm.s32 $0x5080  }
.LBB2_1:
0x10: {  	[tilespmem:$0x5080] =	vst v0  }
0x11: {  	[tilespmem:$0x5090] =	vst v0  }
0x12: {  	[tilespmem:$0x50A0] =	vst v0  }
0x13: {  	[tilespmem:$0x50B0] =	vst v0  }
0x14: {  	[tilespmem:$0x50C0] =	vst v0  }
0x15: {  	[tilespmem:$0x50D0] =	vst v0  }
0x16: {  	[tilespmem:$0x50E0] =	vst v0  }
0x17: {  	[tilespmem:$0x50F0] =	vst v0  }
0x18: {  	[tilespmem:$0x5100] =	vst v0  }
0x19: {  	[tilespmem:$0x5110] =	vst v0  }
0x1a: {  	[tilespmem:$0x5120] =	vst v0  }
0x1b: {  	[tilespmem:$0x5130] =	vst v0  }
0x1c: {  	[tilespmem:$0x5140] =	vst v0  }
0x1d: {  	[tilespmem:$0x5150] =	vst v0  }
0x1e: {  	[tilespmem:$0x5160] =	vst v0  }
0x1f: {  	[tilespmem:$0x5170] =	vst v0  }
0x20: {  	[tilespmem:$0x5180] =	vst v0  }
0x21: {  	[tilespmem:$0x5190] =	vst v0  }
0x22: {  	[tilespmem:$0x51A0] =	vst v0  }
0x23: {  	[tilespmem:$0x51B0] =	vst v0  }
0x24: {  	[tilespmem:$0x51C0] =	vst v0  }
0x25: {  	[tilespmem:$0x51D0] =	vst v0  }
0x26: {  	[tilespmem:$0x51E0] =	vst v0  }
0x27: {  	[tilespmem:$0x51F0] =	vst v0  }
0x28: {  	[tilespmem:$0x5200] =	vst v0  }
0x29: {  	[tilespmem:$0x5210] =	vst v0  }
0x2a: {  	[tilespmem:$0x5220] =	vst v0  }
0x2b: {  	[tilespmem:$0x5230] =	vst v0  }
0x2c: {  	[tilespmem:$0x5240] =	vst v0  }
0x2d: {  	[tilespmem:$0x5250] =	vst v0  }
0x2e: {  	[tilespmem:$0x5260] =	vst v0  }
0x2f: {  	[tilespmem:$0x5270] =	vst v0  }
0x30: {  	[tilespmem:$0x5280] =	vst v0  }
0x31: {  	[tilespmem:$0x5290] =	vst v0  }
0x32: {  	[tilespmem:$0x52A0] =	vst v0  }
0x33: {  	[tilespmem:$0x52B0] =	vst v0  }
0x34: {  	[tilespmem:$0x52C0] =	vst v0  }
0x35: {  	[tilespmem:$0x52D0] =	vst v0  }
0x36: {  	[tilespmem:$0x52E0] =	vst v0  }
0x37: {  	[tilespmem:$0x52F0] =	vst v0  }
0x38: {  	[tilespmem:$0x5000] =	vst v1  }
0x39: {  	[tilespmem:$0x5010] =	vst v1  }
0x3a: {  	[tilespmem:$0x5020] =	vst v1  }
0x3b: {  	[tilespmem:$0x5030] =	vst v1  }
0x3c: {  	[tilespmem:$0x5040] =	vst v1  }
0x3d: {  	[tilespmem:$0x5050] =	vst v1  }
0x3e: {  	[tilespmem:$0x5060] =	vst v1  }
0x3f: {  	[tilespmem:$0x5070] =	vst v1  }
0x40: {  	[spmem:s5] =	stream.linear.scatter [tilespmem:s12], [sflag:$0x1], $0x278, $0x38;
	[tilespmem:$0x57F0] =	vst v63  }
0x41: {  	_ =	swait.ge [sflag:s13], $0x278  }
0x42: {  	[sflag:s13] =	ssyncset.done $0x0  }
0x43: {  	[sflag:s13] =	ssyncadd.s32 $0xFFFFFD88  }
0x44: {  	[spmem:s6] =	stream.linear.scatter [tilespmem:s12], [sflag:$0x1], $0x278, $0x38;
	[tilespmem:$0x57F0] =	vst v63  }
0x45: {  	_ =	swait.ge [sflag:s13], $0x278  }
0x46: {  	[sflag:s13] =	ssyncset.done $0x0  }
0x47: {  	[sflag:s13] =	ssyncadd.s32 $0xFFFFFD88  }
0x48: {  	[tilespmem:s4], [sflag:$0x1] =	stream.linear.gather [hbm4b:s7+s4], $0x2800, $0x38;
	[tilespmem:$0x57F0] =	vst v63  }
0x49: {  	_ =	swait.ge [sflag:s13], $0x2800  }
0x4a: {  	[sflag:s13] =	ssyncset.done $0x0  }
0x4b: {  	[sflag:s13] =	ssyncadd.s32 $0xFFFFD800  }
0x4c: {  	[tilespmem:s14], [sflag:$0x1] =	stream.linear.gather [hbm4b:s8+s4], $0x2800, $0x38;
	[tilespmem:$0x57F0] =	vst v63  }
0x4d: {  	_ =	swait.ge [sflag:s13], $0x2800  }
0x4e: {  	[sflag:s13] =	ssyncset.done $0x0  }
0x4f: {  	[sflag:s13] =	ssyncadd.s32 $0xFFFFD800  }
0x50: {  	s18 =	simm.s32 $0x0;
	[bflag:$0x0] =	sbarrier.arrive $0xFFFF  }
0x51: {  	[spmem:s2] =	stream.indirect.scatter.add.f32 [tilespmem:s16], [sflag:$0x1], $0x1, s18, s15, $0xb8;
	[tilespmem:$0x57F0] =	vst v63  }
0x52: {  	_ =	swait.ge [sflag:s13], $0x80  }
0x53: {  	[sflag:s13] =	ssyncset.done $0x0  }
0x54: {  	s31 =	simm.s32 $0x2800;
	[sflag:s13] =	ssyncadd.s32 $0xFFFFFF80  }
0x55: {  	[spmem:s3] =	stream.indirect.scatter.add.f32 [tilespmem:s16], [sflag:$0x1], $0x1, s31, s15, $0xb8;
	[tilespmem:$0x57F0] =	vst v63  }
0x56: {  	_ =	swait.ge [sflag:s13], $0x80  }
0x57: {  	s19 =	simm.s32 $0x400;
	s18 =	simm.s32 $0x200;
	[sflag:s13] =	ssyncset.done $0x0  }
.LBB2_2:
0x58: {  	s20 =	sshra.s32 s18, $0x2  }
0x59: {  	[sflag:s13] =	ssyncadd.s32 $0xFFFFFF80;
	s18 =	smov.u32 s19;
	s21 =	sadd.s32 $0x200, s19  }
0x5a: {  	[spmem:s2] =	stream.indirect.scatter.add.f32 [tilespmem:s16], [sflag:$0x1], $0x1, s20, s15, $0xb8;
	[tilespmem:$0x57F0] =	vst v63  }
0x5b: {  	p0 =	sne.s32 s19, $0x9E00;
	_ =	swait.ge [sflag:s13], $0x80  }
.Ltmp0:
0x5c: {  	[sflag:s13] =	ssyncset.done $0x0;
	(pc) =	sbr.rel @p0 .LBB2_2-.Ltmp0, $4  }
0x5d: {  	s19 =	sadd.s32 $0x2800, s20;
	[sflag:s13] =	ssyncadd.s32 $0xFFFFFF80  }
0x5e: {  	[spmem:s3] =	stream.indirect.scatter.add.f32 [tilespmem:s16], [sflag:$0x1], $0x1, s19, s15, $0xb8;
	[tilespmem:$0x57F0] =	vst v63  }
0x5f: {  	_ =	swait.ge [sflag:s13], $0x80  }
0x60: {  	s19 =	smov.u32 s21;
	[sflag:s13] =	ssyncset.done $0x0  }
0x61: {  	s18 =	sshra.s32 s18, $0x2;
	[sflag:s13] =	ssyncadd.s32 $0xFFFFFF80  }
0x62: {  	[spmem:s2] =	stream.indirect.scatter.add.f32 [tilespmem:s16], [sflag:$0x1], $0x1, s18, s15, $0xb8;
	[tilespmem:$0x57F0] =	vst v63  }
0x63: {  	_ =	swait.ge [sflag:s13], $0x80  }
0x64: {  	[sflag:s13] =	ssyncset.done $0x0  }
0x65: {  	s18 =	sadd.s32 $0x2800, s18;
	[sflag:s13] =	ssyncadd.s32 $0xFFFFFF80  }
0x66: {  	[spmem:s3] =	stream.indirect.scatter.add.f32 [tilespmem:s16], [sflag:$0x1], $0x1, s18, s15, $0xb8;
	[tilespmem:$0x57F0] =	vst v63  }
0x67: {  	_ =	swait.ge [sflag:s13], $0x80  }
0x68: {  	[sflag:s13] =	ssyncset.done $0x0  }
0x69: {  	[sflag:s13] =	ssyncadd.s32 $0xFFFFFF80  }
0x6a: {  	[bflag:$0x0] =	sbarrier.arrive $0xFFFF  }
0x6b: {  	[tilespmem:s12], [sflag:$0x1] =	stream.linear.gather [spmem:s5], $0x278, $0x38;
	[tilespmem:$0x57F0] =	vst v63  }
0x6c: {  	_ =	swait.ge [sflag:s13], $0x278  }
0x6d: {  	[sflag:s13] =	ssyncset.done $0x0  }
0x6e: {  	[sflag:s13] =	ssyncadd.s32 $0xFFFFFD88  }
0x6f: {  	[hbm4b:s9+s4] =	stream.linear.scatter [tilespmem:s12], [sflag:$0x1], $0x278, $0x38;
	[tilespmem:$0x57F0] =	vst v63  }
0x70: {  	_ =	swait.ge [sflag:s13], $0x278  }
0x71: {  	[sflag:s13] =	ssyncset.done $0x0  }
0x72: {  	[sflag:s13] =	ssyncadd.s32 $0xFFFFFD88  }
0x73: {  	[tilespmem:s12], [sflag:$0x1] =	stream.linear.gather [spmem:s6], $0x278, $0x38;
	[tilespmem:$0x57F0] =	vst v63  }
0x74: {  	s17 =	sadd.s32 $0x1, s17;
	_ =	swait.ge [sflag:s13], $0x278  }
0x75: {  	p0 =	sne.s32 s17, s11;
	[sflag:s13] =	ssyncset.done $0x0  }
.Ltmp1:
0x76: {  	[sflag:s13] =	ssyncadd.s32 $0xFFFFFD88;
	(pc) =	sbr.rel @p0 .LBB2_1-.Ltmp1, $4  }
0x77: {  	[hbm4b:s10+s4] =	stream.linear.scatter [tilespmem:s12], [sflag:$0x1], $0x278, $0x38;
	[tilespmem:$0x57F0] =	vst v63  }
0x78: {  	_ =	swait.ge [sflag:s13], $0x278  }
0x79: {  	[sflag:s13] =	ssyncset.done $0x0  }
0x7a: {  	[sflag:s13] =	ssyncadd.s32 $0xFFFFFD88  }
0x7b: {  	_ =	sfence.sel $0x180000  }
0x7c: {  	[bflag:$0x0] =	sbarrier.arrive $0xFFFF  }
0x7d: {  	p0 =	sne.s32 s1, $0x0;
	_ =	strace $0x90000047  }
0x7e: {  	s0 =	sadd.s32 @!p0 $0x100000, s0;
	[bflag:$0x2] =	sbarrier.arrive $0xFFFF  }
0x7f: {  	[sflag:s0] =	ssyncadd.tile.s32 @!p0 $0x1;
	_ =	shalt  }
.Lfunc_end2:
_tile_overlayer_lowered:
.L_overlay_start_2:
0x80: {  	(tag) =	ssettag $0x2  }
0x81: {  	s0 =	rddreg [dreg:$0x0];
	s2 =	stileid.u32  }
0x82: {  	s1 =	rddreg [dreg:$0x1];
	p0 =	sne.s32 s2, $0x0  }
0x83: {  	s3 =	rddreg [dreg:$0x2];
	[bflag:$0x3] =	sbarrier.arrive $0xFFFF;
	s2 =	simm.s32 @!p0 $0x1C01  }
0x84: {  	[timem:s3], [sflag:s2] =	dma.local @!p0 [hbm:s0], s1  }
0x85: {  	s0 =	simm.s32 @!p0 $0x1  }
0x86: {  	_ =	swait.ge @!p0 [sflag:s0], s1  }
0x87: {  	s1 =	ssub.s32 @!p0 $0x0, s1;
	[sflag:s0] =	ssyncset.done @!p0 $0x0  }
0x88: {  	[sflag:s0] =	ssyncadd.s32 @!p0 s1  }
0x89: {  	[bflag:$0x3] =	sbarrier.arrive $0xFFFF  }
0x8a: {  	_ =	shalt  }

</sc_bundles>
